<compile_context>
chip_gen: v7x
topology: tpu7x:2x2x1
jax: 0.10.2.dev20260603
libtpu: 0.0.44.dev20260713+nightly
codegen_flags: <defaults>
</compile_context>

<pallas_src>
import functools

import jax
import jax.numpy as jnp
from jax import lax
from jax.experimental import pallas as pl
from jax.experimental.pallas import tpu as pltpu
from jax.experimental.pallas import tpu_sc as plsc

NUM_HEADS = 8
FOUT = 16
FIN = 128
N_NODES = 10000
N_EDGES = 320000

_NC, _NS = 2, 16
_NW = _NC * _NS
_WPH = _NW // NUM_HEADS
_EW = N_EDGES // _WPH
_C = 640
_NCH = _EW // _C
_G = _C // 128
_ROWS_PER_SLAB = N_NODES // 8


def _tc_body(x_ref, w_ref, bs_ref, bt_ref, h_ref, ss_ref, st_ref):
    x = x_ref[...]
    h = lax.dot_general(x, w_ref[...], (((1,), (1,)), ((), ())),
                        preferred_element_type=jnp.float32)
    h_ref[...] = h
    for hd in range(NUM_HEADS):
        slab = h[hd * _ROWS_PER_SLAB:(hd + 1) * _ROWS_PER_SLAB, :]
        ss_ref[hd] = lax.dot_general(slab, bs_ref[hd], (((1,), (0,)), ((), ())),
                                     preferred_element_type=jnp.float32)
        st_ref[hd] = lax.dot_general(slab, bt_ref[hd], (((1,), (0,)), ((), ())),
                                     preferred_element_type=jnp.float32)


def _sc_body(h2, ssrc, stgt, srcx, tgtx, feat_out, sc_out,
             h2s, ssrc_t, stgt_t, srcb0, srcb1, tgtb0, tgtb1, idx0, idx1,
             rows0, rows1, trows0, trows1, sbuf0, sbuf1,
             semi0, semi1, semg0, semg1, semo0, semo1):
    srcb = (srcb0, srcb1)
    tgtb = (tgtb0, tgtb1)
    idx2 = (idx0, idx1)
    rows = (rows0, rows1)
    trows = (trows0, trows1)
    sbuf = (sbuf0, sbuf1)
    semi = (semi0, semi1)
    semg = (semg0, semg1)
    semo = (semo0, semo1)

    cid = lax.axis_index("c")
    sid = lax.axis_index("s")
    hd = cid * (NUM_HEADS // _NC) + lax.bitwise_and(sid, 3)
    sub = lax.shift_right_logical(sid, 2)
    e_base = sub * _EW
    hd_off = lax.bitwise_and(sid, 3) * N_NODES

    half = (NUM_HEADS // _NC) * N_NODES
    stripe = half // _NS
    pltpu.sync_copy(h2.at[pl.ds(cid * half + sid * stripe, stripe)],
                    h2s.at[pl.ds(sid * stripe, stripe)])

    pltpu.sync_copy(ssrc.at[hd], ssrc_t)
    pltpu.sync_copy(stgt.at[hd], stgt_t)
    plsc.subcore_barrier()

    iota16 = lax.iota(jnp.int32, 16)

    def e_off(t):
        return pl.multiple_of(e_base + t * _C, 8)

    def issue_in(t, s):
        eo = e_off(t)
        pltpu.async_copy(srcx.at[pl.ds(eo, _C)], srcb[s], semi[s])
        pltpu.async_copy(tgtx.at[pl.ds(eo, _C)], tgtb[s], semi[s])

    def wait_in(s):
        pltpu.make_async_copy(srcx.at[pl.ds(0, _C)], srcb[s], semi[s]).wait()
        pltpu.make_async_copy(tgtx.at[pl.ds(0, _C)], tgtb[s], semi[s]).wait()

    def compute_idx(s):
        @plsc.parallel_loop(0, _C // 16, unroll=8)
        def _(q):
            idx2[s][pl.ds(q * 16, 16)] = srcb[s][pl.ds(q * 16, 16)] + hd_off

    def fire_gathers(s):
        pltpu.async_copy(h2s.at[idx2[s]], rows[s], semg[s])

    def wait_gathers(s):
        pltpu.make_async_copy(h2.at[pl.ds(0, _C)], rows[s], semg[s]).wait()

    def scores(s):
        @plsc.parallel_loop(0, _C // 16, unroll=8)
        def _(q):
            base = (lax.shift_right_logical(q, 3) * 256
                    + lax.bitwise_and(q, 7) * 16)
            sv = plsc.load_gather(ssrc_t, [srcb[s][pl.ds(q * 16, 16)]])
            sbuf[s][pl.ds(base, 16)] = sv
            tv = plsc.load_gather(stgt_t, [tgtb[s][pl.ds(q * 16, 16)]])
            sbuf[s][pl.ds(base + 128, 16)] = tv

    colv = []
    dvec = []
    for d in range(16):
        fd = lax.bitwise_and(iota16 + d, 15)
        colv.append(fd)
        dvec.append(lax.shift_right_logical(fd, 3) * (_G * 1024)
                    + lax.bitwise_and(fd, 7) * 128 + iota16)

    def transpose_rows(s):
        @plsc.parallel_loop(0, _C // 16, unroll=4)
        def _(b):
            row_idx = iota16 + b * 16
            base_b = (lax.shift_right_logical(b, 3) * 1024
                      + lax.bitwise_and(b, 7) * 16)
            for d in range(16):
                v = plsc.load_gather(rows[s], [row_idx, colv[d]])
                plsc.store_scatter(trows[s], [dvec[d] + base_b], v)

    def issue_out(t, s):
        eo = e_off(t)
        fbase = hd * (16 * N_EDGES) + eo * 8
        pltpu.async_copy(trows[s].at[pl.ds(0, _G * 1024)],
                         feat_out.at[pl.ds(fbase, _G * 1024)], semo[s])
        pltpu.async_copy(trows[s].at[pl.ds(_G * 1024, _G * 1024)],
                         feat_out.at[pl.ds(fbase + 8 * N_EDGES, _G * 1024)],
                         semo[s])
        pltpu.async_copy(sbuf[s],
                         sc_out.at[pl.ds(hd * (2 * N_EDGES) + 2 * eo, 2 * _C)],
                         semo[s])

    def wait_out(s):
        pltpu.make_async_copy(trows[s], feat_out.at[pl.ds(0, 2 * _G * 1024)],
                              semo[s]).wait()
        pltpu.make_async_copy(sbuf[s], sc_out.at[pl.ds(0, 2 * _C)], semo[s]).wait()

    issue_in(0, 0)
    issue_in(1, 1)
    wait_in(0)
    compute_idx(0)
    fire_gathers(0)

    def pair(p, carry):
        wait_in(1)

        @pl.when(p >= 1)
        def _():
            wait_out(1)

        compute_idx(1)
        fire_gathers(1)
        scores(0)
        wait_gathers(0)
        transpose_rows(0)
        issue_out(2 * p, 0)
        issue_in(2 * p + 2, 0)

        wait_in(0)
        wait_out(0)
        compute_idx(0)
        fire_gathers(0)
        scores(1)
        wait_gathers(1)
        transpose_rows(1)
        issue_out(2 * p + 1, 1)

        @pl.when(p < (_NCH - 1) // 2 - 1)
        def _():
            issue_in(2 * p + 3, 1)

        return carry

    lax.fori_loop(0, (_NCH - 1) // 2, pair, 0)

    scores(0)
    wait_gathers(0)
    transpose_rows(0)
    issue_out(_NCH - 1, 0)
    wait_out(0)
    wait_out(1)


def kernel(x, edge_index, W, source_scorer, target_scorer):
    f32 = jnp.float32
    scorer_s = source_scorer.reshape(NUM_HEADS, FOUT)
    scorer_t = target_scorer.reshape(NUM_HEADS, FOUT)
    eye8 = jnp.eye(8, dtype=f32)
    bs = (eye8[None, :, None, :] * scorer_s[:, None, :, None]).reshape(
        NUM_HEADS, FIN, 8)
    bt = (eye8[None, :, None, :] * scorer_t[:, None, :, None]).reshape(
        NUM_HEADS, FIN, 8)

    h, ss, st = pl.pallas_call(
        _tc_body,
        out_shape=[
            jax.ShapeDtypeStruct((N_NODES, FIN), f32),
            jax.ShapeDtypeStruct((NUM_HEADS, _ROWS_PER_SLAB, 8), f32),
            jax.ShapeDtypeStruct((NUM_HEADS, _ROWS_PER_SLAB, 8), f32),
        ],
    )(x, W, bs, bt)

    h2 = h.reshape(NUM_HEADS * N_NODES, FOUT)
    ssrc = ss.reshape(NUM_HEADS, N_NODES)
    stgt = st.reshape(NUM_HEADS, N_NODES)
    src = edge_index[:, 0]
    tgt = edge_index[:, 1]

    mesh = plsc.VectorSubcoreMesh(core_axis_name="c", subcore_axis_name="s")
    sc_call = pl.kernel(
        _sc_body,
        out_type=[
            jax.ShapeDtypeStruct((NUM_HEADS * N_EDGES * FOUT,), f32),
            jax.ShapeDtypeStruct((NUM_HEADS * N_EDGES * 2,), f32),
        ],
        mesh=mesh,
        compiler_params=pltpu.CompilerParams(use_tc_tiling_on_sc=False,
                                             needs_layout_passes=False),
        scratch_types=(
            [pltpu.VMEM_SHARED((NUM_HEADS * N_NODES // _NC, FOUT), f32)]
            + [pltpu.VMEM((N_NODES,), f32)] * 2
            + [pltpu.VMEM((_C,), jnp.int32)] * 4
            + [pltpu.VMEM((_C,), jnp.int32)] * 2
            + [pltpu.VMEM((_C, FOUT), f32)] * 2
            + [pltpu.VMEM((2 * _G * 1024,), f32)] * 2
            + [pltpu.VMEM((2 * _C,), f32)] * 2
            + [pltpu.SemaphoreType.DMA] * 6
        ),
    )
    feat_flat, sc_flat = sc_call(h2, ssrc, stgt, src, tgt)

    selected_features = (
        feat_flat.reshape(NUM_HEADS, 2, N_EDGES // 128, 8, 128)
        .transpose(0, 2, 4, 1, 3)
        .reshape(NUM_HEADS, N_EDGES, FOUT))
    selected_scores = (
        sc_flat.reshape(NUM_HEADS, N_EDGES // 128, 2, 128)
        .transpose(0, 1, 3, 2)
        .reshape(NUM_HEADS, N_EDGES, 2))
    return (selected_features, selected_scores)

# --- scband reference (transcript-rebuilt; emitter-appended) ---
"""Pipeline reference for scband-gatlayer-48868137894059 (READ-ONLY COPY).

The authoritative reference and input builder live on the scoring server;
editing this copy changes nothing except your own understanding.
"""

import jax, jax.numpy as jnp
import numpy as np

NUM_HEADS = 8
FOUT = 16
FIN = 128
N_NODES = 10000
N_EDGES = 320000


def setup_inputs(seed: int = 0) -> dict:
    key = jax.random.key(seed)
    k1, k2, k3, k4, k5 = jax.random.split(key, 5)
    x = jax.random.normal(k1, (N_NODES, FIN), dtype=jnp.float32)
    edge_index = jax.random.randint(k2, (N_EDGES, 2), 0, N_NODES, dtype=jnp.int32)
    # Learned parameters (W is [out, in] like torch.nn.Linear.weight)
    W = jax.random.normal(k3, (NUM_HEADS * FOUT, FIN), dtype=jnp.float32) * 0.1
    source_scorer = jax.random.normal(k4, (NUM_HEADS, 1, FOUT), dtype=jnp.float32) * 0.1
    target_scorer = jax.random.normal(k5, (NUM_HEADS, 1, FOUT), dtype=jnp.float32) * 0.1
    return {"x": x, "edge_index": edge_index, "W": W,
            "source_scorer": source_scorer, "target_scorer": target_scorer}


def reference(x, edge_index, W, source_scorer, target_scorer):
    # drop1/drop2 are identity in eval mode
    h = x @ W.T  # [N, H*F]
    # torch .view(num_heads, -1, fout) is a raw row-major reshape
    h = h.reshape(NUM_HEADS, -1, FOUT)  # [H, N, F]
    source_scores = (h * source_scorer).sum(-1)  # [H, N]
    target_scores = (h * target_scorer).sum(-1)  # [H, N]
    src_idx = edge_index[:, 0]
    tgt_idx = edge_index[:, 1]
    selected_features = jnp.take(h, src_idx, axis=1)  # [H, E, F] gather
    selected_scores = jnp.zeros((NUM_HEADS, edge_index.shape[0], edge_index.shape[1]), dtype=h.dtype)
    selected_scores = selected_scores.at[:, :, 0].set(jnp.take(source_scores, src_idx, axis=1))
    selected_scores = selected_scores.at[:, :, 1].set(jnp.take(target_scores, tgt_idx, axis=1))
    return (selected_features, selected_scores)

if __name__ == "__main__":
    import jax
    _d = setup_inputs()
    print(jax.jit(kernel)(*tuple(_d.values())))

</pallas_src>

<mosaic_0001>
#map = affine_map<(d0, d1) -> (0, 0)>
#map1 = affine_map<(d0, d1) -> (0)>
module attributes {stable_mosaic.version = 14 : i64} {
  func.func @_sc_body(%arg0: i32, %arg1: i32, %arg2: memref<80000x16xf32, #tpu.memory_space<hbm>>, %arg3: memref<8x10000xf32, #tpu.memory_space<hbm>>, %arg4: memref<8x10000xf32, #tpu.memory_space<hbm>>, %arg5: memref<320000xi32, #tpu.memory_space<hbm>>, %arg6: memref<320000xi32, #tpu.memory_space<hbm>>, %arg7: memref<40960000xf32, #tpu.memory_space<hbm>>, %arg8: memref<5120000xf32, #tpu.memory_space<hbm>>, %arg9: memref<40000x16xf32, #tpu.memory_space<vmem_shared>>, %arg10: memref<10000xf32, #tpu.memory_space<vmem>>, %arg11: memref<10000xf32, #tpu.memory_space<vmem>>, %arg12: memref<640xi32, #tpu.memory_space<vmem>>, %arg13: memref<640xi32, #tpu.memory_space<vmem>>, %arg14: memref<640xi32, #tpu.memory_space<vmem>>, %arg15: memref<640xi32, #tpu.memory_space<vmem>>, %arg16: memref<640xi32, #tpu.memory_space<vmem>>, %arg17: memref<640xi32, #tpu.memory_space<vmem>>, %arg18: memref<640x16xf32, #tpu.memory_space<vmem>>, %arg19: memref<640x16xf32, #tpu.memory_space<vmem>>, %arg20: memref<10240xf32, #tpu.memory_space<vmem>>, %arg21: memref<10240xf32, #tpu.memory_space<vmem>>, %arg22: memref<1280xf32, #tpu.memory_space<vmem>>, %arg23: memref<1280xf32, #tpu.memory_space<vmem>>, %arg24: memref<!tpu.dma_semaphore, #tpu.memory_space<semaphore_mem>>, %arg25: memref<!tpu.dma_semaphore, #tpu.memory_space<semaphore_mem>>, %arg26: memref<!tpu.dma_semaphore, #tpu.memory_space<semaphore_mem>>, %arg27: memref<!tpu.dma_semaphore, #tpu.memory_space<semaphore_mem>>, %arg28: memref<!tpu.dma_semaphore, #tpu.memory_space<semaphore_mem>>, %arg29: memref<!tpu.dma_semaphore, #tpu.memory_space<semaphore_mem>>) attributes {dimension_semantics = [#tpu.dimension_semantics<core_parallel>, #tpu.dimension_semantics<subcore_parallel>], iteration_bounds = array<i64: 2, 16>, scalar_prefetch = 0 : i64, scratch_operands = 21 : i64, tpu.core_type = #tpu.core_type<sc_vector_subcore>, window_params = [{transform_indices = #map}, {transform_indices = #map}, {transform_indices = #map}, {transform_indices = #map1}, {transform_indices = #map1}, {transform_indices = #map1}, {transform_indices = #map1}]} {
    %mul3A = arith.constant 4 : i32
    %mul3A_0 = arith.muli %arg0, %mul3A : i32
    %and3A = arith.constant 3 : i32
    %and3A_1 = arith.andi %arg1, %and3A : i32
    %add3A = arith.addi %mul3A_0, %and3A_1 : i32
    %shift_right_logical3A = arith.constant 2 : i32
    %shift_right_logical3A_2 = arith.shrui %arg1, %shift_right_logical3A : i32
    %mul3A_3 = arith.constant 80000 : i32
    %mul3A_4 = arith.muli %shift_right_logical3A_2, %mul3A_3 : i32
    %and3A_5 = arith.constant 3 : i32
    %and3A_6 = arith.andi %arg1, %and3A_5 : i32
    %mul3A_7 = arith.constant 10000 : i32
    %mul3A_8 = arith.muli %and3A_6, %mul3A_7 : i32
    %mul3A_9 = arith.constant 40000 : i32
    %mul3A_10 = arith.muli %arg0, %mul3A_9 : i32
    %mul3A_11 = arith.constant 2500 : i32
    %mul3A_12 = arith.muli %arg1, %mul3A_11 : i32
    %add3A_13 = arith.addi %mul3A_10, %mul3A_12 : i32
    %mul3A_14 = arith.constant 2500 : i32
    %mul3A_15 = arith.muli %arg1, %mul3A_14 : i32
    "tpu.region"() ({
      %run_scoped3A = tpu.sem_alloc : memref<!tpu.dma_semaphore, #tpu.memory_space<semaphore_mem>>
      %dma_start3A_422 = arith.constant 0 : i32
      %dma_start3A_423 = tpu.memref_slice %arg9[%mul3A_15, %dma_start3A_422] : memref<40000x16xf32, #tpu.memory_space<vmem_shared>> -> memref<2500x16xf32, #tpu.memory_space<vmem_shared>>
      %dma_start3A_424 = arith.constant 0 : i32
      %dma_start3A_425 = tpu.memref_slice %arg2[%add3A_13, %dma_start3A_424] : memref<80000x16xf32, #tpu.memory_space<hbm>> -> memref<2500x16xf32, #tpu.memory_space<hbm>>
      tpu.enqueue_dma source(%dma_start3A_425 : memref<2500x16xf32, #tpu.memory_space<hbm>>) target(%dma_start3A_423 : memref<2500x16xf32, #tpu.memory_space<vmem_shared>>) target_semaphore(%run_scoped3A : memref<!tpu.dma_semaphore, #tpu.memory_space<semaphore_mem>>)
      %dma_wait3A_426 = arith.constant 0 : i32
      %dma_wait3A_427 = tpu.memref_slice %arg9[%mul3A_15, %dma_wait3A_426] : memref<40000x16xf32, #tpu.memory_space<vmem_shared>> -> memref<2500x16xf32, #tpu.memory_space<vmem_shared>>
      %dma_wait3A_428 = arith.constant 0 : i32
      %dma_wait3A_429 = tpu.memref_slice %arg2[%add3A_13, %dma_wait3A_428] : memref<80000x16xf32, #tpu.memory_space<hbm>> -> memref<2500x16xf32, #tpu.memory_space<hbm>>
      tpu.wait_dma2 semaphore(%run_scoped3A : memref<!tpu.dma_semaphore, #tpu.memory_space<semaphore_mem>>) src(%dma_wait3A_429 : memref<2500x16xf32, #tpu.memory_space<hbm>>) dst(%dma_wait3A_427 : memref<2500x16xf32, #tpu.memory_space<vmem_shared>>)
      tpu.yield
    }) : () -> ()
    "tpu.region"() ({
      %run_scoped3A = tpu.sem_alloc : memref<!tpu.dma_semaphore, #tpu.memory_space<semaphore_mem>>
      %dma_start3A_422 = arith.constant 0 : i32
      %dma_start3A_423 = tpu.memref_slice %arg3[%add3A, %dma_start3A_422] : memref<8x10000xf32, #tpu.memory_space<hbm>> -> memref<1x10000xf32, #tpu.memory_space<hbm>>
      %dma_start3A_424 = tpu.memref_squeeze %dma_start3A_423 : memref<1x10000xf32, #tpu.memory_space<hbm>> -> memref<10000xf32, #tpu.memory_space<hbm>>
      %dma_start3A_425 = arith.constant 0 : i32
      %dma_start3A_426 = tpu.memref_slice %arg3[%add3A, %dma_start3A_425] : memref<8x10000xf32, #tpu.memory_space<hbm>> -> memref<1x10000xf32, #tpu.memory_space<hbm>>
      %dma_start3A_427 = tpu.memref_squeeze %dma_start3A_426 : memref<1x10000xf32, #tpu.memory_space<hbm>> -> memref<10000xf32, #tpu.memory_space<hbm>>
      tpu.enqueue_dma source(%dma_start3A_427 : memref<10000xf32, #tpu.memory_space<hbm>>) target(%arg10 : memref<10000xf32, #tpu.memory_space<vmem>>) target_semaphore(%run_scoped3A : memref<!tpu.dma_semaphore, #tpu.memory_space<semaphore_mem>>)
      %dma_wait3A_428 = arith.constant 0 : i32
      %dma_wait3A_429 = tpu.memref_slice %arg3[%add3A, %dma_wait3A_428] : memref<8x10000xf32, #tpu.memory_space<hbm>> -> memref<1x10000xf32, #tpu.memory_space<hbm>>
      %dma_wait3A_430 = tpu.memref_squeeze %dma_wait3A_429 : memref<1x10000xf32, #tpu.memory_space<hbm>> -> memref<10000xf32, #tpu.memory_space<hbm>>
      %dma_wait3A_431 = arith.constant 0 : i32
      %dma_wait3A_432 = tpu.memref_slice %arg3[%add3A, %dma_wait3A_431] : memref<8x10000xf32, #tpu.memory_space<hbm>> -> memref<1x10000xf32, #tpu.memory_space<hbm>>
      %dma_wait3A_433 = tpu.memref_squeeze %dma_wait3A_432 : memref<1x10000xf32, #tpu.memory_space<hbm>> -> memref<10000xf32, #tpu.memory_space<hbm>>
      tpu.wait_dma2 semaphore(%run_scoped3A : memref<!tpu.dma_semaphore, #tpu.memory_space<semaphore_mem>>) src(%dma_wait3A_433 : memref<10000xf32, #tpu.memory_space<hbm>>) dst(%arg10 : memref<10000xf32, #tpu.memory_space<vmem>>)
      tpu.yield
    }) : () -> ()
    "tpu.region"() ({
      %run_scoped3A = tpu.sem_alloc : memref<!tpu.dma_semaphore, #tpu.memory_space<semaphore_mem>>
      %dma_start3A_422 = arith.constant 0 : i32
      %dma_start3A_423 = tpu.memref_slice %arg4[%add3A, %dma_start3A_422] : memref<8x10000xf32, #tpu.memory_space<hbm>> -> memref<1x10000xf32, #tpu.memory_space<hbm>>
      %dma_start3A_424 = tpu.memref_squeeze %dma_start3A_423 : memref<1x10000xf32, #tpu.memory_space<hbm>> -> memref<10000xf32, #tpu.memory_space<hbm>>
      %dma_start3A_425 = arith.constant 0 : i32
      %dma_start3A_426 = tpu.memref_slice %arg4[%add3A, %dma_start3A_425] : memref<8x10000xf32, #tpu.memory_space<hbm>> -> memref<1x10000xf32, #tpu.memory_space<hbm>>
      %dma_start3A_427 = tpu.memref_squeeze %dma_start3A_426 : memref<1x10000xf32, #tpu.memory_space<hbm>> -> memref<10000xf32, #tpu.memory_space<hbm>>
      tpu.enqueue_dma source(%dma_start3A_427 : memref<10000xf32, #tpu.memory_space<hbm>>) target(%arg11 : memref<10000xf32, #tpu.memory_space<vmem>>) target_semaphore(%run_scoped3A : memref<!tpu.dma_semaphore, #tpu.memory_space<semaphore_mem>>)
      %dma_wait3A_428 = arith.constant 0 : i32
      %dma_wait3A_429 = tpu.memref_slice %arg4[%add3A, %dma_wait3A_428] : memref<8x10000xf32, #tpu.memory_space<hbm>> -> memref<1x10000xf32, #tpu.memory_space<hbm>>
      %dma_wait3A_430 = tpu.memref_squeeze %dma_wait3A_429 : memref<1x10000xf32, #tpu.memory_space<hbm>> -> memref<10000xf32, #tpu.memory_space<hbm>>
      %dma_wait3A_431 = arith.constant 0 : i32
      %dma_wait3A_432 = tpu.memref_slice %arg4[%add3A, %dma_wait3A_431] : memref<8x10000xf32, #tpu.memory_space<hbm>> -> memref<1x10000xf32, #tpu.memory_space<hbm>>
      %dma_wait3A_433 = tpu.memref_squeeze %dma_wait3A_432 : memref<1x10000xf32, #tpu.memory_space<hbm>> -> memref<10000xf32, #tpu.memory_space<hbm>>
      tpu.wait_dma2 semaphore(%run_scoped3A : memref<!tpu.dma_semaphore, #tpu.memory_space<semaphore_mem>>) src(%dma_wait3A_433 : memref<10000xf32, #tpu.memory_space<hbm>>) dst(%arg11 : memref<10000xf32, #tpu.memory_space<vmem>>)
      tpu.yield
    }) : () -> ()
    %barrier3A = arith.constant 0 : index
    tpu.barrier barrier_id(%barrier3A)
    %iota3A = tpu.iota {dimensions = array<i32: 0>} : vector<16xi32>
    %add3A_16 = arith.constant 0 : i32
    %add3A_17 = vector.broadcast %add3A_16 : i32 to vector<16xi32>
    %add3A_18 = arith.addi %iota3A, %add3A_17 : vector<16xi32>
    %and3A_19 = arith.constant 15 : i32
    %and3A_20 = vector.broadcast %and3A_19 : i32 to vector<16xi32>
    %and3A_21 = arith.andi %add3A_18, %and3A_20 : vector<16xi32>
    %shift_right_logical3A_22 = arith.constant 3 : i32
    %shift_right_logical3A_23 = vector.broadcast %shift_right_logical3A_22 : i32 to vector<16xi32>
    %shift_right_logical3A_24 = arith.shrui %and3A_21, %shift_right_logical3A_23 : vector<16xi32>
    %mul3A_25 = arith.constant 5120 : i32
    %mul3A_26 = vector.broadcast %mul3A_25 : i32 to vector<16xi32>
    %mul3A_27 = arith.muli %shift_right_logical3A_24, %mul3A_26 : vector<16xi32>
    %and3A_28 = arith.constant 7 : i32
    %and3A_29 = vector.broadcast %and3A_28 : i32 to vector<16xi32>
    %and3A_30 = arith.andi %and3A_21, %and3A_29 : vector<16xi32>
    %mul3A_31 = arith.constant 128 : i32
    %mul3A_32 = vector.broadcast %mul3A_31 : i32 to vector<16xi32>
    %mul3A_33 = arith.muli %and3A_30, %mul3A_32 : vector<16xi32>
    %add3A_34 = arith.addi %mul3A_27, %mul3A_33 : vector<16xi32>
    %add3A_35 = arith.addi %add3A_34, %iota3A : vector<16xi32>
    %add3A_36 = arith.constant 1 : i32
    %add3A_37 = vector.broadcast %add3A_36 : i32 to vector<16xi32>
    %add3A_38 = arith.addi %iota3A, %add3A_37 : vector<16xi32>
    %and3A_39 = arith.constant 15 : i32
    %and3A_40 = vector.broadcast %and3A_39 : i32 to vector<16xi32>
    %and3A_41 = arith.andi %add3A_38, %and3A_40 : vector<16xi32>
    %shift_right_logical3A_42 = arith.constant 3 : i32
    %shift_right_logical3A_43 = vector.broadcast %shift_right_logical3A_42 : i32 to vector<16xi32>
    %shift_right_logical3A_44 = arith.shrui %and3A_41, %shift_right_logical3A_43 : vector<16xi32>
    %mul3A_45 = arith.constant 5120 : i32
    %mul3A_46 = vector.broadcast %mul3A_45 : i32 to vector<16xi32>
    %mul3A_47 = arith.muli %shift_right_logical3A_44, %mul3A_46 : vector<16xi32>
    %and3A_48 = arith.constant 7 : i32
    %and3A_49 = vector.broadcast %and3A_48 : i32 to vector<16xi32>
    %and3A_50 = arith.andi %and3A_41, %and3A_49 : vector<16xi32>
    %mul3A_51 = arith.constant 128 : i32
    %mul3A_52 = vector.broadcast %mul3A_51 : i32 to vector<16xi32>
    %mul3A_53 = arith.muli %and3A_50, %mul3A_52 : vector<16xi32>
    %add3A_54 = arith.addi %mul3A_47, %mul3A_53 : vector<16xi32>
    %add3A_55 = arith.addi %add3A_54, %iota3A : vector<16xi32>
    %add3A_56 = arith.constant 2 : i32
    %add3A_57 = vector.broadcast %add3A_56 : i32 to vector<16xi32>
    %add3A_58 = arith.addi %iota3A, %add3A_57 : vector<16xi32>
    %and3A_59 = arith.constant 15 : i32
    %and3A_60 = vector.broadcast %and3A_59 : i32 to vector<16xi32>
    %and3A_61 = arith.andi %add3A_58, %and3A_60 : vector<16xi32>
    %shift_right_logical3A_62 = arith.constant 3 : i32
    %shift_right_logical3A_63 = vector.broadcast %shift_right_logical3A_62 : i32 to vector<16xi32>
    %shift_right_logical3A_64 = arith.shrui %and3A_61, %shift_right_logical3A_63 : vector<16xi32>
    %mul3A_65 = arith.constant 5120 : i32
    %mul3A_66 = vector.broadcast %mul3A_65 : i32 to vector<16xi32>
    %mul3A_67 = arith.muli %shift_right_logical3A_64, %mul3A_66 : vector<16xi32>
    %and3A_68 = arith.constant 7 : i32
    %and3A_69 = vector.broadcast %and3A_68 : i32 to vector<16xi32>
    %and3A_70 = arith.andi %and3A_61, %and3A_69 : vector<16xi32>
    %mul3A_71 = arith.constant 128 : i32
    %mul3A_72 = vector.broadcast %mul3A_71 : i32 to vector<16xi32>
    %mul3A_73 = arith.muli %and3A_70, %mul3A_72 : vector<16xi32>
    %add3A_74 = arith.addi %mul3A_67, %mul3A_73 : vector<16xi32>
    %add3A_75 = arith.addi %add3A_74, %iota3A : vector<16xi32>
    %add3A_76 = arith.constant 3 : i32
    %add3A_77 = vector.broadcast %add3A_76 : i32 to vector<16xi32>
    %add3A_78 = arith.addi %iota3A, %add3A_77 : vector<16xi32>
    %and3A_79 = arith.constant 15 : i32
    %and3A_80 = vector.broadcast %and3A_79 : i32 to vector<16xi32>
    %and3A_81 = arith.andi %add3A_78, %and3A_80 : vector<16xi32>
    %shift_right_logical3A_82 = arith.constant 3 : i32
    %shift_right_logical3A_83 = vector.broadcast %shift_right_logical3A_82 : i32 to vector<16xi32>
    %shift_right_logical3A_84 = arith.shrui %and3A_81, %shift_right_logical3A_83 : vector<16xi32>
    %mul3A_85 = arith.constant 5120 : i32
    %mul3A_86 = vector.broadcast %mul3A_85 : i32 to vector<16xi32>
    %mul3A_87 = arith.muli %shift_right_logical3A_84, %mul3A_86 : vector<16xi32>
    %and3A_88 = arith.constant 7 : i32
    %and3A_89 = vector.broadcast %and3A_88 : i32 to vector<16xi32>
    %and3A_90 = arith.andi %and3A_81, %and3A_89 : vector<16xi32>
    %mul3A_91 = arith.constant 128 : i32
    %mul3A_92 = vector.broadcast %mul3A_91 : i32 to vector<16xi32>
    %mul3A_93 = arith.muli %and3A_90, %mul3A_92 : vector<16xi32>
    %add3A_94 = arith.addi %mul3A_87, %mul3A_93 : vector<16xi32>
    %add3A_95 = arith.addi %add3A_94, %iota3A : vector<16xi32>
    %add3A_96 = arith.constant 4 : i32
    %add3A_97 = vector.broadcast %add3A_96 : i32 to vector<16xi32>
    %add3A_98 = arith.addi %iota3A, %add3A_97 : vector<16xi32>
    %and3A_99 = arith.constant 15 : i32
    %and3A_100 = vector.broadcast %and3A_99 : i32 to vector<16xi32>
    %and3A_101 = arith.andi %add3A_98, %and3A_100 : vector<16xi32>
    %shift_right_logical3A_102 = arith.constant 3 : i32
    %shift_right_logical3A_103 = vector.broadcast %shift_right_logical3A_102 : i32 to vector<16xi32>
    %shift_right_logical3A_104 = arith.shrui %and3A_101, %shift_right_logical3A_103 : vector<16xi32>
    %mul3A_105 = arith.constant 5120 : i32
    %mul3A_106 = vector.broadcast %mul3A_105 : i32 to vector<16xi32>
    %mul3A_107 = arith.muli %shift_right_logical3A_104, %mul3A_106 : vector<16xi32>
    %and3A_108 = arith.constant 7 : i32
    %and3A_109 = vector.broadcast %and3A_108 : i32 to vector<16xi32>
    %and3A_110 = arith.andi %and3A_101, %and3A_109 : vector<16xi32>
    %mul3A_111 = arith.constant 128 : i32
    %mul3A_112 = vector.broadcast %mul3A_111 : i32 to vector<16xi32>
    %mul3A_113 = arith.muli %and3A_110, %mul3A_112 : vector<16xi32>
    %add3A_114 = arith.addi %mul3A_107, %mul3A_113 : vector<16xi32>
    %add3A_115 = arith.addi %add3A_114, %iota3A : vector<16xi32>
    %add3A_116 = arith.constant 5 : i32
    %add3A_117 = vector.broadcast %add3A_116 : i32 to vector<16xi32>
    %add3A_118 = arith.addi %iota3A, %add3A_117 : vector<16xi32>
    %and3A_119 = arith.constant 15 : i32
    %and3A_120 = vector.broadcast %and3A_119 : i32 to vector<16xi32>
    %and3A_121 = arith.andi %add3A_118, %and3A_120 : vector<16xi32>
    %shift_right_logical3A_122 = arith.constant 3 : i32
    %shift_right_logical3A_123 = vector.broadcast %shift_right_logical3A_122 : i32 to vector<16xi32>
    %shift_right_logical3A_124 = arith.shrui %and3A_121, %shift_right_logical3A_123 : vector<16xi32>
    %mul3A_125 = arith.constant 5120 : i32
    %mul3A_126 = vector.broadcast %mul3A_125 : i32 to vector<16xi32>
    %mul3A_127 = arith.muli %shift_right_logical3A_124, %mul3A_126 : vector<16xi32>
    %and3A_128 = arith.constant 7 : i32
    %and3A_129 = vector.broadcast %and3A_128 : i32 to vector<16xi32>
    %and3A_130 = arith.andi %and3A_121, %and3A_129 : vector<16xi32>
    %mul3A_131 = arith.constant 128 : i32
    %mul3A_132 = vector.broadcast %mul3A_131 : i32 to vector<16xi32>
    %mul3A_133 = arith.muli %and3A_130, %mul3A_132 : vector<16xi32>
    %add3A_134 = arith.addi %mul3A_127, %mul3A_133 : vector<16xi32>
    %add3A_135 = arith.addi %add3A_134, %iota3A : vector<16xi32>
    %add3A_136 = arith.constant 6 : i32
    %add3A_137 = vector.broadcast %add3A_136 : i32 to vector<16xi32>
    %add3A_138 = arith.addi %iota3A, %add3A_137 : vector<16xi32>
    %and3A_139 = arith.constant 15 : i32
    %and3A_140 = vector.broadcast %and3A_139 : i32 to vector<16xi32>
    %and3A_141 = arith.andi %add3A_138, %and3A_140 : vector<16xi32>
    %shift_right_logical3A_142 = arith.constant 3 : i32
    %shift_right_logical3A_143 = vector.broadcast %shift_right_logical3A_142 : i32 to vector<16xi32>
    %shift_right_logical3A_144 = arith.shrui %and3A_141, %shift_right_logical3A_143 : vector<16xi32>
    %mul3A_145 = arith.constant 5120 : i32
    %mul3A_146 = vector.broadcast %mul3A_145 : i32 to vector<16xi32>
    %mul3A_147 = arith.muli %shift_right_logical3A_144, %mul3A_146 : vector<16xi32>
    %and3A_148 = arith.constant 7 : i32
    %and3A_149 = vector.broadcast %and3A_148 : i32 to vector<16xi32>
    %and3A_150 = arith.andi %and3A_141, %and3A_149 : vector<16xi32>
    %mul3A_151 = arith.constant 128 : i32
    %mul3A_152 = vector.broadcast %mul3A_151 : i32 to vector<16xi32>
    %mul3A_153 = arith.muli %and3A_150, %mul3A_152 : vector<16xi32>
    %add3A_154 = arith.addi %mul3A_147, %mul3A_153 : vector<16xi32>
    %add3A_155 = arith.addi %add3A_154, %iota3A : vector<16xi32>
    %add3A_156 = arith.constant 7 : i32
    %add3A_157 = vector.broadcast %add3A_156 : i32 to vector<16xi32>
    %add3A_158 = arith.addi %iota3A, %add3A_157 : vector<16xi32>
    %and3A_159 = arith.constant 15 : i32
    %and3A_160 = vector.broadcast %and3A_159 : i32 to vector<16xi32>
    %and3A_161 = arith.andi %add3A_158, %and3A_160 : vector<16xi32>
    %shift_right_logical3A_162 = arith.constant 3 : i32
    %shift_right_logical3A_163 = vector.broadcast %shift_right_logical3A_162 : i32 to vector<16xi32>
    %shift_right_logical3A_164 = arith.shrui %and3A_161, %shift_right_logical3A_163 : vector<16xi32>
    %mul3A_165 = arith.constant 5120 : i32
    %mul3A_166 = vector.broadcast %mul3A_165 : i32 to vector<16xi32>
    %mul3A_167 = arith.muli %shift_right_logical3A_164, %mul3A_166 : vector<16xi32>
    %and3A_168 = arith.constant 7 : i32
    %and3A_169 = vector.broadcast %and3A_168 : i32 to vector<16xi32>
    %and3A_170 = arith.andi %and3A_161, %and3A_169 : vector<16xi32>
    %mul3A_171 = arith.constant 128 : i32
    %mul3A_172 = vector.broadcast %mul3A_171 : i32 to vector<16xi32>
    %mul3A_173 = arith.muli %and3A_170, %mul3A_172 : vector<16xi32>
    %add3A_174 = arith.addi %mul3A_167, %mul3A_173 : vector<16xi32>
    %add3A_175 = arith.addi %add3A_174, %iota3A : vector<16xi32>
    %add3A_176 = arith.constant 8 : i32
    %add3A_177 = vector.broadcast %add3A_176 : i32 to vector<16xi32>
    %add3A_178 = arith.addi %iota3A, %add3A_177 : vector<16xi32>
    %and3A_179 = arith.constant 15 : i32
    %and3A_180 = vector.broadcast %and3A_179 : i32 to vector<16xi32>
    %and3A_181 = arith.andi %add3A_178, %and3A_180 : vector<16xi32>
    %shift_right_logical3A_182 = arith.constant 3 : i32
    %shift_right_logical3A_183 = vector.broadcast %shift_right_logical3A_182 : i32 to vector<16xi32>
    %shift_right_logical3A_184 = arith.shrui %and3A_181, %shift_right_logical3A_183 : vector<16xi32>
    %mul3A_185 = arith.constant 5120 : i32
    %mul3A_186 = vector.broadcast %mul3A_185 : i32 to vector<16xi32>
    %mul3A_187 = arith.muli %shift_right_logical3A_184, %mul3A_186 : vector<16xi32>
    %and3A_188 = arith.constant 7 : i32
    %and3A_189 = vector.broadcast %and3A_188 : i32 to vector<16xi32>
    %and3A_190 = arith.andi %and3A_181, %and3A_189 : vector<16xi32>
    %mul3A_191 = arith.constant 128 : i32
    %mul3A_192 = vector.broadcast %mul3A_191 : i32 to vector<16xi32>
    %mul3A_193 = arith.muli %and3A_190, %mul3A_192 : vector<16xi32>
    %add3A_194 = arith.addi %mul3A_187, %mul3A_193 : vector<16xi32>
    %add3A_195 = arith.addi %add3A_194, %iota3A : vector<16xi32>
    %add3A_196 = arith.constant 9 : i32
    %add3A_197 = vector.broadcast %add3A_196 : i32 to vector<16xi32>
    %add3A_198 = arith.addi %iota3A, %add3A_197 : vector<16xi32>
    %and3A_199 = arith.constant 15 : i32
    %and3A_200 = vector.broadcast %and3A_199 : i32 to vector<16xi32>
    %and3A_201 = arith.andi %add3A_198, %and3A_200 : vector<16xi32>
    %shift_right_logical3A_202 = arith.constant 3 : i32
    %shift_right_logical3A_203 = vector.broadcast %shift_right_logical3A_202 : i32 to vector<16xi32>
    %shift_right_logical3A_204 = arith.shrui %and3A_201, %shift_right_logical3A_203 : vector<16xi32>
    %mul3A_205 = arith.constant 5120 : i32
    %mul3A_206 = vector.broadcast %mul3A_205 : i32 to vector<16xi32>
    %mul3A_207 = arith.muli %shift_right_logical3A_204, %mul3A_206 : vector<16xi32>
    %and3A_208 = arith.constant 7 : i32
    %and3A_209 = vector.broadcast %and3A_208 : i32 to vector<16xi32>
    %and3A_210 = arith.andi %and3A_201, %and3A_209 : vector<16xi32>
    %mul3A_211 = arith.constant 128 : i32
    %mul3A_212 = vector.broadcast %mul3A_211 : i32 to vector<16xi32>
    %mul3A_213 = arith.muli %and3A_210, %mul3A_212 : vector<16xi32>
    %add3A_214 = arith.addi %mul3A_207, %mul3A_213 : vector<16xi32>
    %add3A_215 = arith.addi %add3A_214, %iota3A : vector<16xi32>
    %add3A_216 = arith.constant 10 : i32
    %add3A_217 = vector.broadcast %add3A_216 : i32 to vector<16xi32>
    %add3A_218 = arith.addi %iota3A, %add3A_217 : vector<16xi32>
    %and3A_219 = arith.constant 15 : i32
    %and3A_220 = vector.broadcast %and3A_219 : i32 to vector<16xi32>
    %and3A_221 = arith.andi %add3A_218, %and3A_220 : vector<16xi32>
    %shift_right_logical3A_222 = arith.constant 3 : i32
    %shift_right_logical3A_223 = vector.broadcast %shift_right_logical3A_222 : i32 to vector<16xi32>
    %shift_right_logical3A_224 = arith.shrui %and3A_221, %shift_right_logical3A_223 : vector<16xi32>
    %mul3A_225 = arith.constant 5120 : i32
    %mul3A_226 = vector.broadcast %mul3A_225 : i32 to vector<16xi32>
    %mul3A_227 = arith.muli %shift_right_logical3A_224, %mul3A_226 : vector<16xi32>
    %and3A_228 = arith.constant 7 : i32
    %and3A_229 = vector.broadcast %and3A_228 : i32 to vector<16xi32>
    %and3A_230 = arith.andi %and3A_221, %and3A_229 : vector<16xi32>
    %mul3A_231 = arith.constant 128 : i32
    %mul3A_232 = vector.broadcast %mul3A_231 : i32 to vector<16xi32>
    %mul3A_233 = arith.muli %and3A_230, %mul3A_232 : vector<16xi32>
    %add3A_234 = arith.addi %mul3A_227, %mul3A_233 : vector<16xi32>
    %add3A_235 = arith.addi %add3A_234, %iota3A : vector<16xi32>
    %add3A_236 = arith.constant 11 : i32
    %add3A_237 = vector.broadcast %add3A_236 : i32 to vector<16xi32>
    %add3A_238 = arith.addi %iota3A, %add3A_237 : vector<16xi32>
    %and3A_239 = arith.constant 15 : i32
    %and3A_240 = vector.broadcast %and3A_239 : i32 to vector<16xi32>
    %and3A_241 = arith.andi %add3A_238, %and3A_240 : vector<16xi32>
    %shift_right_logical3A_242 = arith.constant 3 : i32
    %shift_right_logical3A_243 = vector.broadcast %shift_right_logical3A_242 : i32 to vector<16xi32>
    %shift_right_logical3A_244 = arith.shrui %and3A_241, %shift_right_logical3A_243 : vector<16xi32>
    %mul3A_245 = arith.constant 5120 : i32
    %mul3A_246 = vector.broadcast %mul3A_245 : i32 to vector<16xi32>
    %mul3A_247 = arith.muli %shift_right_logical3A_244, %mul3A_246 : vector<16xi32>
    %and3A_248 = arith.constant 7 : i32
    %and3A_249 = vector.broadcast %and3A_248 : i32 to vector<16xi32>
    %and3A_250 = arith.andi %and3A_241, %and3A_249 : vector<16xi32>
    %mul3A_251 = arith.constant 128 : i32
    %mul3A_252 = vector.broadcast %mul3A_251 : i32 to vector<16xi32>
    %mul3A_253 = arith.muli %and3A_250, %mul3A_252 : vector<16xi32>
    %add3A_254 = arith.addi %mul3A_247, %mul3A_253 : vector<16xi32>
    %add3A_255 = arith.addi %add3A_254, %iota3A : vector<16xi32>
    %add3A_256 = arith.constant 12 : i32
    %add3A_257 = vector.broadcast %add3A_256 : i32 to vector<16xi32>
    %add3A_258 = arith.addi %iota3A, %add3A_257 : vector<16xi32>
    %and3A_259 = arith.constant 15 : i32
    %and3A_260 = vector.broadcast %and3A_259 : i32 to vector<16xi32>
    %and3A_261 = arith.andi %add3A_258, %and3A_260 : vector<16xi32>
    %shift_right_logical3A_262 = arith.constant 3 : i32
    %shift_right_logical3A_263 = vector.broadcast %shift_right_logical3A_262 : i32 to vector<16xi32>
    %shift_right_logical3A_264 = arith.shrui %and3A_261, %shift_right_logical3A_263 : vector<16xi32>
    %mul3A_265 = arith.constant 5120 : i32
    %mul3A_266 = vector.broadcast %mul3A_265 : i32 to vector<16xi32>
    %mul3A_267 = arith.muli %shift_right_logical3A_264, %mul3A_266 : vector<16xi32>
    %and3A_268 = arith.constant 7 : i32
    %and3A_269 = vector.broadcast %and3A_268 : i32 to vector<16xi32>
    %and3A_270 = arith.andi %and3A_261, %and3A_269 : vector<16xi32>
    %mul3A_271 = arith.constant 128 : i32
    %mul3A_272 = vector.broadcast %mul3A_271 : i32 to vector<16xi32>
    %mul3A_273 = arith.muli %and3A_270, %mul3A_272 : vector<16xi32>
    %add3A_274 = arith.addi %mul3A_267, %mul3A_273 : vector<16xi32>
    %add3A_275 = arith.addi %add3A_274, %iota3A : vector<16xi32>
    %add3A_276 = arith.constant 13 : i32
    %add3A_277 = vector.broadcast %add3A_276 : i32 to vector<16xi32>
    %add3A_278 = arith.addi %iota3A, %add3A_277 : vector<16xi32>
    %and3A_279 = arith.constant 15 : i32
    %and3A_280 = vector.broadcast %and3A_279 : i32 to vector<16xi32>
    %and3A_281 = arith.andi %add3A_278, %and3A_280 : vector<16xi32>
    %shift_right_logical3A_282 = arith.constant 3 : i32
    %shift_right_logical3A_283 = vector.broadcast %shift_right_logical3A_282 : i32 to vector<16xi32>
    %shift_right_logical3A_284 = arith.shrui %and3A_281, %shift_right_logical3A_283 : vector<16xi32>
    %mul3A_285 = arith.constant 5120 : i32
    %mul3A_286 = vector.broadcast %mul3A_285 : i32 to vector<16xi32>
    %mul3A_287 = arith.muli %shift_right_logical3A_284, %mul3A_286 : vector<16xi32>
    %and3A_288 = arith.constant 7 : i32
    %and3A_289 = vector.broadcast %and3A_288 : i32 to vector<16xi32>
    %and3A_290 = arith.andi %and3A_281, %and3A_289 : vector<16xi32>
    %mul3A_291 = arith.constant 128 : i32
    %mul3A_292 = vector.broadcast %mul3A_291 : i32 to vector<16xi32>
    %mul3A_293 = arith.muli %and3A_290, %mul3A_292 : vector<16xi32>
    %add3A_294 = arith.addi %mul3A_287, %mul3A_293 : vector<16xi32>
    %add3A_295 = arith.addi %add3A_294, %iota3A : vector<16xi32>
    %add3A_296 = arith.constant 14 : i32
    %add3A_297 = vector.broadcast %add3A_296 : i32 to vector<16xi32>
    %add3A_298 = arith.addi %iota3A, %add3A_297 : vector<16xi32>
    %and3A_299 = arith.constant 15 : i32
    %and3A_300 = vector.broadcast %and3A_299 : i32 to vector<16xi32>
    %and3A_301 = arith.andi %add3A_298, %and3A_300 : vector<16xi32>
    %shift_right_logical3A_302 = arith.constant 3 : i32
    %shift_right_logical3A_303 = vector.broadcast %shift_right_logical3A_302 : i32 to vector<16xi32>
    %shift_right_logical3A_304 = arith.shrui %and3A_301, %shift_right_logical3A_303 : vector<16xi32>
    %mul3A_305 = arith.constant 5120 : i32
    %mul3A_306 = vector.broadcast %mul3A_305 : i32 to vector<16xi32>
    %mul3A_307 = arith.muli %shift_right_logical3A_304, %mul3A_306 : vector<16xi32>
    %and3A_308 = arith.constant 7 : i32
    %and3A_309 = vector.broadcast %and3A_308 : i32 to vector<16xi32>
    %and3A_310 = arith.andi %and3A_301, %and3A_309 : vector<16xi32>
    %mul3A_311 = arith.constant 128 : i32
    %mul3A_312 = vector.broadcast %mul3A_311 : i32 to vector<16xi32>
    %mul3A_313 = arith.muli %and3A_310, %mul3A_312 : vector<16xi32>
    %add3A_314 = arith.addi %mul3A_307, %mul3A_313 : vector<16xi32>
    %add3A_315 = arith.addi %add3A_314, %iota3A : vector<16xi32>
    %add3A_316 = arith.constant 15 : i32
    %add3A_317 = vector.broadcast %add3A_316 : i32 to vector<16xi32>
    %add3A_318 = arith.addi %iota3A, %add3A_317 : vector<16xi32>
    %and3A_319 = arith.constant 15 : i32
    %and3A_320 = vector.broadcast %and3A_319 : i32 to vector<16xi32>
    %and3A_321 = arith.andi %add3A_318, %and3A_320 : vector<16xi32>
    %shift_right_logical3A_322 = arith.constant 3 : i32
    %shift_right_logical3A_323 = vector.broadcast %shift_right_logical3A_322 : i32 to vector<16xi32>
    %shift_right_logical3A_324 = arith.shrui %and3A_321, %shift_right_logical3A_323 : vector<16xi32>
    %mul3A_325 = arith.constant 5120 : i32
    %mul3A_326 = vector.broadcast %mul3A_325 : i32 to vector<16xi32>
    %mul3A_327 = arith.muli %shift_right_logical3A_324, %mul3A_326 : vector<16xi32>
    %and3A_328 = arith.constant 7 : i32
    %and3A_329 = vector.broadcast %and3A_328 : i32 to vector<16xi32>
    %and3A_330 = arith.andi %and3A_321, %and3A_329 : vector<16xi32>
    %mul3A_331 = arith.constant 128 : i32
    %mul3A_332 = vector.broadcast %mul3A_331 : i32 to vector<16xi32>
    %mul3A_333 = arith.muli %and3A_330, %mul3A_332 : vector<16xi32>
    %add3A_334 = arith.addi %mul3A_327, %mul3A_333 : vector<16xi32>
    %add3A_335 = arith.addi %add3A_334, %iota3A : vector<16xi32>
    %add3A_336 = arith.constant 0 : i32
    %add3A_337 = arith.addi %mul3A_4, %add3A_336 : i32
    %multiple_of3A = tpu.assume_multiple %add3A_337, 8 : i32
    %dma_start3A = tpu.memref_slice %arg5[%multiple_of3A] : memref<320000xi32, #tpu.memory_space<hbm>> -> memref<640xi32, #tpu.memory_space<hbm>>
    %dma_start3A_338 = tpu.memref_slice %arg5[%multiple_of3A] : memref<320000xi32, #tpu.memory_space<hbm>> -> memref<640xi32, #tpu.memory_space<hbm>>
    tpu.enqueue_dma source(%dma_start3A_338 : memref<640xi32, #tpu.memory_space<hbm>>) target(%arg12 : memref<640xi32, #tpu.memory_space<vmem>>) target_semaphore(%arg24 : memref<!tpu.dma_semaphore, #tpu.memory_space<semaphore_mem>>)
    %dma_start3A_339 = tpu.memref_slice %arg6[%multiple_of3A] : memref<320000xi32, #tpu.memory_space<hbm>> -> memref<640xi32, #tpu.memory_space<hbm>>
    %dma_start3A_340 = tpu.memref_slice %arg6[%multiple_of3A] : memref<320000xi32, #tpu.memory_space<hbm>> -> memref<640xi32, #tpu.memory_space<hbm>>
    tpu.enqueue_dma source(%dma_start3A_340 : memref<640xi32, #tpu.memory_space<hbm>>) target(%arg14 : memref<640xi32, #tpu.memory_space<vmem>>) target_semaphore(%arg24 : memref<!tpu.dma_semaphore, #tpu.memory_space<semaphore_mem>>)
    %add3A_341 = arith.constant 640 : i32
    %add3A_342 = arith.addi %mul3A_4, %add3A_341 : i32
    %multiple_of3A_343 = tpu.assume_multiple %add3A_342, 8 : i32
    %dma_start3A_344 = tpu.memref_slice %arg5[%multiple_of3A_343] : memref<320000xi32, #tpu.memory_space<hbm>> -> memref<640xi32, #tpu.memory_space<hbm>>
    %dma_start3A_345 = tpu.memref_slice %arg5[%multiple_of3A_343] : memref<320000xi32, #tpu.memory_space<hbm>> -> memref<640xi32, #tpu.memory_space<hbm>>
    tpu.enqueue_dma source(%dma_start3A_345 : memref<640xi32, #tpu.memory_space<hbm>>) target(%arg13 : memref<640xi32, #tpu.memory_space<vmem>>) target_semaphore(%arg25 : memref<!tpu.dma_semaphore, #tpu.memory_space<semaphore_mem>>)
    %dma_start3A_346 = tpu.memref_slice %arg6[%multiple_of3A_343] : memref<320000xi32, #tpu.memory_space<hbm>> -> memref<640xi32, #tpu.memory_space<hbm>>
    %dma_start3A_347 = tpu.memref_slice %arg6[%multiple_of3A_343] : memref<320000xi32, #tpu.memory_space<hbm>> -> memref<640xi32, #tpu.memory_space<hbm>>
    tpu.enqueue_dma source(%dma_start3A_347 : memref<640xi32, #tpu.memory_space<hbm>>) target(%arg15 : memref<640xi32, #tpu.memory_space<vmem>>) target_semaphore(%arg25 : memref<!tpu.dma_semaphore, #tpu.memory_space<semaphore_mem>>)
    %dma_wait3A = arith.constant 0 : i32
    %dma_wait3A_348 = tpu.memref_slice %arg5[%dma_wait3A] : memref<320000xi32, #tpu.memory_space<hbm>> -> memref<640xi32, #tpu.memory_space<hbm>>
    %dma_wait3A_349 = arith.constant 0 : i32
    %dma_wait3A_350 = tpu.memref_slice %arg5[%dma_wait3A_349] : memref<320000xi32, #tpu.memory_space<hbm>> -> memref<640xi32, #tpu.memory_space<hbm>>
    tpu.wait_dma2 semaphore(%arg24 : memref<!tpu.dma_semaphore, #tpu.memory_space<semaphore_mem>>) src(%dma_wait3A_350 : memref<640xi32, #tpu.memory_space<hbm>>) dst(%arg12 : memref<640xi32, #tpu.memory_space<vmem>>)
    %dma_wait3A_351 = arith.constant 0 : i32
    %dma_wait3A_352 = tpu.memref_slice %arg6[%dma_wait3A_351] : memref<320000xi32, #tpu.memory_space<hbm>> -> memref<640xi32, #tpu.memory_space<hbm>>
    %dma_wait3A_353 = arith.constant 0 : i32
    %dma_wait3A_354 = tpu.memref_slice %arg6[%dma_wait3A_353] : memref<320000xi32, #tpu.memory_space<hbm>> -> memref<640xi32, #tpu.memory_space<hbm>>
    tpu.wait_dma2 semaphore(%arg24 : memref<!tpu.dma_semaphore, #tpu.memory_space<semaphore_mem>>) src(%dma_wait3A_354 : memref<640xi32, #tpu.memory_space<hbm>>) dst(%arg14 : memref<640xi32, #tpu.memory_space<vmem>>)
    %parallel_loop3A = arith.constant 0 : i32
    %parallel_loop3A_355 = arith.constant 40 : i32
    %parallel_loop3A_356 = arith.constant 1 : i32
    scf.for %parallel_loop3A_422 = %parallel_loop3A to %parallel_loop3A_355 step %parallel_loop3A_356  : i32 {
      %parallel_loop3A_423 = arith.constant 16 : i32
      %parallel_loop3A_424 = arith.muli %parallel_loop3A_422, %parallel_loop3A_423 : i32
      %parallel_loop3A_425 = arith.index_cast %parallel_loop3A_424 : i32 to index
      %parallel_loop3A_426 = tpu.vector_load %arg12[%parallel_loop3A_425] {strides = array<i32>} : memref<640xi32, #tpu.memory_space<vmem>>, vector<16xi32>,
      %parallel_loop3A_427 = vector.broadcast %mul3A_8 : i32 to vector<16xi32>
      %parallel_loop3A_428 = arith.addi %parallel_loop3A_426, %parallel_loop3A_427 : vector<16xi32>
      %parallel_loop3A_429 = arith.constant 16 : i32
      %parallel_loop3A_430 = arith.muli %parallel_loop3A_422, %parallel_loop3A_429 : i32
      %parallel_loop3A_431 = arith.index_cast %parallel_loop3A_430 : i32 to index
      %parallel_loop3A_432 = tpu.vector_load %arg16[%parallel_loop3A_431] {strides = array<i32>} : memref<640xi32, #tpu.memory_space<vmem>>, vector<16xi32>,
      tpu.vector_store %arg16[%parallel_loop3A_431], %parallel_loop3A_428 {strides = array<i32>} : memref<640xi32, #tpu.memory_space<vmem>>, vector<16xi32>,
    } {sc.loop_unroll_factor = 8 : i64, sc.parallel_access}
    %dma_start3A_357 = arith.constant 0 : i32
    %dma_start3A_358 = arith.constant 0 : i32
    %dma_start3A_359 = tpu.memref_slice %arg9[%dma_start3A_357, %dma_start3A_358] : memref<40000x16xf32, #tpu.memory_space<vmem_shared>> -> memref<40000x16xf32, #tpu.memory_space<vmem_shared>>
    tpu.enqueue_indirect_dma source(%dma_start3A_359 : memref<40000x16xf32, #tpu.memory_space<vmem_shared>>) target(%arg18 : memref<640x16xf32, #tpu.memory_space<vmem>>) offsets(%arg16 : memref<640xi32, #tpu.memory_space<vmem>>) semaphore(%arg26 : memref<!tpu.dma_semaphore, #tpu.memory_space<semaphore_mem>>)
    %scan3A = arith.constant 0 : i32
    %scan3A_360 = arith.constant 0 : i32
    %scan3A_361 = arith.constant 62 : i32
    %scan3A_362 = arith.addi %scan3A_360, %scan3A_361 : i32
    %scan3A_363 = arith.constant 1 : i32
    scf.for %scan3A_422 = %scan3A_360 to %scan3A_362 step %scan3A_363  : i32 {
      %dma_wait3A_423 = arith.constant 0 : i32
      %dma_wait3A_424 = tpu.memref_slice %arg5[%dma_wait3A_423] : memref<320000xi32, #tpu.memory_space<hbm>> -> memref<640xi32, #tpu.memory_space<hbm>>
      %dma_wait3A_425 = arith.constant 0 : i32
      %dma_wait3A_426 = tpu.memref_slice %arg5[%dma_wait3A_425] : memref<320000xi32, #tpu.memory_space<hbm>> -> memref<640xi32, #tpu.memory_space<hbm>>
      tpu.wait_dma2 semaphore(%arg25 : memref<!tpu.dma_semaphore, #tpu.memory_space<semaphore_mem>>) src(%dma_wait3A_426 : memref<640xi32, #tpu.memory_space<hbm>>) dst(%arg13 : memref<640xi32, #tpu.memory_space<vmem>>)
      %dma_wait3A_427 = arith.constant 0 : i32
      %dma_wait3A_428 = tpu.memref_slice %arg6[%dma_wait3A_427] : memref<320000xi32, #tpu.memory_space<hbm>> -> memref<640xi32, #tpu.memory_space<hbm>>
      %dma_wait3A_429 = arith.constant 0 : i32
      %dma_wait3A_430 = tpu.memref_slice %arg6[%dma_wait3A_429] : memref<320000xi32, #tpu.memory_space<hbm>> -> memref<640xi32, #tpu.memory_space<hbm>>
      tpu.wait_dma2 semaphore(%arg25 : memref<!tpu.dma_semaphore, #tpu.memory_space<semaphore_mem>>) src(%dma_wait3A_430 : memref<640xi32, #tpu.memory_space<hbm>>) dst(%arg15 : memref<640xi32, #tpu.memory_space<vmem>>)
      %ge3A = arith.constant 1 : i32
      %ge3A_431 = arith.cmpi sge, %scan3A_422, %ge3A : i32
      %convert_element_type3A = arith.extui %ge3A_431 : i1 to i32
      %cond3A = arith.constant 0 : i32
      %cond3A_432 = arith.cmpi ne, %convert_element_type3A, %cond3A : i32
      scf.if %cond3A_432 {
        %dma_wait3A_567 = arith.constant 0 : i32
        %dma_wait3A_568 = tpu.memref_slice %arg7[%dma_wait3A_567] : memref<40960000xf32, #tpu.memory_space<hbm>> -> memref<10240xf32, #tpu.memory_space<hbm>>
        %dma_wait3A_569 = arith.constant 0 : i32
        %dma_wait3A_570 = tpu.memref_slice %arg7[%dma_wait3A_569] : memref<40960000xf32, #tpu.memory_space<hbm>> -> memref<10240xf32, #tpu.memory_space<hbm>>
        tpu.wait_dma2 semaphore(%arg29 : memref<!tpu.dma_semaphore, #tpu.memory_space<semaphore_mem>>) src(%arg21 : memref<10240xf32, #tpu.memory_space<vmem>>) dst(%dma_wait3A_570 : memref<10240xf32, #tpu.memory_space<hbm>>)
        %dma_wait3A_571 = arith.constant 0 : i32
        %dma_wait3A_572 = tpu.memref_slice %arg8[%dma_wait3A_571] : memref<5120000xf32, #tpu.memory_space<hbm>> -> memref<1280xf32, #tpu.memory_space<hbm>>
        %dma_wait3A_573 = arith.constant 0 : i32
        %dma_wait3A_574 = tpu.memref_slice %arg8[%dma_wait3A_573] : memref<5120000xf32, #tpu.memory_space<hbm>> -> memref<1280xf32, #tpu.memory_space<hbm>>
        tpu.wait_dma2 semaphore(%arg29 : memref<!tpu.dma_semaphore, #tpu.memory_space<semaphore_mem>>) src(%arg23 : memref<1280xf32, #tpu.memory_space<vmem>>) dst(%dma_wait3A_574 : memref<1280xf32, #tpu.memory_space<hbm>>)
      } else {
      }
      %parallel_loop3A_433 = arith.constant 0 : i32
      %parallel_loop3A_434 = arith.constant 40 : i32
      %parallel_loop3A_435 = arith.constant 1 : i32
      scf.for %parallel_loop3A_567 = %parallel_loop3A_433 to %parallel_loop3A_434 step %parallel_loop3A_435  : i32 {
        %parallel_loop3A_568 = arith.constant 16 : i32
        %parallel_loop3A_569 = arith.muli %parallel_loop3A_567, %parallel_loop3A_568 : i32
        %parallel_loop3A_570 = arith.index_cast %parallel_loop3A_569 : i32 to index
        %parallel_loop3A_571 = tpu.vector_load %arg13[%parallel_loop3A_570] {strides = array<i32>} : memref<640xi32, #tpu.memory_space<vmem>>, vector<16xi32>,
        %parallel_loop3A_572 = vector.broadcast %mul3A_8 : i32 to vector<16xi32>
        %parallel_loop3A_573 = arith.addi %parallel_loop3A_571, %parallel_loop3A_572 : vector<16xi32>
        %parallel_loop3A_574 = arith.constant 16 : i32
        %parallel_loop3A_575 = arith.muli %parallel_loop3A_567, %parallel_loop3A_574 : i32
        %parallel_loop3A_576 = arith.index_cast %parallel_loop3A_575 : i32 to index
        %parallel_loop3A_577 = tpu.vector_load %arg17[%parallel_loop3A_576] {strides = array<i32>} : memref<640xi32, #tpu.memory_space<vmem>>, vector<16xi32>,
        tpu.vector_store %arg17[%parallel_loop3A_576], %parallel_loop3A_573 {strides = array<i32>} : memref<640xi32, #tpu.memory_space<vmem>>, vector<16xi32>,
      } {sc.loop_unroll_factor = 8 : i64, sc.parallel_access}
      %dma_start3A_436 = arith.constant 0 : i32
      %dma_start3A_437 = arith.constant 0 : i32
      %dma_start3A_438 = tpu.memref_slice %arg9[%dma_start3A_436, %dma_start3A_437] : memref<40000x16xf32, #tpu.memory_space<vmem_shared>> -> memref<40000x16xf32, #tpu.memory_space<vmem_shared>>
      tpu.enqueue_indirect_dma source(%dma_start3A_438 : memref<40000x16xf32, #tpu.memory_space<vmem_shared>>) target(%arg19 : memref<640x16xf32, #tpu.memory_space<vmem>>) offsets(%arg17 : memref<640xi32, #tpu.memory_space<vmem>>) semaphore(%arg27 : memref<!tpu.dma_semaphore, #tpu.memory_space<semaphore_mem>>)
      %parallel_loop3A_439 = arith.constant 0 : i32
      %parallel_loop3A_440 = arith.constant 40 : i32
      %parallel_loop3A_441 = arith.constant 1 : i32
      scf.for %parallel_loop3A_567 = %parallel_loop3A_439 to %parallel_loop3A_440 step %parallel_loop3A_441  : i32 {
        %parallel_loop3A_568 = arith.constant 3 : i32
        %parallel_loop3A_569 = arith.shrui %parallel_loop3A_567, %parallel_loop3A_568 : i32
        %parallel_loop3A_570 = arith.constant 256 : i32
        %parallel_loop3A_571 = arith.muli %parallel_loop3A_569, %parallel_loop3A_570 : i32
        %parallel_loop3A_572 = arith.constant 7 : i32
        %parallel_loop3A_573 = arith.andi %parallel_loop3A_567, %parallel_loop3A_572 : i32
        %parallel_loop3A_574 = arith.constant 16 : i32
        %parallel_loop3A_575 = arith.muli %parallel_loop3A_573, %parallel_loop3A_574 : i32
        %parallel_loop3A_576 = arith.addi %parallel_loop3A_571, %parallel_loop3A_575 : i32
        %parallel_loop3A_577 = arith.constant 16 : i32
        %parallel_loop3A_578 = arith.muli %parallel_loop3A_567, %parallel_loop3A_577 : i32
        %parallel_loop3A_579 = arith.index_cast %parallel_loop3A_578 : i32 to index
        %parallel_loop3A_580 = tpu.vector_load %arg12[%parallel_loop3A_579] {strides = array<i32>} : memref<640xi32, #tpu.memory_space<vmem>>, vector<16xi32>,
        %parallel_loop3A_581 = tpu.vector_load_idx %arg10[%parallel_loop3A_580] : memref<10000xf32, #tpu.memory_space<vmem>>[vector<16xi32>], vector<16xf32>,
        %parallel_loop3A_582 = arith.index_cast %parallel_loop3A_576 : i32 to index
        %parallel_loop3A_583 = tpu.vector_load %arg22[%parallel_loop3A_582] {strides = array<i32>} : memref<1280xf32, #tpu.memory_space<vmem>>, vector<16xf32>,
        tpu.vector_store %arg22[%parallel_loop3A_582], %parallel_loop3A_581 {strides = array<i32>} : memref<1280xf32, #tpu.memory_space<vmem>>, vector<16xf32>,
        %parallel_loop3A_584 = arith.constant 16 : i32
        %parallel_loop3A_585 = arith.muli %parallel_loop3A_567, %parallel_loop3A_584 : i32
        %parallel_loop3A_586 = arith.index_cast %parallel_loop3A_585 : i32 to index
        %parallel_loop3A_587 = tpu.vector_load %arg14[%parallel_loop3A_586] {strides = array<i32>} : memref<640xi32, #tpu.memory_space<vmem>>, vector<16xi32>,
        %parallel_loop3A_588 = tpu.vector_load_idx %arg11[%parallel_loop3A_587] : memref<10000xf32, #tpu.memory_space<vmem>>[vector<16xi32>], vector<16xf32>,
        %parallel_loop3A_589 = arith.constant 128 : i32
        %parallel_loop3A_590 = arith.addi %parallel_loop3A_576, %parallel_loop3A_589 : i32
        %parallel_loop3A_591 = arith.index_cast %parallel_loop3A_590 : i32 to index
        %parallel_loop3A_592 = tpu.vector_load %arg22[%parallel_loop3A_591] {strides = array<i32>} : memref<1280xf32, #tpu.memory_space<vmem>>, vector<16xf32>,
        tpu.vector_store %arg22[%parallel_loop3A_591], %parallel_loop3A_588 {strides = array<i32>} : memref<1280xf32, #tpu.memory_space<vmem>>, vector<16xf32>,
      } {sc.loop_unroll_factor = 8 : i64, sc.parallel_access}
      %dma_wait3A_442 = arith.constant 0 : i32
      %dma_wait3A_443 = arith.constant 0 : i32
      %dma_wait3A_444 = tpu.memref_slice %arg2[%dma_wait3A_442, %dma_wait3A_443] : memref<80000x16xf32, #tpu.memory_space<hbm>> -> memref<640x16xf32, #tpu.memory_space<hbm>>
      %dma_wait3A_445 = arith.constant 0 : i32
      %dma_wait3A_446 = arith.constant 0 : i32
      %dma_wait3A_447 = tpu.memref_slice %arg2[%dma_wait3A_445, %dma_wait3A_446] : memref<80000x16xf32, #tpu.memory_space<hbm>> -> memref<640x16xf32, #tpu.memory_space<hbm>>
      tpu.wait_dma2 semaphore(%arg26 : memref<!tpu.dma_semaphore, #tpu.memory_space<semaphore_mem>>) src(%dma_wait3A_447 : memref<640x16xf32, #tpu.memory_space<hbm>>) dst(%arg18 : memref<640x16xf32, #tpu.memory_space<vmem>>)
      %parallel_loop3A_448 = arith.constant 0 : i32
      %parallel_loop3A_449 = arith.constant 40 : i32
      %parallel_loop3A_450 = arith.constant 1 : i32
      scf.for %parallel_loop3A_567 = %parallel_loop3A_448 to %parallel_loop3A_449 step %parallel_loop3A_450  : i32 {
        %parallel_loop3A_568 = arith.constant 16 : i32
        %parallel_loop3A_569 = arith.muli %parallel_loop3A_567, %parallel_loop3A_568 : i32
        %parallel_loop3A_570 = vector.broadcast %parallel_loop3A_569 : i32 to vector<16xi32>
        %parallel_loop3A_571 = arith.addi %iota3A, %parallel_loop3A_570 : vector<16xi32>
        %parallel_loop3A_572 = arith.constant 3 : i32
        %parallel_loop3A_573 = arith.shrui %parallel_loop3A_567, %parallel_loop3A_572 : i32
        %parallel_loop3A_574 = arith.constant 1024 : i32
        %parallel_loop3A_575 = arith.muli %parallel_loop3A_573, %parallel_loop3A_574 : i32
        %parallel_loop3A_576 = arith.constant 7 : i32
        %parallel_loop3A_577 = arith.andi %parallel_loop3A_567, %parallel_loop3A_576 : i32
        %parallel_loop3A_578 = arith.constant 16 : i32
        %parallel_loop3A_579 = arith.muli %parallel_loop3A_577, %parallel_loop3A_578 : i32
        %parallel_loop3A_580 = arith.addi %parallel_loop3A_575, %parallel_loop3A_579 : i32
        %parallel_loop3A_581 = tpu.vector_load_idx %arg18[%parallel_loop3A_571, %and3A_21] : memref<640x16xf32, #tpu.memory_space<vmem>>[vector<16xi32>, vector<16xi32>], vector<16xf32>,
        %parallel_loop3A_582 = vector.broadcast %parallel_loop3A_580 : i32 to vector<16xi32>
        %parallel_loop3A_583 = arith.addi %add3A_35, %parallel_loop3A_582 : vector<16xi32>
        tpu.vector_store_idx %arg20[%parallel_loop3A_583], %parallel_loop3A_581 : memref<10240xf32, #tpu.memory_space<vmem>>[vector<16xi32>], vector<16xf32>,
        %parallel_loop3A_584 = tpu.vector_load_idx %arg18[%parallel_loop3A_571, %and3A_41] : memref<640x16xf32, #tpu.memory_space<vmem>>[vector<16xi32>, vector<16xi32>], vector<16xf32>,
        %parallel_loop3A_585 = vector.broadcast %parallel_loop3A_580 : i32 to vector<16xi32>
        %parallel_loop3A_586 = arith.addi %add3A_55, %parallel_loop3A_585 : vector<16xi32>
        tpu.vector_store_idx %arg20[%parallel_loop3A_586], %parallel_loop3A_584 : memref<10240xf32, #tpu.memory_space<vmem>>[vector<16xi32>], vector<16xf32>,
        %parallel_loop3A_587 = tpu.vector_load_idx %arg18[%parallel_loop3A_571, %and3A_61] : memref<640x16xf32, #tpu.memory_space<vmem>>[vector<16xi32>, vector<16xi32>], vector<16xf32>,
        %parallel_loop3A_588 = vector.broadcast %parallel_loop3A_580 : i32 to vector<16xi32>
        %parallel_loop3A_589 = arith.addi %add3A_75, %parallel_loop3A_588 : vector<16xi32>
        tpu.vector_store_idx %arg20[%parallel_loop3A_589], %parallel_loop3A_587 : memref<10240xf32, #tpu.memory_space<vmem>>[vector<16xi32>], vector<16xf32>,
        %parallel_loop3A_590 = tpu.vector_load_idx %arg18[%parallel_loop3A_571, %and3A_81] : memref<640x16xf32, #tpu.memory_space<vmem>>[vector<16xi32>, vector<16xi32>], vector<16xf32>,
        %parallel_loop3A_591 = vector.broadcast %parallel_loop3A_580 : i32 to vector<16xi32>
        %parallel_loop3A_592 = arith.addi %add3A_95, %parallel_loop3A_591 : vector<16xi32>
        tpu.vector_store_idx %arg20[%parallel_loop3A_592], %parallel_loop3A_590 : memref<10240xf32, #tpu.memory_space<vmem>>[vector<16xi32>], vector<16xf32>,
        %parallel_loop3A_593 = tpu.vector_load_idx %arg18[%parallel_loop3A_571, %and3A_101] : memref<640x16xf32, #tpu.memory_space<vmem>>[vector<16xi32>, vector<16xi32>], vector<16xf32>,
        %parallel_loop3A_594 = vector.broadcast %parallel_loop3A_580 : i32 to vector<16xi32>
        %parallel_loop3A_595 = arith.addi %add3A_115, %parallel_loop3A_594 : vector<16xi32>
        tpu.vector_store_idx %arg20[%parallel_loop3A_595], %parallel_loop3A_593 : memref<10240xf32, #tpu.memory_space<vmem>>[vector<16xi32>], vector<16xf32>,
        %parallel_loop3A_596 = tpu.vector_load_idx %arg18[%parallel_loop3A_571, %and3A_121] : memref<640x16xf32, #tpu.memory_space<vmem>>[vector<16xi32>, vector<16xi32>], vector<16xf32>,
        %parallel_loop3A_597 = vector.broadcast %parallel_loop3A_580 : i32 to vector<16xi32>
        %parallel_loop3A_598 = arith.addi %add3A_135, %parallel_loop3A_597 : vector<16xi32>
        tpu.vector_store_idx %arg20[%parallel_loop3A_598], %parallel_loop3A_596 : memref<10240xf32, #tpu.memory_space<vmem>>[vector<16xi32>], vector<16xf32>,
        %parallel_loop3A_599 = tpu.vector_load_idx %arg18[%parallel_loop3A_571, %and3A_141] : memref<640x16xf32, #tpu.memory_space<vmem>>[vector<16xi32>, vector<16xi32>], vector<16xf32>,
        %parallel_loop3A_600 = vector.broadcast %parallel_loop3A_580 : i32 to vector<16xi32>
        %parallel_loop3A_601 = arith.addi %add3A_155, %parallel_loop3A_600 : vector<16xi32>
        tpu.vector_store_idx %arg20[%parallel_loop3A_601], %parallel_loop3A_599 : memref<10240xf32, #tpu.memory_space<vmem>>[vector<16xi32>], vector<16xf32>,
        %parallel_loop3A_602 = tpu.vector_load_idx %arg18[%parallel_loop3A_571, %and3A_161] : memref<640x16xf32, #tpu.memory_space<vmem>>[vector<16xi32>, vector<16xi32>], vector<16xf32>,
        %parallel_loop3A_603 = vector.broadcast %parallel_loop3A_580 : i32 to vector<16xi32>
        %parallel_loop3A_604 = arith.addi %add3A_175, %parallel_loop3A_603 : vector<16xi32>
        tpu.vector_store_idx %arg20[%parallel_loop3A_604], %parallel_loop3A_602 : memref<10240xf32, #tpu.memory_space<vmem>>[vector<16xi32>], vector<16xf32>,
        %parallel_loop3A_605 = tpu.vector_load_idx %arg18[%parallel_loop3A_571, %and3A_181] : memref<640x16xf32, #tpu.memory_space<vmem>>[vector<16xi32>, vector<16xi32>], vector<16xf32>,
        %parallel_loop3A_606 = vector.broadcast %parallel_loop3A_580 : i32 to vector<16xi32>
        %parallel_loop3A_607 = arith.addi %add3A_195, %parallel_loop3A_606 : vector<16xi32>
        tpu.vector_store_idx %arg20[%parallel_loop3A_607], %parallel_loop3A_605 : memref<10240xf32, #tpu.memory_space<vmem>>[vector<16xi32>], vector<16xf32>,
        %parallel_loop3A_608 = tpu.vector_load_idx %arg18[%parallel_loop3A_571, %and3A_201] : memref<640x16xf32, #tpu.memory_space<vmem>>[vector<16xi32>, vector<16xi32>], vector<16xf32>,
        %parallel_loop3A_609 = vector.broadcast %parallel_loop3A_580 : i32 to vector<16xi32>
        %parallel_loop3A_610 = arith.addi %add3A_215, %parallel_loop3A_609 : vector<16xi32>
        tpu.vector_store_idx %arg20[%parallel_loop3A_610], %parallel_loop3A_608 : memref<10240xf32, #tpu.memory_space<vmem>>[vector<16xi32>], vector<16xf32>,
        %parallel_loop3A_611 = tpu.vector_load_idx %arg18[%parallel_loop3A_571, %and3A_221] : memref<640x16xf32, #tpu.memory_space<vmem>>[vector<16xi32>, vector<16xi32>], vector<16xf32>,
        %parallel_loop3A_612 = vector.broadcast %parallel_loop3A_580 : i32 to vector<16xi32>
        %parallel_loop3A_613 = arith.addi %add3A_235, %parallel_loop3A_612 : vector<16xi32>
        tpu.vector_store_idx %arg20[%parallel_loop3A_613], %parallel_loop3A_611 : memref<10240xf32, #tpu.memory_space<vmem>>[vector<16xi32>], vector<16xf32>,
        %parallel_loop3A_614 = tpu.vector_load_idx %arg18[%parallel_loop3A_571, %and3A_241] : memref<640x16xf32, #tpu.memory_space<vmem>>[vector<16xi32>, vector<16xi32>], vector<16xf32>,
        %parallel_loop3A_615 = vector.broadcast %parallel_loop3A_580 : i32 to vector<16xi32>
        %parallel_loop3A_616 = arith.addi %add3A_255, %parallel_loop3A_615 : vector<16xi32>
        tpu.vector_store_idx %arg20[%parallel_loop3A_616], %parallel_loop3A_614 : memref<10240xf32, #tpu.memory_space<vmem>>[vector<16xi32>], vector<16xf32>,
        %parallel_loop3A_617 = tpu.vector_load_idx %arg18[%parallel_loop3A_571, %and3A_261] : memref<640x16xf32, #tpu.memory_space<vmem>>[vector<16xi32>, vector<16xi32>], vector<16xf32>,
        %parallel_loop3A_618 = vector.broadcast %parallel_loop3A_580 : i32 to vector<16xi32>
        %parallel_loop3A_619 = arith.addi %add3A_275, %parallel_loop3A_618 : vector<16xi32>
        tpu.vector_store_idx %arg20[%parallel_loop3A_619], %parallel_loop3A_617 : memref<10240xf32, #tpu.memory_space<vmem>>[vector<16xi32>], vector<16xf32>,
        %parallel_loop3A_620 = tpu.vector_load_idx %arg18[%parallel_loop3A_571, %and3A_281] : memref<640x16xf32, #tpu.memory_space<vmem>>[vector<16xi32>, vector<16xi32>], vector<16xf32>,
        %parallel_loop3A_621 = vector.broadcast %parallel_loop3A_580 : i32 to vector<16xi32>
        %parallel_loop3A_622 = arith.addi %add3A_295, %parallel_loop3A_621 : vector<16xi32>
        tpu.vector_store_idx %arg20[%parallel_loop3A_622], %parallel_loop3A_620 : memref<10240xf32, #tpu.memory_space<vmem>>[vector<16xi32>], vector<16xf32>,
        %parallel_loop3A_623 = tpu.vector_load_idx %arg18[%parallel_loop3A_571, %and3A_301] : memref<640x16xf32, #tpu.memory_space<vmem>>[vector<16xi32>, vector<16xi32>], vector<16xf32>,
        %parallel_loop3A_624 = vector.broadcast %parallel_loop3A_580 : i32 to vector<16xi32>
        %parallel_loop3A_625 = arith.addi %add3A_315, %parallel_loop3A_624 : vector<16xi32>
        tpu.vector_store_idx %arg20[%parallel_loop3A_625], %parallel_loop3A_623 : memref<10240xf32, #tpu.memory_space<vmem>>[vector<16xi32>], vector<16xf32>,
        %parallel_loop3A_626 = tpu.vector_load_idx %arg18[%parallel_loop3A_571, %and3A_321] : memref<640x16xf32, #tpu.memory_space<vmem>>[vector<16xi32>, vector<16xi32>], vector<16xf32>,
        %parallel_loop3A_627 = vector.broadcast %parallel_loop3A_580 : i32 to vector<16xi32>
        %parallel_loop3A_628 = arith.addi %add3A_335, %parallel_loop3A_627 : vector<16xi32>
        tpu.vector_store_idx %arg20[%parallel_loop3A_628], %parallel_loop3A_626 : memref<10240xf32, #tpu.memory_space<vmem>>[vector<16xi32>], vector<16xf32>,
      } {sc.loop_unroll_factor = 4 : i64, sc.parallel_access}
      %mul3A_451 = arith.constant 2 : i32
      %mul3A_452 = arith.muli %mul3A_451, %scan3A_422 : i32
      %mul3A_453 = arith.constant 640 : i32
      %mul3A_454 = arith.muli %mul3A_452, %mul3A_453 : i32
      %add3A_455 = arith.addi %mul3A_4, %mul3A_454 : i32
      %multiple_of3A_456 = tpu.assume_multiple %add3A_455, 8 : i32
      %mul3A_457 = arith.constant 5120000 : i32
      %mul3A_458 = arith.muli %add3A, %mul3A_457 : i32
      %mul3A_459 = arith.constant 8 : i32
      %mul3A_460 = arith.muli %multiple_of3A_456, %mul3A_459 : i32
      %add3A_461 = arith.addi %mul3A_458, %mul3A_460 : i32
      %dma_start3A_462 = arith.constant 0 : i32
      %dma_start3A_463 = tpu.memref_slice %arg20[%dma_start3A_462] : memref<10240xf32, #tpu.memory_space<vmem>> -> memref<5120xf32, #tpu.memory_space<vmem>>
      %dma_start3A_464 = tpu.memref_slice %arg7[%add3A_461] : memref<40960000xf32, #tpu.memory_space<hbm>> -> memref<5120xf32, #tpu.memory_space<hbm>>
      %dma_start3A_465 = tpu.memref_slice %arg7[%add3A_461] : memref<40960000xf32, #tpu.memory_space<hbm>> -> memref<5120xf32, #tpu.memory_space<hbm>>
      %dma_start3A_466 = arith.constant 0 : i32
      %dma_start3A_467 = tpu.memref_slice %arg20[%dma_start3A_466] : memref<10240xf32, #tpu.memory_space<vmem>> -> memref<5120xf32, #tpu.memory_space<vmem>>
      tpu.enqueue_dma source(%dma_start3A_467 : memref<5120xf32, #tpu.memory_space<vmem>>) target(%dma_start3A_465 : memref<5120xf32, #tpu.memory_space<hbm>>) target_semaphore(%arg28 : memref<!tpu.dma_semaphore, #tpu.memory_space<semaphore_mem>>)
      %add3A_468 = arith.constant 2560000 : i32
      %add3A_469 = arith.addi %add3A_461, %add3A_468 : i32
      %dma_start3A_470 = arith.constant 5120 : i32
      %dma_start3A_471 = tpu.memref_slice %arg20[%dma_start3A_470] : memref<10240xf32, #tpu.memory_space<vmem>> -> memref<5120xf32, #tpu.memory_space<vmem>>
      %dma_start3A_472 = tpu.memref_slice %arg7[%add3A_469] : memref<40960000xf32, #tpu.memory_space<hbm>> -> memref<5120xf32, #tpu.memory_space<hbm>>
      %dma_start3A_473 = tpu.memref_slice %arg7[%add3A_469] : memref<40960000xf32, #tpu.memory_space<hbm>> -> memref<5120xf32, #tpu.memory_space<hbm>>
      %dma_start3A_474 = arith.constant 5120 : i32
      %dma_start3A_475 = tpu.memref_slice %arg20[%dma_start3A_474] : memref<10240xf32, #tpu.memory_space<vmem>> -> memref<5120xf32, #tpu.memory_space<vmem>>
      tpu.enqueue_dma source(%dma_start3A_475 : memref<5120xf32, #tpu.memory_space<vmem>>) target(%dma_start3A_473 : memref<5120xf32, #tpu.memory_space<hbm>>) target_semaphore(%arg28 : memref<!tpu.dma_semaphore, #tpu.memory_space<semaphore_mem>>)
      %mul3A_476 = arith.constant 640000 : i32
      %mul3A_477 = arith.muli %add3A, %mul3A_476 : i32
      %mul3A_478 = arith.constant 2 : i32
      %mul3A_479 = arith.muli %mul3A_478, %multiple_of3A_456 : i32
      %add3A_480 = arith.addi %mul3A_477, %mul3A_479 : i32
      %dma_start3A_481 = tpu.memref_slice %arg8[%add3A_480] : memref<5120000xf32, #tpu.memory_space<hbm>> -> memref<1280xf32, #tpu.memory_space<hbm>>
      %dma_start3A_482 = tpu.memref_slice %arg8[%add3A_480] : memref<5120000xf32, #tpu.memory_space<hbm>> -> memref<1280xf32, #tpu.memory_space<hbm>>
      tpu.enqueue_dma source(%arg22 : memref<1280xf32, #tpu.memory_space<vmem>>) target(%dma_start3A_482 : memref<1280xf32, #tpu.memory_space<hbm>>) target_semaphore(%arg28 : memref<!tpu.dma_semaphore, #tpu.memory_space<semaphore_mem>>)
      %mul3A_483 = arith.constant 2 : i32
      %mul3A_484 = arith.muli %mul3A_483, %scan3A_422 : i32
      %add3A_485 = arith.constant 2 : i32
      %add3A_486 = arith.addi %mul3A_484, %add3A_485 : i32
      %mul3A_487 = arith.constant 640 : i32
      %mul3A_488 = arith.muli %add3A_486, %mul3A_487 : i32
      %add3A_489 = arith.addi %mul3A_4, %mul3A_488 : i32
      %multiple_of3A_490 = tpu.assume_multiple %add3A_489, 8 : i32
      %dma_start3A_491 = tpu.memref_slice %arg5[%multiple_of3A_490] : memref<320000xi32, #tpu.memory_space<hbm>> -> memref<640xi32, #tpu.memory_space<hbm>>
      %dma_start3A_492 = tpu.memref_slice %arg5[%multiple_of3A_490] : memref<320000xi32, #tpu.memory_space<hbm>> -> memref<640xi32, #tpu.memory_space<hbm>>
      tpu.enqueue_dma source(%dma_start3A_492 : memref<640xi32, #tpu.memory_space<hbm>>) target(%arg12 : memref<640xi32, #tpu.memory_space<vmem>>) target_semaphore(%arg24 : memref<!tpu.dma_semaphore, #tpu.memory_space<semaphore_mem>>)
      %dma_start3A_493 = tpu.memref_slice %arg6[%multiple_of3A_490] : memref<320000xi32, #tpu.memory_space<hbm>> -> memref<640xi32, #tpu.memory_space<hbm>>
      %dma_start3A_494 = tpu.memref_slice %arg6[%multiple_of3A_490] : memref<320000xi32, #tpu.memory_space<hbm>> -> memref<640xi32, #tpu.memory_space<hbm>>
      tpu.enqueue_dma source(%dma_start3A_494 : memref<640xi32, #tpu.memory_space<hbm>>) target(%arg14 : memref<640xi32, #tpu.memory_space<vmem>>) target_semaphore(%arg24 : memref<!tpu.dma_semaphore, #tpu.memory_space<semaphore_mem>>)
      %dma_wait3A_495 = arith.constant 0 : i32
      %dma_wait3A_496 = tpu.memref_slice %arg5[%dma_wait3A_495] : memref<320000xi32, #tpu.memory_space<hbm>> -> memref<640xi32, #tpu.memory_space<hbm>>
      %dma_wait3A_497 = arith.constant 0 : i32
      %dma_wait3A_498 = tpu.memref_slice %arg5[%dma_wait3A_497] : memref<320000xi32, #tpu.memory_space<hbm>> -> memref<640xi32, #tpu.memory_space<hbm>>
      tpu.wait_dma2 semaphore(%arg24 : memref<!tpu.dma_semaphore, #tpu.memory_space<semaphore_mem>>) src(%dma_wait3A_498 : memref<640xi32, #tpu.memory_space<hbm>>) dst(%arg12 : memref<640xi32, #tpu.memory_space<vmem>>)
      %dma_wait3A_499 = arith.constant 0 : i32
      %dma_wait3A_500 = tpu.memref_slice %arg6[%dma_wait3A_499] : memref<320000xi32, #tpu.memory_space<hbm>> -> memref<640xi32, #tpu.memory_space<hbm>>
      %dma_wait3A_501 = arith.constant 0 : i32
      %dma_wait3A_502 = tpu.memref_slice %arg6[%dma_wait3A_501] : memref<320000xi32, #tpu.memory_space<hbm>> -> memref<640xi32, #tpu.memory_space<hbm>>
      tpu.wait_dma2 semaphore(%arg24 : memref<!tpu.dma_semaphore, #tpu.memory_space<semaphore_mem>>) src(%dma_wait3A_502 : memref<640xi32, #tpu.memory_space<hbm>>) dst(%arg14 : memref<640xi32, #tpu.memory_space<vmem>>)
      %dma_wait3A_503 = arith.constant 0 : i32
      %dma_wait3A_504 = tpu.memref_slice %arg7[%dma_wait3A_503] : memref<40960000xf32, #tpu.memory_space<hbm>> -> memref<10240xf32, #tpu.memory_space<hbm>>
      %dma_wait3A_505 = arith.constant 0 : i32
      %dma_wait3A_506 = tpu.memref_slice %arg7[%dma_wait3A_505] : memref<40960000xf32, #tpu.memory_space<hbm>> -> memref<10240xf32, #tpu.memory_space<hbm>>
      tpu.wait_dma2 semaphore(%arg28 : memref<!tpu.dma_semaphore, #tpu.memory_space<semaphore_mem>>) src(%arg20 : memref<10240xf32, #tpu.memory_space<vmem>>) dst(%dma_wait3A_506 : memref<10240xf32, #tpu.memory_space<hbm>>)
      %dma_wait3A_507 = arith.constant 0 : i32
      %dma_wait3A_508 = tpu.memref_slice %arg8[%dma_wait3A_507] : memref<5120000xf32, #tpu.memory_space<hbm>> -> memref<1280xf32, #tpu.memory_space<hbm>>
      %dma_wait3A_509 = arith.constant 0 : i32
      %dma_wait3A_510 = tpu.memref_slice %arg8[%dma_wait3A_509] : memref<5120000xf32, #tpu.memory_space<hbm>> -> memref<1280xf32, #tpu.memory_space<hbm>>
      tpu.wait_dma2 semaphore(%arg28 : memref<!tpu.dma_semaphore, #tpu.memory_space<semaphore_mem>>) src(%arg22 : memref<1280xf32, #tpu.memory_space<vmem>>) dst(%dma_wait3A_510 : memref<1280xf32, #tpu.memory_space<hbm>>)
      %parallel_loop3A_511 = arith.constant 0 : i32
      %parallel_loop3A_512 = arith.constant 40 : i32
      %parallel_loop3A_513 = arith.constant 1 : i32
      scf.for %parallel_loop3A_567 = %parallel_loop3A_511 to %parallel_loop3A_512 step %parallel_loop3A_513  : i32 {
        %parallel_loop3A_568 = arith.constant 16 : i32
        %parallel_loop3A_569 = arith.muli %parallel_loop3A_567, %parallel_loop3A_568 : i32
        %parallel_loop3A_570 = arith.index_cast %parallel_loop3A_569 : i32 to index
        %parallel_loop3A_571 = tpu.vector_load %arg12[%parallel_loop3A_570] {strides = array<i32>} : memref<640xi32, #tpu.memory_space<vmem>>, vector<16xi32>,
        %parallel_loop3A_572 = vector.broadcast %mul3A_8 : i32 to vector<16xi32>
        %parallel_loop3A_573 = arith.addi %parallel_loop3A_571, %parallel_loop3A_572 : vector<16xi32>
        %parallel_loop3A_574 = arith.constant 16 : i32
        %parallel_loop3A_575 = arith.muli %parallel_loop3A_567, %parallel_loop3A_574 : i32
        %parallel_loop3A_576 = arith.index_cast %parallel_loop3A_575 : i32 to index
        %parallel_loop3A_577 = tpu.vector_load %arg16[%parallel_loop3A_576] {strides = array<i32>} : memref<640xi32, #tpu.memory_space<vmem>>, vector<16xi32>,
        tpu.vector_store %arg16[%parallel_loop3A_576], %parallel_loop3A_573 {strides = array<i32>} : memref<640xi32, #tpu.memory_space<vmem>>, vector<16xi32>,
      } {sc.loop_unroll_factor = 8 : i64, sc.parallel_access}
      %dma_start3A_514 = arith.constant 0 : i32
      %dma_start3A_515 = arith.constant 0 : i32
      %dma_start3A_516 = tpu.memref_slice %arg9[%dma_start3A_514, %dma_start3A_515] : memref<40000x16xf32, #tpu.memory_space<vmem_shared>> -> memref<40000x16xf32, #tpu.memory_space<vmem_shared>>
      tpu.enqueue_indirect_dma source(%dma_start3A_516 : memref<40000x16xf32, #tpu.memory_space<vmem_shared>>) target(%arg18 : memref<640x16xf32, #tpu.memory_space<vmem>>) offsets(%arg16 : memref<640xi32, #tpu.memory_space<vmem>>) semaphore(%arg26 : memref<!tpu.dma_semaphore, #tpu.memory_space<semaphore_mem>>)
      %parallel_loop3A_517 = arith.constant 0 : i32
      %parallel_loop3A_518 = arith.constant 40 : i32
      %parallel_loop3A_519 = arith.constant 1 : i32
      scf.for %parallel_loop3A_567 = %parallel_loop3A_517 to %parallel_loop3A_518 step %parallel_loop3A_519  : i32 {
        %parallel_loop3A_568 = arith.constant 3 : i32
        %parallel_loop3A_569 = arith.shrui %parallel_loop3A_567, %parallel_loop3A_568 : i32
        %parallel_loop3A_570 = arith.constant 256 : i32
        %parallel_loop3A_571 = arith.muli %parallel_loop3A_569, %parallel_loop3A_570 : i32
        %parallel_loop3A_572 = arith.constant 7 : i32
        %parallel_loop3A_573 = arith.andi %parallel_loop3A_567, %parallel_loop3A_572 : i32
        %parallel_loop3A_574 = arith.constant 16 : i32
        %parallel_loop3A_575 = arith.muli %parallel_loop3A_573, %parallel_loop3A_574 : i32
        %parallel_loop3A_576 = arith.addi %parallel_loop3A_571, %parallel_loop3A_575 : i32
        %parallel_loop3A_577 = arith.constant 16 : i32
        %parallel_loop3A_578 = arith.muli %parallel_loop3A_567, %parallel_loop3A_577 : i32
        %parallel_loop3A_579 = arith.index_cast %parallel_loop3A_578 : i32 to index
        %parallel_loop3A_580 = tpu.vector_load %arg13[%parallel_loop3A_579] {strides = array<i32>} : memref<640xi32, #tpu.memory_space<vmem>>, vector<16xi32>,
        %parallel_loop3A_581 = tpu.vector_load_idx %arg10[%parallel_loop3A_580] : memref<10000xf32, #tpu.memory_space<vmem>>[vector<16xi32>], vector<16xf32>,
        %parallel_loop3A_582 = arith.index_cast %parallel_loop3A_576 : i32 to index
        %parallel_loop3A_583 = tpu.vector_load %arg23[%parallel_loop3A_582] {strides = array<i32>} : memref<1280xf32, #tpu.memory_space<vmem>>, vector<16xf32>,
        tpu.vector_store %arg23[%parallel_loop3A_582], %parallel_loop3A_581 {strides = array<i32>} : memref<1280xf32, #tpu.memory_space<vmem>>, vector<16xf32>,
        %parallel_loop3A_584 = arith.constant 16 : i32
        %parallel_loop3A_585 = arith.muli %parallel_loop3A_567, %parallel_loop3A_584 : i32
        %parallel_loop3A_586 = arith.index_cast %parallel_loop3A_585 : i32 to index
        %parallel_loop3A_587 = tpu.vector_load %arg15[%parallel_loop3A_586] {strides = array<i32>} : memref<640xi32, #tpu.memory_space<vmem>>, vector<16xi32>,
        %parallel_loop3A_588 = tpu.vector_load_idx %arg11[%parallel_loop3A_587] : memref<10000xf32, #tpu.memory_space<vmem>>[vector<16xi32>], vector<16xf32>,
        %parallel_loop3A_589 = arith.constant 128 : i32
        %parallel_loop3A_590 = arith.addi %parallel_loop3A_576, %parallel_loop3A_589 : i32
        %parallel_loop3A_591 = arith.index_cast %parallel_loop3A_590 : i32 to index
        %parallel_loop3A_592 = tpu.vector_load %arg23[%parallel_loop3A_591] {strides = array<i32>} : memref<1280xf32, #tpu.memory_space<vmem>>, vector<16xf32>,
        tpu.vector_store %arg23[%parallel_loop3A_591], %parallel_loop3A_588 {strides = array<i32>} : memref<1280xf32, #tpu.memory_space<vmem>>, vector<16xf32>,
      } {sc.loop_unroll_factor = 8 : i64, sc.parallel_access}
      %dma_wait3A_520 = arith.constant 0 : i32
      %dma_wait3A_521 = arith.constant 0 : i32
      %dma_wait3A_522 = tpu.memref_slice %arg2[%dma_wait3A_520, %dma_wait3A_521] : memref<80000x16xf32, #tpu.memory_space<hbm>> -> memref<640x16xf32, #tpu.memory_space<hbm>>
      %dma_wait3A_523 = arith.constant 0 : i32
      %dma_wait3A_524 = arith.constant 0 : i32
      %dma_wait3A_525 = tpu.memref_slice %arg2[%dma_wait3A_523, %dma_wait3A_524] : memref<80000x16xf32, #tpu.memory_space<hbm>> -> memref<640x16xf32, #tpu.memory_space<hbm>>
      tpu.wait_dma2 semaphore(%arg27 : memref<!tpu.dma_semaphore, #tpu.memory_space<semaphore_mem>>) src(%dma_wait3A_525 : memref<640x16xf32, #tpu.memory_space<hbm>>) dst(%arg19 : memref<640x16xf32, #tpu.memory_space<vmem>>)
      %parallel_loop3A_526 = arith.constant 0 : i32
      %parallel_loop3A_527 = arith.constant 40 : i32
      %parallel_loop3A_528 = arith.constant 1 : i32
      scf.for %parallel_loop3A_567 = %parallel_loop3A_526 to %parallel_loop3A_527 step %parallel_loop3A_528  : i32 {
        %parallel_loop3A_568 = arith.constant 16 : i32
        %parallel_loop3A_569 = arith.muli %parallel_loop3A_567, %parallel_loop3A_568 : i32
        %parallel_loop3A_570 = vector.broadcast %parallel_loop3A_569 : i32 to vector<16xi32>
        %parallel_loop3A_571 = arith.addi %iota3A, %parallel_loop3A_570 : vector<16xi32>
        %parallel_loop3A_572 = arith.constant 3 : i32
        %parallel_loop3A_573 = arith.shrui %parallel_loop3A_567, %parallel_loop3A_572 : i32
        %parallel_loop3A_574 = arith.constant 1024 : i32
        %parallel_loop3A_575 = arith.muli %parallel_loop3A_573, %parallel_loop3A_574 : i32
        %parallel_loop3A_576 = arith.constant 7 : i32
        %parallel_loop3A_577 = arith.andi %parallel_loop3A_567, %parallel_loop3A_576 : i32
        %parallel_loop3A_578 = arith.constant 16 : i32
        %parallel_loop3A_579 = arith.muli %parallel_loop3A_577, %parallel_loop3A_578 : i32
        %parallel_loop3A_580 = arith.addi %parallel_loop3A_575, %parallel_loop3A_579 : i32
        %parallel_loop3A_581 = tpu.vector_load_idx %arg19[%parallel_loop3A_571, %and3A_21] : memref<640x16xf32, #tpu.memory_space<vmem>>[vector<16xi32>, vector<16xi32>], vector<16xf32>,
        %parallel_loop3A_582 = vector.broadcast %parallel_loop3A_580 : i32 to vector<16xi32>
        %parallel_loop3A_583 = arith.addi %add3A_35, %parallel_loop3A_582 : vector<16xi32>
        tpu.vector_store_idx %arg21[%parallel_loop3A_583], %parallel_loop3A_581 : memref<10240xf32, #tpu.memory_space<vmem>>[vector<16xi32>], vector<16xf32>,
        %parallel_loop3A_584 = tpu.vector_load_idx %arg19[%parallel_loop3A_571, %and3A_41] : memref<640x16xf32, #tpu.memory_space<vmem>>[vector<16xi32>, vector<16xi32>], vector<16xf32>,
        %parallel_loop3A_585 = vector.broadcast %parallel_loop3A_580 : i32 to vector<16xi32>
        %parallel_loop3A_586 = arith.addi %add3A_55, %parallel_loop3A_585 : vector<16xi32>
        tpu.vector_store_idx %arg21[%parallel_loop3A_586], %parallel_loop3A_584 : memref<10240xf32, #tpu.memory_space<vmem>>[vector<16xi32>], vector<16xf32>,
        %parallel_loop3A_587 = tpu.vector_load_idx %arg19[%parallel_loop3A_571, %and3A_61] : memref<640x16xf32, #tpu.memory_space<vmem>>[vector<16xi32>, vector<16xi32>], vector<16xf32>,
        %parallel_loop3A_588 = vector.broadcast %parallel_loop3A_580 : i32 to vector<16xi32>
        %parallel_loop3A_589 = arith.addi %add3A_75, %parallel_loop3A_588 : vector<16xi32>
        tpu.vector_store_idx %arg21[%parallel_loop3A_589], %parallel_loop3A_587 : memref<10240xf32, #tpu.memory_space<vmem>>[vector<16xi32>], vector<16xf32>,
        %parallel_loop3A_590 = tpu.vector_load_idx %arg19[%parallel_loop3A_571, %and3A_81] : memref<640x16xf32, #tpu.memory_space<vmem>>[vector<16xi32>, vector<16xi32>], vector<16xf32>,
        %parallel_loop3A_591 = vector.broadcast %parallel_loop3A_580 : i32 to vector<16xi32>
        %parallel_loop3A_592 = arith.addi %add3A_95, %parallel_loop3A_591 : vector<16xi32>
        tpu.vector_store_idx %arg21[%parallel_loop3A_592], %parallel_loop3A_590 : memref<10240xf32, #tpu.memory_space<vmem>>[vector<16xi32>], vector<16xf32>,
        %parallel_loop3A_593 = tpu.vector_load_idx %arg19[%parallel_loop3A_571, %and3A_101] : memref<640x16xf32, #tpu.memory_space<vmem>>[vector<16xi32>, vector<16xi32>], vector<16xf32>,
        %parallel_loop3A_594 = vector.broadcast %parallel_loop3A_580 : i32 to vector<16xi32>
        %parallel_loop3A_595 = arith.addi %add3A_115, %parallel_loop3A_594 : vector<16xi32>
        tpu.vector_store_idx %arg21[%parallel_loop3A_595], %parallel_loop3A_593 : memref<10240xf32, #tpu.memory_space<vmem>>[vector<16xi32>], vector<16xf32>,
        %parallel_loop3A_596 = tpu.vector_load_idx %arg19[%parallel_loop3A_571, %and3A_121] : memref<640x16xf32, #tpu.memory_space<vmem>>[vector<16xi32>, vector<16xi32>], vector<16xf32>,
        %parallel_loop3A_597 = vector.broadcast %parallel_loop3A_580 : i32 to vector<16xi32>
        %parallel_loop3A_598 = arith.addi %add3A_135, %parallel_loop3A_597 : vector<16xi32>
        tpu.vector_store_idx %arg21[%parallel_loop3A_598], %parallel_loop3A_596 : memref<10240xf32, #tpu.memory_space<vmem>>[vector<16xi32>], vector<16xf32>,
        %parallel_loop3A_599 = tpu.vector_load_idx %arg19[%parallel_loop3A_571, %and3A_141] : memref<640x16xf32, #tpu.memory_space<vmem>>[vector<16xi32>, vector<16xi32>], vector<16xf32>,
        %parallel_loop3A_600 = vector.broadcast %parallel_loop3A_580 : i32 to vector<16xi32>
        %parallel_loop3A_601 = arith.addi %add3A_155, %parallel_loop3A_600 : vector<16xi32>
        tpu.vector_store_idx %arg21[%parallel_loop3A_601], %parallel_loop3A_599 : memref<10240xf32, #tpu.memory_space<vmem>>[vector<16xi32>], vector<16xf32>,
        %parallel_loop3A_602 = tpu.vector_load_idx %arg19[%parallel_loop3A_571, %and3A_161] : memref<640x16xf32, #tpu.memory_space<vmem>>[vector<16xi32>, vector<16xi32>], vector<16xf32>,
        %parallel_loop3A_603 = vector.broadcast %parallel_loop3A_580 : i32 to vector<16xi32>
        %parallel_loop3A_604 = arith.addi %add3A_175, %parallel_loop3A_603 : vector<16xi32>
        tpu.vector_store_idx %arg21[%parallel_loop3A_604], %parallel_loop3A_602 : memref<10240xf32, #tpu.memory_space<vmem>>[vector<16xi32>], vector<16xf32>,
        %parallel_loop3A_605 = tpu.vector_load_idx %arg19[%parallel_loop3A_571, %and3A_181] : memref<640x16xf32, #tpu.memory_space<vmem>>[vector<16xi32>, vector<16xi32>], vector<16xf32>,
        %parallel_loop3A_606 = vector.broadcast %parallel_loop3A_580 : i32 to vector<16xi32>
        %parallel_loop3A_607 = arith.addi %add3A_195, %parallel_loop3A_606 : vector<16xi32>
        tpu.vector_store_idx %arg21[%parallel_loop3A_607], %parallel_loop3A_605 : memref<10240xf32, #tpu.memory_space<vmem>>[vector<16xi32>], vector<16xf32>,
        %parallel_loop3A_608 = tpu.vector_load_idx %arg19[%parallel_loop3A_571, %and3A_201] : memref<640x16xf32, #tpu.memory_space<vmem>>[vector<16xi32>, vector<16xi32>], vector<16xf32>,
        %parallel_loop3A_609 = vector.broadcast %parallel_loop3A_580 : i32 to vector<16xi32>
        %parallel_loop3A_610 = arith.addi %add3A_215, %parallel_loop3A_609 : vector<16xi32>
        tpu.vector_store_idx %arg21[%parallel_loop3A_610], %parallel_loop3A_608 : memref<10240xf32, #tpu.memory_space<vmem>>[vector<16xi32>], vector<16xf32>,
        %parallel_loop3A_611 = tpu.vector_load_idx %arg19[%parallel_loop3A_571, %and3A_221] : memref<640x16xf32, #tpu.memory_space<vmem>>[vector<16xi32>, vector<16xi32>], vector<16xf32>,
        %parallel_loop3A_612 = vector.broadcast %parallel_loop3A_580 : i32 to vector<16xi32>
        %parallel_loop3A_613 = arith.addi %add3A_235, %parallel_loop3A_612 : vector<16xi32>
        tpu.vector_store_idx %arg21[%parallel_loop3A_613], %parallel_loop3A_611 : memref<10240xf32, #tpu.memory_space<vmem>>[vector<16xi32>], vector<16xf32>,
        %parallel_loop3A_614 = tpu.vector_load_idx %arg19[%parallel_loop3A_571, %and3A_241] : memref<640x16xf32, #tpu.memory_space<vmem>>[vector<16xi32>, vector<16xi32>], vector<16xf32>,
        %parallel_loop3A_615 = vector.broadcast %parallel_loop3A_580 : i32 to vector<16xi32>
        %parallel_loop3A_616 = arith.addi %add3A_255, %parallel_loop3A_615 : vector<16xi32>
        tpu.vector_store_idx %arg21[%parallel_loop3A_616], %parallel_loop3A_614 : memref<10240xf32, #tpu.memory_space<vmem>>[vector<16xi32>], vector<16xf32>,
        %parallel_loop3A_617 = tpu.vector_load_idx %arg19[%parallel_loop3A_571, %and3A_261] : memref<640x16xf32, #tpu.memory_space<vmem>>[vector<16xi32>, vector<16xi32>], vector<16xf32>,
        %parallel_loop3A_618 = vector.broadcast %parallel_loop3A_580 : i32 to vector<16xi32>
        %parallel_loop3A_619 = arith.addi %add3A_275, %parallel_loop3A_618 : vector<16xi32>
        tpu.vector_store_idx %arg21[%parallel_loop3A_619], %parallel_loop3A_617 : memref<10240xf32, #tpu.memory_space<vmem>>[vector<16xi32>], vector<16xf32>,
        %parallel_loop3A_620 = tpu.vector_load_idx %arg19[%parallel_loop3A_571, %and3A_281] : memref<640x16xf32, #tpu.memory_space<vmem>>[vector<16xi32>, vector<16xi32>], vector<16xf32>,
        %parallel_loop3A_621 = vector.broadcast %parallel_loop3A_580 : i32 to vector<16xi32>
        %parallel_loop3A_622 = arith.addi %add3A_295, %parallel_loop3A_621 : vector<16xi32>
        tpu.vector_store_idx %arg21[%parallel_loop3A_622], %parallel_loop3A_620 : memref<10240xf32, #tpu.memory_space<vmem>>[vector<16xi32>], vector<16xf32>,
        %parallel_loop3A_623 = tpu.vector_load_idx %arg19[%parallel_loop3A_571, %and3A_301] : memref<640x16xf32, #tpu.memory_space<vmem>>[vector<16xi32>, vector<16xi32>], vector<16xf32>,
        %parallel_loop3A_624 = vector.broadcast %parallel_loop3A_580 : i32 to vector<16xi32>
        %parallel_loop3A_625 = arith.addi %add3A_315, %parallel_loop3A_624 : vector<16xi32>
        tpu.vector_store_idx %arg21[%parallel_loop3A_625], %parallel_loop3A_623 : memref<10240xf32, #tpu.memory_space<vmem>>[vector<16xi32>], vector<16xf32>,
        %parallel_loop3A_626 = tpu.vector_load_idx %arg19[%parallel_loop3A_571, %and3A_321] : memref<640x16xf32, #tpu.memory_space<vmem>>[vector<16xi32>, vector<16xi32>], vector<16xf32>,
        %parallel_loop3A_627 = vector.broadcast %parallel_loop3A_580 : i32 to vector<16xi32>
        %parallel_loop3A_628 = arith.addi %add3A_335, %parallel_loop3A_627 : vector<16xi32>
        tpu.vector_store_idx %arg21[%parallel_loop3A_628], %parallel_loop3A_626 : memref<10240xf32, #tpu.memory_space<vmem>>[vector<16xi32>], vector<16xf32>,
      } {sc.loop_unroll_factor = 4 : i64, sc.parallel_access}
      %mul3A_529 = arith.constant 2 : i32
      %mul3A_530 = arith.muli %mul3A_529, %scan3A_422 : i32
      %add3A_531 = arith.constant 1 : i32
      %add3A_532 = arith.addi %mul3A_530, %add3A_531 : i32
      %mul3A_533 = arith.constant 640 : i32
      %mul3A_534 = arith.muli %add3A_532, %mul3A_533 : i32
      %add3A_535 = arith.addi %mul3A_4, %mul3A_534 : i32
      %multiple_of3A_536 = tpu.assume_multiple %add3A_535, 8 : i32
      %mul3A_537 = arith.constant 5120000 : i32
      %mul3A_538 = arith.muli %add3A, %mul3A_537 : i32
      %mul3A_539 = arith.constant 8 : i32
      %mul3A_540 = arith.muli %multiple_of3A_536, %mul3A_539 : i32
      %add3A_541 = arith.addi %mul3A_538, %mul3A_540 : i32
      %dma_start3A_542 = arith.constant 0 : i32
      %dma_start3A_543 = tpu.memref_slice %arg21[%dma_start3A_542] : memref<10240xf32, #tpu.memory_space<vmem>> -> memref<5120xf32, #tpu.memory_space<vmem>>
      %dma_start3A_544 = tpu.memref_slice %arg7[%add3A_541] : memref<40960000xf32, #tpu.memory_space<hbm>> -> memref<5120xf32, #tpu.memory_space<hbm>>
      %dma_start3A_545 = tpu.memref_slice %arg7[%add3A_541] : memref<40960000xf32, #tpu.memory_space<hbm>> -> memref<5120xf32, #tpu.memory_space<hbm>>
      %dma_start3A_546 = arith.constant 0 : i32
      %dma_start3A_547 = tpu.memref_slice %arg21[%dma_start3A_546] : memref<10240xf32, #tpu.memory_space<vmem>> -> memref<5120xf32, #tpu.memory_space<vmem>>
      tpu.enqueue_dma source(%dma_start3A_547 : memref<5120xf32, #tpu.memory_space<vmem>>) target(%dma_start3A_545 : memref<5120xf32, #tpu.memory_space<hbm>>) target_semaphore(%arg29 : memref<!tpu.dma_semaphore, #tpu.memory_space<semaphore_mem>>)
      %add3A_548 = arith.constant 2560000 : i32
      %add3A_549 = arith.addi %add3A_541, %add3A_548 : i32
      %dma_start3A_550 = arith.constant 5120 : i32
      %dma_start3A_551 = tpu.memref_slice %arg21[%dma_start3A_550] : memref<10240xf32, #tpu.memory_space<vmem>> -> memref<5120xf32, #tpu.memory_space<vmem>>
      %dma_start3A_552 = tpu.memref_slice %arg7[%add3A_549] : memref<40960000xf32, #tpu.memory_space<hbm>> -> memref<5120xf32, #tpu.memory_space<hbm>>
      %dma_start3A_553 = tpu.memref_slice %arg7[%add3A_549] : memref<40960000xf32, #tpu.memory_space<hbm>> -> memref<5120xf32, #tpu.memory_space<hbm>>
      %dma_start3A_554 = arith.constant 5120 : i32
      %dma_start3A_555 = tpu.memref_slice %arg21[%dma_start3A_554] : memref<10240xf32, #tpu.memory_space<vmem>> -> memref<5120xf32, #tpu.memory_space<vmem>>
      tpu.enqueue_dma source(%dma_start3A_555 : memref<5120xf32, #tpu.memory_space<vmem>>) target(%dma_start3A_553 : memref<5120xf32, #tpu.memory_space<hbm>>) target_semaphore(%arg29 : memref<!tpu.dma_semaphore, #tpu.memory_space<semaphore_mem>>)
      %mul3A_556 = arith.constant 640000 : i32
      %mul3A_557 = arith.muli %add3A, %mul3A_556 : i32
      %mul3A_558 = arith.constant 2 : i32
      %mul3A_559 = arith.muli %mul3A_558, %multiple_of3A_536 : i32
      %add3A_560 = arith.addi %mul3A_557, %mul3A_559 : i32
      %dma_start3A_561 = tpu.memref_slice %arg8[%add3A_560] : memref<5120000xf32, #tpu.memory_space<hbm>> -> memref<1280xf32, #tpu.memory_space<hbm>>
      %dma_start3A_562 = tpu.memref_slice %arg8[%add3A_560] : memref<5120000xf32, #tpu.memory_space<hbm>> -> memref<1280xf32, #tpu.memory_space<hbm>>
      tpu.enqueue_dma source(%arg23 : memref<1280xf32, #tpu.memory_space<vmem>>) target(%dma_start3A_562 : memref<1280xf32, #tpu.memory_space<hbm>>) target_semaphore(%arg29 : memref<!tpu.dma_semaphore, #tpu.memory_space<semaphore_mem>>)
      %lt3A = arith.constant 61 : i32
      %lt3A_563 = arith.cmpi slt, %scan3A_422, %lt3A : i32
      %convert_element_type3A_564 = arith.extui %lt3A_563 : i1 to i32
      %cond3A_565 = arith.constant 0 : i32
      %cond3A_566 = arith.cmpi ne, %convert_element_type3A_564, %cond3A_565 : i32
      scf.if %cond3A_566 {
        %mul3A_567 = arith.constant 2 : i32
        %mul3A_568 = arith.muli %mul3A_567, %scan3A_422 : i32
        %add3A_569 = arith.constant 3 : i32
        %add3A_570 = arith.addi %mul3A_568, %add3A_569 : i32
        %mul3A_571 = arith.constant 640 : i32
        %mul3A_572 = arith.muli %add3A_570, %mul3A_571 : i32
        %add3A_573 = arith.addi %mul3A_4, %mul3A_572 : i32
        %multiple_of3A_574 = tpu.assume_multiple %add3A_573, 8 : i32
        %dma_start3A_575 = tpu.memref_slice %arg5[%multiple_of3A_574] : memref<320000xi32, #tpu.memory_space<hbm>> -> memref<640xi32, #tpu.memory_space<hbm>>
        %dma_start3A_576 = tpu.memref_slice %arg5[%multiple_of3A_574] : memref<320000xi32, #tpu.memory_space<hbm>> -> memref<640xi32, #tpu.memory_space<hbm>>
        tpu.enqueue_dma source(%dma_start3A_576 : memref<640xi32, #tpu.memory_space<hbm>>) target(%arg13 : memref<640xi32, #tpu.memory_space<vmem>>) target_semaphore(%arg25 : memref<!tpu.dma_semaphore, #tpu.memory_space<semaphore_mem>>)
        %dma_start3A_577 = tpu.memref_slice %arg6[%multiple_of3A_574] : memref<320000xi32, #tpu.memory_space<hbm>> -> memref<640xi32, #tpu.memory_space<hbm>>
        %dma_start3A_578 = tpu.memref_slice %arg6[%multiple_of3A_574] : memref<320000xi32, #tpu.memory_space<hbm>> -> memref<640xi32, #tpu.memory_space<hbm>>
        tpu.enqueue_dma source(%dma_start3A_578 : memref<640xi32, #tpu.memory_space<hbm>>) target(%arg15 : memref<640xi32, #tpu.memory_space<vmem>>) target_semaphore(%arg25 : memref<!tpu.dma_semaphore, #tpu.memory_space<semaphore_mem>>)
      } else {
      }
    }
    %scan3A_364 = arith.constant 62 : i32
    %parallel_loop3A_365 = arith.constant 0 : i32
    %parallel_loop3A_366 = arith.constant 40 : i32
    %parallel_loop3A_367 = arith.constant 1 : i32
    scf.for %parallel_loop3A_422 = %parallel_loop3A_365 to %parallel_loop3A_366 step %parallel_loop3A_367  : i32 {
      %parallel_loop3A_423 = arith.constant 3 : i32
      %parallel_loop3A_424 = arith.shrui %parallel_loop3A_422, %parallel_loop3A_423 : i32
      %parallel_loop3A_425 = arith.constant 256 : i32
      %parallel_loop3A_426 = arith.muli %parallel_loop3A_424, %parallel_loop3A_425 : i32
      %parallel_loop3A_427 = arith.constant 7 : i32
      %parallel_loop3A_428 = arith.andi %parallel_loop3A_422, %parallel_loop3A_427 : i32
      %parallel_loop3A_429 = arith.constant 16 : i32
      %parallel_loop3A_430 = arith.muli %parallel_loop3A_428, %parallel_loop3A_429 : i32
      %parallel_loop3A_431 = arith.addi %parallel_loop3A_426, %parallel_loop3A_430 : i32
      %parallel_loop3A_432 = arith.constant 16 : i32
      %parallel_loop3A_433 = arith.muli %parallel_loop3A_422, %parallel_loop3A_432 : i32
      %parallel_loop3A_434 = arith.index_cast %parallel_loop3A_433 : i32 to index
      %parallel_loop3A_435 = tpu.vector_load %arg12[%parallel_loop3A_434] {strides = array<i32>} : memref<640xi32, #tpu.memory_space<vmem>>, vector<16xi32>,
      %parallel_loop3A_436 = tpu.vector_load_idx %arg10[%parallel_loop3A_435] : memref<10000xf32, #tpu.memory_space<vmem>>[vector<16xi32>], vector<16xf32>,
      %parallel_loop3A_437 = arith.index_cast %parallel_loop3A_431 : i32 to index
      %parallel_loop3A_438 = tpu.vector_load %arg22[%parallel_loop3A_437] {strides = array<i32>} : memref<1280xf32, #tpu.memory_space<vmem>>, vector<16xf32>,
      tpu.vector_store %arg22[%parallel_loop3A_437], %parallel_loop3A_436 {strides = array<i32>} : memref<1280xf32, #tpu.memory_space<vmem>>, vector<16xf32>,
      %parallel_loop3A_439 = arith.constant 16 : i32
      %parallel_loop3A_440 = arith.muli %parallel_loop3A_422, %parallel_loop3A_439 : i32
      %parallel_loop3A_441 = arith.index_cast %parallel_loop3A_440 : i32 to index
      %parallel_loop3A_442 = tpu.vector_load %arg14[%parallel_loop3A_441] {strides = array<i32>} : memref<640xi32, #tpu.memory_space<vmem>>, vector<16xi32>,
      %parallel_loop3A_443 = tpu.vector_load_idx %arg11[%parallel_loop3A_442] : memref<10000xf32, #tpu.memory_space<vmem>>[vector<16xi32>], vector<16xf32>,
      %parallel_loop3A_444 = arith.constant 128 : i32
      %parallel_loop3A_445 = arith.addi %parallel_loop3A_431, %parallel_loop3A_444 : i32
      %parallel_loop3A_446 = arith.index_cast %parallel_loop3A_445 : i32 to index
      %parallel_loop3A_447 = tpu.vector_load %arg22[%parallel_loop3A_446] {strides = array<i32>} : memref<1280xf32, #tpu.memory_space<vmem>>, vector<16xf32>,
      tpu.vector_store %arg22[%parallel_loop3A_446], %parallel_loop3A_443 {strides = array<i32>} : memref<1280xf32, #tpu.memory_space<vmem>>, vector<16xf32>,
    } {sc.loop_unroll_factor = 8 : i64, sc.parallel_access}
    %dma_wait3A_368 = arith.constant 0 : i32
    %dma_wait3A_369 = arith.constant 0 : i32
    %dma_wait3A_370 = tpu.memref_slice %arg2[%dma_wait3A_368, %dma_wait3A_369] : memref<80000x16xf32, #tpu.memory_space<hbm>> -> memref<640x16xf32, #tpu.memory_space<hbm>>
    %dma_wait3A_371 = arith.constant 0 : i32
    %dma_wait3A_372 = arith.constant 0 : i32
    %dma_wait3A_373 = tpu.memref_slice %arg2[%dma_wait3A_371, %dma_wait3A_372] : memref<80000x16xf32, #tpu.memory_space<hbm>> -> memref<640x16xf32, #tpu.memory_space<hbm>>
    tpu.wait_dma2 semaphore(%arg26 : memref<!tpu.dma_semaphore, #tpu.memory_space<semaphore_mem>>) src(%dma_wait3A_373 : memref<640x16xf32, #tpu.memory_space<hbm>>) dst(%arg18 : memref<640x16xf32, #tpu.memory_space<vmem>>)
    %parallel_loop3A_374 = arith.constant 0 : i32
    %parallel_loop3A_375 = arith.constant 40 : i32
    %parallel_loop3A_376 = arith.constant 1 : i32
    scf.for %parallel_loop3A_422 = %parallel_loop3A_374 to %parallel_loop3A_375 step %parallel_loop3A_376  : i32 {
      %parallel_loop3A_423 = arith.constant 16 : i32
      %parallel_loop3A_424 = arith.muli %parallel_loop3A_422, %parallel_loop3A_423 : i32
      %parallel_loop3A_425 = vector.broadcast %parallel_loop3A_424 : i32 to vector<16xi32>
      %parallel_loop3A_426 = arith.addi %iota3A, %parallel_loop3A_425 : vector<16xi32>
      %parallel_loop3A_427 = arith.constant 3 : i32
      %parallel_loop3A_428 = arith.shrui %parallel_loop3A_422, %parallel_loop3A_427 : i32
      %parallel_loop3A_429 = arith.constant 1024 : i32
      %parallel_loop3A_430 = arith.muli %parallel_loop3A_428, %parallel_loop3A_429 : i32
      %parallel_loop3A_431 = arith.constant 7 : i32
      %parallel_loop3A_432 = arith.andi %parallel_loop3A_422, %parallel_loop3A_431 : i32
      %parallel_loop3A_433 = arith.constant 16 : i32
      %parallel_loop3A_434 = arith.muli %parallel_loop3A_432, %parallel_loop3A_433 : i32
      %parallel_loop3A_435 = arith.addi %parallel_loop3A_430, %parallel_loop3A_434 : i32
      %parallel_loop3A_436 = tpu.vector_load_idx %arg18[%parallel_loop3A_426, %and3A_21] : memref<640x16xf32, #tpu.memory_space<vmem>>[vector<16xi32>, vector<16xi32>], vector<16xf32>,
      %parallel_loop3A_437 = vector.broadcast %parallel_loop3A_435 : i32 to vector<16xi32>
      %parallel_loop3A_438 = arith.addi %add3A_35, %parallel_loop3A_437 : vector<16xi32>
      tpu.vector_store_idx %arg20[%parallel_loop3A_438], %parallel_loop3A_436 : memref<10240xf32, #tpu.memory_space<vmem>>[vector<16xi32>], vector<16xf32>,
      %parallel_loop3A_439 = tpu.vector_load_idx %arg18[%parallel_loop3A_426, %and3A_41] : memref<640x16xf32, #tpu.memory_space<vmem>>[vector<16xi32>, vector<16xi32>], vector<16xf32>,
      %parallel_loop3A_440 = vector.broadcast %parallel_loop3A_435 : i32 to vector<16xi32>
      %parallel_loop3A_441 = arith.addi %add3A_55, %parallel_loop3A_440 : vector<16xi32>
      tpu.vector_store_idx %arg20[%parallel_loop3A_441], %parallel_loop3A_439 : memref<10240xf32, #tpu.memory_space<vmem>>[vector<16xi32>], vector<16xf32>,
      %parallel_loop3A_442 = tpu.vector_load_idx %arg18[%parallel_loop3A_426, %and3A_61] : memref<640x16xf32, #tpu.memory_space<vmem>>[vector<16xi32>, vector<16xi32>], vector<16xf32>,
      %parallel_loop3A_443 = vector.broadcast %parallel_loop3A_435 : i32 to vector<16xi32>
      %parallel_loop3A_444 = arith.addi %add3A_75, %parallel_loop3A_443 : vector<16xi32>
      tpu.vector_store_idx %arg20[%parallel_loop3A_444], %parallel_loop3A_442 : memref<10240xf32, #tpu.memory_space<vmem>>[vector<16xi32>], vector<16xf32>,
      %parallel_loop3A_445 = tpu.vector_load_idx %arg18[%parallel_loop3A_426, %and3A_81] : memref<640x16xf32, #tpu.memory_space<vmem>>[vector<16xi32>, vector<16xi32>], vector<16xf32>,
      %parallel_loop3A_446 = vector.broadcast %parallel_loop3A_435 : i32 to vector<16xi32>
      %parallel_loop3A_447 = arith.addi %add3A_95, %parallel_loop3A_446 : vector<16xi32>
      tpu.vector_store_idx %arg20[%parallel_loop3A_447], %parallel_loop3A_445 : memref<10240xf32, #tpu.memory_space<vmem>>[vector<16xi32>], vector<16xf32>,
      %parallel_loop3A_448 = tpu.vector_load_idx %arg18[%parallel_loop3A_426, %and3A_101] : memref<640x16xf32, #tpu.memory_space<vmem>>[vector<16xi32>, vector<16xi32>], vector<16xf32>,
      %parallel_loop3A_449 = vector.broadcast %parallel_loop3A_435 : i32 to vector<16xi32>
      %parallel_loop3A_450 = arith.addi %add3A_115, %parallel_loop3A_449 : vector<16xi32>
      tpu.vector_store_idx %arg20[%parallel_loop3A_450], %parallel_loop3A_448 : memref<10240xf32, #tpu.memory_space<vmem>>[vector<16xi32>], vector<16xf32>,
      %parallel_loop3A_451 = tpu.vector_load_idx %arg18[%parallel_loop3A_426, %and3A_121] : memref<640x16xf32, #tpu.memory_space<vmem>>[vector<16xi32>, vector<16xi32>], vector<16xf32>,
      %parallel_loop3A_452 = vector.broadcast %parallel_loop3A_435 : i32 to vector<16xi32>
      %parallel_loop3A_453 = arith.addi %add3A_135, %parallel_loop3A_452 : vector<16xi32>
      tpu.vector_store_idx %arg20[%parallel_loop3A_453], %parallel_loop3A_451 : memref<10240xf32, #tpu.memory_space<vmem>>[vector<16xi32>], vector<16xf32>,
      %parallel_loop3A_454 = tpu.vector_load_idx %arg18[%parallel_loop3A_426, %and3A_141] : memref<640x16xf32, #tpu.memory_space<vmem>>[vector<16xi32>, vector<16xi32>], vector<16xf32>,
      %parallel_loop3A_455 = vector.broadcast %parallel_loop3A_435 : i32 to vector<16xi32>
      %parallel_loop3A_456 = arith.addi %add3A_155, %parallel_loop3A_455 : vector<16xi32>
      tpu.vector_store_idx %arg20[%parallel_loop3A_456], %parallel_loop3A_454 : memref<10240xf32, #tpu.memory_space<vmem>>[vector<16xi32>], vector<16xf32>,
      %parallel_loop3A_457 = tpu.vector_load_idx %arg18[%parallel_loop3A_426, %and3A_161] : memref<640x16xf32, #tpu.memory_space<vmem>>[vector<16xi32>, vector<16xi32>], vector<16xf32>,
      %parallel_loop3A_458 = vector.broadcast %parallel_loop3A_435 : i32 to vector<16xi32>
      %parallel_loop3A_459 = arith.addi %add3A_175, %parallel_loop3A_458 : vector<16xi32>
      tpu.vector_store_idx %arg20[%parallel_loop3A_459], %parallel_loop3A_457 : memref<10240xf32, #tpu.memory_space<vmem>>[vector<16xi32>], vector<16xf32>,
      %parallel_loop3A_460 = tpu.vector_load_idx %arg18[%parallel_loop3A_426, %and3A_181] : memref<640x16xf32, #tpu.memory_space<vmem>>[vector<16xi32>, vector<16xi32>], vector<16xf32>,
      %parallel_loop3A_461 = vector.broadcast %parallel_loop3A_435 : i32 to vector<16xi32>
      %parallel_loop3A_462 = arith.addi %add3A_195, %parallel_loop3A_461 : vector<16xi32>
      tpu.vector_store_idx %arg20[%parallel_loop3A_462], %parallel_loop3A_460 : memref<10240xf32, #tpu.memory_space<vmem>>[vector<16xi32>], vector<16xf32>,
      %parallel_loop3A_463 = tpu.vector_load_idx %arg18[%parallel_loop3A_426, %and3A_201] : memref<640x16xf32, #tpu.memory_space<vmem>>[vector<16xi32>, vector<16xi32>], vector<16xf32>,
      %parallel_loop3A_464 = vector.broadcast %parallel_loop3A_435 : i32 to vector<16xi32>
      %parallel_loop3A_465 = arith.addi %add3A_215, %parallel_loop3A_464 : vector<16xi32>
      tpu.vector_store_idx %arg20[%parallel_loop3A_465], %parallel_loop3A_463 : memref<10240xf32, #tpu.memory_space<vmem>>[vector<16xi32>], vector<16xf32>,
      %parallel_loop3A_466 = tpu.vector_load_idx %arg18[%parallel_loop3A_426, %and3A_221] : memref<640x16xf32, #tpu.memory_space<vmem>>[vector<16xi32>, vector<16xi32>], vector<16xf32>,
      %parallel_loop3A_467 = vector.broadcast %parallel_loop3A_435 : i32 to vector<16xi32>
      %parallel_loop3A_468 = arith.addi %add3A_235, %parallel_loop3A_467 : vector<16xi32>
      tpu.vector_store_idx %arg20[%parallel_loop3A_468], %parallel_loop3A_466 : memref<10240xf32, #tpu.memory_space<vmem>>[vector<16xi32>], vector<16xf32>,
      %parallel_loop3A_469 = tpu.vector_load_idx %arg18[%parallel_loop3A_426, %and3A_241] : memref<640x16xf32, #tpu.memory_space<vmem>>[vector<16xi32>, vector<16xi32>], vector<16xf32>,
      %parallel_loop3A_470 = vector.broadcast %parallel_loop3A_435 : i32 to vector<16xi32>
      %parallel_loop3A_471 = arith.addi %add3A_255, %parallel_loop3A_470 : vector<16xi32>
      tpu.vector_store_idx %arg20[%parallel_loop3A_471], %parallel_loop3A_469 : memref<10240xf32, #tpu.memory_space<vmem>>[vector<16xi32>], vector<16xf32>,
      %parallel_loop3A_472 = tpu.vector_load_idx %arg18[%parallel_loop3A_426, %and3A_261] : memref<640x16xf32, #tpu.memory_space<vmem>>[vector<16xi32>, vector<16xi32>], vector<16xf32>,
      %parallel_loop3A_473 = vector.broadcast %parallel_loop3A_435 : i32 to vector<16xi32>
      %parallel_loop3A_474 = arith.addi %add3A_275, %parallel_loop3A_473 : vector<16xi32>
      tpu.vector_store_idx %arg20[%parallel_loop3A_474], %parallel_loop3A_472 : memref<10240xf32, #tpu.memory_space<vmem>>[vector<16xi32>], vector<16xf32>,
      %parallel_loop3A_475 = tpu.vector_load_idx %arg18[%parallel_loop3A_426, %and3A_281] : memref<640x16xf32, #tpu.memory_space<vmem>>[vector<16xi32>, vector<16xi32>], vector<16xf32>,
      %parallel_loop3A_476 = vector.broadcast %parallel_loop3A_435 : i32 to vector<16xi32>
      %parallel_loop3A_477 = arith.addi %add3A_295, %parallel_loop3A_476 : vector<16xi32>
      tpu.vector_store_idx %arg20[%parallel_loop3A_477], %parallel_loop3A_475 : memref<10240xf32, #tpu.memory_space<vmem>>[vector<16xi32>], vector<16xf32>,
      %parallel_loop3A_478 = tpu.vector_load_idx %arg18[%parallel_loop3A_426, %and3A_301] : memref<640x16xf32, #tpu.memory_space<vmem>>[vector<16xi32>, vector<16xi32>], vector<16xf32>,
      %parallel_loop3A_479 = vector.broadcast %parallel_loop3A_435 : i32 to vector<16xi32>
      %parallel_loop3A_480 = arith.addi %add3A_315, %parallel_loop3A_479 : vector<16xi32>
      tpu.vector_store_idx %arg20[%parallel_loop3A_480], %parallel_loop3A_478 : memref<10240xf32, #tpu.memory_space<vmem>>[vector<16xi32>], vector<16xf32>,
      %parallel_loop3A_481 = tpu.vector_load_idx %arg18[%parallel_loop3A_426, %and3A_321] : memref<640x16xf32, #tpu.memory_space<vmem>>[vector<16xi32>, vector<16xi32>], vector<16xf32>,
      %parallel_loop3A_482 = vector.broadcast %parallel_loop3A_435 : i32 to vector<16xi32>
      %parallel_loop3A_483 = arith.addi %add3A_335, %parallel_loop3A_482 : vector<16xi32>
      tpu.vector_store_idx %arg20[%parallel_loop3A_483], %parallel_loop3A_481 : memref<10240xf32, #tpu.memory_space<vmem>>[vector<16xi32>], vector<16xf32>,
    } {sc.loop_unroll_factor = 4 : i64, sc.parallel_access}
    %add3A_377 = arith.constant 79360 : i32
    %add3A_378 = arith.addi %mul3A_4, %add3A_377 : i32
    %multiple_of3A_379 = tpu.assume_multiple %add3A_378, 8 : i32
    %mul3A_380 = arith.constant 5120000 : i32
    %mul3A_381 = arith.muli %add3A, %mul3A_380 : i32
    %mul3A_382 = arith.constant 8 : i32
    %mul3A_383 = arith.muli %multiple_of3A_379, %mul3A_382 : i32
    %add3A_384 = arith.addi %mul3A_381, %mul3A_383 : i32
    %dma_start3A_385 = arith.constant 0 : i32
    %dma_start3A_386 = tpu.memref_slice %arg20[%dma_start3A_385] : memref<10240xf32, #tpu.memory_space<vmem>> -> memref<5120xf32, #tpu.memory_space<vmem>>
    %dma_start3A_387 = tpu.memref_slice %arg7[%add3A_384] : memref<40960000xf32, #tpu.memory_space<hbm>> -> memref<5120xf32, #tpu.memory_space<hbm>>
    %dma_start3A_388 = tpu.memref_slice %arg7[%add3A_384] : memref<40960000xf32, #tpu.memory_space<hbm>> -> memref<5120xf32, #tpu.memory_space<hbm>>
    %dma_start3A_389 = arith.constant 0 : i32
    %dma_start3A_390 = tpu.memref_slice %arg20[%dma_start3A_389] : memref<10240xf32, #tpu.memory_space<vmem>> -> memref<5120xf32, #tpu.memory_space<vmem>>
    tpu.enqueue_dma source(%dma_start3A_390 : memref<5120xf32, #tpu.memory_space<vmem>>) target(%dma_start3A_388 : memref<5120xf32, #tpu.memory_space<hbm>>) target_semaphore(%arg28 : memref<!tpu.dma_semaphore, #tpu.memory_space<semaphore_mem>>)
    %add3A_391 = arith.constant 2560000 : i32
    %add3A_392 = arith.addi %add3A_384, %add3A_391 : i32
    %dma_start3A_393 = arith.constant 5120 : i32
    %dma_start3A_394 = tpu.memref_slice %arg20[%dma_start3A_393] : memref<10240xf32, #tpu.memory_space<vmem>> -> memref<5120xf32, #tpu.memory_space<vmem>>
    %dma_start3A_395 = tpu.memref_slice %arg7[%add3A_392] : memref<40960000xf32, #tpu.memory_space<hbm>> -> memref<5120xf32, #tpu.memory_space<hbm>>
    %dma_start3A_396 = tpu.memref_slice %arg7[%add3A_392] : memref<40960000xf32, #tpu.memory_space<hbm>> -> memref<5120xf32, #tpu.memory_space<hbm>>
    %dma_start3A_397 = arith.constant 5120 : i32
    %dma_start3A_398 = tpu.memref_slice %arg20[%dma_start3A_397] : memref<10240xf32, #tpu.memory_space<vmem>> -> memref<5120xf32, #tpu.memory_space<vmem>>
    tpu.enqueue_dma source(%dma_start3A_398 : memref<5120xf32, #tpu.memory_space<vmem>>) target(%dma_start3A_396 : memref<5120xf32, #tpu.memory_space<hbm>>) target_semaphore(%arg28 : memref<!tpu.dma_semaphore, #tpu.memory_space<semaphore_mem>>)
    %mul3A_399 = arith.constant 640000 : i32
    %mul3A_400 = arith.muli %add3A, %mul3A_399 : i32
    %mul3A_401 = arith.constant 2 : i32
    %mul3A_402 = arith.muli %mul3A_401, %multiple_of3A_379 : i32
    %add3A_403 = arith.addi %mul3A_400, %mul3A_402 : i32
    %dma_start3A_404 = tpu.memref_slice %arg8[%add3A_403] : memref<5120000xf32, #tpu.memory_space<hbm>> -> memref<1280xf32, #tpu.memory_space<hbm>>
    %dma_start3A_405 = tpu.memref_slice %arg8[%add3A_403] : memref<5120000xf32, #tpu.memory_space<hbm>> -> memref<1280xf32, #tpu.memory_space<hbm>>
    tpu.enqueue_dma source(%arg22 : memref<1280xf32, #tpu.memory_space<vmem>>) target(%dma_start3A_405 : memref<1280xf32, #tpu.memory_space<hbm>>) target_semaphore(%arg28 : memref<!tpu.dma_semaphore, #tpu.memory_space<semaphore_mem>>)
    %dma_wait3A_406 = arith.constant 0 : i32
    %dma_wait3A_407 = tpu.memref_slice %arg7[%dma_wait3A_406] : memref<40960000xf32, #tpu.memory_space<hbm>> -> memref<10240xf32, #tpu.memory_space<hbm>>
    %dma_wait3A_408 = arith.constant 0 : i32
    %dma_wait3A_409 = tpu.memref_slice %arg7[%dma_wait3A_408] : memref<40960000xf32, #tpu.memory_space<hbm>> -> memref<10240xf32, #tpu.memory_space<hbm>>
    tpu.wait_dma2 semaphore(%arg28 : memref<!tpu.dma_semaphore, #tpu.memory_space<semaphore_mem>>) src(%arg20 : memref<10240xf32, #tpu.memory_space<vmem>>) dst(%dma_wait3A_409 : memref<10240xf32, #tpu.memory_space<hbm>>)
    %dma_wait3A_410 = arith.constant 0 : i32
    %dma_wait3A_411 = tpu.memref_slice %arg8[%dma_wait3A_410] : memref<5120000xf32, #tpu.memory_space<hbm>> -> memref<1280xf32, #tpu.memory_space<hbm>>
    %dma_wait3A_412 = arith.constant 0 : i32
    %dma_wait3A_413 = tpu.memref_slice %arg8[%dma_wait3A_412] : memref<5120000xf32, #tpu.memory_space<hbm>> -> memref<1280xf32, #tpu.memory_space<hbm>>
    tpu.wait_dma2 semaphore(%arg28 : memref<!tpu.dma_semaphore, #tpu.memory_space<semaphore_mem>>) src(%arg22 : memref<1280xf32, #tpu.memory_space<vmem>>) dst(%dma_wait3A_413 : memref<1280xf32, #tpu.memory_space<hbm>>)
    %dma_wait3A_414 = arith.constant 0 : i32
    %dma_wait3A_415 = tpu.memref_slice %arg7[%dma_wait3A_414] : memref<40960000xf32, #tpu.memory_space<hbm>> -> memref<10240xf32, #tpu.memory_space<hbm>>
    %dma_wait3A_416 = arith.constant 0 : i32
    %dma_wait3A_417 = tpu.memref_slice %arg7[%dma_wait3A_416] : memref<40960000xf32, #tpu.memory_space<hbm>> -> memref<10240xf32, #tpu.memory_space<hbm>>
    tpu.wait_dma2 semaphore(%arg29 : memref<!tpu.dma_semaphore, #tpu.memory_space<semaphore_mem>>) src(%arg21 : memref<10240xf32, #tpu.memory_space<vmem>>) dst(%dma_wait3A_417 : memref<10240xf32, #tpu.memory_space<hbm>>)
    %dma_wait3A_418 = arith.constant 0 : i32
    %dma_wait3A_419 = tpu.memref_slice %arg8[%dma_wait3A_418] : memref<5120000xf32, #tpu.memory_space<hbm>> -> memref<1280xf32, #tpu.memory_space<hbm>>
    %dma_wait3A_420 = arith.constant 0 : i32
    %dma_wait3A_421 = tpu.memref_slice %arg8[%dma_wait3A_420] : memref<5120000xf32, #tpu.memory_space<hbm>> -> memref<1280xf32, #tpu.memory_space<hbm>>
    tpu.wait_dma2 semaphore(%arg29 : memref<!tpu.dma_semaphore, #tpu.memory_space<semaphore_mem>>) src(%arg23 : memref<1280xf32, #tpu.memory_space<vmem>>) dst(%dma_wait3A_421 : memref<1280xf32, #tpu.memory_space<hbm>>)
    return
  }
}

module attributes {stable_mosaic.version = 14 : i64} {
  func.func @_tc_body(%arg0: memref<10000x128xf32, #tpu.memory_space<vmem>>, %arg1: memref<128x128xf32, #tpu.memory_space<vmem>>, %arg2: memref<8x128x8xf32, #tpu.memory_space<vmem>>, %arg3: memref<8x128x8xf32, #tpu.memory_space<vmem>>, %arg4: memref<10000x128xf32, #tpu.memory_space<vmem>>, %arg5: memref<8x1250x8xf32, #tpu.memory_space<vmem>>, %arg6: memref<8x1250x8xf32, #tpu.memory_space<vmem>>) attributes {dimension_semantics = [], scalar_prefetch = 0 : i64, scratch_operands = 0 : i64, tpu.core_type = #tpu.core_type<tc>} {
    %get3A = arith.constant 0 : index
    %get3A_0 = arith.constant 0 : index
    %get3A_1 = vector.load %arg0[%get3A, %get3A_0] : memref<10000x128xf32, #tpu.memory_space<vmem>>, vector<10000x128xf32>
    %get3A_2 = arith.constant 0 : index
    %get3A_3 = arith.constant 0 : index
    %get3A_4 = vector.load %arg1[%get3A_2, %get3A_3] : memref<128x128xf32, #tpu.memory_space<vmem>>, vector<128x128xf32>
    %dot_general3A = arith.constant dense<0.000000e+00> : vector<10000x128xf32>
    %dot_general3A_5 = tpu.matmul %get3A_1, %get3A_4, %dot_general3A {dimension_numbers = #tpu.dot_dimension_numbers<[1], [1], [0], [0], [0, 0, 1, 0], [], []>, transpose_lhs_hint = false} : vector<10000x128xf32>, vector<128x128xf32>, vector<10000x128xf32> -> vector<10000x128xf32>
    %swap3A = arith.constant 0 : index
    %swap3A_6 = arith.constant 0 : index
    %swap3A_7 = vector.load %arg4[%swap3A, %swap3A_6] : memref<10000x128xf32, #tpu.memory_space<vmem>>, vector<10000x128xf32>
    tpu.vector_store %arg4[%swap3A, %swap3A_6], %dot_general3A_5 {strides = array<i32>} : memref<10000x128xf32, #tpu.memory_space<vmem>>, vector<10000x128xf32>,
    %slice3A = vector.extract_strided_slice %dot_general3A_5 {offsets = [0, 0], sizes = [1250, 128], strides = [1, 1]} : vector<10000x128xf32> to vector<1250x128xf32>
    %get3A_8 = arith.constant 0 : index
    %get3A_9 = arith.constant 0 : index
    %get3A_10 = arith.constant 0 : index
    %get3A_11 = vector.load %arg2[%get3A_8, %get3A_9, %get3A_10] : memref<8x128x8xf32, #tpu.memory_space<vmem>>, vector<1x128x8xf32>
    %get3A_12 = vector.shape_cast %get3A_11 : vector<1x128x8xf32> to vector<128x8xf32>
    %dot_general3A_13 = arith.constant dense<0.000000e+00> : vector<1250x8xf32>
    %dot_general3A_14 = tpu.matmul %slice3A, %get3A_12, %dot_general3A_13 {dimension_numbers = #tpu.dot_dimension_numbers<[1], [0], [0], [1], [0, 0, 1, 1], [], []>, transpose_lhs_hint = false} : vector<1250x128xf32>, vector<128x8xf32>, vector<1250x8xf32> -> vector<1250x8xf32>
    %swap3A_15 = arith.constant 0 : index
    %swap3A_16 = arith.constant 0 : index
    %swap3A_17 = arith.constant 0 : index
    %swap3A_18 = vector.load %arg5[%swap3A_15, %swap3A_16, %swap3A_17] : memref<8x1250x8xf32, #tpu.memory_space<vmem>>, vector<1x1250x8xf32>
    %swap3A_19 = vector.shape_cast %swap3A_18 : vector<1x1250x8xf32> to vector<1250x8xf32>
    %swap3A_20 = vector.shape_cast %dot_general3A_14 : vector<1250x8xf32> to vector<1x1250x8xf32>
    tpu.vector_store %arg5[%swap3A_15, %swap3A_16, %swap3A_17], %swap3A_20 {strides = array<i32>} : memref<8x1250x8xf32, #tpu.memory_space<vmem>>, vector<1x1250x8xf32>,
    %get3A_21 = arith.constant 0 : index
    %get3A_22 = arith.constant 0 : index
    %get3A_23 = arith.constant 0 : index
    %get3A_24 = vector.load %arg3[%get3A_21, %get3A_22, %get3A_23] : memref<8x128x8xf32, #tpu.memory_space<vmem>>, vector<1x128x8xf32>
    %get3A_25 = vector.shape_cast %get3A_24 : vector<1x128x8xf32> to vector<128x8xf32>
    %dot_general3A_26 = arith.constant dense<0.000000e+00> : vector<1250x8xf32>
    %dot_general3A_27 = tpu.matmul %slice3A, %get3A_25, %dot_general3A_26 {dimension_numbers = #tpu.dot_dimension_numbers<[1], [0], [0], [1], [0, 0, 1, 1], [], []>, transpose_lhs_hint = false} : vector<1250x128xf32>, vector<128x8xf32>, vector<1250x8xf32> -> vector<1250x8xf32>
    %swap3A_28 = arith.constant 0 : index
    %swap3A_29 = arith.constant 0 : index
    %swap3A_30 = arith.constant 0 : index
    %swap3A_31 = vector.load %arg6[%swap3A_28, %swap3A_29, %swap3A_30] : memref<8x1250x8xf32, #tpu.memory_space<vmem>>, vector<1x1250x8xf32>
    %swap3A_32 = vector.shape_cast %swap3A_31 : vector<1x1250x8xf32> to vector<1250x8xf32>
    %swap3A_33 = vector.shape_cast %dot_general3A_27 : vector<1250x8xf32> to vector<1x1250x8xf32>
    tpu.vector_store %arg6[%swap3A_28, %swap3A_29, %swap3A_30], %swap3A_33 {strides = array<i32>} : memref<8x1250x8xf32, #tpu.memory_space<vmem>>, vector<1x1250x8xf32>,
    %slice3A_34 = vector.extract_strided_slice %dot_general3A_5 {offsets = [1250, 0], sizes = [1250, 128], strides = [1, 1]} : vector<10000x128xf32> to vector<1250x128xf32>
    %get3A_35 = arith.constant 1 : index
    %get3A_36 = arith.constant 0 : index
    %get3A_37 = arith.constant 0 : index
    %get3A_38 = vector.load %arg2[%get3A_35, %get3A_36, %get3A_37] : memref<8x128x8xf32, #tpu.memory_space<vmem>>, vector<1x128x8xf32>
    %get3A_39 = vector.shape_cast %get3A_38 : vector<1x128x8xf32> to vector<128x8xf32>
    %dot_general3A_40 = arith.constant dense<0.000000e+00> : vector<1250x8xf32>
    %dot_general3A_41 = tpu.matmul %slice3A_34, %get3A_39, %dot_general3A_40 {dimension_numbers = #tpu.dot_dimension_numbers<[1], [0], [0], [1], [0, 0, 1, 1], [], []>, transpose_lhs_hint = false} : vector<1250x128xf32>, vector<128x8xf32>, vector<1250x8xf32> -> vector<1250x8xf32>
    %swap3A_42 = arith.constant 1 : index
    %swap3A_43 = arith.constant 0 : index
    %swap3A_44 = arith.constant 0 : index
    %swap3A_45 = vector.load %arg5[%swap3A_42, %swap3A_43, %swap3A_44] : memref<8x1250x8xf32, #tpu.memory_space<vmem>>, vector<1x1250x8xf32>
    %swap3A_46 = vector.shape_cast %swap3A_45 : vector<1x1250x8xf32> to vector<1250x8xf32>
    %swap3A_47 = vector.shape_cast %dot_general3A_41 : vector<1250x8xf32> to vector<1x1250x8xf32>
    tpu.vector_store %arg5[%swap3A_42, %swap3A_43, %swap3A_44], %swap3A_47 {strides = array<i32>} : memref<8x1250x8xf32, #tpu.memory_space<vmem>>, vector<1x1250x8xf32>,
    %get3A_48 = arith.constant 1 : index
    %get3A_49 = arith.constant 0 : index
    %get3A_50 = arith.constant 0 : index
    %get3A_51 = vector.load %arg3[%get3A_48, %get3A_49, %get3A_50] : memref<8x128x8xf32, #tpu.memory_space<vmem>>, vector<1x128x8xf32>
    %get3A_52 = vector.shape_cast %get3A_51 : vector<1x128x8xf32> to vector<128x8xf32>
    %dot_general3A_53 = arith.constant dense<0.000000e+00> : vector<1250x8xf32>
    %dot_general3A_54 = tpu.matmul %slice3A_34, %get3A_52, %dot_general3A_53 {dimension_numbers = #tpu.dot_dimension_numbers<[1], [0], [0], [1], [0, 0, 1, 1], [], []>, transpose_lhs_hint = false} : vector<1250x128xf32>, vector<128x8xf32>, vector<1250x8xf32> -> vector<1250x8xf32>
    %swap3A_55 = arith.constant 1 : index
    %swap3A_56 = arith.constant 0 : index
    %swap3A_57 = arith.constant 0 : index
    %swap3A_58 = vector.load %arg6[%swap3A_55, %swap3A_56, %swap3A_57] : memref<8x1250x8xf32, #tpu.memory_space<vmem>>, vector<1x1250x8xf32>
    %swap3A_59 = vector.shape_cast %swap3A_58 : vector<1x1250x8xf32> to vector<1250x8xf32>
    %swap3A_60 = vector.shape_cast %dot_general3A_54 : vector<1250x8xf32> to vector<1x1250x8xf32>
    tpu.vector_store %arg6[%swap3A_55, %swap3A_56, %swap3A_57], %swap3A_60 {strides = array<i32>} : memref<8x1250x8xf32, #tpu.memory_space<vmem>>, vector<1x1250x8xf32>,
    %slice3A_61 = vector.extract_strided_slice %dot_general3A_5 {offsets = [2500, 0], sizes = [1250, 128], strides = [1, 1]} : vector<10000x128xf32> to vector<1250x128xf32>
    %get3A_62 = arith.constant 2 : index
    %get3A_63 = arith.constant 0 : index
    %get3A_64 = arith.constant 0 : index
    %get3A_65 = vector.load %arg2[%get3A_62, %get3A_63, %get3A_64] : memref<8x128x8xf32, #tpu.memory_space<vmem>>, vector<1x128x8xf32>
    %get3A_66 = vector.shape_cast %get3A_65 : vector<1x128x8xf32> to vector<128x8xf32>
    %dot_general3A_67 = arith.constant dense<0.000000e+00> : vector<1250x8xf32>
    %dot_general3A_68 = tpu.matmul %slice3A_61, %get3A_66, %dot_general3A_67 {dimension_numbers = #tpu.dot_dimension_numbers<[1], [0], [0], [1], [0, 0, 1, 1], [], []>, transpose_lhs_hint = false} : vector<1250x128xf32>, vector<128x8xf32>, vector<1250x8xf32> -> vector<1250x8xf32>
    %swap3A_69 = arith.constant 2 : index
    %swap3A_70 = arith.constant 0 : index
    %swap3A_71 = arith.constant 0 : index
    %swap3A_72 = vector.load %arg5[%swap3A_69, %swap3A_70, %swap3A_71] : memref<8x1250x8xf32, #tpu.memory_space<vmem>>, vector<1x1250x8xf32>
    %swap3A_73 = vector.shape_cast %swap3A_72 : vector<1x1250x8xf32> to vector<1250x8xf32>
    %swap3A_74 = vector.shape_cast %dot_general3A_68 : vector<1250x8xf32> to vector<1x1250x8xf32>
    tpu.vector_store %arg5[%swap3A_69, %swap3A_70, %swap3A_71], %swap3A_74 {strides = array<i32>} : memref<8x1250x8xf32, #tpu.memory_space<vmem>>, vector<1x1250x8xf32>,
    %get3A_75 = arith.constant 2 : index
    %get3A_76 = arith.constant 0 : index
    %get3A_77 = arith.constant 0 : index
    %get3A_78 = vector.load %arg3[%get3A_75, %get3A_76, %get3A_77] : memref<8x128x8xf32, #tpu.memory_space<vmem>>, vector<1x128x8xf32>
    %get3A_79 = vector.shape_cast %get3A_78 : vector<1x128x8xf32> to vector<128x8xf32>
    %dot_general3A_80 = arith.constant dense<0.000000e+00> : vector<1250x8xf32>
    %dot_general3A_81 = tpu.matmul %slice3A_61, %get3A_79, %dot_general3A_80 {dimension_numbers = #tpu.dot_dimension_numbers<[1], [0], [0], [1], [0, 0, 1, 1], [], []>, transpose_lhs_hint = false} : vector<1250x128xf32>, vector<128x8xf32>, vector<1250x8xf32> -> vector<1250x8xf32>
    %swap3A_82 = arith.constant 2 : index
    %swap3A_83 = arith.constant 0 : index
    %swap3A_84 = arith.constant 0 : index
    %swap3A_85 = vector.load %arg6[%swap3A_82, %swap3A_83, %swap3A_84] : memref<8x1250x8xf32, #tpu.memory_space<vmem>>, vector<1x1250x8xf32>
    %swap3A_86 = vector.shape_cast %swap3A_85 : vector<1x1250x8xf32> to vector<1250x8xf32>
    %swap3A_87 = vector.shape_cast %dot_general3A_81 : vector<1250x8xf32> to vector<1x1250x8xf32>
    tpu.vector_store %arg6[%swap3A_82, %swap3A_83, %swap3A_84], %swap3A_87 {strides = array<i32>} : memref<8x1250x8xf32, #tpu.memory_space<vmem>>, vector<1x1250x8xf32>,
    %slice3A_88 = vector.extract_strided_slice %dot_general3A_5 {offsets = [3750, 0], sizes = [1250, 128], strides = [1, 1]} : vector<10000x128xf32> to vector<1250x128xf32>
    %get3A_89 = arith.constant 3 : index
    %get3A_90 = arith.constant 0 : index
    %get3A_91 = arith.constant 0 : index
    %get3A_92 = vector.load %arg2[%get3A_89, %get3A_90, %get3A_91] : memref<8x128x8xf32, #tpu.memory_space<vmem>>, vector<1x128x8xf32>
    %get3A_93 = vector.shape_cast %get3A_92 : vector<1x128x8xf32> to vector<128x8xf32>
    %dot_general3A_94 = arith.constant dense<0.000000e+00> : vector<1250x8xf32>
    %dot_general3A_95 = tpu.matmul %slice3A_88, %get3A_93, %dot_general3A_94 {dimension_numbers = #tpu.dot_dimension_numbers<[1], [0], [0], [1], [0, 0, 1, 1], [], []>, transpose_lhs_hint = false} : vector<1250x128xf32>, vector<128x8xf32>, vector<1250x8xf32> -> vector<1250x8xf32>
    %swap3A_96 = arith.constant 3 : index
    %swap3A_97 = arith.constant 0 : index
    %swap3A_98 = arith.constant 0 : index
    %swap3A_99 = vector.load %arg5[%swap3A_96, %swap3A_97, %swap3A_98] : memref<8x1250x8xf32, #tpu.memory_space<vmem>>, vector<1x1250x8xf32>
    %swap3A_100 = vector.shape_cast %swap3A_99 : vector<1x1250x8xf32> to vector<1250x8xf32>
    %swap3A_101 = vector.shape_cast %dot_general3A_95 : vector<1250x8xf32> to vector<1x1250x8xf32>
    tpu.vector_store %arg5[%swap3A_96, %swap3A_97, %swap3A_98], %swap3A_101 {strides = array<i32>} : memref<8x1250x8xf32, #tpu.memory_space<vmem>>, vector<1x1250x8xf32>,
    %get3A_102 = arith.constant 3 : index
    %get3A_103 = arith.constant 0 : index
    %get3A_104 = arith.constant 0 : index
    %get3A_105 = vector.load %arg3[%get3A_102, %get3A_103, %get3A_104] : memref<8x128x8xf32, #tpu.memory_space<vmem>>, vector<1x128x8xf32>
    %get3A_106 = vector.shape_cast %get3A_105 : vector<1x128x8xf32> to vector<128x8xf32>
    %dot_general3A_107 = arith.constant dense<0.000000e+00> : vector<1250x8xf32>
    %dot_general3A_108 = tpu.matmul %slice3A_88, %get3A_106, %dot_general3A_107 {dimension_numbers = #tpu.dot_dimension_numbers<[1], [0], [0], [1], [0, 0, 1, 1], [], []>, transpose_lhs_hint = false} : vector<1250x128xf32>, vector<128x8xf32>, vector<1250x8xf32> -> vector<1250x8xf32>
    %swap3A_109 = arith.constant 3 : index
    %swap3A_110 = arith.constant 0 : index
    %swap3A_111 = arith.constant 0 : index
    %swap3A_112 = vector.load %arg6[%swap3A_109, %swap3A_110, %swap3A_111] : memref<8x1250x8xf32, #tpu.memory_space<vmem>>, vector<1x1250x8xf32>
    %swap3A_113 = vector.shape_cast %swap3A_112 : vector<1x1250x8xf32> to vector<1250x8xf32>
    %swap3A_114 = vector.shape_cast %dot_general3A_108 : vector<1250x8xf32> to vector<1x1250x8xf32>
    tpu.vector_store %arg6[%swap3A_109, %swap3A_110, %swap3A_111], %swap3A_114 {strides = array<i32>} : memref<8x1250x8xf32, #tpu.memory_space<vmem>>, vector<1x1250x8xf32>,
    %slice3A_115 = vector.extract_strided_slice %dot_general3A_5 {offsets = [5000, 0], sizes = [1250, 128], strides = [1, 1]} : vector<10000x128xf32> to vector<1250x128xf32>
    %get3A_116 = arith.constant 4 : index
    %get3A_117 = arith.constant 0 : index
    %get3A_118 = arith.constant 0 : index
    %get3A_119 = vector.load %arg2[%get3A_116, %get3A_117, %get3A_118] : memref<8x128x8xf32, #tpu.memory_space<vmem>>, vector<1x128x8xf32>
    %get3A_120 = vector.shape_cast %get3A_119 : vector<1x128x8xf32> to vector<128x8xf32>
    %dot_general3A_121 = arith.constant dense<0.000000e+00> : vector<1250x8xf32>
    %dot_general3A_122 = tpu.matmul %slice3A_115, %get3A_120, %dot_general3A_121 {dimension_numbers = #tpu.dot_dimension_numbers<[1], [0], [0], [1], [0, 0, 1, 1], [], []>, transpose_lhs_hint = false} : vector<1250x128xf32>, vector<128x8xf32>, vector<1250x8xf32> -> vector<1250x8xf32>
    %swap3A_123 = arith.constant 4 : index
    %swap3A_124 = arith.constant 0 : index
    %swap3A_125 = arith.constant 0 : index
    %swap3A_126 = vector.load %arg5[%swap3A_123, %swap3A_124, %swap3A_125] : memref<8x1250x8xf32, #tpu.memory_space<vmem>>, vector<1x1250x8xf32>
    %swap3A_127 = vector.shape_cast %swap3A_126 : vector<1x1250x8xf32> to vector<1250x8xf32>
    %swap3A_128 = vector.shape_cast %dot_general3A_122 : vector<1250x8xf32> to vector<1x1250x8xf32>
    tpu.vector_store %arg5[%swap3A_123, %swap3A_124, %swap3A_125], %swap3A_128 {strides = array<i32>} : memref<8x1250x8xf32, #tpu.memory_space<vmem>>, vector<1x1250x8xf32>,
    %get3A_129 = arith.constant 4 : index
    %get3A_130 = arith.constant 0 : index
    %get3A_131 = arith.constant 0 : index
    %get3A_132 = vector.load %arg3[%get3A_129, %get3A_130, %get3A_131] : memref<8x128x8xf32, #tpu.memory_space<vmem>>, vector<1x128x8xf32>
    %get3A_133 = vector.shape_cast %get3A_132 : vector<1x128x8xf32> to vector<128x8xf32>
    %dot_general3A_134 = arith.constant dense<0.000000e+00> : vector<1250x8xf32>
    %dot_general3A_135 = tpu.matmul %slice3A_115, %get3A_133, %dot_general3A_134 {dimension_numbers = #tpu.dot_dimension_numbers<[1], [0], [0], [1], [0, 0, 1, 1], [], []>, transpose_lhs_hint = false} : vector<1250x128xf32>, vector<128x8xf32>, vector<1250x8xf32> -> vector<1250x8xf32>
    %swap3A_136 = arith.constant 4 : index
    %swap3A_137 = arith.constant 0 : index
    %swap3A_138 = arith.constant 0 : index
    %swap3A_139 = vector.load %arg6[%swap3A_136, %swap3A_137, %swap3A_138] : memref<8x1250x8xf32, #tpu.memory_space<vmem>>, vector<1x1250x8xf32>
    %swap3A_140 = vector.shape_cast %swap3A_139 : vector<1x1250x8xf32> to vector<1250x8xf32>
    %swap3A_141 = vector.shape_cast %dot_general3A_135 : vector<1250x8xf32> to vector<1x1250x8xf32>
    tpu.vector_store %arg6[%swap3A_136, %swap3A_137, %swap3A_138], %swap3A_141 {strides = array<i32>} : memref<8x1250x8xf32, #tpu.memory_space<vmem>>, vector<1x1250x8xf32>,
    %slice3A_142 = vector.extract_strided_slice %dot_general3A_5 {offsets = [6250, 0], sizes = [1250, 128], strides = [1, 1]} : vector<10000x128xf32> to vector<1250x128xf32>
    %get3A_143 = arith.constant 5 : index
    %get3A_144 = arith.constant 0 : index
    %get3A_145 = arith.constant 0 : index
    %get3A_146 = vector.load %arg2[%get3A_143, %get3A_144, %get3A_145] : memref<8x128x8xf32, #tpu.memory_space<vmem>>, vector<1x128x8xf32>
    %get3A_147 = vector.shape_cast %get3A_146 : vector<1x128x8xf32> to vector<128x8xf32>
    %dot_general3A_148 = arith.constant dense<0.000000e+00> : vector<1250x8xf32>
    %dot_general3A_149 = tpu.matmul %slice3A_142, %get3A_147, %dot_general3A_148 {dimension_numbers = #tpu.dot_dimension_numbers<[1], [0], [0], [1], [0, 0, 1, 1], [], []>, transpose_lhs_hint = false} : vector<1250x128xf32>, vector<128x8xf32>, vector<1250x8xf32> -> vector<1250x8xf32>
    %swap3A_150 = arith.constant 5 : index
    %swap3A_151 = arith.constant 0 : index
    %swap3A_152 = arith.constant 0 : index
    %swap3A_153 = vector.load %arg5[%swap3A_150, %swap3A_151, %swap3A_152] : memref<8x1250x8xf32, #tpu.memory_space<vmem>>, vector<1x1250x8xf32>
    %swap3A_154 = vector.shape_cast %swap3A_153 : vector<1x1250x8xf32> to vector<1250x8xf32>
    %swap3A_155 = vector.shape_cast %dot_general3A_149 : vector<1250x8xf32> to vector<1x1250x8xf32>
    tpu.vector_store %arg5[%swap3A_150, %swap3A_151, %swap3A_152], %swap3A_155 {strides = array<i32>} : memref<8x1250x8xf32, #tpu.memory_space<vmem>>, vector<1x1250x8xf32>,
    %get3A_156 = arith.constant 5 : index
    %get3A_157 = arith.constant 0 : index
    %get3A_158 = arith.constant 0 : index
    %get3A_159 = vector.load %arg3[%get3A_156, %get3A_157, %get3A_158] : memref<8x128x8xf32, #tpu.memory_space<vmem>>, vector<1x128x8xf32>
    %get3A_160 = vector.shape_cast %get3A_159 : vector<1x128x8xf32> to vector<128x8xf32>
    %dot_general3A_161 = arith.constant dense<0.000000e+00> : vector<1250x8xf32>
    %dot_general3A_162 = tpu.matmul %slice3A_142, %get3A_160, %dot_general3A_161 {dimension_numbers = #tpu.dot_dimension_numbers<[1], [0], [0], [1], [0, 0, 1, 1], [], []>, transpose_lhs_hint = false} : vector<1250x128xf32>, vector<128x8xf32>, vector<1250x8xf32> -> vector<1250x8xf32>
    %swap3A_163 = arith.constant 5 : index
    %swap3A_164 = arith.constant 0 : index
    %swap3A_165 = arith.constant 0 : index
    %swap3A_166 = vector.load %arg6[%swap3A_163, %swap3A_164, %swap3A_165] : memref<8x1250x8xf32, #tpu.memory_space<vmem>>, vector<1x1250x8xf32>
    %swap3A_167 = vector.shape_cast %swap3A_166 : vector<1x1250x8xf32> to vector<1250x8xf32>
    %swap3A_168 = vector.shape_cast %dot_general3A_162 : vector<1250x8xf32> to vector<1x1250x8xf32>
    tpu.vector_store %arg6[%swap3A_163, %swap3A_164, %swap3A_165], %swap3A_168 {strides = array<i32>} : memref<8x1250x8xf32, #tpu.memory_space<vmem>>, vector<1x1250x8xf32>,
    %slice3A_169 = vector.extract_strided_slice %dot_general3A_5 {offsets = [7500, 0], sizes = [1250, 128], strides = [1, 1]} : vector<10000x128xf32> to vector<1250x128xf32>
    %get3A_170 = arith.constant 6 : index
    %get3A_171 = arith.constant 0 : index
    %get3A_172 = arith.constant 0 : index
    %get3A_173 = vector.load %arg2[%get3A_170, %get3A_171, %get3A_172] : memref<8x128x8xf32, #tpu.memory_space<vmem>>, vector<1x128x8xf32>
    %get3A_174 = vector.shape_cast %get3A_173 : vector<1x128x8xf32> to vector<128x8xf32>
    %dot_general3A_175 = arith.constant dense<0.000000e+00> : vector<1250x8xf32>
    %dot_general3A_176 = tpu.matmul %slice3A_169, %get3A_174, %dot_general3A_175 {dimension_numbers = #tpu.dot_dimension_numbers<[1], [0], [0], [1], [0, 0, 1, 1], [], []>, transpose_lhs_hint = false} : vector<1250x128xf32>, vector<128x8xf32>, vector<1250x8xf32> -> vector<1250x8xf32>
    %swap3A_177 = arith.constant 6 : index
    %swap3A_178 = arith.constant 0 : index
    %swap3A_179 = arith.constant 0 : index
    %swap3A_180 = vector.load %arg5[%swap3A_177, %swap3A_178, %swap3A_179] : memref<8x1250x8xf32, #tpu.memory_space<vmem>>, vector<1x1250x8xf32>
    %swap3A_181 = vector.shape_cast %swap3A_180 : vector<1x1250x8xf32> to vector<1250x8xf32>
    %swap3A_182 = vector.shape_cast %dot_general3A_176 : vector<1250x8xf32> to vector<1x1250x8xf32>
    tpu.vector_store %arg5[%swap3A_177, %swap3A_178, %swap3A_179], %swap3A_182 {strides = array<i32>} : memref<8x1250x8xf32, #tpu.memory_space<vmem>>, vector<1x1250x8xf32>,
    %get3A_183 = arith.constant 6 : index
    %get3A_184 = arith.constant 0 : index
    %get3A_185 = arith.constant 0 : index
    %get3A_186 = vector.load %arg3[%get3A_183, %get3A_184, %get3A_185] : memref<8x128x8xf32, #tpu.memory_space<vmem>>, vector<1x128x8xf32>
    %get3A_187 = vector.shape_cast %get3A_186 : vector<1x128x8xf32> to vector<128x8xf32>
    %dot_general3A_188 = arith.constant dense<0.000000e+00> : vector<1250x8xf32>
    %dot_general3A_189 = tpu.matmul %slice3A_169, %get3A_187, %dot_general3A_188 {dimension_numbers = #tpu.dot_dimension_numbers<[1], [0], [0], [1], [0, 0, 1, 1], [], []>, transpose_lhs_hint = false} : vector<1250x128xf32>, vector<128x8xf32>, vector<1250x8xf32> -> vector<1250x8xf32>
    %swap3A_190 = arith.constant 6 : index
    %swap3A_191 = arith.constant 0 : index
    %swap3A_192 = arith.constant 0 : index
    %swap3A_193 = vector.load %arg6[%swap3A_190, %swap3A_191, %swap3A_192] : memref<8x1250x8xf32, #tpu.memory_space<vmem>>, vector<1x1250x8xf32>
    %swap3A_194 = vector.shape_cast %swap3A_193 : vector<1x1250x8xf32> to vector<1250x8xf32>
    %swap3A_195 = vector.shape_cast %dot_general3A_189 : vector<1250x8xf32> to vector<1x1250x8xf32>
    tpu.vector_store %arg6[%swap3A_190, %swap3A_191, %swap3A_192], %swap3A_195 {strides = array<i32>} : memref<8x1250x8xf32, #tpu.memory_space<vmem>>, vector<1x1250x8xf32>,
    %slice3A_196 = vector.extract_strided_slice %dot_general3A_5 {offsets = [8750, 0], sizes = [1250, 128], strides = [1, 1]} : vector<10000x128xf32> to vector<1250x128xf32>
    %get3A_197 = arith.constant 7 : index
    %get3A_198 = arith.constant 0 : index
    %get3A_199 = arith.constant 0 : index
    %get3A_200 = vector.load %arg2[%get3A_197, %get3A_198, %get3A_199] : memref<8x128x8xf32, #tpu.memory_space<vmem>>, vector<1x128x8xf32>
    %get3A_201 = vector.shape_cast %get3A_200 : vector<1x128x8xf32> to vector<128x8xf32>
    %dot_general3A_202 = arith.constant dense<0.000000e+00> : vector<1250x8xf32>
    %dot_general3A_203 = tpu.matmul %slice3A_196, %get3A_201, %dot_general3A_202 {dimension_numbers = #tpu.dot_dimension_numbers<[1], [0], [0], [1], [0, 0, 1, 1], [], []>, transpose_lhs_hint = false} : vector<1250x128xf32>, vector<128x8xf32>, vector<1250x8xf32> -> vector<1250x8xf32>
    %swap3A_204 = arith.constant 7 : index
    %swap3A_205 = arith.constant 0 : index
    %swap3A_206 = arith.constant 0 : index
    %swap3A_207 = vector.load %arg5[%swap3A_204, %swap3A_205, %swap3A_206] : memref<8x1250x8xf32, #tpu.memory_space<vmem>>, vector<1x1250x8xf32>
    %swap3A_208 = vector.shape_cast %swap3A_207 : vector<1x1250x8xf32> to vector<1250x8xf32>
    %swap3A_209 = vector.shape_cast %dot_general3A_203 : vector<1250x8xf32> to vector<1x1250x8xf32>
    tpu.vector_store %arg5[%swap3A_204, %swap3A_205, %swap3A_206], %swap3A_209 {strides = array<i32>} : memref<8x1250x8xf32, #tpu.memory_space<vmem>>, vector<1x1250x8xf32>,
    %get3A_210 = arith.constant 7 : index
    %get3A_211 = arith.constant 0 : index
    %get3A_212 = arith.constant 0 : index
    %get3A_213 = vector.load %arg3[%get3A_210, %get3A_211, %get3A_212] : memref<8x128x8xf32, #tpu.memory_space<vmem>>, vector<1x128x8xf32>
    %get3A_214 = vector.shape_cast %get3A_213 : vector<1x128x8xf32> to vector<128x8xf32>
    %dot_general3A_215 = arith.constant dense<0.000000e+00> : vector<1250x8xf32>
    %dot_general3A_216 = tpu.matmul %slice3A_196, %get3A_214, %dot_general3A_215 {dimension_numbers = #tpu.dot_dimension_numbers<[1], [0], [0], [1], [0, 0, 1, 1], [], []>, transpose_lhs_hint = false} : vector<1250x128xf32>, vector<128x8xf32>, vector<1250x8xf32> -> vector<1250x8xf32>
    %swap3A_217 = arith.constant 7 : index
    %swap3A_218 = arith.constant 0 : index
    %swap3A_219 = arith.constant 0 : index
    %swap3A_220 = vector.load %arg6[%swap3A_217, %swap3A_218, %swap3A_219] : memref<8x1250x8xf32, #tpu.memory_space<vmem>>, vector<1x1250x8xf32>
    %swap3A_221 = vector.shape_cast %swap3A_220 : vector<1x1250x8xf32> to vector<1250x8xf32>
    %swap3A_222 = vector.shape_cast %dot_general3A_216 : vector<1250x8xf32> to vector<1x1250x8xf32>
    tpu.vector_store %arg6[%swap3A_217, %swap3A_218, %swap3A_219], %swap3A_222 {strides = array<i32>} : memref<8x1250x8xf32, #tpu.memory_space<vmem>>, vector<1x1250x8xf32>,
    return
  }
}

</mosaic_0001>

<sc_bundles>
// kernel: kernel.4.cloned.1.call-start
scs
__scs_entry_jumppad:
0x0: {  	(pc) =	sbr.rel $0x88, $3  }
0x1: {  	(tag) =	ssettag $0x0;
	lr =	simm.s32 $0x1  }
0x2: {  	[smem:$0x3F9C] =	sst lr;
	_ =	strace $0xD0000000  }
0x3: {  	_ = 	snop  }
0x4: {  	_ = 	snop  }
0x5: {  	_ = 	snop  }
0x6: {  	_ = 	snop  }
0x7: {  	_ = 	snop  }
__scs_overlays_trampoline_lowered:
0x8: {  	[smem:$0x3FAB] =	sst s0  }
0x9: {  	[smem:$0x3FAC] =	sst s1  }
0xa: {  	[smem:$0x3FAD] =	sst s2  }
0xb: {  	[smem:$0x3FAE] =	sst s3  }
0xc: {  	[smem:$0x3FAF] =	sst s4  }
0xd: {  	[smem:$0x3FB0] =	sst s5  }
0xe: {  	[smem:$0x3FB1] =	sst s6  }
0xf: {  	[smem:$0x3FB2] =	sst s7  }
0x10: {  	[smem:$0x3FB3] =	sst s8  }
0x11: {  	[smem:$0x3FB4] =	sst s9;
	s0 =	simm.s32 @!p0 $0x0  }
0x12: {  	s1 =	sld [smem:$0x3F9A];
	s0 =	simm.s32 @p0 $0x1  }
0x13: {  	[smem:$0x3FB5] =	sst s0;
	s0 =	simm.s32 @!p1 $0x0  }
0x14: {  	s2 =	sld [smem:$0x3F99];
	s0 =	simm.s32 @p1 $0x1  }
0x15: {  	[smem:$0x3FB6] =	sst s0;
	s0 =	simm.s32 @!p2 $0x0  }
0x16: {  	s3 =	sld [smem:$0x3FDB];
	s0 =	simm.s32 @p2 $0x1  }
0x17: {  	s4 =	simm.s32 $0x1BF5;
	[smem:$0x3FB8] =	sst s0  }
0x18: {  	s0 =	sld [smem:$0x3F9B];
	_ =	swait.ge [sflag:s4], $0x0  }
0x19: {  	s7 =	sld [smem:$0x3F9C]  }
0x1a: {  	s8 =	sadd.s32 $0xFFFFE003, lr  }
0x1b: {  	s9 =	sadd.s32 $0xFFFFFEF7, lr;
	s5 =	simm.s32 $0xFFFFFFFF;
	p2 =	slt.u32 s8, $0xFFFFF086  }
0x1c: {  	p1 =	slt.u32 s9, $0xF7A;
	s5 =	simm.s32 @!p2 $0x0  }
0x1d: {  	s5 =	simm.s32 @p1 $0x1;
	p0 =	seq.s32 s7, s2  }
0x1e: {  	s7 =	smul.u32 @!p0 $0xF7A, s2;
	p2 =	seq.s32 @!p0 s5, $0x0  }
0x1f: {  	s9 =	smul.u32 $0xF7A, s1;
	s8 =	simm.s32 @!p0 $0x1BF5;
	p2 =	por !p2, p0  }
0x20: {  	[sflag:s8] =	ssyncset.s32 @!p0 $0xFFFFF086;
	s6 =	sadd.s32 @!p0 s3, s7;
	s7 =	simm.s32 @!p0 $0x108  }
0x21: {  	s3 =	sadd.s32 s3, s9;
	s6 =	sadd.s32 @!p0 $0x88, s6;
	s7 =	simm.s32 @p2 $0x1082  }
0x22: {  	[simem:s7], [sflag:s8] =	dma.local @!p0 [hbm:s6], $0xF7A  }
0x23: {  	s9 =	sor.u32 $0xD0000000, s2;
	s6 =	simm.s32 $0x108;
	_ =	swait.ge @!p0 [sflag:s8], $0x0  }
0x24: {  	s3 =	sadd.s32 $0x88, s3;
	s6 =	simm.s32 @!p1 $0x1082;
	[sflag:s4] =	ssyncset.s32 $0xFFFFF086  }
0x25: {  	[simem:s6], [sflag:s4] =	dma.local [hbm:s3], $0xF7A  }
0x26: {  	[smem:$0x3F9C] =	sst s1;
	(tag) =	ssettag s2;
	_ =	strace s9  }
0x27: {  	s1 =	sld [smem:$0x3FAC]  }
0x28: {  	s2 =	sld [smem:$0x3FAD]  }
0x29: {  	s4 =	sld [smem:$0x3FAF]  }
0x2a: {  	p0 =	seq.s32 s5, $0x0;
	s5 =	sld [smem:$0x3FB0]  }
0x2b: {  	s6 =	sld [smem:$0x3FB1]  }
0x2c: {  	s7 =	sld [smem:$0x3FB2]  }
0x2d: {  	s3 =	simm.s32 $0x108;
	s8 =	sld [smem:$0x3FB3]  }
0x2e: {  	s3 =	simm.s32 @!p0 $0x1082;
	s9 =	sld [smem:$0x3FB4]  }
0x2f: {  	lr =	sadd.s32 s0, s3;
	s0 =	sld [smem:$0x3FAB]  }
0x30: {  	s3 =	sld [smem:$0x3FAE]  }
0x31: {  	[smem:$0x3FB7] =	sst s10  }
0x32: {  	s10 =	sld [smem:$0x3FB5];
	_ =	sdelay $0x3  }
0x33: {  	p0 =	seq.s32 s10, $0x1;
	s10 =	sld [smem:$0x3FB7];
	_ =	sdelay $0x3  }
0x34: {  	[smem:$0x3FB7] =	sst s10  }
0x35: {  	s10 =	sld [smem:$0x3FB6];
	_ =	sdelay $0x3  }
0x36: {  	p1 =	seq.s32 s10, $0x1;
	s10 =	sld [smem:$0x3FB7];
	_ =	sdelay $0x3  }
0x37: {  	[smem:$0x3FB7] =	sst s10  }
0x38: {  	s10 =	sld [smem:$0x3FB8]  }
0x39: {  	_ = 	snop;
	(pc) =	sbr.ind lr, $3  }
0x3a: {  	_ = 	snop  }
0x3b: {  	_ = 	snop  }
0x3c: {  	p2 =	seq.s32 s10, $0x1;
	s10 =	sld [smem:$0x3FB7]  }
0x3d: {  	_ =	shalt  }
0x3e: {  	_ =	shalt  }
0x3f: {  	_ =	shalt  }
0x40: {  	_ =	shalt  }
0x41: {  	_ =	shalt  }
0x42: {  	_ =	shalt  }
0x43: {  	_ =	shalt  }
0x44: {  	_ =	shalt  }
0x45: {  	_ =	shalt  }
0x46: {  	_ =	shalt  }
0x47: {  	_ =	shalt  }
0x48: {  	_ =	shalt  }
0x49: {  	_ =	shalt  }
0x4a: {  	_ =	shalt  }
0x4b: {  	_ =	shalt  }
0x4c: {  	_ =	shalt  }
0x4d: {  	_ =	shalt  }
0x4e: {  	_ =	shalt  }
0x4f: {  	_ =	shalt  }
0x50: {  	_ =	shalt  }
0x51: {  	_ =	shalt  }
0x52: {  	_ =	shalt  }
0x53: {  	_ =	shalt  }
0x54: {  	_ =	shalt  }
0x55: {  	_ =	shalt  }
0x56: {  	_ =	shalt  }
0x57: {  	_ =	shalt  }
0x58: {  	_ =	shalt  }
0x59: {  	_ =	shalt  }
0x5a: {  	_ =	shalt  }
0x5b: {  	_ =	shalt  }
0x5c: {  	_ =	shalt  }
0x5d: {  	_ =	shalt  }
0x5e: {  	_ =	shalt  }
0x5f: {  	_ =	shalt  }
0x60: {  	_ =	shalt  }
0x61: {  	_ =	shalt  }
0x62: {  	_ =	shalt  }
0x63: {  	_ =	shalt  }
0x64: {  	_ =	shalt  }
0x65: {  	_ =	shalt  }
0x66: {  	_ =	shalt  }
0x67: {  	_ =	shalt  }
0x68: {  	_ =	shalt  }
0x69: {  	_ =	shalt  }
0x6a: {  	_ =	shalt  }
0x6b: {  	_ =	shalt  }
0x6c: {  	_ =	shalt  }
0x6d: {  	_ =	shalt  }
0x6e: {  	_ =	shalt  }
0x6f: {  	_ =	shalt  }
0x70: {  	_ =	shalt  }
0x71: {  	_ =	shalt  }
0x72: {  	_ =	shalt  }
0x73: {  	_ =	shalt  }
0x74: {  	_ =	shalt  }
0x75: {  	_ =	shalt  }
0x76: {  	_ =	shalt  }
0x77: {  	_ =	shalt  }
0x78: {  	_ =	shalt  }
0x79: {  	_ =	shalt  }
0x7a: {  	_ =	shalt  }
0x7b: {  	_ =	shalt  }
0x7c: {  	_ =	shalt  }
0x7d: {  	_ =	shalt  }
0x7e: {  	_ =	shalt  }
0x7f: {  	_ =	shalt  }
0x80: {  	_ =	shalt  }
0x81: {  	_ =	shalt  }
0x82: {  	_ =	shalt  }
0x83: {  	_ =	shalt  }
0x84: {  	_ =	shalt  }
0x85: {  	_ =	shalt  }
0x86: {  	_ =	shalt  }
0x87: {  	_ =	shalt  }
.Lfunc_end0:
.L_simem_size_0:
called_computation_lowered:
.L_overlay_start_0:
0x88: {  	s2 =	sld [smem:$0x3FD9]  }
0x89: {  	s3 =	sld [smem:$0x3FFE];
	_ =	sdelay $0x1  }
0x8a: {  	s1 =	srdreg.scid  }
0x8b: {  	s0 =	sand.u32 $0x1, s1  }
0x8c: {  	s14 =	sshll.u32 s0, $0xA;
	s2 =	sadd.s32 s3, s2  }
0x8d: {  	s2 =	sadd.s32 s2, s14  }
0x8e: {  	[smem:$0x3FC3] =	sst s2  }
0x8f: {  	_ = 	snop  }
0x90: {  	s2 =	sld [smem:$0x3FD0];
	_ =	sdelay $0x2  }
0x91: {  	s15 =	simm.s32 $0xA;
	s4 =	simm.s32 $0x10  }
0x92: {  	[smem:s4], [sflag:s15] =	dma.local [hbm:s2], $0x1  }
0x93: {  	_ =	swait.eq [sflag:s15], $0x1  }
0x94: {  	[sflag:s15] =	ssyncset.done $0x0  }
0x95: {  	s16 =	sld [smem:$0x10];
	[sflag:s15] =	ssyncadd.s32 $0xFFFFFFFF  }
0x96: {  	s17 =	sld [smem:$0x11];
	(tm) =	ssettm $0x1  }
0x97: {  	s18 =	sld [smem:$0x3FFB];
	_ =	sdelay $0x3  }
0x98: {  	_ =	strace s18  }
0x99: {  	s4 =	sld [smem:$0x3FFC];
	_ =	sdelay $0x3  }
0x9a: {  	_ =	strace s4  }
0x9b: {  	s4 =	sld [smem:$0x3FFD];
	_ =	sdelay $0x3  }
0x9c: {  	_ =	strace s4  }
0x9d: {  	_ =	strace $0x8FFFFFFF  }
0x9e: {  	s19 =	sld [smem:$0x3FDB];
	_ =	sdelay $0x1  }
0x9f: {  	s5 =	simm.s32 $_scs_section_size  }
0xa0: {  	s6 =	simm.s32 $_size__tile_overlayer_lowered;
	s7 =	simm.s32 $_tile_overlayer_lowered  }
0xa1: {  	s22 =	simm.s32 $0x1BFF;
	s21 =	sshll.u32 s7, $0x1;
	s4 =	sadd.s32 s5, s19  }
0xa2: {  	s8 =	simm.s32 $0x0;
	s20 =	sshll.u32 s6, $0x1;
	s6 =	sadd.s32 s21, s4  }
0xa3: {  	[timem:s8], [sflag:s22] =	dma.local [hbm:s6], s20  }
0xa4: {  	_ =	swait.ge [sflag:s22], s20  }
0xa5: {  	s5 =	ssub.s32 $0x0, s20;
	[sflag:s22] =	ssyncset.done $0x0  }
0xa6: {  	[sflag:s22] =	ssyncadd.s32 s5;
	_ =	sdelay $0x1  }
0xa7: {  	s23 =	simm.s32 $0x1B8B  }
0xa8: {  	_ =	swait.ge [sflag:s23], $0x1  }
0xa9: {  	[sflag:s23] =	ssyncset.done $0x0  }
0xaa: {  	s25 =	simm.s32 $0x1B8E;
	s24 =	sld [smem:$0x3FFE];
	[sflag:s23] =	ssyncadd.s32 $0xFFFFFFFF  }
0xab: {  	s26 =	simm.s32 $execute0_lowered;
	[smem:$0x3FD2] =	sst s25  }
0xac: {  	s6 =	sshll.u32 s26, $0x1;
	_ =	strace $0x80000046;
	[dreg:$0x1] =	wrdreg $0xFFFFFFFF  }
0xad: {  	s28 =	simm.s32 $_size_execute0_lowered;
	s4 =	sadd.s32 s4, s6;
	[dreg:$0x0] =	wrdreg $0x0  }
0xae: {  	s6 =	sshll.u32 s28, $0x1;
	[dreg:$0x2] =	wrdreg s4  }
0xaf: {  	[dreg:$0x3] =	wrdreg s6  }
0xb0: {  	[dreg:$0x4] =	wrdreg $0xC0  }
0xb1: {  	_ =	task [dreg:s8], $0x5FFFF  }
0xb2: {  	[dreg:$0x1] =	wrdreg $0xFFFFFFFF  }
0xb3: {  	[dreg:$0x0] =	wrdreg $0x60  }
0xb4: {  	[dreg:$0x2] =	wrdreg s24  }
0xb5: {  	[dreg:$0x3] =	wrdreg s16  }
0xb6: {  	[dreg:$0x4] =	wrdreg s17  }
0xb7: {  	[dreg:$0x5] =	wrdreg $0x0  }
0xb8: {  	[dreg:$0x6] =	wrdreg $0x9  }
0xb9: {  	_ =	task.clear_ibuf [dreg:s8], $0x7FFFF;
	_ =	strace $0x90000046  }
0xba: {  	s29 =	simm.s32 $0x9;
	_ =	strace $0x80000048  }
0xbb: {  	_ =	swait.ge [sflag:s29], $0x1  }
0xbc: {  	[sflag:s29] =	ssyncadd.s32 $0xFFFFFFFF  }
0xbd: {  	_ =	strace $0x90000048  }
0xbe: {  	_ =	sfence  }
0xbf: {  	s30 =	sld [smem:$0x0];
	_ =	sdelay $0x2  }
0xc0: {  	s31 =	sshll.u32 s1, $0xD;
	s1 =	sshrl.u32 s1, $0x2  }
0xc1: {  	s3 =	sand.u32 $0x4000, s31;
	s1 =	sadd.s32 s1, s30  }
0xc2: {  	s0 =	sor.u32 s3, s0;
	s1 =	sshll.u32 s1, $0x11  }
0xc3: {  	s0 =	sor.u32 s1, s0  }
0xc4: {  	s0 =	sadd.s32 $0x8F2B, s0  }
0xc5: {  	[sflag:s0] =	ssyncadd.remote.s32 $0x1  }
0xc6: {  	_ =	sfence.sel $0xFFFF  }
0xc7: {  	[dreg:$0x0] =	wrdreg $0xFFFFFFFF;
	(pc) =	sbr.abs _section_cstart, $3  }
0xc8: {  	[dreg:$0x1] =	wrdreg $0xFFFFFFFF  }
0xc9: {  	_ =	task.clear_ibuf [dreg:s8], $0x2FFFF;
	_ =	strace $0x9FFFFFFF  }
0xca: {  	(tm) =	ssettm $0x7FFFFFFF  }
0xcb: {  	_ =	shalt  }
tec
execute0_lowered:
.L_overlay_start_1:
0x0: {  	(tag) =	ssettag $0x1  }
0x1: {  	v0 =	vimm.s32 $0x178F;
	vm14 =	vcmask $0x300;
	vm13 =	vcmask $0x704  }
0x2: {  	vm12 =	vcmask $0xB08;
	vm11 =	vcmask $0xF0C;
	vm10 =	vcmask $0x1310  }
0x3: {  	vm9 =	vcmask $0x1714;
	vm8 =	vcmask $0x1B18;
	vm7 =	vcmask $0x1F1C  }
0x4: {  	v5 =	vlaneseq.u32;
	vm6 =	vcmask $0x2320;
	v0 =	vsel vm14, $0x0, v0  }
0x5: {  	vm5 =	vcmask $0x2724;
	vm4 =	vcmask $0x2B28;
	v0 =	vsel vm13, $0x81, v0  }
0x6: {  	vm3 =	vcmask $0x2F2C;
	vm2 =	vcmask $0x3330;
	v0 =	vsel vm12, $0x102, v0  }
0x7: {  	vm0 =	vcmask $0x3734;
	v3 =	vimm.s32 $0xFEDCBA9;
	v0 =	vsel vm11, $0x183, v0  }
0x8: {  	v4 =	vimm.s32 $0x87654321;
	v2 =	vmul.u32 $0x10, v5;
	v0 =	vsel vm10, $0x204, v0  }
0x9: {  	vm1 =	vcmask $0x3B38;
	v6 =	vimm.s32 $0x10F;
	v1 =	vsel vm9, $0x285, v0  }
0xa: {  	v12 =	vimm.s32 $0xCBA98765;
	[tilespmem:$0x1FE10] =	vst v2;
	v2 =	vimm.s32 $0xF;
	v1 =	vsel vm8, $0x306, v1  }
0xb: {  	v60 =	vimm.s32 $0x543210FE;
	v2 =	vsel vm14, $0x80, v2;
	v1 =	vsel vm7, $0x387, v1  }
0xc: {  	v61 =	vimm.s32 $0xDCBA9876;
	v2 =	vsel vm13, $0x101, v2;
	v1 =	vsel vm6, $0x1408, v1  }
0xd: {  	v3 =	vunpack.c.l.s4.s8 v3;
	v2 =	vsel vm12, $0x182, v2;
	v1 =	vsel vm5, $0x1489, v1  }
0xe: {  	v4 =	vunpack.c.l.s4.s8 v4;
	v2 =	vsel vm11, $0x203, v2;
	v1 =	vsel vm4, $0x150A, v1  }
0xf: {  	v19 =	vunpack.c.0.s8.s32 v3;
	v2 =	vsel vm10, $0x284, v2;
	v1 =	vsel vm3, $0x158B, v1  }
0x10: {  	v3 =	vimm.s32 $0x8F;
	v2 =	vsel vm9, $0x305, v2;
	v1 =	vsel vm2, $0x160C, v1  }
0x11: {  	v20 =	vunpack.c.0.s8.s32 v4;
	v2 =	vsel vm8, $0x386, v2;
	v1 =	vsel vm0, $0x168D, v1  }
0x12: {  	v3 =	vsel vm14, $0x100, v3;
	v2 =	vsel vm7, $0x1407, v2;
	v1 =	vsel vm1, $0x170E, v1  }
0x13: {  	v62 =	vimm.s32 $0xEDCBA987;
	[tilespmem:$0x1FE20] =	vst v1;
	v1 =	vsel vm6, $0x1488, v2;
	v2 =	vsel vm13, $0x181, v3  }
0x14: {  	v17 =	vimm.s32 $0x76543210;
	v3 =	vcombine.low v20, v19;
	v2 =	vsel vm12, $0x202, v2  }
0x15: {  	v4 =	vand.u32 $0x7, v5;
	v5 =	vimm.s32 $0x98765432;
	v2 =	vsel vm11, $0x283, v2  }
0x16: {  	v5 =	vunpack.c.l.s4.s8 v5;
	v3 =	vand.u32 $0xF, v3;
	v2 =	vsel vm10, $0x304, v2  }
0x17: {  	v1 =	vsel vm5, $0x1509, v1;
	[tilespmem:$0x1FE30] =	vst v3;
	v3 =	vimm.s32 $0x10FEDCBA;
	v2 =	vsel vm9, $0x385, v2  }
0x18: {  	v1 =	vsel vm4, $0x158A, v1;
	v3 =	vunpack.c.l.s4.s8 v3;
	v2 =	vsel vm8, $0x1406, v2  }
0x19: {  	v22 =	vunpack.c.0.s8.s32 v5;
	v1 =	vsel vm3, $0x160B, v1;
	v2 =	vsel vm7, $0x1487, v2  }
0x1a: {  	v21 =	vunpack.c.0.s8.s32 v3;
	v3 =	vsel vm14, $0x180, v6;
	v2 =	vsel vm6, $0x1508, v2  }
0x1b: {  	v1 =	vsel vm2, $0x168C, v1;
	v3 =	vsel vm13, $0x201, v3;
	v2 =	vsel vm5, $0x1589, v2  }
0x1c: {  	v1 =	vsel vm0, $0x170D, v1;
	v3 =	vsel vm12, $0x282, v3;
	v2 =	vsel vm4, $0x160A, v2  }
0x1d: {  	v5 =	vcombine.low v22, v21;
	v3 =	vsel vm11, $0x303, v3;
	v2 =	vsel vm3, $0x168B, v2  }
0x1e: {  	v29 =	vsel vm1, $0x178E, v1;
	v1 =	vsel vm2, $0x170C, v2;
	v2 =	vsel vm10, $0x384, v3  }
0x1f: {  	v3 =	vand.u32 $0xF, v5;
	v5 =	vimm.s32 $0xA9876543;
	v2 =	vsel vm9, $0x1405, v2  }
0x20: {  	[tilespmem:$0x1FE40] =	vst v3;
	v1 =	vsel vm0, $0x178D, v1;
	v3 =	vimm.s32 $0x18F;
	v2 =	vsel vm8, $0x1486, v2  }
0x21: {  	v34 =	vsel vm1, $0xE, v1;
	v1 =	vimm.s32 $0x210FEDCB;
	v2 =	vsel vm7, $0x1507, v2  }
0x22: {  	v3 =	vsel vm14, $0x200, v3;
	v1 =	vunpack.c.l.s4.s8 v1;
	v2 =	vsel vm6, $0x1588, v2  }
0x23: {  	v5 =	vunpack.c.l.s4.s8 v5;
	v3 =	vsel vm13, $0x281, v3;
	v2 =	vsel vm5, $0x1609, v2  }
0x24: {  	v23 =	vunpack.c.0.s8.s32 v1;
	v1 =	vsel vm4, $0x168A, v2;
	v2 =	vsel vm12, $0x302, v3  }
0x25: {  	v12 =	vunpack.c.l.s4.s8 v12;
	v15 =	vunpack.c.l.s4.s8 v60;
	v2 =	vsel vm11, $0x383, v2  }
0x26: {  	v24 =	vunpack.c.0.s8.s32 v5;
	v5 =	vimm.s32 $0xBA987654;
	v2 =	vsel vm10, $0x1404, v2  }
0x27: {  	v16 =	vunpack.c.l.s4.s8 v61;
	v5 =	vunpack.c.l.s4.s8 v5;
	v2 =	vsel vm9, $0x1485, v2  }
0x28: {  	v17 =	vunpack.c.l.s4.s8 v17;
	v3 =	vimm.s32 $0x3210FEDC;
	v2 =	vsel vm8, $0x1506, v2  }
0x29: {  	v26 =	vunpack.c.0.s8.s32 v5;
	v1 =	vsel vm3, $0x170B, v1;
	v2 =	vsel vm7, $0x1587, v2  }
0x2a: {  	v5 =	vimm.s32 $0x20F;
	v1 =	vsel vm2, $0x178C, v1;
	v2 =	vsel vm6, $0x1608, v2  }
0x2b: {  	v3 =	vunpack.c.l.s4.s8 v3;
	v1 =	vsel vm0, $0xD, v1;
	v2 =	vsel vm5, $0x1689, v2  }
0x2c: {  	v44 =	vsel vm1, $0x8E, v1;
	v1 =	vsel vm4, $0x170A, v2;
	v2 =	vsel vm14, $0x280, v5  }
0x2d: {  	v30 =	vunpack.c.0.s8.s32 v15;
	v25 =	vunpack.c.0.s8.s32 v3;
	v2 =	vsel vm13, $0x301, v2  }
0x2e: {  	v31 =	vunpack.c.0.s8.s32 v16;
	v16 =	vimm.s32 $0xFEDCBA98;
	v2 =	vsel vm12, $0x382, v2  }
0x2f: {  	v3 =	vcombine.low v26, v25;
	v5 =	vimm.s32 $0x28F;
	v2 =	vsel vm11, $0x1403, v2  }
0x30: {  	v15 =	vunpack.c.l.s4.s8 v62;
	v5 =	vsel vm14, $0x300, v5;
	v2 =	vsel vm10, $0x1484, v2  }
0x31: {  	v11 =	vand.u32 $0xF, v3;
	v5 =	vsel vm13, $0x381, v5;
	v2 =	vsel vm9, $0x1505, v2  }
0x32: {  	v1 =	vsel vm3, $0x178B, v1;
	v5 =	vsel vm12, $0x1402, v5;
	v13 =	vsel vm8, $0x1586, v2  }
0x33: {  	s4 =	stileid.u32;
	v3 =	vsel vm2, $0xC, v1;
	v5 =	vsel vm11, $0x1483, v5;
	v57 =	vsel vm7, $0x1607, v13  }
0x34: {  	s0 =	sand.u32 $0x3, s4;
	v5 =	vsel vm10, $0x1504, v5;
	v2 =	vunpack.c.0.s8.s32 v12;
	v12 =	vsel vm6, $0x1688, v57  }
0x35: {  	s1 =	smul.u32 $0x2710, s0;
	v3 =	vsel vm0, $0x8D, v3;
	v5 =	vsel vm9, $0x1585, v5;
	v14 =	vsel vm5, $0x1709, v12  }
0x36: {  	v59 =	vsel vm1, $0x10E, v3;
	v5 =	vsel vm8, $0x1606, v5;
	v3 =	vsel vm4, $0x178A, v14  }
0x37: {  	v7 =	vmov s1;
	v5 =	vsel vm7, $0x1687, v5;
	v3 =	vsel vm3, $0xB, v3  }
0x38: {  	v16 =	vunpack.c.l.s4.s8 v16;
	v5 =	vsel vm6, $0x1708, v5;
	v3 =	vsel vm2, $0x8C, v3  }
0x39: {  	v18 =	vcombine.low v31, v30;
	v5 =	vsel vm5, $0x1789, v5;
	v3 =	vsel vm0, $0x10D, v3  }
0x3a: {  	v1 =	vimm.s32 $0x43210FED;
	v5 =	vsel vm4, $0xA, v5;
	v3 =	vsel vm1, $0x18E, v3  }
0x3b: {  	v1 =	vunpack.c.l.s4.s8 v1;
	[tilespmem:$0x1FE60] =	vst v3;
	v3 =	vsel vm3, $0x8B, v5;
	v5 =	vimm.s32 $0x6543210F  }
0x3c: {  	v33 =	vunpack.c.0.s8.s32 v15;
	v63 =	vand.u32 $0xF, v18;
	v5 =	vunpack.c.l.s4.s8 v5  }
0x3d: {  	v9 =	vcombine.low v24, v23;
	v1 =	vunpack.c.0.s8.s32 v1;
	v3 =	vsel vm2, $0x10C, v3  }
0x3e: {  	v3 =	vsel vm0, $0x18D, v3;
	v32 =	vunpack.c.0.s8.s32 v5;
	v5 =	vunpack.c.0.s8.s32 v16  }
0x3f: {  	v0 =	vand.u32 $0xF, v9;
	v16 =	vsel vm1, $0x20E, v3;
	v3 =	vunpack.c.0.s8.s32 v17  }
0x40: {  	v58 =	vcombine.low v2, v1;
	v1 =	vcombine.low v1, v2;
	v5 =	vand.u32 $0xF, v5  }
0x41: {  	v2 =	vimm.s32 $0x160F;
	v17 =	vimm.s32 $0x30F;
	v3 =	vcombine.low v5, v3  }
0x42: {  	v2 =	vsel vm14, $0x1680, v2;
	v13 =	vand.u32 $0xF, v58;
	v27 =	vsel vm14, $0x380, v17  }
0x43: {  	v18 =	vcombine.low v33, v32;
	v5 =	vsel vm13, $0x1401, v27;
	[tilespmem:$0x1FE70] =	vst v3;
	v3 =	vimm.s32 $0x38F  }
0x44: {  	v27 =	vcombine.low v19, v20;
	v19 =	vimm.s32 $0x140F;
	v3 =	vsel vm14, $0x1400, v3  }
0x45: {  	v5 =	vsel vm12, $0x1482, v5;
	v19 =	vsel vm14, $0x1480, v19;
	v3 =	vsel vm13, $0x1481, v3  }
0x46: {  	v5 =	vsel vm11, $0x1503, v5;
	v19 =	vsel vm13, $0x1501, v19;
	v3 =	vsel vm12, $0x1502, v3  }
0x47: {  	v8 =	vand.u32 $0xF, v27;
	v27 =	vcombine.low v23, v24;
	v3 =	vsel vm11, $0x1583, v3  }
0x48: {  	v5 =	vsel vm10, $0x1584, v5;
	v19 =	vsel vm12, $0x1582, v19;
	v3 =	vsel vm10, $0x1604, v3  }
0x49: {  	v5 =	vsel vm9, $0x1605, v5;
	v19 =	vsel vm11, $0x1603, v19;
	v3 =	vsel vm9, $0x1685, v3  }
0x4a: {  	v5 =	vsel vm8, $0x1686, v5;
	v19 =	vsel vm10, $0x1684, v19;
	v3 =	vsel vm8, $0x1706, v3  }
0x4b: {  	v5 =	vsel vm7, $0x1707, v5;
	v19 =	vsel vm9, $0x1705, v19;
	v3 =	vsel vm7, $0x1787, v3  }
0x4c: {  	v5 =	vsel vm6, $0x1788, v5;
	v19 =	vsel vm8, $0x1786, v19;
	v3 =	vsel vm6, $0x8, v3  }
0x4d: {  	v5 =	vsel vm5, $0x9, v5;
	v19 =	vsel vm7, $0x7, v19;
	v3 =	vsel vm5, $0x89, v3  }
0x4e: {  	v5 =	vsel vm4, $0x8A, v5;
	v19 =	vsel vm6, $0x88, v19;
	v3 =	vsel vm4, $0x10A, v3  }
0x4f: {  	v5 =	vsel vm3, $0x10B, v5;
	v19 =	vsel vm5, $0x109, v19;
	v3 =	vsel vm3, $0x18B, v3  }
0x50: {  	v5 =	vsel vm2, $0x18C, v5;
	v19 =	vsel vm4, $0x18A, v19;
	v3 =	vsel vm2, $0x20C, v3  }
0x51: {  	v5 =	vsel vm0, $0x20D, v5;
	v28 =	vsel vm3, $0x20B, v19;
	v3 =	vsel vm0, $0x28D, v3  }
0x52: {  	[tilespmem:$0x1FE50] =	vst v0;
	v0 =	vmovc v7;
	v6 =	vsel vm1, $0x28E, v5;
	v7 =	vsel vm1, $0x30E, v3;
	v3 =	vsel vm2, $0x28C, v28  }
0x53: {  	v5 =	vcombine.low v21, v22;
	v28 =	vimm.s32 $0x148F;
	v3 =	vsel vm0, $0x30D, v3  }
0x54: {  	v24 =	vimm.s32 $0x150F;
	v22 =	vsel vm1, $0x38E, v3;
	v3 =	vsel vm14, $0x1500, v28  }
0x55: {  	v9 =	vand.u32 $0xF, v5;
	v5 =	vsel vm14, $0x1580, v24;
	v3 =	vsel vm13, $0x1581, v3  }
0x56: {  	v24 =	vimm.s32 $0x158F;
	v5 =	vsel vm13, $0x1601, v5;
	v3 =	vsel vm12, $0x1602, v3  }
0x57: {  	v24 =	vsel vm14, $0x1600, v24;
	v5 =	vsel vm12, $0x1682, v5;
	v3 =	vsel vm11, $0x1683, v3  }
0x58: {  	v24 =	vsel vm13, $0x1681, v24;
	v5 =	vsel vm11, $0x1703, v5;
	v3 =	vsel vm10, $0x1704, v3  }
0x59: {  	v24 =	vsel vm12, $0x1702, v24;
	v28 =	vcombine.low v25, v26;
	v3 =	vsel vm9, $0x1785, v3  }
0x5a: {  	s26 =	rddreg [dreg:$0x0];
	v5 =	vsel vm10, $0x1784, v5;
	v24 =	vsel vm11, $0x1783, v24;
	v3 =	vsel vm8, $0x6, v3  }
0x5b: {  	s11 =	rddreg [dreg:$0x1];
	v26 =	vand.u32 $0xF, v27;
	v5 =	vsel vm9, $0x5, v5;
	v3 =	vsel vm7, $0x87, v3  }
0x5c: {  	s2 =	srdreg.scid;
	s12 =	rddreg [dreg:$0x2];
	v24 =	vsel vm10, $0x4, v24;
	v5 =	vsel vm8, $0x86, v5;
	v3 =	vsel vm6, $0x108, v3  }
0x5d: {  	s13 =	rddreg [dreg:$0x3];
	s2 =	sand.u32 $0x1, s2;
	v24 =	vsel vm9, $0x85, v24;
	v5 =	vsel vm7, $0x107, v5;
	v3 =	vsel vm5, $0x189, v3  }
0x5e: {  	s29 =	simm.s32 $0x9C40;
	s6 =	smul.u32 $0x1388, s4;
	s5 =	sshll.u32 s2, $0x2;
	v24 =	vsel vm8, $0x106, v24;
	v5 =	vsel vm6, $0x188, v5;
	v3 =	vsel vm4, $0x20A, v3  }
0x5f: {  	s10 =	smul.u32 $0x27100, s4;
	s0 =	sor.u32 s0, s5;
	s5 =	simm.s32 $0x0;
	v24 =	vsel vm7, $0x187, v24;
	v5 =	vsel vm5, $0x209, v5;
	v3 =	vsel vm3, $0x28B, v3  }
0x60: {  	s30 =	simm.s32 $0xC350;
	s3 =	smul.u32 $0x13880, s2;
	[smem:$0x7FF] =	sst s5;
	v20 =	vmovc v11;
	v24 =	vsel vm6, $0x208, v24;
	v5 =	vsel vm4, $0x28A, v5;
	v3 =	vsel vm2, $0x30C, v3  }
0x61: {  	s28 =	simm.s32 $0x4;
	s8 =	sshrl.u32 s4, $0x2;
	_ =	strace $0x80000047;
	[tilespmem:$0x1FEE0] =	vst v20;
	v24 =	vsel vm5, $0x289, v24;
	v5 =	vsel vm3, $0x30B, v5;
	v3 =	vsel vm0, $0x38D, v3  }
0x62: {  	s14 =	sshll.u32 s4, $0x6;
	s2 =	ssub.s32 $0x2, s2;
	s8 =	smul.u32 $0x13880, s8;
	[tilespmem:$0x1FEF0] =	vst v59;
	v25 =	vsel vm4, $0x30A, v24;
	v5 =	vsel vm2, $0x38C, v5;
	v3 =	vsel vm1, $0x140E, v3  }
0x63: {  	s31 =	sshrl.u32 s2, $0x1;
	s7 =	smul.u32 $0x4E2, s0;
	s3 =	sadd.s32 s6, s3;
	v24 =	vand.u32 $0xF, v28;
	[tilespmem:$0x1FE80] =	vst v3;
	v3 =	vsel vm0, $0x140D, v5;
	v5 =	vsel vm3, $0x38B, v25  }
0x64: {  	s10 =	sshrl.u32 s10, $0x2;
	s6 =	sadd.s32 $0xA800, s26;
	s3 =	sadd.s32 s3, s26;
	[tilespmem:$0x1FF00] =	vst v13;
	v28 =	vand.u32 $0xF, v1;
	v11 =	vsel vm1, $0x148E, v3;
	v3 =	vsel vm2, $0x140C, v5  }
0x65: {  	s1 =	ssub.s32 s2, s31;
	s9 =	sadd.s32 s7, s26;
	s3 =	sadd.s32 $0x14600, s3;
	[tilespmem:$0x1FF10] =	vst v63;
	v1 =	vsel vm13, $0x1701, v2;
	v2 =	vcombine.low v30, v31;
	v3 =	vsel vm0, $0x148D, v3  }
0x66: {  	s2 =	sadd.s32 s10, s13;
	s15 =	sadd.s32 $0x3B800, s9;
	[dreg:$0x6] =	wrdreg s3;
	[tilespmem:$0x1FF30] =	vst v8;
	v30 =	vimm.s32 $0x170F;
	v1 =	vsel vm12, $0x1782, v1;
	v3 =	vsel vm1, $0x150E, v3  }
0x67: {  	s16 =	sshrl.u32 s8, $0x3;
	s17 =	sadd.s32 $0x3E000, s9;
	[dreg:$0x8] =	wrdreg s15;
	v30 =	vsel vm14, $0x1780, v30;
	v1 =	vsel vm11, $0x3, v1;
	[tilespmem:$0x1FE90] =	vst v3;
	v3 =	vimm.s32 $0x168F  }
0x68: {  	s19 =	sadd.s32 $0x280, s8;
	s18 =	sadd.s32 s6, s16;
	[dreg:$0x9] =	wrdreg s17;
	[tilespmem:$0x1FF50] =	vst v0;
	v30 =	vsel vm13, $0x1, v30;
	v2 =	vand.u32 $0xF, v2;
	v3 =	vsel vm14, $0x1700, v3  }
0x69: {  	s21 =	sadd.s32 $0x13600, s8;
	s20 =	sshrl.u32 s19, $0x3;
	[dreg:$0xa] =	wrdreg s18;
	[tilespmem:$0x1FFD0] =	vst v44;
	v1 =	vsel vm10, $0x84, v1;
	v30 =	vsel vm12, $0x82, v30;
	v3 =	vsel vm13, $0x1781, v3  }
0x6a: {  	s23 =	sadd.s32 $0x500, s8;
	s4 =	sadd.s32 s6, s20;
	[dreg:$0xb] =	wrdreg s19;
	[tilespmem:$0x1FFE0] =	vst v16;
	v1 =	vsel vm9, $0x105, v1;
	v30 =	vsel vm11, $0x103, v30;
	v3 =	vsel vm12, $0x2, v3  }
0x6b: {  	s24 =	sadd.s32 $0x780, s8;
	s10 =	simm.s32 $0x1;
	[dreg:$0xd] =	wrdreg s4;
	[tilespmem:$0x1FF60] =	vst v9;
	v1 =	vsel vm8, $0x186, v1;
	v30 =	vsel vm10, $0x184, v30;
	v3 =	vsel vm11, $0x83, v3  }
0x6c: {  	s13 =	simm.s32 $0xF960;
	s22 =	sshll.u32 s21, $0x3;
	[dreg:$0xf] =	wrdreg s23;
	[tilespmem:$0x1FF20] =	vst v7;
	v1 =	vsel vm7, $0x207, v1;
	v30 =	vsel vm9, $0x205, v30;
	v3 =	vsel vm10, $0x104, v3  }
0x6d: {  	s25 =	smax.u32 s1, $0x1;
	s7 =	sadd.s32 $0xA00, s26;
	[dreg:$0x5] =	wrdreg s8;
	[tilespmem:$0x1FF40] =	vst v22;
	v1 =	vsel vm6, $0x288, v1;
	v30 =	vsel vm8, $0x286, v30;
	v3 =	vsel vm9, $0x185, v3  }
0x6e: {  	s26 =	sshrl.u32 s2, $0x3;
	s3 =	sor.u32 $0x1C07, s14;
	[dreg:$0x10] =	wrdreg s24;
	[tilespmem:$0x1FF70] =	vst v26;
	v1 =	vsel vm5, $0x309, v1;
	v30 =	vsel vm7, $0x307, v30;
	v3 =	vsel vm8, $0x206, v3  }
0x6f: {  	s18 =	smul.u32 $0x9C400, s0;
	s14 =	smov.u32 s11;
	[dreg:$0x13] =	wrdreg s25;
	[tilespmem:$0x1FF90] =	vst v24;
	v5 =	vcombine.low v32, v33;
	v30 =	vsel vm6, $0x388, v30;
	v3 =	vsel vm7, $0x287, v3  }
0x70: {  	[dreg:$0x14] =	wrdreg s26;
	s15 =	simm.s32 $0x2;
	s19 =	simm.s32 $0x12160;
	[tilespmem:$0x1FFF0] =	vst v28;
	v1 =	vsel vm4, $0x38A, v1;
	v30 =	vsel vm5, $0x1409, v30;
	v3 =	vsel vm6, $0x308, v3  }
0x71: {  	s23 =	simm.s32 $0x3;
	s24 =	simm.s32 $0x14960;
	[dreg:$0x7] =	wrdreg s3;
	[tilespmem:$0x1FEA0] =	vst v2;
	v32 =	vmovc v29;
	v1 =	vsel vm3, $0x140B, v1;
	v30 =	vsel vm4, $0x148A, v30;
	v3 =	vsel vm5, $0x389, v3  }
0x72: {  	s3 =	sadd.s32 s7, s16;
	s16 =	smul.u32 $0x4E2000, s0;
	s0 =	sshll.u32 s21, $0x1;
	v33 =	vmov v34;
	[tilespmem:$0x1FEC0] =	vst v32;
	v1 =	vsel vm2, $0x148C, v1;
	v3 =	vsel vm4, $0x140A, v3  }
0x73: {  	[dreg:$0xc] =	wrdreg s3;
	s3 =	sadd.s32 s7, s20;
	s0 =	sadd.s32 s18, s0;
	[tilespmem:$0x1FED0] =	vst v33;
	v34 =	vand.u32 $0xF, v5;
	v1 =	vsel vm0, $0x150D, v1;
	v3 =	vsel vm3, $0x148B, v3  }
0x74: {  	[dreg:$0xe] =	wrdreg s3;
	s3 =	sadd.s32 s16, s22;
	s0 =	sshrl.u32 s0, $0x3;
	v10 =	vsel vm3, $0x150B, v30;
	[tilespmem:$0x1FFB0] =	vst v34;
	v30 =	vmovc v11;
	v11 =	vsel vm1, $0x158E, v1;
	v1 =	vsel vm2, $0x150C, v3  }
0x75: {  	s20 =	smov.u32 s12;
	s3 =	sshrl.u32 s3, $0x3;
	s0 =	sadd.s32 s12, s0;
	[tilespmem:$0x1FF80] =	vst v30;
	v3 =	vsel vm2, $0x158C, v10;
	v1 =	vsel vm0, $0x158D, v1  }
0x76: {  	s22 =	simm.s32 $0x5;
	s3 =	sadd.s32 s11, s3;
	[dreg:$0x12] =	wrdreg s0;
	[tilespmem:$0x1FFA0] =	vst v11;
	v2 =	vsel vm0, $0x160D, v3;
	v1 =	vsel vm1, $0x160E, v1  }
0x77: {  	v17 =	vand.u32 $0xF, v18;
	v18 =	vmov v59;
	s11 =	simm.s32 $0x280;
	[dreg:$0x11] =	wrdreg s3;
	s31 =	sadd.s32 $0x4E200, s3;
	v29 =	vsel vm1, $0x168E, v2;
	[tilespmem:$0x1FEB0] =	vst v1  }
0x78: {  	s0 =	simm.s32 $0x17160;
	s3 =	simm.s32 $0x0;
	[dreg:$0x15] =	wrdreg s31;
	v19 =	vmovc v13;
	v23 =	vmovc v6;
	v27 =	vmov v63;
	v31 =	vmov v17;
	v25 =	vmov v16;
	[tilespmem:$0x1FFC0] =	vst v29  }
.LBB2_1:
0x79: {  	[dreg:$0x16] =	wrdreg s3  }
0x7a: {  	s1 =	rddreg [dreg:$0x6]  }
0x7b: {  	s2 =	rddreg [dreg:$0x7]  }
0x7c: {  	s25 =	rddreg [dreg:$0x14];
	s26 =	simm.s32 $0x7  }
0x7d: {  	[spmem:s25], [sflag:s2] =	dma.local [hbm:s1], $0x1388  }
0x7e: {  	_ =	swait.ge [sflag:s26], $0x1388  }
0x7f: {  	[sflag:s26] =	ssyncset.done $0x0  }
0x80: {  	s31 =	rddreg [dreg:$0x8];
	[sflag:s26] =	ssyncadd.s32 $0xFFFFEC78  }
0x81: {  	[tilespmem:s29], [sflag:$0x7] =	stream.linear.gather [hbm4b:s31+s5], $0x2710, $0x38;
	[tilespmem:$0x1A360] =	vst v63  }
0x82: {  	_ =	swait.ge [sflag:s26], $0x2710  }
0x83: {  	[sflag:s26] =	ssyncset.done $0x0  }
0x84: {  	s3 =	rddreg [dreg:$0x9];
	[sflag:s26] =	ssyncadd.s32 $0xFFFFD8F0  }
0x85: {  	[tilespmem:s30], [sflag:$0x7] =	stream.linear.gather [hbm4b:s3+s5], $0x2710, $0x38;
	[tilespmem:$0x1A360] =	vst v63  }
0x86: {  	_ =	swait.ge [sflag:s26], $0x2710  }
0x87: {  	[sflag:s26] =	ssyncset.done $0x0  }
0x88: {  	[sflag:s26] =	ssyncadd.s32 $0xFFFFD8F0  }
0x89: {  	[bflag:$0x0] =	sbarrier.arrive $0xFFFF  }
0x8a: {  	s8 =	simm.s32 $0xEA60;
	s4 =	rddreg [dreg:$0xa]  }
0x8b: {  	[tilespmem:s8], [sflag:$0x1] =	stream.linear.gather [hbm4b:s4+s5], $0x280, $0x38;
	[tilespmem:$0x1A360] =	vst v63  }
0x8c: {  	s12 =	simm.s32 $0xEF60;
	s9 =	rddreg [dreg:$0xc]  }
0x8d: {  	[tilespmem:s12], [sflag:$0x1] =	stream.linear.gather [hbm4b:s9+s5], $0x280, $0x38;
	[tilespmem:$0x1A360] =	vst v63  }
0x8e: {  	s21 =	simm.s32 $0xECE0;
	s17 =	rddreg [dreg:$0xd]  }
0x8f: {  	[tilespmem:s21], [sflag:$0x2] =	stream.linear.gather [hbm4b:s17+s5], $0x280, $0x38;
	[tilespmem:$0x1A360] =	vst v63  }
0x90: {  	s26 =	simm.s32 $0xF1E0;
	s25 =	rddreg [dreg:$0xe]  }
0x91: {  	[tilespmem:s26], [sflag:$0x2] =	stream.linear.gather [hbm4b:s25+s5], $0x280, $0x38;
	[tilespmem:$0x1A360] =	vst v63  }
0x92: {  	_ =	swait.ge [sflag:s10], $0x280  }
0x93: {  	[sflag:s10] =	ssyncset.done $0x0  }
0x94: {  	[sflag:s10] =	ssyncadd.s32 $0xFFFFFD80  }
0x95: {  	_ =	swait.ge [sflag:s10], $0x280  }
0x96: {  	[sflag:s10] =	ssyncset.done $0x0  }
0x97: {  	s31 =	simm.s32 $0xEAA0;
	[sflag:s10] =	ssyncadd.s32 $0xFFFFFD80  }
0x98: {  	v5 =	vld [tilespmem:s31+$0x30]  }
0x99: {  	v35 =	vld [tilespmem:s31+$0xFFFFFFD0]  }
0x9a: {  	v36 =	vld [tilespmem:s31+$0xFFFFFFE0]  }
0x9b: {  	v3 =	vld [tilespmem:s31+$0xFFFFFFF0]  }
0x9c: {  	v1 =	vld [tilespmem:s31+$0x0]  }
0x9d: {  	s1 =	simm.s32 $0xF4A0;
	v2 =	vld [tilespmem:s31+$0x10];
	v37 =	vadd.s32 v0, v5  }
0x9e: {  	v38 =	vadd.s32 v0, v35;
	v5 =	vld [tilespmem:s31+$0x20];
	[tilespmem:s1+$0x30] =	vst v37  }
0x9f: {  	s2 =	simm.s32 $0x0;
	s3 =	simm.s32 $0xEB20;
	v35 =	vld [tilespmem:s31+$0xFFFFFFC0];
	v36 =	vadd.s32 v0, v36;
	[tilespmem:s1+$0xFFFFFFD0] =	vst v38  }
.LBB2_2:
0xa0: {  	v37 =	vld [tilespmem:s3+$0x30];
	s2 =	sadd.s32 $0x8, s2;
	[tilespmem:s1+$0xFFFFFFE0] =	vst v36;
	v3 =	vadd.s32 v0, v3  }
0xa1: {  	v36 =	vld [tilespmem:s3+$0xFFFFFFD0];
	p0 =	slt.u32 s2, $0x20;
	[tilespmem:s1+$0xFFFFFFF0] =	vst v3;
	v1 =	vadd.s32 v0, v1  }
0xa2: {  	v38 =	vld [tilespmem:s3+$0xFFFFFFE0];
	[tilespmem:s1+$0x0] =	vst v1;
	v1 =	vadd.s32 v0, v2  }
.Ltmp0:
0xa3: {  	v3 =	vld [tilespmem:s3+$0xFFFFFFF0];
	[tilespmem:s1+$0x10] =	vst v1;
	v2 =	vadd.s32 v0, v5;
	(pc) =	sbr.rel @p0 .LBB2_2-.Ltmp0, $4  }
0xa4: {  	v1 =	vld [tilespmem:s3+$0x0];
	v5 =	vadd.s32 v0, v35;
	[tilespmem:s1+$0x20] =	vst v2  }
0xa5: {  	v2 =	vld [tilespmem:s3+$0x10];
	v35 =	vadd.s32 v0, v37;
	[tilespmem:s1+$0xFFFFFFC0] =	vst v5;
	s1 =	sadd.s32 $0x80, s1  }
0xa6: {  	v36 =	vadd.s32 v0, v36;
	v5 =	vld [tilespmem:s3+$0x20];
	[tilespmem:s1+$0x30] =	vst v35  }
0xa7: {  	v35 =	vld [tilespmem:s3+$0xFFFFFFC0];
	[tilespmem:s1+$0xFFFFFFD0] =	vst v36;
	v36 =	vadd.s32 v0, v38;
	s3 =	sadd.s32 $0x80, s3  }
0xa8: {  	[tilespmem:s1+$0xFFFFFFE0] =	vst v36;
	v3 =	vadd.s32 v0, v3  }
0xa9: {  	[tilespmem:s1+$0xFFFFFFF0] =	vst v3;
	v1 =	vadd.s32 v0, v1  }
0xaa: {  	[tilespmem:s1+$0x0] =	vst v1;
	v1 =	vadd.s32 v0, v2  }
0xab: {  	[tilespmem:s1+$0x10] =	vst v1;
	v1 =	vadd.s32 v0, v5  }
0xac: {  	v2 =	vadd.s32 v0, v35;
	[tilespmem:s1+$0x20] =	vst v1  }
0xad: {  	[tilespmem:s1+$0xFFFFFFC0] =	vst v2  }
0xae: {  	v12 =	vld [tilespmem:$0x1FE20]  }
0xaf: {  	v47 =	vld [tilespmem:$0x1FE30]  }
0xb0: {  	v13 =	vld [tilespmem:$0x1FE40]  }
0xb1: {  	v14 =	vld [tilespmem:$0x1FE70]  }
0xb2: {  	v15 =	vld [tilespmem:$0x1FE50]  }
0xb3: {  	v16 =	vld [tilespmem:$0x1FE60]  }
0xb4: {  	v10 =	vld [tilespmem:$0x1FE80]  }
0xb5: {  	v17 =	vld [tilespmem:$0x1FE90]  }
0xb6: {  	s4 =	rddreg [dreg:$0x3];
	s31 =	simm.s32 $0xF460;
	s9 =	simm.s32 $0x0;
	v21 =	vld [tilespmem:$0x1FEB0]  }
0xb7: {  	v6 =	vmov v44;
	[tilespmem:s13], [sflag:$0x3] =	stream.indirect.gather [spmem:s4], $0x10, s31, s11, $0xb8;
	v29 =	vld [tilespmem:$0x1FEA0]  }
.LBB2_4:
0xb8: {  	_ =	swait.ge [sflag:s15], $0x280  }
0xb9: {  	[sflag:s15] =	ssyncset.done $0x0  }
0xba: {  	[sflag:s15] =	ssyncadd.s32 $0xFFFFFD80  }
0xbb: {  	_ =	swait.ge [sflag:s15], $0x280  }
0xbc: {  	p0 =	seq.s32 s9, $0x0;
	[sflag:s15] =	ssyncset.done $0x0  }
0xbd: {  	s1 =	simm.s32 @!p0 $0x6;
	[sflag:s15] =	ssyncadd.s32 $0xFFFFFD80  }
0xbe: {  	_ =	swait.ge @!p0 [sflag:s1], $0x2800  }
0xbf: {  	[sflag:s1] =	ssyncset.done @!p0 $0x0  }
0xc0: {  	[sflag:s1] =	ssyncadd.s32 @!p0 $0xFFFFD800  }
0xc1: {  	_ =	swait.ge @!p0 [sflag:s1], $0x500  }
0xc2: {  	[sflag:s1] =	ssyncset.done @!p0 $0x0  }
0xc3: {  	s3 =	simm.s32 $0xED20;
	[sflag:s1] =	ssyncadd.s32 @!p0 $0xFFFFFB00  }
0xc4: {  	v5 =	vld [tilespmem:s3+$0x30]  }
0xc5: {  	v35 =	vld [tilespmem:s3+$0xFFFFFFD0]  }
0xc6: {  	v36 =	vld [tilespmem:s3+$0xFFFFFFE0]  }
0xc7: {  	v3 =	vld [tilespmem:s3+$0xFFFFFFF0]  }
0xc8: {  	v1 =	vld [tilespmem:s3+$0x0]  }
0xc9: {  	s1 =	simm.s32 $0xF720;
	v2 =	vld [tilespmem:s3+$0x10];
	v37 =	vadd.s32 v0, v5  }
0xca: {  	v38 =	vadd.s32 v0, v35;
	v5 =	vld [tilespmem:s3+$0x20];
	[tilespmem:s1+$0x30] =	vst v37  }
0xcb: {  	s2 =	simm.s32 $0x0;
	v35 =	vld [tilespmem:s3+$0xFFFFFFC0];
	v36 =	vadd.s32 v0, v36;
	s3 =	simm.s32 $0xEDA0;
	[tilespmem:s1+$0xFFFFFFD0] =	vst v38  }
.LBB2_5:
0xcc: {  	v37 =	vld [tilespmem:s3+$0x30];
	s2 =	sadd.s32 $0x8, s2;
	[tilespmem:s1+$0xFFFFFFE0] =	vst v36;
	v3 =	vadd.s32 v0, v3  }
0xcd: {  	v36 =	vld [tilespmem:s3+$0xFFFFFFD0];
	p0 =	slt.u32 s2, $0x20;
	[tilespmem:s1+$0xFFFFFFF0] =	vst v3;
	v1 =	vadd.s32 v0, v1  }
0xce: {  	v38 =	vld [tilespmem:s3+$0xFFFFFFE0];
	[tilespmem:s1+$0x0] =	vst v1;
	v1 =	vadd.s32 v0, v2  }
.Ltmp1:
0xcf: {  	v3 =	vld [tilespmem:s3+$0xFFFFFFF0];
	[tilespmem:s1+$0x10] =	vst v1;
	v2 =	vadd.s32 v0, v5;
	(pc) =	sbr.rel @p0 .LBB2_5-.Ltmp1, $4  }
0xd0: {  	v1 =	vld [tilespmem:s3+$0x0];
	v5 =	vadd.s32 v0, v35;
	[tilespmem:s1+$0x20] =	vst v2  }
0xd1: {  	v2 =	vld [tilespmem:s3+$0x10];
	v35 =	vadd.s32 v0, v37;
	[tilespmem:s1+$0xFFFFFFC0] =	vst v5;
	s1 =	sadd.s32 $0x80, s1  }
0xd2: {  	v36 =	vadd.s32 v0, v36;
	v5 =	vld [tilespmem:s3+$0x20];
	[tilespmem:s1+$0x30] =	vst v35  }
0xd3: {  	v35 =	vld [tilespmem:s3+$0xFFFFFFC0];
	[tilespmem:s1+$0xFFFFFFD0] =	vst v36;
	v36 =	vadd.s32 v0, v38;
	s3 =	sadd.s32 $0x80, s3  }
0xd4: {  	[tilespmem:s1+$0xFFFFFFE0] =	vst v36;
	v3 =	vadd.s32 v0, v3  }
0xd5: {  	[tilespmem:s1+$0xFFFFFFF0] =	vst v3;
	v1 =	vadd.s32 v0, v1  }
0xd6: {  	[tilespmem:s1+$0x0] =	vst v1;
	v1 =	vadd.s32 v0, v2  }
0xd7: {  	[tilespmem:s1+$0x10] =	vst v1;
	v1 =	vadd.s32 v0, v5  }
0xd8: {  	v2 =	vadd.s32 v0, v35;
	[tilespmem:s1+$0x20] =	vst v1  }
0xd9: {  	s26 =	simm.s32 $0xF6E0;
	s31 =	simm.s32 $0xEAA0;
	[tilespmem:s1+$0xFFFFFFC0] =	vst v2  }
0xda: {  	[tilespmem:s19], [sflag:$0x4] =	stream.indirect.gather [spmem:s4], $0x10, s26, s11, $0xb8;
	[tilespmem:$0x1A360] =	vst v63  }
0xdb: {  	v1 =	vld [tilespmem:s31+$0x30]  }
0xdc: {  	v2 =	vld [tilespmem:s31+$0xFFFFFFD0]  }
0xdd: {  	v3 =	vld [tilespmem:s31+$0xFFFFFFE0]  }
0xde: {  	v5 =	vld [tilespmem:s31+$0xFFFFFFF0]  }
0xdf: {  	v61 =	vld [tilespmem:s31+$0x0]  }
0xe0: {  	v36 =	vld [tilespmem:s31+$0x10]  }
0xe1: {  	v37 =	vld [tilespmem:s31+$0x20]  }
0xe2: {  	v38 =	vld [tilespmem:s31+$0xFFFFFFC0]  }
0xe3: {  	v1 =	vld.idx.msk [tilespmem:v1+s29+$0x0], $0xffff  }
0xe4: {  	v2 =	vld.idx.msk [tilespmem:v2+s29+$0x0], $0xffff  }
0xe5: {  	v3 =	vld.idx.msk [tilespmem:v3+s29+$0x0], $0xffff  }
0xe6: {  	v5 =	vld.idx.msk [tilespmem:v5+s29+$0x0], $0xffff  }
0xe7: {  	v35 =	vld.idx.msk [tilespmem:v61+s29+$0x0], $0xffff  }
0xe8: {  	s1 =	simm.s32 $0x199E0;
	v36 =	vld.idx.msk [tilespmem:v36+s29+$0x0], $0xffff  }
0xe9: {  	s12 =	simm.s32 $0xEFA0;
	v37 =	vld.idx.msk [tilespmem:v37+s29+$0x0], $0xffff;
	[tilespmem:s1+$0xFFFFFFF0] =	vst v1  }
0xea: {  	v1 =	vld [tilespmem:s12+$0x30]  }
0xeb: {  	[tilespmem:s1+$0xFFFFFF90] =	vst v2;
	v2 =	vld.idx.msk [tilespmem:v38+s29+$0x0], $0xffff  }
0xec: {  	[tilespmem:s1+$0xFFFFFFA0] =	vst v3;
	v3 =	vld [tilespmem:s12+$0xFFFFFFD0]  }
0xed: {  	[tilespmem:s1+$0xFFFFFFB0] =	vst v5;
	v5 =	vld [tilespmem:s12+$0xFFFFFFE0]  }
0xee: {  	[tilespmem:s1+$0xFFFFFFC0] =	vst v35;
	v62 =	vld [tilespmem:s12+$0xFFFFFFF0]  }
0xef: {  	[tilespmem:s1+$0xFFFFFFD0] =	vst v36;
	v63 =	vld [tilespmem:s12+$0x0]  }
0xf0: {  	[tilespmem:s1+$0xFFFFFFE0] =	vst v37;
	v39 =	vld [tilespmem:s12+$0x10]  }
0xf1: {  	v40 =	vld [tilespmem:s12+$0x20]  }
0xf2: {  	[tilespmem:s1+$0xFFFFFF80] =	vst v2;
	v2 =	vld.idx.msk [tilespmem:v1+s30+$0x0], $0xffff  }
0xf3: {  	v1 =	vld [tilespmem:s12+$0xFFFFFFC0]  }
0xf4: {  	v37 =	vld.idx.msk [tilespmem:v3+s30+$0x0], $0xffff  }
0xf5: {  	v36 =	vld.idx.msk [tilespmem:v5+s30+$0x0], $0xffff  }
0xf6: {  	v35 =	vld.idx.msk [tilespmem:v62+s30+$0x0], $0xffff  }
0xf7: {  	v5 =	vld.idx.msk [tilespmem:v63+s30+$0x0], $0xffff  }
0xf8: {  	v3 =	vld.idx.msk [tilespmem:v39+s30+$0x0], $0xffff  }
0xf9: {  	s17 =	simm.s32 $0x0;
	s21 =	simm.s32 $0xEB20;
	s3 =	simm.s32 $0x199E0;
	[tilespmem:s1+$0x70] =	vst v2;
	v2 =	vld.idx.msk [tilespmem:v40+s30+$0x0], $0xffff  }
.LBB2_7:
0xfa: {  	v38 =	vld [tilespmem:s21+$0x30];
	s17 =	sadd.s32 $0x8, s17;
	[tilespmem:s1+$0x10] =	vst v37  }
0xfb: {  	v37 =	vld [tilespmem:s21+$0xFFFFFFD0];
	p0 =	slt.u32 s17, $0x20;
	[tilespmem:s1+$0x20] =	vst v36  }
0xfc: {  	v36 =	vld [tilespmem:s21+$0xFFFFFFE0];
	[tilespmem:s1+$0x30] =	vst v35  }
0xfd: {  	v35 =	vld [tilespmem:s21+$0xFFFFFFF0];
	[tilespmem:s1+$0x40] =	vst v5  }
0xfe: {  	v5 =	vld [tilespmem:s21+$0x0];
	[tilespmem:s1+$0x50] =	vst v3  }
0xff: {  	v3 =	vld [tilespmem:s21+$0x10];
	[tilespmem:s1+$0x60] =	vst v2  }
0x100: {  	v2 =	vld [tilespmem:s21+$0x20]  }
0x101: {  	v39 =	vld [tilespmem:s21+$0xFFFFFFC0]  }
0x102: {  	v38 =	vld.idx.msk [tilespmem:v38+s29+$0x0], $0xffff  }
0x103: {  	v37 =	vld.idx.msk [tilespmem:v37+s29+$0x0], $0xffff  }
0x104: {  	v36 =	vld.idx.msk [tilespmem:v36+s29+$0x0], $0xffff  }
0x105: {  	v35 =	vld.idx.msk [tilespmem:v35+s29+$0x0], $0xffff  }
0x106: {  	v5 =	vld.idx.msk [tilespmem:v5+s29+$0x0], $0xffff  }
0x107: {  	s1 =	sadd.s32 $0x100, s1;
	v3 =	vld.idx.msk [tilespmem:v3+s29+$0x0], $0xffff  }
0x108: {  	s12 =	sadd.s32 $0x80, s12;
	v2 =	vld.idx.msk [tilespmem:v2+s29+$0x0], $0xffff;
	[tilespmem:s1+$0xFFFFFFF0] =	vst v38  }
0x109: {  	[tilespmem:s1+$0xFFFFFF90] =	vst v37;
	v37 =	vld [tilespmem:s12+$0x30]  }
0x10a: {  	v38 =	vld.idx.msk [tilespmem:v39+s29+$0x0], $0xffff;
	[tilespmem:s1+$0xFFFFFFA0] =	vst v36  }
0x10b: {  	v36 =	vld [tilespmem:s12+$0xFFFFFFD0];
	[tilespmem:s1+$0xFFFFFFB0] =	vst v35  }
0x10c: {  	v35 =	vld [tilespmem:s12+$0xFFFFFFE0];
	[tilespmem:s1+$0xFFFFFFC0] =	vst v5  }
0x10d: {  	v5 =	vld [tilespmem:s12+$0xFFFFFFF0];
	[tilespmem:s1+$0xFFFFFFD0] =	vst v3  }
0x10e: {  	v3 =	vld [tilespmem:s12+$0x0];
	[tilespmem:s1+$0xFFFFFFE0] =	vst v2  }
0x10f: {  	v2 =	vld [tilespmem:s12+$0x10]  }
0x110: {  	[tilespmem:s1+$0xFFFFFF80] =	vst v38;
	v38 =	vld [tilespmem:s12+$0x20]  }
0x111: {  	v39 =	vld.idx.msk [tilespmem:v37+s30+$0x0], $0xffff  }
0x112: {  	v40 =	vld [tilespmem:s12+$0xFFFFFFC0]  }
0x113: {  	v41 =	vld.idx.msk [tilespmem:v1+s30+$0x0], $0xffff  }
0x114: {  	v37 =	vld.idx.msk [tilespmem:v36+s30+$0x0], $0xffff  }
.Ltmp2:
0x115: {  	v36 =	vld.idx.msk [tilespmem:v35+s30+$0x0], $0xffff;
	(pc) =	sbr.rel @p0 .LBB2_7-.Ltmp2, $4  }
0x116: {  	v35 =	vld.idx.msk [tilespmem:v5+s30+$0x0], $0xffff  }
0x117: {  	v5 =	vld.idx.msk [tilespmem:v3+s30+$0x0], $0xffff;
	[tilespmem:s1+$0x70] =	vst v39;
	v1 =	vmov v40  }
0x118: {  	v3 =	vld.idx.msk [tilespmem:v2+s30+$0x0], $0xffff  }
0x119: {  	s21 =	sadd.s32 $0x80, s21;
	v2 =	vld.idx.msk [tilespmem:v38+s30+$0x0], $0xffff;
	[tilespmem:s3+$0x0] =	vst v41;
	s3 =	smov.u32 s1  }
0x11a: {  	[tilespmem:s1+$0x10] =	vst v37  }
0x11b: {  	[tilespmem:s1+$0x20] =	vst v36  }
0x11c: {  	[tilespmem:s1+$0x30] =	vst v35  }
0x11d: {  	[tilespmem:s1+$0x40] =	vst v5  }
0x11e: {  	v0 =	vld [tilespmem:$0x1FE10];
	_ =	sdelay $0x1  }
0x11f: {  	s17 =	simm.s32 $0x20;
	v1 =	vld.idx.msk [tilespmem:v1+s30+$0x0], $0xffff  }
0x120: {  	s21 =	simm.s32 $0x0;
	v38 =	vmov s17  }
0x121: {  	v59 =	vmov s21;
	v60 =	vshll.u32 v38, $0x4  }
0x122: {  	s12 =	simm.s32 $0x10;
	v62 =	vlaneseq.u32;
	v5 =	vshll.u32 v59, $0x4;
	[tilespmem:s1+$0x50] =	vst v3;
	v35 =	vor.u32 v0, v60  }
0x123: {  	s31 =	simm.s32 $0x0;
	v58 =	vmov s12;
	[tilespmem:s1+$0x60] =	vst v2;
	v37 =	vor.u32 v0, v5;
	v3 =	vor.u32 v62, v35  }
0x124: {  	s2 =	simm.s32 $0x30;
	s8 =	sand.u32 $0x1C00, s31;
	s17 =	sand.u32 $0x60, s17;
	v39 =	vshll.u32 v58, $0x4;
	[tilespmem:s3+$0x0] =	vst v1;
	v2 =	vor.u32 v62, v37  }
0x125: {  	v57 =	vmov s2;
	s26 =	sand.u32 $0x40, s21;
	s17 =	sor.u32 s8, s17;
	_ =	swait.ge [sflag:s23], $0x2800;
	v36 =	vor.u32 v0, v39  }
0x126: {  	s25 =	sand.u32 $0x50, s12;
	v61 =	vshll.u32 v57, $0x4;
	s12 =	sor.u32 s26, s8;
	v42 =	vadd.s32 s17, v12;
	[sflag:s23] =	ssyncset.done $0x0;
	v5 =	vor.u32 v62, v36  }
0x127: {  	v41 =	vadd.s32 s12, v12;
	v42 =	vand.u32 $0x3FE8, v42;
	v38 =	vor.u32 v0, v61;
	[sflag:s23] =	ssyncadd.s32 $0xFFFFD800  }
0x128: {  	s2 =	sand.u32 $0x70, s2;
	s25 =	sor.u32 s8, s25;
	v41 =	vand.u32 $0x3FC8, v41;
	v42 =	vor.u32 v4, v42;
	v1 =	vor.u32 v62, v38;
	v3 =	vld.idx.msk [tilespmem:v3+s13+$0x0], $0xffff  }
0x129: {  	s26 =	sor.u32 s8, s2;
	v43 =	vadd.s32 s25, v12;
	v41 =	vor.u32 v4, v41;
	v45 =	vor.u32 v47, v35;
	v2 =	vld.idx.msk [tilespmem:v2+s13+$0x0], $0xffff  }
0x12a: {  	v44 =	vadd.s32 s26, v12;
	v46 =	vadd.s32 s12, v32;
	v43 =	vand.u32 $0x3FD8, v43  }
0x12b: {  	v48 =	vadd.s32 s25, v32;
	v43 =	vor.u32 v4, v43;
	v63 =	vor.u32 v47, v37;
	v5 =	vld.idx.msk [tilespmem:v5+s13+$0x0], $0xffff  }
0x12c: {  	v50 =	vadd.s32 s17, v32;
	v44 =	vand.u32 $0x3FF8, v44;
	v40 =	vor.u32 v47, v36  }
0x12d: {  	v49 =	vadd.s32 s26, v32;
	v50 =	vand.u32 $0x3FE8, v50;
	v44 =	vor.u32 v4, v44;
	v1 =	vld.idx.msk [tilespmem:v1+s13+$0x0], $0xffff;
	[tilespmem:v42+s24+$0x0] =	vst.idx.msk $0xffff, v3  }
0x12e: {  	v50 =	vor.u32 v4, v50;
	v56 =	vor.u32 v47, v38;
	[tilespmem:v41+s24+$0x0] =	vst.idx.msk $0xffff, v2;
	v2 =	vld.idx.msk [tilespmem:v45+s13+$0x0], $0xffff  }
0x12f: {  	v58 =	vadd.s32 s12, v33;
	v46 =	vand.u32 $0x3FC8, v46;
	v57 =	vor.u32 v13, v35  }
0x130: {  	v59 =	vadd.s32 s25, v33;
	v48 =	vand.u32 $0x3FD8, v48;
	v46 =	vor.u32 v4, v46;
	[tilespmem:v43+s24+$0x0] =	vst.idx.msk $0xffff, v5;
	v39 =	vld.idx.msk [tilespmem:v63+s13+$0x0], $0xffff  }
0x131: {  	v49 =	vand.u32 $0x3FF8, v49;
	v51 =	vor.u32 v13, v37;
	v3 =	vor.u32 v4, v48;
	v40 =	vld.idx.msk [tilespmem:v40+s13+$0x0], $0xffff  }
0x132: {  	v49 =	vor.u32 v4, v49;
	v52 =	vor.u32 v13, v36;
	v5 =	vadd.s32 s17, v33;
	[tilespmem:v44+s24+$0x0] =	vst.idx.msk $0xffff, v1  }
0x133: {  	v60 =	vadd.s32 s26, v33;
	v53 =	vor.u32 v15, v37;
	v1 =	vand.u32 $0x3FE8, v5;
	v44 =	vld.idx.msk [tilespmem:v56+s13+$0x0], $0xffff;
	[tilespmem:v50+s24+$0x0] =	vst.idx.msk $0xffff, v2  }
0x134: {  	v48 =	vand.u32 $0x3FC8, v58;
	v45 =	vor.u32 v13, v38;
	v1 =	vor.u32 v4, v1;
	v63 =	vld.idx.msk [tilespmem:v57+s13+$0x0], $0xffff  }
0x135: {  	v61 =	vadd.s32 s12, v6;
	v43 =	vor.u32 v4, v48;
	v48 =	vor.u32 v15, v35;
	[tilespmem:v46+s24+$0x0] =	vst.idx.msk $0xffff, v39  }
0x136: {  	v62 =	vadd.s32 s25, v6;
	v54 =	vor.u32 v15, v38;
	v41 =	vand.u32 $0x3FD8, v59;
	[tilespmem:v3+s24+$0x0] =	vst.idx.msk $0xffff, v40;
	v3 =	vld.idx.msk [tilespmem:v51+s13+$0x0], $0xffff  }
0x137: {  	v55 =	vand.u32 $0x3FC8, v61;
	v61 =	vadd.s32 s26, v18;
	v41 =	vor.u32 v4, v41;
	v59 =	vld.idx.msk [tilespmem:v52+s13+$0x0], $0xffff  }
0x138: {  	v58 =	vadd.s32 s17, v6;
	v5 =	vand.u32 $0x3FF8, v60;
	v2 =	vor.u32 v15, v36;
	[tilespmem:v49+s24+$0x0] =	vst.idx.msk $0xffff, v44  }
0x139: {  	v56 =	vand.u32 $0x3FD8, v62;
	v42 =	vand.u32 $0x3FE8, v58;
	v5 =	vor.u32 v4, v5;
	v45 =	vld.idx.msk [tilespmem:v45+s13+$0x0], $0xffff;
	[tilespmem:v1+s24+$0x0] =	vst.idx.msk $0xffff, v63  }
0x13a: {  	v60 =	vadd.s32 s12, v18;
	v62 =	vadd.s32 s17, v18;
	v42 =	vor.u32 v4, v42;
	v48 =	vld.idx.msk [tilespmem:v48+s13+$0x0], $0xffff  }
0x13b: {  	v58 =	vadd.s32 s17, v16;
	v50 =	vand.u32 $0x3FC8, v60;
	v52 =	vor.u32 v20, v35;
	[tilespmem:v43+s24+$0x0] =	vst.idx.msk $0xffff, v3  }
0x13c: {  	v40 =	vor.u32 v4, v55;
	v43 =	vor.u32 v4, v50;
	[tilespmem:v41+s24+$0x0] =	vst.idx.msk $0xffff, v59;
	v50 =	vld.idx.msk [tilespmem:v53+s13+$0x0], $0xffff  }
0x13d: {  	v44 =	vor.u32 v4, v56;
	v49 =	vor.u32 v20, v37;
	v57 =	vadd.s32 s26, v6;
	v2 =	vld.idx.msk [tilespmem:v2+s13+$0x0], $0xffff  }
0x13e: {  	v55 =	vadd.s32 s25, v18;
	v51 =	vor.u32 v20, v36;
	v47 =	vand.u32 $0x3FF8, v57;
	[tilespmem:v5+s24+$0x0] =	vst.idx.msk $0xffff, v45  }
0x13f: {  	v39 =	vand.u32 $0x3FF8, v61;
	v46 =	vor.u32 v4, v47;
	v5 =	vand.u32 $0x3FE8, v62;
	v54 =	vld.idx.msk [tilespmem:v54+s13+$0x0], $0xffff;
	[tilespmem:v42+s24+$0x0] =	vst.idx.msk $0xffff, v48  }
0x140: {  	v60 =	vadd.s32 s25, v16;
	v1 =	vor.u32 v20, v38;
	v5 =	vor.u32 v4, v5;
	v52 =	vld.idx.msk [tilespmem:v52+s13+$0x0], $0xffff  }
0x141: {  	v56 =	vadd.s32 s26, v16;
	v39 =	vor.u32 v4, v39;
	v62 =	vor.u32 v19, v35;
	[tilespmem:v40+s24+$0x0] =	vst.idx.msk $0xffff, v50  }
0x142: {  	v61 =	vand.u32 $0x3FD8, v60;
	v60 =	vadd.s32 s25, v23;
	v3 =	vand.u32 $0x3FD8, v55;
	[tilespmem:v44+s24+$0x0] =	vst.idx.msk $0xffff, v2;
	v49 =	vld.idx.msk [tilespmem:v49+s13+$0x0], $0xffff  }
0x143: {  	v57 =	vand.u32 $0x3FF8, v56;
	v3 =	vor.u32 v4, v3;
	v53 =	vor.u32 v19, v37;
	v51 =	vld.idx.msk [tilespmem:v51+s13+$0x0], $0xffff  }
0x144: {  	v56 =	vor.u32 v27, v36;
	v41 =	vor.u32 v19, v36;
	v63 =	vadd.s32 s12, v16;
	[tilespmem:v46+s24+$0x0] =	vst.idx.msk $0xffff, v54  }
0x145: {  	v45 =	vor.u32 v19, v38;
	v55 =	vand.u32 $0x3FC8, v63;
	v46 =	vand.u32 $0x3FE8, v58;
	v1 =	vld.idx.msk [tilespmem:v1+s13+$0x0], $0xffff;
	[tilespmem:v5+s24+$0x0] =	vst.idx.msk $0xffff, v52  }
0x146: {  	v48 =	vor.u32 v4, v55;
	v55 =	vor.u32 v27, v37;
	v46 =	vor.u32 v4, v46;
	v47 =	vld.idx.msk [tilespmem:v62+s13+$0x0], $0xffff  }
0x147: {  	v59 =	vadd.s32 s26, v25;
	v42 =	vor.u32 v4, v61;
	v52 =	vor.u32 v27, v35;
	[tilespmem:v43+s24+$0x0] =	vst.idx.msk $0xffff, v49  }
0x148: {  	v63 =	vadd.s32 s12, v25;
	v50 =	vor.u32 v4, v57;
	v5 =	vadd.s32 s12, v23;
	[tilespmem:v3+s24+$0x0] =	vst.idx.msk $0xffff, v51;
	v53 =	vld.idx.msk [tilespmem:v53+s13+$0x0], $0xffff  }
0x149: {  	v2 =	vadd.s32 s25, v25;
	v44 =	vor.u32 v27, v38;
	v3 =	vand.u32 $0x3FC8, v5;
	v41 =	vld.idx.msk [tilespmem:v41+s13+$0x0], $0xffff  }
0x14a: {  	v40 =	vand.u32 $0x3FC8, v63;
	[tilespmem:v39+s24+$0x0] =	vst.idx.msk $0xffff, v1;
	v1 =	vor.u32 v4, v3;
	v3 =	vadd.s32 s17, v25  }
0x14b: {  	v61 =	vadd.s32 s26, v23;
	v5 =	vand.u32 $0x3FD8, v60;
	v45 =	vld.idx.msk [tilespmem:v45+s13+$0x0], $0xffff;
	v3 =	vand.u32 $0x3FE8, v3;
	[tilespmem:v46+s24+$0x0] =	vst.idx.msk $0xffff, v47  }
0x14c: {  	v62 =	vand.u32 $0x3FF8, v61;
	v60 =	vadd.s32 s26, v7;
	v3 =	vor.u32 v4, v3;
	v49 =	vld.idx.msk [tilespmem:v52+s13+$0x0], $0xffff  }
0x14d: {  	v40 =	vor.u32 v4, v40;
	v39 =	vor.u32 v4, v62;
	v62 =	vand.u32 $0x3FF8, v60;
	[tilespmem:v48+s24+$0x0] =	vst.idx.msk $0xffff, v53  }
0x14e: {  	v0 =	vor.u32 v4, v62;
	[tilespmem:v42+s24+$0x0] =	vst.idx.msk $0xffff, v41;
	v52 =	vor.u32 v31, v35;
	v55 =	vld.idx.msk [tilespmem:v55+s13+$0x0], $0xffff  }
0x14f: {  	v54 =	vand.u32 $0x3FF8, v59;
	v57 =	vor.u32 v31, v37;
	v2 =	vand.u32 $0x3FD8, v2;
	v53 =	vld.idx.msk [tilespmem:v56+s13+$0x0], $0xffff;
	[tilespmem:$0x1FDB0] =	vst v0  }
0x150: {  	v63 =	vadd.s32 s12, v7;
	v54 =	vor.u32 v4, v54;
	v2 =	vor.u32 v4, v2;
	[tilespmem:v50+s24+$0x0] =	vst.idx.msk $0xffff, v45  }
0x151: {  	v47 =	vand.u32 $0x3FC8, v63;
	v63 =	vadd.s32 s17, v23;
	v0 =	vor.u32 v8, v38;
	v44 =	vld.idx.msk [tilespmem:v44+s13+$0x0], $0xffff;
	[tilespmem:v3+s24+$0x0] =	vst.idx.msk $0xffff, v49  }
0x152: {  	v43 =	vor.u32 v31, v36;
	v3 =	vand.u32 $0x3FE8, v63;
	[tilespmem:$0x1FDC0] =	vst v0  }
0x153: {  	v3 =	vor.u32 v4, v3;
	v52 =	vld.idx.msk [tilespmem:v52+s13+$0x0], $0xffff;
	[tilespmem:v40+s24+$0x0] =	vst.idx.msk $0xffff, v55  }
0x154: {  	v58 =	vor.u32 v31, v38;
	v55 =	vld.idx.msk [tilespmem:v57+s13+$0x0], $0xffff  }
0x155: {  	v18 =	vor.u32 v9, v38;
	v50 =	vor.u32 v14, v35;
	[tilespmem:v2+s24+$0x0] =	vst.idx.msk $0xffff, v53  }
0x156: {  	v59 =	vadd.s32 s25, v7;
	v51 =	vor.u32 v14, v36;
	v46 =	vor.u32 v14, v37;
	[tilespmem:v54+s24+$0x0] =	vst.idx.msk $0xffff, v44  }
0x157: {  	v61 =	vand.u32 $0x3FD8, v59;
	v5 =	vor.u32 v4, v5;
	v2 =	vadd.s32 s12, v10;
	v43 =	vld.idx.msk [tilespmem:v43+s13+$0x0], $0xffff;
	[tilespmem:$0x1FDD0] =	vst v18  }
0x158: {  	v41 =	vor.u32 v4, v61;
	v42 =	vadd.s32 s25, v22;
	v2 =	vand.u32 $0x3FC8, v2;
	[tilespmem:v3+s24+$0x0] =	vst.idx.msk $0xffff, v52  }
0x159: {  	v61 =	vadd.s32 s17, v7;
	v63 =	vand.u32 $0x3FD8, v42;
	v62 =	vld.idx.msk [tilespmem:v58+s13+$0x0], $0xffff;
	[tilespmem:v1+s24+$0x0] =	vst.idx.msk $0xffff, v55;
	v1 =	vor.u32 v4, v2  }
0x15a: {  	v40 =	vor.u32 v4, v63;
	v63 =	vand.u32 $0x3FE8, v61;
	v18 =	vor.u32 v26, v37;
	v50 =	vld.idx.msk [tilespmem:v50+s13+$0x0], $0xffff;
	[tilespmem:$0x1FDE0] =	vst v1  }
0x15b: {  	v52 =	vor.u32 v4, v63;
	v46 =	vld.idx.msk [tilespmem:v46+s13+$0x0], $0xffff;
	[tilespmem:$0x1FDF0] =	vst v18  }
0x15c: {  	v47 =	vor.u32 v4, v47;
	[tilespmem:v5+s24+$0x0] =	vst.idx.msk $0xffff, v43  }
0x15d: {  	v43 =	vld.idx.msk [tilespmem:v51+s13+$0x0], $0xffff;
	_ =	sdelay $0x1  }
0x15e: {  	[tilespmem:v39+s24+$0x0] =	vst.idx.msk $0xffff, v62  }
0x15f: {  	[tilespmem:v52+s24+$0x0] =	vst.idx.msk $0xffff, v50  }
0x160: {  	v48 =	vor.u32 v14, v38;
	[tilespmem:v47+s24+$0x0] =	vst.idx.msk $0xffff, v46  }
0x161: {  	[tilespmem:v41+s24+$0x0] =	vst.idx.msk $0xffff, v43  }
0x162: {  	v5 =	vld [tilespmem:$0x1FDB0];
	_ =	sdelay $0x2  }
0x163: {  	v2 =	vor.u32 v8, v35;
	v48 =	vld.idx.msk [tilespmem:v48+s13+$0x0], $0xffff  }
0x164: {  	v3 =	vadd.s32 s26, v10  }
0x165: {  	v3 =	vand.u32 $0x3FF8, v3;
	v1 =	vadd.s32 s12, v30  }
0x166: {  	v19 =	vor.u32 v4, v3;
	v3 =	vadd.s32 s25, v30;
	v1 =	vand.u32 $0x3FC8, v1  }
0x167: {  	v3 =	vand.u32 $0x3FD8, v3;
	v62 =	vor.u32 v4, v1;
	v1 =	vadd.s32 s17, v22  }
0x168: {  	v61 =	vor.u32 v4, v3;
	v3 =	vld.idx.msk [tilespmem:v2+s13+$0x0], $0xffff;
	v2 =	vand.u32 $0x3FE8, v1;
	[tilespmem:v5+s24+$0x0] =	vst.idx.msk $0xffff, v48  }
0x169: {  	v56 =	vor.u32 v8, v37;
	v45 =	vor.u32 v8, v36;
	v8 =	vor.u32 v4, v2;
	v5 =	vld [tilespmem:$0x1FDC0]  }
0x16a: {  	v59 =	vadd.s32 s12, v22  }
0x16b: {  	v60 =	vadd.s32 s26, v22;
	v59 =	vand.u32 $0x3FC8, v59;
	v50 =	vor.u32 v9, v35  }
0x16c: {  	v49 =	vor.u32 v4, v59;
	v59 =	vand.u32 $0x3FF8, v60  }
0x16d: {  	v60 =	vadd.s32 s25, v10;
	v0 =	vor.u32 v4, v59;
	v59 =	vadd.s32 s12, v17  }
0x16e: {  	v58 =	vadd.s32 s26, v30;
	v47 =	vld.idx.msk [tilespmem:v56+s13+$0x0], $0xffff;
	[tilespmem:v8+s24+$0x0] =	vst.idx.msk $0xffff, v3;
	v3 =	vadd.s32 s17, v10  }
0x16f: {  	v44 =	vand.u32 $0x3FD8, v60;
	v39 =	vand.u32 $0x3FF8, v58;
	v43 =	vld.idx.msk [tilespmem:v45+s13+$0x0], $0xffff;
	v3 =	vand.u32 $0x3FE8, v3  }
0x170: {  	v60 =	vor.u32 v4, v39;
	v39 =	vand.u32 $0x3FC8, v59;
	v45 =	vld.idx.msk [tilespmem:v50+s13+$0x0], $0xffff;
	v3 =	vor.u32 v4, v3  }
0x171: {  	v59 =	vor.u32 v4, v39;
	v39 =	vld.idx.msk [tilespmem:v5+s13+$0x0], $0xffff;
	_ =	sdelay $0x1  }
0x172: {  	[tilespmem:v49+s24+$0x0] =	vst.idx.msk $0xffff, v47  }
0x173: {  	[tilespmem:v40+s24+$0x0] =	vst.idx.msk $0xffff, v43  }
0x174: {  	[tilespmem:v3+s24+$0x0] =	vst.idx.msk $0xffff, v45  }
0x175: {  	[tilespmem:v0+s24+$0x0] =	vst.idx.msk $0xffff, v39  }
0x176: {  	v0 =	vld [tilespmem:$0x1FDD0];
	_ =	sdelay $0x6  }
0x177: {  	v42 =	vor.u32 v9, v37  }
0x178: {  	v7 =	vld.idx.msk [tilespmem:v0+s13+$0x0], $0xffff  }
0x179: {  	v0 =	vld [tilespmem:$0x1FDE0];
	_ =	sdelay $0x1  }
0x17a: {  	v53 =	vor.u32 v9, v36  }
0x17b: {  	v43 =	vor.u32 v26, v35;
	v42 =	vld.idx.msk [tilespmem:v42+s13+$0x0], $0xffff;
	_ =	sdelay $0x2  }
0x17c: {  	v46 =	vadd.s32 s17, v30  }
0x17d: {  	v44 =	vor.u32 v4, v44;
	v9 =	vadd.s32 s25, v17;
	v40 =	vand.u32 $0x3FE8, v46;
	v49 =	vld.idx.msk [tilespmem:v53+s13+$0x0], $0xffff  }
0x17e: {  	v54 =	vadd.s32 s26, v17;
	v55 =	vand.u32 $0x3FD8, v9;
	v22 =	vld.idx.msk [tilespmem:v43+s13+$0x0], $0xffff;
	[tilespmem:v0+s24+$0x0] =	vst.idx.msk $0xffff, v42;
	v0 =	vor.u32 v4, v40  }
0x17f: {  	v9 =	vadd.s32 s25, v11;
	v41 =	vand.u32 $0x3FF8, v54;
	v8 =	vadd.s32 s12, v11;
	[tilespmem:$0x1FE00] =	vst v0;
	v0 =	vld [tilespmem:$0x1FFC0]  }
0x180: {  	v57 =	vor.u32 v4, v41;
	v11 =	vadd.s32 s26, v11;
	v41 =	vand.u32 $0x3FC8, v8  }
0x181: {  	v8 =	vand.u32 $0x3FD8, v9;
	v9 =	vand.u32 $0x3FF8, v11;
	v52 =	vor.u32 v4, v41  }
0x182: {  	v41 =	vadd.s32 s12, v21;
	v47 =	vor.u32 v4, v9;
	v9 =	vadd.s32 s26, v21  }
0x183: {  	v11 =	vadd.s32 s25, v21;
	v3 =	vand.u32 $0x3FC8, v41;
	v41 =	vand.u32 $0x3FF8, v9;
	[tilespmem:v44+s24+$0x0] =	vst.idx.msk $0xffff, v49  }
0x184: {  	v46 =	vor.u32 v4, v3;
	v39 =	vand.u32 $0x3FD8, v11;
	v3 =	vld [tilespmem:$0x1FDF0];
	[tilespmem:v19+s24+$0x0] =	vst.idx.msk $0xffff, v7;
	v11 =	vadd.s32 s25, v0  }
0x185: {  	v5 =	vadd.s32 s12, v0;
	v9 =	vand.u32 $0x3FD8, v11;
	v11 =	vadd.s32 s26, v0;
	v0 =	vld [tilespmem:$0x1FE00]  }
0x186: {  	v27 =	vmovc v23;
	v23 =	vor.u32 v26, v36;
	v63 =	vor.u32 v24, v36;
	v18 =	vor.u32 v26, v38  }
0x187: {  	v51 =	vor.u32 v29, v36;
	v1 =	vor.u32 v24, v37;
	v2 =	vor.u32 v24, v38  }
0x188: {  	v58 =	vor.u32 v4, v55;
	v55 =	vor.u32 v28, v36;
	v56 =	vor.u32 v28, v37  }
0x189: {  	v54 =	vor.u32 v28, v38;
	v28 =	vmovc v10;
	v50 =	vor.u32 v4, v8;
	v8 =	vor.u32 v24, v35  }
0x18a: {  	v48 =	vor.u32 v29, v38;
	v53 =	vor.u32 v29, v37;
	v24 =	vmovc v25;
	v25 =	vmovc v31;
	v31 =	vmov v30  }
0x18b: {  	v43 =	vor.u32 v34, v38;
	v45 =	vor.u32 v4, v39;
	v42 =	vor.u32 v4, v41;
	v38 =	vld.idx.msk [tilespmem:v23+s13+$0x0], $0xffff  }
0x18c: {  	v30 =	vmovc v26;
	v49 =	vor.u32 v34, v37;
	v44 =	vor.u32 v34, v36;
	v34 =	vadd.s32 s17, v17;
	v36 =	vld.idx.msk [tilespmem:v18+s13+$0x0], $0xffff  }
0x18d: {  	v37 =	vand.u32 $0x3FE8, v34;
	v23 =	vmovc v6;
	v5 =	vand.u32 $0x3FC8, v5;
	v39 =	vand.u32 $0x3FF8, v11;
	v3 =	vld.idx.msk [tilespmem:v3+s13+$0x0], $0xffff;
	[tilespmem:v0+s24+$0x0] =	vst.idx.msk $0xffff, v22  }
0x18e: {  	s3 =	simm.s32 $0x0;
	s12 =	simm.s32 $0x70;
	v41 =	vor.u32 v4, v5;
	v40 =	vor.u32 v4, v9;
	v39 =	vor.u32 v4, v39;
	v5 =	vld.idx.msk [tilespmem:v8+s13+$0x0], $0xffff  }
.LBB2_9:
0x18f: {  	v34 =	vld [tilespmem:$0x1FFF0]  }
0x190: {  	v0 =	vld [tilespmem:$0x1FE10]  }
0x191: {  	v18 =	vld [tilespmem:$0x1FFA0]  }
0x192: {  	s1 =	sadd.s32 $0xFFFFFFE0, s12;
	s2 =	sadd.s32 $0xFFFFFFF0, s12;
	v6 =	vmov s12;
	s21 =	sadd.s32 $0xFFFFFFD0, s12;
	v17 =	vld [tilespmem:$0x1FEA0]  }
0x193: {  	s31 =	sadd.s32 $0x200, s31;
	v19 =	vld [tilespmem:$0x1FEB0];
	v8 =	vmov s1;
	v9 =	vmov s2;
	v10 =	vmov s21  }
0x194: {  	v29 =	vld [tilespmem:$0x1FFB0];
	s21 =	sand.u32 $0x40, s21;
	v6 =	vshll.u32 v6, $0x4;
	s8 =	sand.u32 $0x1C00, s31;
	v11 =	vshll.u32 v10, $0x4;
	[tilespmem:v62+s24+$0x0] =	vst.idx.msk $0xffff, v3;
	v3 =	vor.u32 v4, v37  }
0x195: {  	[tilespmem:v61+s24+$0x0] =	vst.idx.msk $0xffff, v38;
	s21 =	sor.u32 s21, s8;
	v37 =	vshll.u32 v8, $0x4;
	v62 =	vshll.u32 v9, $0x4;
	v8 =	vlaneseq.u32;
	v1 =	vld.idx.msk [tilespmem:v1+s13+$0x0], $0xffff  }
0x196: {  	v21 =	vld [tilespmem:$0x1FFC0];
	s2 =	sand.u32 $0x60, s2;
	[tilespmem:v60+s24+$0x0] =	vst.idx.msk $0xffff, v36;
	v10 =	vadd.s32 s21, v12;
	v61 =	vor.u32 v34, v35;
	v38 =	vor.u32 v0, v11  }
0x197: {  	s2 =	sor.u32 s8, s2;
	v60 =	vor.u32 v0, v62;
	v2 =	vld.idx.msk [tilespmem:v2+s13+$0x0], $0xffff;
	v36 =	vor.u32 v0, v37;
	v7 =	vor.u32 v8, v38  }
0x198: {  	s1 =	sand.u32 $0x50, s1;
	v37 =	vor.u32 v0, v6;
	v0 =	vld [tilespmem:$0x1FE30];
	v11 =	vadd.s32 s2, v12;
	v62 =	vor.u32 v8, v60  }
0x199: {  	s25 =	sor.u32 s8, s1;
	v63 =	vld.idx.msk [tilespmem:v63+s13+$0x0], $0xffff;
	v6 =	vor.u32 v8, v37;
	v11 =	vand.u32 $0x3FE8, v11;
	[tilespmem:v3+s24+$0x0] =	vst.idx.msk $0xffff, v5;
	v3 =	vadd.s32 s17, v18  }
0x19a: {  	v5 =	vor.u32 v8, v36;
	v3 =	vand.u32 $0x3FE8, v3;
	[tilespmem:v59+s24+$0x0] =	vst.idx.msk $0xffff, v1;
	v59 =	vadd.s32 s25, v12;
	v12 =	vld [tilespmem:$0x1FE20]  }
0x19b: {  	v10 =	vand.u32 $0x3FC8, v10;
	v11 =	vor.u32 v4, v11;
	v61 =	vld.idx.msk [tilespmem:v61+s13+$0x0], $0xffff;
	v3 =	vor.u32 v4, v3  }
0x19c: {  	v1 =	vor.u32 v17, v35;
	[tilespmem:v57+s24+$0x0] =	vst.idx.msk $0xffff, v2;
	v2 =	vor.u32 v4, v10;
	v7 =	vld.idx.msk [tilespmem:v7+s13+$0x0], $0xffff  }
0x19d: {  	s26 =	sand.u32 $0x70, s12;
	v8 =	vor.u32 v0, v38;
	v9 =	vor.u32 v0, v36;
	v10 =	vor.u32 v0, v60;
	v62 =	vld.idx.msk [tilespmem:v62+s13+$0x0], $0xffff  }
0x19e: {  	s26 =	sor.u32 s8, s26;
	[tilespmem:v58+s24+$0x0] =	vst.idx.msk $0xffff, v63;
	v57 =	vadd.s32 s21, v32;
	v63 =	vand.u32 $0x3FD8, v59;
	v6 =	vld.idx.msk [tilespmem:v6+s13+$0x0], $0xffff;
	v59 =	vor.u32 v0, v37  }
0x19f: {  	v57 =	vand.u32 $0x3FC8, v57;
	v58 =	vor.u32 v4, v63;
	v5 =	vld.idx.msk [tilespmem:v5+s13+$0x0], $0xffff;
	v12 =	vadd.s32 s26, v12  }
0x1a0: {  	v56 =	vld.idx.msk [tilespmem:v56+s13+$0x0], $0xffff;
	v57 =	vor.u32 v4, v57;
	v12 =	vand.u32 $0x3FF8, v12;
	[tilespmem:v3+s24+$0x0] =	vst.idx.msk $0xffff, v61;
	v3 =	vadd.s32 s17, v19  }
0x1a1: {  	[tilespmem:v2+s24+$0x0] =	vst.idx.msk $0xffff, v7;
	v12 =	vor.u32 v4, v12;
	v1 =	vld.idx.msk [tilespmem:v1+s13+$0x0], $0xffff;
	v3 =	vand.u32 $0x3FE8, v3  }
0x1a2: {  	v63 =	vadd.s32 s26, v32;
	[tilespmem:v11+s24+$0x0] =	vst.idx.msk $0xffff, v62;
	v11 =	vadd.s32 s2, v32;
	v8 =	vld.idx.msk [tilespmem:v8+s13+$0x0], $0xffff;
	v3 =	vor.u32 v4, v3  }
0x1a3: {  	v61 =	vadd.s32 s25, v32;
	v62 =	vor.u32 v29, v35;
	v7 =	vld.idx.msk [tilespmem:v10+s13+$0x0], $0xffff;
	v10 =	vand.u32 $0x3FE8, v11  }
0x1a4: {  	v55 =	vld.idx.msk [tilespmem:v55+s13+$0x0], $0xffff;
	v2 =	vand.u32 $0x3FD8, v61;
	v61 =	vand.u32 $0x3FF8, v63;
	[tilespmem:v58+s24+$0x0] =	vst.idx.msk $0xffff, v5;
	v5 =	vor.u32 v4, v10  }
0x1a5: {  	v26 =	vld [tilespmem:$0x1FF00];
	v35 =	vmovc v60;
	v60 =	vadd.s32 s25, v33;
	v2 =	vor.u32 v4, v2;
	v11 =	vor.u32 v4, v61  }
0x1a6: {  	v61 =	vor.u32 v13, v37;
	v10 =	vor.u32 v13, v35;
	v9 =	vld.idx.msk [tilespmem:v9+s13+$0x0], $0xffff;
	[tilespmem:v12+s24+$0x0] =	vst.idx.msk $0xffff, v6  }
0x1a7: {  	v0 =	vld [tilespmem:$0x1FEF0];
	v63 =	vadd.s32 s21, v23;
	v58 =	vor.u32 v13, v36;
	[tilespmem:v3+s24+$0x0] =	vst.idx.msk $0xffff, v1;
	v3 =	vor.u32 v13, v38  }
0x1a8: {  	v6 =	vadd.s32 s21, v33;
	[tilespmem:v57+s24+$0x0] =	vst.idx.msk $0xffff, v8;
	v8 =	vor.u32 v15, v35;
	v12 =	vld.idx.msk [tilespmem:v59+s13+$0x0], $0xffff;
	v1 =	vadd.s32 s17, v21;
	s17 =	smov.u32 s2  }
0x1a9: {  	v57 =	vand.u32 $0x3FC8, v63;
	v59 =	vld.idx.msk [tilespmem:v62+s13+$0x0], $0xffff;
	v1 =	vand.u32 $0x3FE8, v1;
	[tilespmem:v5+s24+$0x0] =	vst.idx.msk $0xffff, v7;
	v5 =	vadd.s32 s17, v33  }
0x1aa: {  	v54 =	vld.idx.msk [tilespmem:v54+s13+$0x0], $0xffff;
	v6 =	vand.u32 $0x3FC8, v6;
	v1 =	vor.u32 v4, v1;
	v5 =	vand.u32 $0x3FE8, v5  }
0x1ab: {  	v7 =	vadd.s32 s26, v33;
	v62 =	vand.u32 $0x3FD8, v60;
	v10 =	vld.idx.msk [tilespmem:v10+s13+$0x0], $0xffff;
	[tilespmem:v2+s24+$0x0] =	vst.idx.msk $0xffff, v9;
	v2 =	vor.u32 v4, v5  }
0x1ac: {  	v6 =	vor.u32 v4, v6;
	v60 =	vadd.s32 s26, v23;
	v7 =	vand.u32 $0x3FF8, v7;
	v3 =	vld.idx.msk [tilespmem:v3+s13+$0x0], $0xffff  }
0x1ad: {  	v9 =	vor.u32 v15, v38;
	v5 =	vor.u32 v4, v62;
	[tilespmem:v11+s24+$0x0] =	vst.idx.msk $0xffff, v12;
	v11 =	vld.idx.msk [tilespmem:v58+s13+$0x0], $0xffff  }
0x1ae: {  	v63 =	vadd.s32 s26, v0;
	v60 =	vand.u32 $0x3FF8, v60;
	v7 =	vor.u32 v4, v7;
	[tilespmem:v52+s24+$0x0] =	vst.idx.msk $0xffff, v56;
	v58 =	vld.idx.msk [tilespmem:v61+s13+$0x0], $0xffff  }
0x1af: {  	v62 =	vadd.s32 s25, v0;
	v12 =	vadd.s32 s25, v23;
	[tilespmem:v1+s24+$0x0] =	vst.idx.msk $0xffff, v59;
	v1 =	vor.u32 v15, v36  }
0x1b0: {  	v52 =	vor.u32 v4, v57;
	v59 =	vor.u32 v15, v37;
	[tilespmem:v2+s24+$0x0] =	vst.idx.msk $0xffff, v10;
	v2 =	vadd.s32 s17, v23  }
0x1b1: {  	v57 =	vand.u32 $0x3FF8, v63;
	v63 =	vor.u32 v26, v35;
	v53 =	vld.idx.msk [tilespmem:v53+s13+$0x0], $0xffff;
	v2 =	vand.u32 $0x3FE8, v2;
	[tilespmem:v6+s24+$0x0] =	vst.idx.msk $0xffff, v3  }
0x1b2: {  	v56 =	vand.u32 $0x3FD8, v62;
	v12 =	vand.u32 $0x3FD8, v12;
	v8 =	vld.idx.msk [tilespmem:v8+s13+$0x0], $0xffff;
	v2 =	vor.u32 v4, v2;
	[tilespmem:v5+s24+$0x0] =	vst.idx.msk $0xffff, v11  }
0x1b3: {  	v61 =	vor.u32 v20, v35;
	v12 =	vor.u32 v4, v12;
	v9 =	vld.idx.msk [tilespmem:v9+s13+$0x0], $0xffff;
	[tilespmem:v7+s24+$0x0] =	vst.idx.msk $0xffff, v58  }
0x1b4: {  	v10 =	vor.u32 v4, v60;
	v3 =	vor.u32 v20, v38;
	v1 =	vld.idx.msk [tilespmem:v1+s13+$0x0], $0xffff;
	[tilespmem:v50+s24+$0x0] =	vst.idx.msk $0xffff, v55  }
0x1b5: {  	v58 =	vld.idx.msk [tilespmem:v59+s13+$0x0], $0xffff;
	v50 =	vor.u32 v4, v56;
	v55 =	vor.u32 v4, v57;
	v56 =	vor.u32 v26, v38  }
0x1b6: {  	v57 =	vor.u32 v26, v36;
	v59 =	vor.u32 v26, v37;
	[tilespmem:v47+s24+$0x0] =	vst.idx.msk $0xffff, v54;
	v26 =	vld [tilespmem:$0x1FF20]  }
0x1b7: {  	v5 =	vor.u32 v20, v36;
	v51 =	vld.idx.msk [tilespmem:v51+s13+$0x0], $0xffff;
	[tilespmem:v2+s24+$0x0] =	vst.idx.msk $0xffff, v8;
	v2 =	vadd.s32 s17, v0  }
0x1b8: {  	v6 =	vadd.s32 s21, v0;
	v7 =	vor.u32 v20, v37;
	v48 =	vld.idx.msk [tilespmem:v48+s13+$0x0], $0xffff;
	v2 =	vand.u32 $0x3FE8, v2  }
0x1b9: {  	v6 =	vand.u32 $0x3FC8, v6;
	v11 =	vld.idx.msk [tilespmem:v61+s13+$0x0], $0xffff;
	[tilespmem:v52+s24+$0x0] =	vst.idx.msk $0xffff, v9;
	v2 =	vor.u32 v4, v2  }
0x1ba: {  	v62 =	vadd.s32 s26, v16;
	v60 =	vadd.s32 s21, v16;
	v6 =	vor.u32 v4, v6;
	v3 =	vld.idx.msk [tilespmem:v3+s13+$0x0], $0xffff;
	[tilespmem:v12+s24+$0x0] =	vst.idx.msk $0xffff, v1  }
0x1bb: {  	v54 =	vor.u32 v25, v37;
	v8 =	vand.u32 $0x3FC8, v60;
	v0 =	vld [tilespmem:$0x1FF10];
	v61 =	vadd.s32 s25, v16;
	[tilespmem:v10+s24+$0x0] =	vst.idx.msk $0xffff, v58  }
0x1bc: {  	v60 =	vadd.s32 s25, v24;
	v8 =	vor.u32 v4, v8;
	v1 =	vand.u32 $0x3FD8, v61;
	[tilespmem:v46+s24+$0x0] =	vst.idx.msk $0xffff, v53;
	v5 =	vld.idx.msk [tilespmem:v5+s13+$0x0], $0xffff  }
0x1bd: {  	v12 =	vadd.s32 s21, v24;
	v58 =	vand.u32 $0x3FF8, v62;
	v61 =	vadd.s32 s26, v24;
	v7 =	vld.idx.msk [tilespmem:v7+s13+$0x0], $0xffff;
	[tilespmem:v45+s24+$0x0] =	vst.idx.msk $0xffff, v51  }
0x1be: {  	v1 =	vor.u32 v4, v1;
	v10 =	vor.u32 v4, v58;
	v46 =	vld.idx.msk [tilespmem:v49+s13+$0x0], $0xffff;
	[tilespmem:v2+s24+$0x0] =	vst.idx.msk $0xffff, v11  }
0x1bf: {  	v12 =	vand.u32 $0x3FC8, v12;
	v49 =	vor.u32 v25, v38;
	v2 =	vadd.s32 s17, v16;
	[tilespmem:v6+s24+$0x0] =	vst.idx.msk $0xffff, v3;
	v9 =	vld.idx.msk [tilespmem:v63+s13+$0x0], $0xffff  }
0x1c0: {  	v47 =	vor.u32 v0, v38;
	v3 =	vor.u32 v4, v12;
	v2 =	vand.u32 $0x3FE8, v2;
	v12 =	vld.idx.msk [tilespmem:v56+s13+$0x0], $0xffff  }
0x1c1: {  	v62 =	vand.u32 $0x3FD8, v60;
	v52 =	vor.u32 v0, v36;
	[tilespmem:v50+s24+$0x0] =	vst.idx.msk $0xffff, v5;
	v56 =	vld [tilespmem:$0x1FF40];
	v2 =	vor.u32 v4, v2  }
0x1c2: {  	v58 =	vor.u32 v0, v37;
	v11 =	vand.u32 $0x3FF8, v61;
	v6 =	vadd.s32 s21, v27;
	[tilespmem:v55+s24+$0x0] =	vst.idx.msk $0xffff, v7;
	v50 =	vld.idx.msk [tilespmem:v57+s13+$0x0], $0xffff  }
0x1c3: {  	v5 =	vor.u32 v4, v62;
	v63 =	vor.u32 v0, v35;
	v7 =	vor.u32 v4, v11;
	v60 =	vld.idx.msk [tilespmem:v59+s13+$0x0], $0xffff  }
0x1c4: {  	v61 =	vadd.s32 s26, v27;
	v11 =	vor.u32 v25, v36;
	v6 =	vand.u32 $0x3FC8, v6;
	v44 =	vld.idx.msk [tilespmem:v44+s13+$0x0], $0xffff;
	[tilespmem:v42+s24+$0x0] =	vst.idx.msk $0xffff, v48  }
0x1c5: {  	v62 =	vand.u32 $0x3FF8, v61;
	v57 =	vadd.s32 s25, v27;
	v6 =	vor.u32 v4, v6;
	v42 =	vld.idx.msk [tilespmem:v43+s13+$0x0], $0xffff;
	[tilespmem:v8+s24+$0x0] =	vst.idx.msk $0xffff, v12  }
0x1c6: {  	v59 =	vadd.s32 s25, v26;
	v51 =	vand.u32 $0x3FD8, v57;
	v57 =	vld [tilespmem:$0x1FF30];
	[tilespmem:v2+s24+$0x0] =	vst.idx.msk $0xffff, v9;
	v2 =	vadd.s32 s17, v24  }
0x1c7: {  	v43 =	vor.u32 v4, v51;
	v51 =	vand.u32 $0x3FD8, v59;
	v47 =	vld.idx.msk [tilespmem:v47+s13+$0x0], $0xffff;
	v2 =	vand.u32 $0x3FE8, v2  }
0x1c8: {  	v8 =	vor.u32 v14, v38;
	[tilespmem:v1+s24+$0x0] =	vst.idx.msk $0xffff, v50;
	v45 =	vld.idx.msk [tilespmem:v63+s13+$0x0], $0xffff;
	v2 =	vor.u32 v4, v2  }
0x1c9: {  	v12 =	vadd.s32 s21, v26;
	v61 =	vadd.s32 s21, v56;
	v9 =	vor.u32 v4, v62;
	[tilespmem:v10+s24+$0x0] =	vst.idx.msk $0xffff, v60  }
0x1ca: {  	v1 =	vor.u32 v14, v36;
	[tilespmem:v41+s24+$0x0] =	vst.idx.msk $0xffff, v46;
	v63 =	vor.u32 v25, v35;
	v50 =	vld.idx.msk [tilespmem:v52+s13+$0x0], $0xffff  }
0x1cb: {  	v10 =	vor.u32 v14, v37;
	v60 =	vadd.s32 s26, v26;
	v12 =	vand.u32 $0x3FC8, v12;
	v53 =	vld.idx.msk [tilespmem:v58+s13+$0x0], $0xffff;
	[tilespmem:v40+s24+$0x0] =	vst.idx.msk $0xffff, v44  }
0x1cc: {  	v41 =	vor.u32 v4, v51;
	v52 =	vand.u32 $0x3FF8, v60;
	v12 =	vor.u32 v4, v12;
	v58 =	vld [tilespmem:$0x1FF60];
	[tilespmem:v3+s24+$0x0] =	vst.idx.msk $0xffff, v47  }
0x1cd: {  	v51 =	vor.u32 v57, v38;
	v55 =	vor.u32 v57, v37;
	[tilespmem:v2+s24+$0x0] =	vst.idx.msk $0xffff, v45;
	v2 =	vadd.s32 s17, v27  }
0x1ce: {  	v0 =	vmovc v15;
	v46 =	vor.u32 v4, v52;
	v52 =	vor.u32 v57, v36;
	v44 =	vld.idx.msk [tilespmem:v49+s13+$0x0], $0xffff;
	v2 =	vand.u32 $0x3FE8, v2  }
0x1cf: {  	v62 =	vadd.s32 s26, v56;
	v3 =	vadd.s32 s25, v56;
	[tilespmem:v5+s24+$0x0] =	vst.idx.msk $0xffff, v50;
	v48 =	vld.idx.msk [tilespmem:v63+s13+$0x0], $0xffff;
	v2 =	vor.u32 v4, v2  }
0x1d0: {  	v15 =	vmovc v13;
	v3 =	vand.u32 $0x3FD8, v3;
	v5 =	vor.u32 v14, v35;
	[tilespmem:v7+s24+$0x0] =	vst.idx.msk $0xffff, v53;
	v7 =	vand.u32 $0x3FF8, v62  }
0x1d1: {  	v40 =	vor.u32 v58, v38;
	v50 =	vor.u32 v58, v36;
	v13 =	vor.u32 v58, v37;
	v11 =	vld.idx.msk [tilespmem:v11+s13+$0x0], $0xffff  }
0x1d2: {  	v53 =	vadd.s32 s21, v31;
	v45 =	vand.u32 $0x3FC8, v61;
	v3 =	vor.u32 v4, v3;
	v60 =	vld.idx.msk [tilespmem:v54+s13+$0x0], $0xffff  }
0x1d3: {  	v49 =	vld [tilespmem:$0x1FF90];
	v7 =	vor.u32 v4, v7;
	v61 =	vadd.s32 s25, v28;
	v54 =	vor.u32 v57, v35;
	[tilespmem:v6+s24+$0x0] =	vst.idx.msk $0xffff, v44  }
0x1d4: {  	v22 =	vld [tilespmem:$0x1FE90];
	v45 =	vor.u32 v4, v45;
	v63 =	vadd.s32 s21, v28;
	[tilespmem:v2+s24+$0x0] =	vst.idx.msk $0xffff, v48;
	v2 =	vadd.s32 s17, v26  }
0x1d5: {  	[tilespmem:v39+s24+$0x0] =	vst.idx.msk $0xffff, v42;
	v62 =	vand.u32 $0x3FC8, v63;
	v63 =	vadd.s32 s26, v28;
	v8 =	vld.idx.msk [tilespmem:v8+s13+$0x0], $0xffff;
	v2 =	vand.u32 $0x3FE8, v2  }
0x1d6: {  	v39 =	vand.u32 $0x3FC8, v53;
	v42 =	vand.u32 $0x3FF8, v63;
	[tilespmem:v43+s24+$0x0] =	vst.idx.msk $0xffff, v11;
	v5 =	vld.idx.msk [tilespmem:v5+s13+$0x0], $0xffff;
	v2 =	vor.u32 v4, v2  }
0x1d7: {  	v6 =	vor.u32 v4, v62;
	v44 =	vor.u32 v30, v38;
	[tilespmem:v9+s24+$0x0] =	vst.idx.msk $0xffff, v60;
	v57 =	vld.idx.msk [tilespmem:v1+s13+$0x0], $0xffff  }
0x1d8: {  	v62 =	vor.u32 v4, v39;
	v63 =	vor.u32 v49, v36;
	v9 =	vor.u32 v4, v42;
	v10 =	vld.idx.msk [tilespmem:v10+s13+$0x0], $0xffff  }
0x1d9: {  	v42 =	vor.u32 v30, v36;
	v1 =	vadd.s32 s25, v31;
	v48 =	vand.u32 $0x3FD8, v61  }
0x1da: {  	v26 =	vor.u32 v30, v37;
	v1 =	vand.u32 $0x3FD8, v1;
	v11 =	vor.u32 v4, v48;
	[tilespmem:v12+s24+$0x0] =	vst.idx.msk $0xffff, v8  }
0x1db: {  	v61 =	vor.u32 v4, v1;
	v1 =	vor.u32 v49, v38;
	[tilespmem:v2+s24+$0x0] =	vst.idx.msk $0xffff, v5;
	v2 =	vadd.s32 s17, v56  }
0x1dc: {  	v53 =	vadd.s32 s26, v22;
	v48 =	vor.u32 v58, v35;
	v12 =	vld.idx.msk [tilespmem:v51+s13+$0x0], $0xffff;
	[tilespmem:v41+s24+$0x0] =	vst.idx.msk $0xffff, v57;
	v2 =	vand.u32 $0x3FE8, v2  }
0x1dd: {  	v59 =	vadd.s32 s26, v31;
	[tilespmem:v46+s24+$0x0] =	vst.idx.msk $0xffff, v10;
	v10 =	vand.u32 $0x3FF8, v53;
	v39 =	vld.idx.msk [tilespmem:v54+s13+$0x0], $0xffff;
	v8 =	vor.u32 v4, v2  }
0x1de: {  	v53 =	vor.u32 v17, v38;
	v51 =	vld.idx.msk [tilespmem:v52+s13+$0x0], $0xffff;
	v52 =	vadd.s32 s25, v22;
	v5 =	vand.u32 $0x3FF8, v59  }
0x1df: {  	v57 =	vor.u32 v4, v10;
	v60 =	vor.u32 v4, v5;
	v5 =	vadd.s32 s21, v22  }
0x1e0: {  	v47 =	vld.idx.msk [tilespmem:v55+s13+$0x0], $0xffff;
	v55 =	vor.u32 v34, v36;
	v56 =	vor.u32 v34, v38;
	v5 =	vand.u32 $0x3FC8, v5  }
0x1e1: {  	v54 =	vand.u32 $0x3FD8, v52;
	[tilespmem:v45+s24+$0x0] =	vst.idx.msk $0xffff, v12;
	v59 =	vor.u32 v4, v5;
	v5 =	vadd.s32 s17, v28  }
0x1e2: {  	v58 =	vor.u32 v4, v54;
	v12 =	vadd.s32 s25, v18;
	v5 =	vand.u32 $0x3FE8, v5;
	[tilespmem:v8+s24+$0x0] =	vst.idx.msk $0xffff, v39  }
0x1e3: {  	v46 =	vadd.s32 s21, v18;
	[tilespmem:v3+s24+$0x0] =	vst.idx.msk $0xffff, v51;
	v3 =	vand.u32 $0x3FD8, v12;
	v5 =	vor.u32 v4, v5;
	v10 =	vld.idx.msk [tilespmem:v48+s13+$0x0], $0xffff  }
0x1e4: {  	v54 =	vor.u32 v34, v37;
	v34 =	vld.idx.msk [tilespmem:v50+s13+$0x0], $0xffff;
	v50 =	vor.u32 v4, v3;
	v3 =	vadd.s32 s25, v19  }
0x1e5: {  	v2 =	vor.u32 v49, v37;
	v40 =	vld.idx.msk [tilespmem:v40+s13+$0x0], $0xffff;
	v12 =	vor.u32 v30, v35;
	v43 =	vand.u32 $0x3FD8, v3  }
0x1e6: {  	v51 =	vor.u32 v17, v36;
	v45 =	vor.u32 v4, v43;
	v8 =	vand.u32 $0x3FC8, v46  }
0x1e7: {  	[tilespmem:v7+s24+$0x0] =	vst.idx.msk $0xffff, v47;
	v43 =	vor.u32 v29, v37;
	v48 =	vadd.s32 s26, v18;
	v52 =	vor.u32 v4, v8  }
0x1e8: {  	v13 =	vld.idx.msk [tilespmem:v13+s13+$0x0], $0xffff;
	v8 =	vadd.s32 s21, v19;
	v7 =	vand.u32 $0x3FF8, v48;
	[tilespmem:v5+s24+$0x0] =	vst.idx.msk $0xffff, v10;
	v5 =	vadd.s32 s17, v31  }
0x1e9: {  	v47 =	vor.u32 v4, v7;
	v7 =	vand.u32 $0x3FC8, v8;
	v3 =	vand.u32 $0x3FE8, v5  }
0x1ea: {  	s3 =	sadd.s32 $0x4, s3;
	[tilespmem:v6+s24+$0x0] =	vst.idx.msk $0xffff, v40;
	v46 =	vor.u32 v4, v7;
	v12 =	vld.idx.msk [tilespmem:v12+s13+$0x0], $0xffff;
	v7 =	vor.u32 v4, v3  }
0x1eb: {  	p0 =	slt.u32 s3, $0x24;
	v39 =	vadd.s32 s26, v19;
	v6 =	vadd.s32 s21, v21;
	[tilespmem:v11+s24+$0x0] =	vst.idx.msk $0xffff, v34;
	v34 =	vor.u32 v49, v35  }
.Ltmp3:
0x1ec: {  	v48 =	vor.u32 v17, v37;
	v49 =	vor.u32 v29, v38;
	v6 =	vand.u32 $0x3FC8, v6;
	v38 =	vld.idx.msk [tilespmem:v42+s13+$0x0], $0xffff;
	(pc) =	sbr.rel @p0 .LBB2_9-.Ltmp3, $4  }
0x1ed: {  	[tilespmem:v9+s24+$0x0] =	vst.idx.msk $0xffff, v13;
	v37 =	vadd.s32 s26, v21;
	v41 =	vor.u32 v4, v6;
	v5 =	vand.u32 $0x3FF8, v39;
	v3 =	vld.idx.msk [tilespmem:v44+s13+$0x0], $0xffff  }
0x1ee: {  	v42 =	vor.u32 v4, v5;
	v44 =	vor.u32 v29, v36;
	v5 =	vadd.s32 s25, v21;
	v36 =	vld.idx.msk [tilespmem:v26+s13+$0x0], $0xffff  }
0x1ef: {  	v13 =	vmovc v15;
	v6 =	vadd.s32 s17, v22;
	v5 =	vand.u32 $0x3FD8, v5;
	[tilespmem:v7+s24+$0x0] =	vst.idx.msk $0xffff, v12;
	v12 =	vld [tilespmem:$0x1FE20];
	v7 =	vand.u32 $0x3FF8, v37  }
0x1f0: {  	s12 =	sadd.s32 $0x40, s12;
	v15 =	vmovc v0;
	v40 =	vor.u32 v4, v5;
	v37 =	vand.u32 $0x3FE8, v6;
	v5 =	vld.idx.msk [tilespmem:v34+s13+$0x0], $0xffff;
	v39 =	vor.u32 v4, v7  }
0x1f1: {  	_ =	sdelay $0x3  }
0x1f2: {  	[tilespmem:v61+s24+$0x0] =	vst.idx.msk $0xffff, v38  }
0x1f3: {  	[tilespmem:v62+s24+$0x0] =	vst.idx.msk $0xffff, v3  }
0x1f4: {  	v3 =	vor.u32 v4, v37;
	v17 =	vld [tilespmem:$0x1FFF0]  }
0x1f5: {  	v1 =	vld.idx.msk [tilespmem:v1+s13+$0x0], $0xffff;
	[tilespmem:v60+s24+$0x0] =	vst.idx.msk $0xffff, v36  }
0x1f6: {  	v0 =	vld [tilespmem:$0x1FFA0];
	_ =	sdelay $0x2  }
0x1f7: {  	v7 =	vld.idx.msk [tilespmem:v63+s13+$0x0], $0xffff;
	[tilespmem:v3+s24+$0x0] =	vst.idx.msk $0xffff, v5;
	v6 =	vor.u32 v17, v35  }
0x1f8: {  	v2 =	vld.idx.msk [tilespmem:v2+s13+$0x0], $0xffff;
	[tilespmem:v59+s24+$0x0] =	vst.idx.msk $0xffff, v1  }
0x1f9: {  	v8 =	vadd.s32 s17, v0;
	v0 =	vld [tilespmem:$0x1FEA0];
	_ =	sdelay $0x1  }
0x1fa: {  	v3 =	vand.u32 $0x3FE8, v8  }
0x1fb: {  	[tilespmem:v58+s24+$0x0] =	vst.idx.msk $0xffff, v7;
	v3 =	vor.u32 v4, v3;
	v5 =	vld.idx.msk [tilespmem:v6+s13+$0x0], $0xffff  }
0x1fc: {  	[tilespmem:v57+s24+$0x0] =	vst.idx.msk $0xffff, v2;
	v6 =	vld.idx.msk [tilespmem:v56+s13+$0x0], $0xffff  }
0x1fd: {  	v1 =	vor.u32 v0, v35;
	v0 =	vld [tilespmem:$0x1FEB0]  }
0x1fe: {  	v2 =	vld.idx.msk [tilespmem:v55+s13+$0x0], $0xffff  }
0x1ff: {  	v7 =	vld.idx.msk [tilespmem:v54+s13+$0x0], $0xffff  }
0x200: {  	[tilespmem:v3+s24+$0x0] =	vst.idx.msk $0xffff, v5  }
0x201: {  	[tilespmem:v52+s24+$0x0] =	vst.idx.msk $0xffff, v6  }
0x202: {  	v61 =	vadd.s32 s17, v0;
	v0 =	vld [tilespmem:$0x1FFB0]  }
0x203: {  	v6 =	vld.idx.msk [tilespmem:v53+s13+$0x0], $0xffff;
	[tilespmem:v50+s24+$0x0] =	vst.idx.msk $0xffff, v2  }
0x204: {  	[tilespmem:v47+s24+$0x0] =	vst.idx.msk $0xffff, v7;
	v2 =	vld.idx.msk [tilespmem:v51+s13+$0x0], $0xffff  }
0x205: {  	v3 =	vand.u32 $0x3FE8, v61;
	v7 =	vld.idx.msk [tilespmem:v48+s13+$0x0], $0xffff  }
0x206: {  	v1 =	vld.idx.msk [tilespmem:v1+s13+$0x0], $0xffff;
	v3 =	vor.u32 v4, v3  }
0x207: {  	v5 =	vor.u32 v0, v35;
	v0 =	vld [tilespmem:$0x1FFC0]  }
0x208: {  	[tilespmem:v46+s24+$0x0] =	vst.idx.msk $0xffff, v6  }
0x209: {  	[tilespmem:v45+s24+$0x0] =	vst.idx.msk $0xffff, v2  }
0x20a: {  	[tilespmem:v42+s24+$0x0] =	vst.idx.msk $0xffff, v7;
	v2 =	vld.idx.msk [tilespmem:v44+s13+$0x0], $0xffff  }
0x20b: {  	[tilespmem:v3+s24+$0x0] =	vst.idx.msk $0xffff, v1;
	v6 =	vld.idx.msk [tilespmem:v43+s13+$0x0], $0xffff  }
0x20c: {  	v62 =	vadd.s32 s17, v0;
	v3 =	vld.idx.msk [tilespmem:v5+s13+$0x0], $0xffff  }
0x20d: {  	v5 =	vld.idx.msk [tilespmem:v49+s13+$0x0], $0xffff;
	s17 =	smul.u32 $0x500, s9;
	v1 =	vand.u32 $0x3FE8, v62  }
0x20e: {  	s1 =	rddreg [dreg:$0x5];
	v1 =	vor.u32 v4, v1  }
0x20f: {  	s1 =	sadd.s32 s1, s17  }
0x210: {  	[tilespmem:v40+s24+$0x0] =	vst.idx.msk $0xffff, v2;
	s2 =	sshll.u32 s1, $0x3  }
0x211: {  	[tilespmem:v39+s24+$0x0] =	vst.idx.msk $0xffff, v6;
	s2 =	sadd.s32 s16, s2  }
0x212: {  	s1 =	sshll.u32 s1, $0x1;
	[tilespmem:v41+s24+$0x0] =	vst.idx.msk $0xffff, v5;
	s2 =	sshrl.u32 s2, $0x3  }
0x213: {  	s1 =	sadd.s32 s18, s1;
	s2 =	sadd.s32 s14, s2;
	[tilespmem:v1+s24+$0x0] =	vst.idx.msk $0xffff, v3  }
0x214: {  	[hbm4b:s2+s5] =	stream.linear.scatter [tilespmem:s24], [sflag:$0x5], $0x1400, $0x38;
	[tilespmem:$0x1A360] =	vst v63  }
0x215: {  	s3 =	simm.s32 $0x15D60;
	s1 =	sshrl.u32 s1, $0x3;
	s2 =	sadd.s32 $0x4E200, s2  }
0x216: {  	[hbm4b:s2+s5] =	stream.linear.scatter [tilespmem:s3], [sflag:$0x5], $0x1400, $0x38;
	[tilespmem:$0x1A360] =	vst v63  }
0x217: {  	s8 =	simm.s32 $0x19960;
	s1 =	sadd.s32 s20, s1;
	s12 =	rddreg [dreg:$0xf]  }
0x218: {  	[hbm4b:s1+s5] =	stream.linear.scatter [tilespmem:s8], [sflag:$0x5], $0x500, $0x38;
	[tilespmem:$0x1A360] =	vst v63  }
0x219: {  	s1 =	sadd.s32 s17, s12  }
0x21a: {  	s1 =	sshrl.u32 s1, $0x3  }
0x21b: {  	s25 =	simm.s32 $0xEA60;
	s21 =	sadd.s32 s6, s1  }
0x21c: {  	[tilespmem:s25], [sflag:$0x1] =	stream.linear.gather [hbm4b:s21+s5], $0x280, $0x38;
	[tilespmem:$0x1A360] =	vst v63  }
0x21d: {  	s26 =	simm.s32 $0xEF60;
	s1 =	sadd.s32 s7, s1  }
0x21e: {  	[tilespmem:s26], [sflag:$0x1] =	stream.linear.gather [hbm4b:s1+s5], $0x280, $0x38;
	[tilespmem:$0x1A360] =	vst v63  }
0x21f: {  	_ =	swait.ge [sflag:s10], $0x280  }
0x220: {  	[sflag:s10] =	ssyncset.done $0x0  }
0x221: {  	[sflag:s10] =	ssyncadd.s32 $0xFFFFFD80  }
0x222: {  	_ =	swait.ge [sflag:s10], $0x280  }
0x223: {  	[sflag:s10] =	ssyncset.done $0x0  }
0x224: {  	[sflag:s10] =	ssyncadd.s32 $0xFFFFFD80  }
0x225: {  	_ =	swait.ge [sflag:s22], $0x2800  }
0x226: {  	[sflag:s22] =	ssyncset.done $0x0  }
0x227: {  	[sflag:s22] =	ssyncadd.s32 $0xFFFFD800  }
0x228: {  	_ =	swait.ge [sflag:s22], $0x500  }
0x229: {  	[sflag:s22] =	ssyncset.done $0x0  }
0x22a: {  	s31 =	simm.s32 $0xEAA0;
	v0 =	vld [tilespmem:$0x1FF50];
	[sflag:s22] =	ssyncadd.s32 $0xFFFFFB00  }
0x22b: {  	v5 =	vld [tilespmem:s31+$0x30]  }
0x22c: {  	v6 =	vld [tilespmem:s31+$0xFFFFFFD0]  }
0x22d: {  	v7 =	vld [tilespmem:s31+$0xFFFFFFE0]  }
0x22e: {  	v3 =	vld [tilespmem:s31+$0xFFFFFFF0]  }
0x22f: {  	v1 =	vld [tilespmem:s31+$0x0]  }
0x230: {  	s1 =	simm.s32 $0xF4A0;
	v2 =	vld [tilespmem:s31+$0x10];
	v63 =	vadd.s32 v0, v5  }
0x231: {  	v6 =	vadd.s32 v0, v6;
	v5 =	vld [tilespmem:s31+$0x20];
	[tilespmem:s1+$0x30] =	vst v63  }
0x232: {  	v54 =	vmov v17;
	s2 =	simm.s32 $0x0;
	s3 =	simm.s32 $0xEB20;
	v35 =	vld [tilespmem:s31+$0xFFFFFFC0];
	v36 =	vadd.s32 v0, v7;
	[tilespmem:s1+$0xFFFFFFD0] =	vst v6  }
.LBB2_11:
0x233: {  	v6 =	vld [tilespmem:s3+$0x30];
	s2 =	sadd.s32 $0x8, s2;
	[tilespmem:s1+$0xFFFFFFE0] =	vst v36;
	v3 =	vadd.s32 v0, v3  }
0x234: {  	v7 =	vld [tilespmem:s3+$0xFFFFFFD0];
	p0 =	slt.u32 s2, $0x20;
	[tilespmem:s1+$0xFFFFFFF0] =	vst v3;
	v1 =	vadd.s32 v0, v1  }
0x235: {  	v8 =	vld [tilespmem:s3+$0xFFFFFFE0];
	[tilespmem:s1+$0x0] =	vst v1;
	v1 =	vadd.s32 v0, v2  }
.Ltmp4:
0x236: {  	v3 =	vld [tilespmem:s3+$0xFFFFFFF0];
	[tilespmem:s1+$0x10] =	vst v1;
	v2 =	vadd.s32 v0, v5;
	(pc) =	sbr.rel @p0 .LBB2_11-.Ltmp4, $4  }
0x237: {  	v1 =	vld [tilespmem:s3+$0x0];
	v5 =	vadd.s32 v0, v35;
	[tilespmem:s1+$0x20] =	vst v2  }
0x238: {  	v2 =	vld [tilespmem:s3+$0x10];
	v6 =	vadd.s32 v0, v6;
	[tilespmem:s1+$0xFFFFFFC0] =	vst v5;
	s1 =	sadd.s32 $0x80, s1  }
0x239: {  	v7 =	vadd.s32 v0, v7;
	v5 =	vld [tilespmem:s3+$0x20];
	[tilespmem:s1+$0x30] =	vst v6  }
0x23a: {  	v35 =	vld [tilespmem:s3+$0xFFFFFFC0];
	[tilespmem:s1+$0xFFFFFFD0] =	vst v7;
	v36 =	vadd.s32 v0, v8;
	s3 =	sadd.s32 $0x80, s3  }
0x23b: {  	[tilespmem:s1+$0xFFFFFFE0] =	vst v36;
	v3 =	vadd.s32 v0, v3  }
0x23c: {  	[tilespmem:s1+$0xFFFFFFF0] =	vst v3;
	v1 =	vadd.s32 v0, v1  }
0x23d: {  	[tilespmem:s1+$0x0] =	vst v1;
	v1 =	vadd.s32 v0, v2  }
0x23e: {  	[tilespmem:s1+$0x10] =	vst v1;
	v1 =	vadd.s32 v0, v5  }
0x23f: {  	v2 =	vadd.s32 v0, v35;
	[tilespmem:s1+$0x20] =	vst v1  }
0x240: {  	s26 =	simm.s32 $0xF460;
	s31 =	simm.s32 $0xED20;
	[tilespmem:s1+$0xFFFFFFC0] =	vst v2  }
0x241: {  	[tilespmem:s13], [sflag:$0x3] =	stream.indirect.gather [spmem:s4], $0x10, s26, s11, $0xb8;
	[tilespmem:$0x1A360] =	vst v63  }
0x242: {  	v1 =	vld [tilespmem:s31+$0x30]  }
0x243: {  	v2 =	vld [tilespmem:s31+$0xFFFFFFD0]  }
0x244: {  	v3 =	vld [tilespmem:s31+$0xFFFFFFE0]  }
0x245: {  	v5 =	vld [tilespmem:s31+$0xFFFFFFF0]  }
0x246: {  	v6 =	vld [tilespmem:s31+$0x0]  }
0x247: {  	v7 =	vld [tilespmem:s31+$0x10]  }
0x248: {  	v8 =	vld [tilespmem:s31+$0x20]  }
0x249: {  	v9 =	vld [tilespmem:s31+$0xFFFFFFC0]  }
0x24a: {  	v1 =	vld.idx.msk [tilespmem:v1+s29+$0x0], $0xffff  }
0x24b: {  	v2 =	vld.idx.msk [tilespmem:v2+s29+$0x0], $0xffff  }
0x24c: {  	v3 =	vld.idx.msk [tilespmem:v3+s29+$0x0], $0xffff  }
0x24d: {  	v5 =	vld.idx.msk [tilespmem:v5+s29+$0x0], $0xffff  }
0x24e: {  	v6 =	vld.idx.msk [tilespmem:v6+s29+$0x0], $0xffff  }
0x24f: {  	s1 =	simm.s32 $0x19EE0;
	v7 =	vld.idx.msk [tilespmem:v7+s29+$0x0], $0xffff  }
0x250: {  	s3 =	simm.s32 $0xF220;
	v8 =	vld.idx.msk [tilespmem:v8+s29+$0x0], $0xffff;
	[tilespmem:s1+$0xFFFFFFF0] =	vst v1  }
0x251: {  	v1 =	vld [tilespmem:s3+$0x30]  }
0x252: {  	[tilespmem:s1+$0xFFFFFF90] =	vst v2;
	v2 =	vld.idx.msk [tilespmem:v9+s29+$0x0], $0xffff  }
0x253: {  	[tilespmem:s1+$0xFFFFFFA0] =	vst v3;
	v3 =	vld [tilespmem:s3+$0xFFFFFFD0]  }
0x254: {  	[tilespmem:s1+$0xFFFFFFB0] =	vst v5;
	v5 =	vld [tilespmem:s3+$0xFFFFFFE0]  }
0x255: {  	[tilespmem:s1+$0xFFFFFFC0] =	vst v6;
	v6 =	vld [tilespmem:s3+$0xFFFFFFF0]  }
0x256: {  	[tilespmem:s1+$0xFFFFFFD0] =	vst v7;
	v7 =	vld [tilespmem:s3+$0x0]  }
0x257: {  	[tilespmem:s1+$0xFFFFFFE0] =	vst v8;
	v62 =	vld [tilespmem:s3+$0x10]  }
0x258: {  	v63 =	vld [tilespmem:s3+$0x20]  }
0x259: {  	[tilespmem:s1+$0xFFFFFF80] =	vst v2;
	v2 =	vld.idx.msk [tilespmem:v1+s30+$0x0], $0xffff  }
0x25a: {  	v1 =	vld [tilespmem:s3+$0xFFFFFFC0]  }
0x25b: {  	v37 =	vld.idx.msk [tilespmem:v3+s30+$0x0], $0xffff  }
0x25c: {  	v36 =	vld.idx.msk [tilespmem:v5+s30+$0x0], $0xffff  }
0x25d: {  	v35 =	vld.idx.msk [tilespmem:v6+s30+$0x0], $0xffff  }
0x25e: {  	v5 =	vld.idx.msk [tilespmem:v7+s30+$0x0], $0xffff  }
0x25f: {  	v3 =	vld.idx.msk [tilespmem:v62+s30+$0x0], $0xffff  }
0x260: {  	[tilespmem:s1+$0x70] =	vst v2;
	v2 =	vld.idx.msk [tilespmem:v63+s30+$0x0], $0xffff  }
0x261: {  	s21 =	simm.s32 $0x0;
	s25 =	simm.s32 $0xEDA0;
	s12 =	simm.s32 $0x19EE0;
	v13 =	vld [tilespmem:$0x1FE30]  }
.LBB2_13:
0x262: {  	v6 =	vld [tilespmem:s25+$0x30];
	s21 =	sadd.s32 $0x8, s21;
	[tilespmem:s1+$0x10] =	vst v37  }
0x263: {  	v7 =	vld [tilespmem:s25+$0xFFFFFFD0];
	p0 =	slt.u32 s21, $0x20;
	[tilespmem:s1+$0x20] =	vst v36  }
0x264: {  	v8 =	vld [tilespmem:s25+$0xFFFFFFE0];
	[tilespmem:s1+$0x30] =	vst v35  }
0x265: {  	v9 =	vld [tilespmem:s25+$0xFFFFFFF0];
	[tilespmem:s1+$0x40] =	vst v5  }
0x266: {  	v5 =	vld [tilespmem:s25+$0x0];
	[tilespmem:s1+$0x50] =	vst v3  }
0x267: {  	v3 =	vld [tilespmem:s25+$0x10];
	[tilespmem:s1+$0x60] =	vst v2  }
0x268: {  	v2 =	vld [tilespmem:s25+$0x20]  }
0x269: {  	v10 =	vld [tilespmem:s25+$0xFFFFFFC0]  }
0x26a: {  	v6 =	vld.idx.msk [tilespmem:v6+s29+$0x0], $0xffff  }
0x26b: {  	v7 =	vld.idx.msk [tilespmem:v7+s29+$0x0], $0xffff  }
0x26c: {  	v8 =	vld.idx.msk [tilespmem:v8+s29+$0x0], $0xffff  }
0x26d: {  	v9 =	vld.idx.msk [tilespmem:v9+s29+$0x0], $0xffff  }
0x26e: {  	v5 =	vld.idx.msk [tilespmem:v5+s29+$0x0], $0xffff  }
0x26f: {  	s1 =	sadd.s32 $0x100, s1;
	v3 =	vld.idx.msk [tilespmem:v3+s29+$0x0], $0xffff  }
0x270: {  	s3 =	sadd.s32 $0x80, s3;
	v2 =	vld.idx.msk [tilespmem:v2+s29+$0x0], $0xffff;
	[tilespmem:s1+$0xFFFFFFF0] =	vst v6  }
0x271: {  	[tilespmem:s1+$0xFFFFFF90] =	vst v7;
	v6 =	vld [tilespmem:s3+$0x30]  }
0x272: {  	v7 =	vld.idx.msk [tilespmem:v10+s29+$0x0], $0xffff;
	[tilespmem:s1+$0xFFFFFFA0] =	vst v8  }
0x273: {  	v8 =	vld [tilespmem:s3+$0xFFFFFFD0];
	[tilespmem:s1+$0xFFFFFFB0] =	vst v9  }
0x274: {  	v9 =	vld [tilespmem:s3+$0xFFFFFFE0];
	[tilespmem:s1+$0xFFFFFFC0] =	vst v5  }
0x275: {  	v5 =	vld [tilespmem:s3+$0xFFFFFFF0];
	[tilespmem:s1+$0xFFFFFFD0] =	vst v3  }
0x276: {  	v3 =	vld [tilespmem:s3+$0x0];
	[tilespmem:s1+$0xFFFFFFE0] =	vst v2  }
0x277: {  	v2 =	vld [tilespmem:s3+$0x10]  }
0x278: {  	[tilespmem:s1+$0xFFFFFF80] =	vst v7;
	v7 =	vld [tilespmem:s3+$0x20]  }
0x279: {  	v6 =	vld.idx.msk [tilespmem:v6+s30+$0x0], $0xffff  }
0x27a: {  	v10 =	vld [tilespmem:s3+$0xFFFFFFC0]  }
0x27b: {  	v11 =	vld.idx.msk [tilespmem:v1+s30+$0x0], $0xffff  }
0x27c: {  	v37 =	vld.idx.msk [tilespmem:v8+s30+$0x0], $0xffff  }
.Ltmp5:
0x27d: {  	v36 =	vld.idx.msk [tilespmem:v9+s30+$0x0], $0xffff;
	(pc) =	sbr.rel @p0 .LBB2_13-.Ltmp5, $4  }
0x27e: {  	v35 =	vld.idx.msk [tilespmem:v5+s30+$0x0], $0xffff  }
0x27f: {  	v5 =	vld.idx.msk [tilespmem:v3+s30+$0x0], $0xffff;
	[tilespmem:s1+$0x70] =	vst v6;
	v1 =	vmov v10  }
0x280: {  	v3 =	vld.idx.msk [tilespmem:v2+s30+$0x0], $0xffff  }
0x281: {  	s25 =	sadd.s32 $0x80, s25;
	v2 =	vld.idx.msk [tilespmem:v7+s30+$0x0], $0xffff;
	[tilespmem:s12+$0x0] =	vst v11;
	s12 =	smov.u32 s1  }
0x282: {  	[tilespmem:s1+$0x10] =	vst v37  }
0x283: {  	[tilespmem:s1+$0x20] =	vst v36  }
0x284: {  	[tilespmem:s1+$0x30] =	vst v35  }
0x285: {  	[tilespmem:s1+$0x40] =	vst v5  }
0x286: {  	v16 =	vld [tilespmem:$0x1FE10];
	_ =	sdelay $0x1  }
0x287: {  	s21 =	simm.s32 $0x20;
	v1 =	vld.idx.msk [tilespmem:v1+s30+$0x0], $0xffff  }
0x288: {  	v8 =	vmov s21  }
0x289: {  	v8 =	vshll.u32 v8, $0x4  }
0x28a: {  	s25 =	simm.s32 $0x0;
	v15 =	vlaneseq.u32;
	[tilespmem:s1+$0x50] =	vst v3;
	v35 =	vor.u32 v16, v8  }
0x28b: {  	s2 =	simm.s32 $0x30;
	s8 =	simm.s32 $0x10;
	s3 =	simm.s32 $0x0;
	v9 =	vmov s25;
	[tilespmem:s1+$0x60] =	vst v2;
	v3 =	vor.u32 v15, v35  }
0x28c: {  	v6 =	vmov s2;
	v7 =	vmov s8;
	s26 =	sand.u32 $0x1C00, s3;
	s31 =	sand.u32 $0x60, s21;
	v5 =	vshll.u32 v9, $0x4;
	[tilespmem:s12+$0x0] =	vst v1  }
0x28d: {  	v7 =	vshll.u32 v7, $0x4;
	v6 =	vshll.u32 v6, $0x4;
	s31 =	sor.u32 s26, s31;
	_ =	swait.ge [sflag:s28], $0x2800;
	v37 =	vor.u32 v16, v5  }
0x28e: {  	s8 =	sand.u32 $0x50, s8;
	v60 =	vadd.s32 s31, v12;
	[sflag:s28] =	ssyncset.done $0x0;
	v36 =	vor.u32 v16, v7;
	v2 =	vor.u32 v15, v37  }
0x28f: {  	s25 =	sand.u32 $0x40, s25;
	s2 =	sand.u32 $0x70, s2;
	v9 =	vand.u32 $0x3FE8, v60;
	v17 =	vld [tilespmem:$0x1FEC0];
	v38 =	vor.u32 v16, v6;
	[sflag:s28] =	ssyncadd.s32 $0xFFFFD800;
	v5 =	vor.u32 v15, v36  }
0x290: {  	s12 =	sor.u32 s25, s26;
	s25 =	sor.u32 s26, s8;
	s26 =	sor.u32 s26, s2;
	v9 =	vor.u32 v4, v9;
	v1 =	vor.u32 v15, v38;
	v3 =	vld.idx.msk [tilespmem:v3+s19+$0x0], $0xffff  }
0x291: {  	v59 =	vadd.s32 s12, v12;
	v10 =	vadd.s32 s25, v12;
	v11 =	vadd.s32 s26, v12  }
0x292: {  	v14 =	vmovc v13;
	v10 =	vand.u32 $0x3FD8, v10;
	v11 =	vand.u32 $0x3FF8, v11;
	v8 =	vand.u32 $0x3FC8, v59  }
0x293: {  	v10 =	vor.u32 v4, v10;
	v8 =	vor.u32 v4, v8;
	v12 =	vor.u32 v13, v35;
	v2 =	vld.idx.msk [tilespmem:v2+s19+$0x0], $0xffff  }
0x294: {  	v11 =	vor.u32 v4, v11;
	v6 =	vor.u32 v13, v37;
	v7 =	vor.u32 v13, v36;
	v5 =	vld.idx.msk [tilespmem:v5+s19+$0x0], $0xffff  }
0x295: {  	v14 =	vor.u32 v14, v38;
	v13 =	vadd.s32 s12, v17;
	v1 =	vld.idx.msk [tilespmem:v1+s19+$0x0], $0xffff;
	[tilespmem:v9+s0+$0x0] =	vst.idx.msk $0xffff, v3  }
0x296: {  	v39 =	vadd.s32 s25, v17;
	v40 =	vadd.s32 s26, v17;
	v41 =	vadd.s32 s31, v17;
	v17 =	vld [tilespmem:$0x1FE40]  }
0x297: {  	v41 =	vand.u32 $0x3FE8, v41;
	v18 =	vld [tilespmem:$0x1FED0]  }
0x298: {  	v13 =	vand.u32 $0x3FC8, v13;
	v41 =	vor.u32 v4, v41;
	[tilespmem:v8+s0+$0x0] =	vst.idx.msk $0xffff, v2;
	v2 =	vld.idx.msk [tilespmem:v12+s19+$0x0], $0xffff  }
0x299: {  	v39 =	vand.u32 $0x3FD8, v39;
	v13 =	vor.u32 v4, v13;
	[tilespmem:v10+s0+$0x0] =	vst.idx.msk $0xffff, v5;
	v6 =	vld.idx.msk [tilespmem:v6+s19+$0x0], $0xffff  }
0x29a: {  	v40 =	vand.u32 $0x3FF8, v40;
	v3 =	vor.u32 v4, v39;
	[tilespmem:v11+s0+$0x0] =	vst.idx.msk $0xffff, v1;
	v7 =	vld.idx.msk [tilespmem:v7+s19+$0x0], $0xffff  }
0x29b: {  	v40 =	vor.u32 v4, v40;
	v11 =	vld.idx.msk [tilespmem:v14+s19+$0x0], $0xffff  }
0x29c: {  	v61 =	vor.u32 v17, v35;
	v42 =	vor.u32 v17, v37  }
0x29d: {  	v43 =	vor.u32 v17, v36;
	v12 =	vor.u32 v17, v38;
	v17 =	vld [tilespmem:$0x1FE50];
	[tilespmem:v41+s0+$0x0] =	vst.idx.msk $0xffff, v2  }
0x29e: {  	v14 =	vadd.s32 s12, v23;
	[tilespmem:v13+s0+$0x0] =	vst.idx.msk $0xffff, v6  }
0x29f: {  	v48 =	vadd.s32 s25, v23;
	v49 =	vand.u32 $0x3FC8, v14;
	v14 =	vadd.s32 s26, v23;
	[tilespmem:v3+s0+$0x0] =	vst.idx.msk $0xffff, v7  }
0x2a0: {  	v14 =	vand.u32 $0x3FF8, v14;
	v62 =	vadd.s32 s12, v18;
	v63 =	vadd.s32 s25, v18;
	[tilespmem:v40+s0+$0x0] =	vst.idx.msk $0xffff, v11  }
0x2a1: {  	v5 =	vadd.s32 s31, v18;
	v32 =	vadd.s32 s26, v18;
	v39 =	vand.u32 $0x3FC8, v62;
	v18 =	vld [tilespmem:$0x1FEF0]  }
0x2a2: {  	v8 =	vand.u32 $0x3FD8, v63;
	v1 =	vand.u32 $0x3FE8, v5;
	v13 =	vand.u32 $0x3FD8, v48;
	v6 =	vld.idx.msk [tilespmem:v61+s19+$0x0], $0xffff  }
0x2a3: {  	v33 =	vor.u32 v4, v39;
	v1 =	vor.u32 v4, v1;
	v34 =	vor.u32 v17, v35;
	v3 =	vld.idx.msk [tilespmem:v42+s19+$0x0], $0xffff  }
0x2a4: {  	v44 =	vor.u32 v17, v37;
	v2 =	vor.u32 v17, v36;
	v45 =	vor.u32 v17, v38;
	v17 =	vld [tilespmem:$0x1FEE0]  }
0x2a5: {  	v8 =	vor.u32 v4, v8;
	v51 =	vor.u32 v4, v13;
	v13 =	vor.u32 v4, v14;
	v14 =	vld.idx.msk [tilespmem:v43+s19+$0x0], $0xffff  }
0x2a6: {  	v50 =	vadd.s32 s31, v23  }
0x2a7: {  	v9 =	vand.u32 $0x3FE8, v50;
	v5 =	vand.u32 $0x3FF8, v32  }
0x2a8: {  	v9 =	vor.u32 v4, v9;
	v5 =	vor.u32 v4, v5;
	v12 =	vld.idx.msk [tilespmem:v12+s19+$0x0], $0xffff;
	[tilespmem:v1+s0+$0x0] =	vst.idx.msk $0xffff, v6  }
0x2a9: {  	v59 =	vor.u32 v17, v37;
	v61 =	vor.u32 v17, v36;
	[tilespmem:v33+s0+$0x0] =	vst.idx.msk $0xffff, v3;
	v39 =	vld.idx.msk [tilespmem:v34+s19+$0x0], $0xffff  }
0x2aa: {  	v60 =	vadd.s32 s12, v18;
	v62 =	vor.u32 v17, v35;
	v1 =	vor.u32 v17, v38;
	v17 =	vld [tilespmem:$0x1FF00];
	[tilespmem:v8+s0+$0x0] =	vst.idx.msk $0xffff, v14  }
0x2ab: {  	v46 =	vadd.s32 s25, v18;
	v6 =	vadd.s32 s26, v18;
	v14 =	vadd.s32 s31, v18;
	v18 =	vld [tilespmem:$0x1FE60]  }
0x2ac: {  	v7 =	vor.u32 v4, v49;
	v32 =	vld.idx.msk [tilespmem:v44+s19+$0x0], $0xffff;
	_ =	sdelay $0x1  }
0x2ad: {  	v2 =	vld.idx.msk [tilespmem:v2+s19+$0x0], $0xffff;
	[tilespmem:v5+s0+$0x0] =	vst.idx.msk $0xffff, v12  }
0x2ae: {  	v5 =	vand.u32 $0x3FE8, v14;
	v45 =	vld.idx.msk [tilespmem:v45+s19+$0x0], $0xffff;
	[tilespmem:v9+s0+$0x0] =	vst.idx.msk $0xffff, v39  }
0x2af: {  	v5 =	vor.u32 v4, v5;
	v14 =	vadd.s32 s25, v18;
	v43 =	vld.idx.msk [tilespmem:v62+s19+$0x0], $0xffff  }
0x2b0: {  	v41 =	vand.u32 $0x3FC8, v60;
	[tilespmem:v7+s0+$0x0] =	vst.idx.msk $0xffff, v32;
	v53 =	vand.u32 $0x3FD8, v14;
	v14 =	vor.u32 v17, v35  }
0x2b1: {  	v63 =	vor.u32 v4, v41;
	v3 =	vand.u32 $0x3FD8, v46;
	v6 =	vand.u32 $0x3FF8, v6;
	v29 =	vld [tilespmem:$0x1FF10]  }
0x2b2: {  	v3 =	vor.u32 v4, v3;
	v6 =	vor.u32 v4, v6;
	v40 =	vld.idx.msk [tilespmem:v59+s19+$0x0], $0xffff;
	[tilespmem:v51+s0+$0x0] =	vst.idx.msk $0xffff, v2  }
0x2b3: {  	v33 =	vor.u32 v17, v37;
	v42 =	vld.idx.msk [tilespmem:v61+s19+$0x0], $0xffff;
	[tilespmem:v13+s0+$0x0] =	vst.idx.msk $0xffff, v45;
	v13 =	vadd.s32 s31, v18  }
0x2b4: {  	v34 =	vor.u32 v17, v36;
	v1 =	vld.idx.msk [tilespmem:v1+s19+$0x0], $0xffff;
	v13 =	vand.u32 $0x3FE8, v13;
	[tilespmem:v5+s0+$0x0] =	vst.idx.msk $0xffff, v43  }
0x2b5: {  	v12 =	vor.u32 v17, v38;
	v52 =	vadd.s32 s12, v18;
	v13 =	vor.u32 v4, v13;
	v14 =	vld.idx.msk [tilespmem:v14+s19+$0x0], $0xffff  }
0x2b6: {  	v46 =	vand.u32 $0x3FC8, v52  }
0x2b7: {  	v7 =	vadd.s32 s12, v24;
	v55 =	vor.u32 v4, v46;
	[tilespmem:v63+s0+$0x0] =	vst.idx.msk $0xffff, v40  }
0x2b8: {  	v9 =	vor.u32 v4, v53;
	v60 =	vor.u32 v29, v35;
	v44 =	vld.idx.msk [tilespmem:v33+s19+$0x0], $0xffff;
	[tilespmem:v3+s0+$0x0] =	vst.idx.msk $0xffff, v42  }
0x2b9: {  	v47 =	vadd.s32 s26, v18;
	v57 =	vor.u32 v29, v37;
	v5 =	vadd.s32 s12, v27;
	v8 =	vld.idx.msk [tilespmem:v34+s19+$0x0], $0xffff;
	[tilespmem:v6+s0+$0x0] =	vst.idx.msk $0xffff, v1  }
0x2ba: {  	v56 =	vand.u32 $0x3FF8, v47;
	v58 =	vor.u32 v29, v36;
	v3 =	vand.u32 $0x3FC8, v5;
	v12 =	vld.idx.msk [tilespmem:v12+s19+$0x0], $0xffff;
	[tilespmem:v13+s0+$0x0] =	vst.idx.msk $0xffff, v14  }
0x2bb: {  	v41 =	vor.u32 v4, v56;
	v1 =	vor.u32 v4, v3;
	v3 =	vadd.s32 s31, v24;
	v30 =	vld [tilespmem:$0x1FE70]  }
0x2bc: {  	v2 =	vadd.s32 s25, v24;
	v7 =	vand.u32 $0x3FC8, v7;
	v3 =	vand.u32 $0x3FE8, v3;
	v33 =	vld [tilespmem:$0x1FF20]  }
0x2bd: {  	v11 =	vor.u32 v29, v38;
	v3 =	vor.u32 v4, v3;
	v63 =	vld.idx.msk [tilespmem:v60+s19+$0x0], $0xffff;
	[tilespmem:v55+s0+$0x0] =	vst.idx.msk $0xffff, v44  }
0x2be: {  	v7 =	vor.u32 v4, v7;
	v34 =	vor.u32 v25, v35;
	[tilespmem:v9+s0+$0x0] =	vst.idx.msk $0xffff, v8;
	v46 =	vld.idx.msk [tilespmem:v57+s19+$0x0], $0xffff  }
0x2bf: {  	v48 =	vor.u32 v25, v37;
	v59 =	vadd.s32 s26, v24;
	v2 =	vand.u32 $0x3FD8, v2;
	v56 =	vld.idx.msk [tilespmem:v58+s19+$0x0], $0xffff  }
0x2c0: {  	v31 =	vmovc v27;
	v62 =	vadd.s32 s26, v27;
	v61 =	vadd.s32 s25, v27;
	v2 =	vor.u32 v4, v2;
	v27 =	vld [tilespmem:$0x1FF30];
	[tilespmem:v41+s0+$0x0] =	vst.idx.msk $0xffff, v12  }
0x2c1: {  	v45 =	vand.u32 $0x3FF8, v59;
	v58 =	vadd.s32 s31, v31;
	v0 =	vld [tilespmem:$0x1FF40]  }
0x2c2: {  	v45 =	vor.u32 v4, v45;
	v11 =	vld.idx.msk [tilespmem:v11+s19+$0x0], $0xffff;
	[tilespmem:v3+s0+$0x0] =	vst.idx.msk $0xffff, v63;
	v3 =	vand.u32 $0x3FE8, v58  }
0x2c3: {  	v43 =	vld.idx.msk [tilespmem:v34+s19+$0x0], $0xffff;
	v3 =	vor.u32 v4, v3;
	[tilespmem:v7+s0+$0x0] =	vst.idx.msk $0xffff, v46  }
0x2c4: {  	v10 =	vor.u32 v25, v36;
	v5 =	vand.u32 $0x3FD8, v61;
	v48 =	vld.idx.msk [tilespmem:v48+s19+$0x0], $0xffff  }
0x2c5: {  	v49 =	vor.u32 v25, v38;
	v6 =	vand.u32 $0x3FF8, v62;
	v5 =	vor.u32 v4, v5;
	[tilespmem:v2+s0+$0x0] =	vst.idx.msk $0xffff, v56  }
0x2c6: {  	v6 =	vor.u32 v4, v6;
	v13 =	vor.u32 v30, v37;
	v14 =	vadd.s32 s12, v33;
	v24 =	vld [tilespmem:$0x1FE80]  }
0x2c7: {  	v42 =	vor.u32 v30, v36;
	v50 =	vadd.s32 s25, v33;
	v61 =	vor.u32 v30, v35;
	v18 =	vld [tilespmem:$0x1FF60];
	[tilespmem:v45+s0+$0x0] =	vst.idx.msk $0xffff, v11  }
0x2c8: {  	v39 =	vor.u32 v30, v38;
	v52 =	vadd.s32 s26, v33;
	v14 =	vand.u32 $0x3FC8, v14;
	[tilespmem:v3+s0+$0x0] =	vst.idx.msk $0xffff, v43  }
0x2c9: {  	v53 =	vand.u32 $0x3FD8, v50;
	v55 =	vand.u32 $0x3FF8, v52;
	v57 =	vor.u32 v27, v37;
	v10 =	vld.idx.msk [tilespmem:v10+s19+$0x0], $0xffff;
	[tilespmem:v1+s0+$0x0] =	vst.idx.msk $0xffff, v48  }
0x2ca: {  	v12 =	vor.u32 v27, v36;
	v52 =	vadd.s32 s31, v33;
	v14 =	vor.u32 v4, v14;
	v20 =	vld [tilespmem:$0x1FF80]  }
0x2cb: {  	v34 =	vand.u32 $0x3FE8, v52;
	v49 =	vld.idx.msk [tilespmem:v49+s19+$0x0], $0xffff;
	v2 =	vadd.s32 s12, v24;
	v3 =	vadd.s32 s26, v24  }
0x2cc: {  	v43 =	vor.u32 v4, v34;
	v41 =	vld.idx.msk [tilespmem:v61+s19+$0x0], $0xffff;
	v2 =	vand.u32 $0x3FC8, v2;
	v3 =	vand.u32 $0x3FF8, v3  }
0x2cd: {  	v13 =	vld.idx.msk [tilespmem:v13+s19+$0x0], $0xffff;
	v9 =	vor.u32 v4, v2;
	v2 =	vor.u32 v27, v35;
	v3 =	vor.u32 v4, v3  }
0x2ce: {  	v40 =	vor.u32 v27, v38;
	v8 =	vor.u32 v4, v53;
	v51 =	vadd.s32 s26, v0;
	[tilespmem:$0x1FDA0] =	vst v3  }
0x2cf: {  	v53 =	vor.u32 v4, v55;
	v62 =	vand.u32 $0x3FF8, v51;
	v17 =	vld [tilespmem:$0x1FF70];
	[tilespmem:v5+s0+$0x0] =	vst.idx.msk $0xffff, v10;
	v1 =	vadd.s32 s12, v20  }
0x2d0: {  	v28 =	vor.u32 v4, v62;
	[tilespmem:v6+s0+$0x0] =	vst.idx.msk $0xffff, v49;
	v42 =	vld.idx.msk [tilespmem:v42+s19+$0x0], $0xffff;
	v3 =	vadd.s32 s25, v20;
	v1 =	vand.u32 $0x3FC8, v1  }
0x2d1: {  	v39 =	vld.idx.msk [tilespmem:v39+s19+$0x0], $0xffff;
	[tilespmem:v43+s0+$0x0] =	vst.idx.msk $0xffff, v41;
	v3 =	vand.u32 $0x3FD8, v3;
	v62 =	vor.u32 v4, v1;
	v1 =	vadd.s32 s31, v0  }
0x2d2: {  	[tilespmem:v14+s0+$0x0] =	vst.idx.msk $0xffff, v13;
	v61 =	vor.u32 v4, v3;
	v3 =	vld.idx.msk [tilespmem:v2+s19+$0x0], $0xffff;
	v2 =	vand.u32 $0x3FE8, v1  }
0x2d3: {  	v59 =	vadd.s32 s12, v0;
	v60 =	vadd.s32 s25, v0;
	v22 =	vld [tilespmem:$0x1FE90];
	v13 =	vor.u32 v4, v2  }
0x2d4: {  	v56 =	vor.u32 v54, v37;
	v50 =	vand.u32 $0x3FC8, v59;
	v7 =	vand.u32 $0x3FD8, v60  }
0x2d5: {  	v55 =	vor.u32 v54, v36;
	v46 =	vor.u32 v4, v50;
	v7 =	vor.u32 v4, v7;
	v21 =	vld [tilespmem:$0x1FF90]  }
0x2d6: {  	v49 =	vor.u32 v18, v35;
	v6 =	vadd.s32 s26, v20;
	v14 =	vld.idx.msk [tilespmem:v57+s19+$0x0], $0xffff;
	[tilespmem:v8+s0+$0x0] =	vst.idx.msk $0xffff, v42  }
0x2d7: {  	v23 =	vmov v54;
	v50 =	vor.u32 v18, v37;
	v6 =	vand.u32 $0x3FF8, v6;
	[tilespmem:v53+s0+$0x0] =	vst.idx.msk $0xffff, v39;
	v12 =	vld.idx.msk [tilespmem:v12+s19+$0x0], $0xffff  }
0x2d8: {  	v54 =	vor.u32 v54, v38;
	v60 =	vor.u32 v4, v6;
	v6 =	vadd.s32 s12, v22;
	[tilespmem:v13+s0+$0x0] =	vst.idx.msk $0xffff, v3  }
0x2d9: {  	v51 =	vor.u32 v18, v36;
	v63 =	vadd.s32 s25, v24;
	v6 =	vand.u32 $0x3FC8, v6;
	v19 =	vld [tilespmem:$0x1FFA0]  }
0x2da: {  	v45 =	vor.u32 v18, v38;
	v11 =	vand.u32 $0x3FD8, v63;
	v59 =	vor.u32 v4, v6;
	v6 =	vld.idx.msk [tilespmem:v40+s19+$0x0], $0xffff  }
0x2db: {  	v11 =	vor.u32 v4, v11;
	v3 =	vadd.s32 s31, v24;
	v13 =	vld.idx.msk [tilespmem:v49+s19+$0x0], $0xffff;
	[tilespmem:v46+s0+$0x0] =	vst.idx.msk $0xffff, v14  }
0x2dc: {  	v44 =	vor.u32 v17, v37;
	v3 =	vand.u32 $0x3FE8, v3;
	[tilespmem:v7+s0+$0x0] =	vst.idx.msk $0xffff, v12;
	v40 =	vld.idx.msk [tilespmem:v50+s19+$0x0], $0xffff  }
0x2dd: {  	v5 =	vor.u32 v17, v36;
	v10 =	vor.u32 v17, v38;
	v3 =	vor.u32 v4, v3;
	v26 =	vld [tilespmem:$0x1FEB0]  }
0x2de: {  	v32 =	vmovc v25;
	v1 =	vor.u32 v21, v37;
	v63 =	vor.u32 v21, v36;
	v25 =	vld [tilespmem:$0x1FEA0];
	v14 =	vadd.s32 s25, v19  }
0x2df: {  	v34 =	vadd.s32 s25, v22;
	v42 =	vadd.s32 s26, v22;
	v7 =	vand.u32 $0x3FD8, v14;
	v14 =	vld.idx.msk [tilespmem:v51+s19+$0x0], $0xffff  }
0x2e0: {  	v2 =	vor.u32 v21, v38;
	v47 =	vand.u32 $0x3FD8, v34;
	v8 =	vand.u32 $0x3FF8, v42  }
0x2e1: {  	v58 =	vor.u32 v4, v47;
	v57 =	vor.u32 v4, v8;
	[tilespmem:v28+s0+$0x0] =	vst.idx.msk $0xffff, v6  }
0x2e2: {  	v12 =	vor.u32 v17, v35;
	v48 =	vadd.s32 s12, v19;
	v49 =	vadd.s32 s26, v19;
	[tilespmem:v3+s0+$0x0] =	vst.idx.msk $0xffff, v13  }
0x2e3: {  	v8 =	vand.u32 $0x3FC8, v48;
	v34 =	vadd.s32 s12, v26;
	v39 =	vand.u32 $0x3FF8, v49;
	[tilespmem:v9+s0+$0x0] =	vst.idx.msk $0xffff, v40  }
0x2e4: {  	v53 =	vor.u32 v25, v37;
	v51 =	vor.u32 v25, v36;
	v6 =	vadd.s32 s25, v26;
	v28 =	vld [tilespmem:$0x1FFC0];
	[tilespmem:v11+s0+$0x0] =	vst.idx.msk $0xffff, v14  }
0x2e5: {  	v48 =	vor.u32 v25, v38;
	v50 =	vor.u32 v4, v7;
	v7 =	vadd.s32 s31, v20;
	v41 =	vld [tilespmem:$0x1FDA0]  }
0x2e6: {  	v52 =	vor.u32 v4, v8;
	v3 =	vand.u32 $0x3FC8, v34;
	v7 =	vand.u32 $0x3FE8, v7;
	v34 =	vld [tilespmem:$0x1FFB0]  }
0x2e7: {  	v47 =	vor.u32 v4, v39;
	v39 =	vadd.s32 s26, v26;
	v9 =	vld.idx.msk [tilespmem:v12+s19+$0x0], $0xffff;
	v7 =	vor.u32 v4, v7  }
0x2e8: {  	v13 =	vld.idx.msk [tilespmem:v45+s19+$0x0], $0xffff;
	v6 =	vand.u32 $0x3FD8, v6;
	v8 =	vand.u32 $0x3FF8, v39;
	v11 =	vor.u32 v21, v35  }
0x2e9: {  	v46 =	vor.u32 v4, v3;
	v45 =	vor.u32 v4, v6;
	v42 =	vor.u32 v4, v8  }
0x2ea: {  	v12 =	vadd.s32 s12, v28;
	v6 =	vadd.s32 s25, v28;
	v8 =	vadd.s32 s26, v28  }
0x2eb: {  	v6 =	vand.u32 $0x3FD8, v6;
	v8 =	vand.u32 $0x3FF8, v8;
	v43 =	vor.u32 v34, v38;
	v38 =	vld.idx.msk [tilespmem:v5+s19+$0x0], $0xffff  }
0x2ec: {  	v3 =	vld.idx.msk [tilespmem:v44+s19+$0x0], $0xffff;
	[tilespmem:v7+s0+$0x0] =	vst.idx.msk $0xffff, v9;
	v7 =	vadd.s32 s31, v22;
	v40 =	vor.u32 v4, v6;
	v5 =	vand.u32 $0x3FC8, v12  }
0x2ed: {  	v39 =	vor.u32 v4, v8;
	[tilespmem:v41+s0+$0x0] =	vst.idx.msk $0xffff, v13;
	v41 =	vor.u32 v4, v5;
	v5 =	vld.idx.msk [tilespmem:v11+s19+$0x0], $0xffff  }
0x2ee: {  	s12 =	simm.s32 $0x0;
	s25 =	simm.s32 $0x70;
	v49 =	vor.u32 v34, v37;
	v44 =	vor.u32 v34, v36;
	v37 =	vand.u32 $0x3FE8, v7;
	v36 =	vld.idx.msk [tilespmem:v10+s19+$0x0], $0xffff  }
.LBB2_15:
0x2ef: {  	_ = 	snop  }
0x2f0: {  	s1 =	sadd.s32 $0xFFFFFFE0, s25;
	s2 =	sadd.s32 $0xFFFFFFF0, s25;
	v6 =	vmov s25;
	s8 =	sadd.s32 $0xFFFFFFD0, s25;
	v9 =	vor.u32 v23, v35;
	[tilespmem:v61+s0+$0x0] =	vst.idx.msk $0xffff, v38  }
0x2f1: {  	v7 =	vmov s1;
	v8 =	vmov s2;
	v10 =	vmov s8;
	v11 =	vld.idx.msk [tilespmem:v63+s19+$0x0], $0xffff  }
0x2f2: {  	v6 =	vshll.u32 v6, $0x4;
	v8 =	vshll.u32 v8, $0x4;
	[tilespmem:v62+s0+$0x0] =	vst.idx.msk $0xffff, v3;
	v3 =	vor.u32 v4, v37  }
0x2f3: {  	v7 =	vshll.u32 v7, $0x4;
	v10 =	vshll.u32 v10, $0x4;
	[tilespmem:v60+s0+$0x0] =	vst.idx.msk $0xffff, v36;
	v8 =	vor.u32 v16, v8  }
0x2f4: {  	v38 =	vor.u32 v16, v10;
	v36 =	vor.u32 v16, v7;
	v37 =	vor.u32 v16, v6;
	v16 =	vld [tilespmem:$0x1FE20]  }
0x2f5: {  	v1 =	vld.idx.msk [tilespmem:v1+s19+$0x0], $0xffff;
	v7 =	vor.u32 v15, v8  }
0x2f6: {  	v2 =	vld.idx.msk [tilespmem:v2+s19+$0x0], $0xffff;
	v10 =	vor.u32 v15, v38;
	[tilespmem:v58+s0+$0x0] =	vst.idx.msk $0xffff, v11  }
0x2f7: {  	s3 =	sadd.s32 $0x200, s3;
	s21 =	sand.u32 $0x50, s1;
	v6 =	vor.u32 v15, v37;
	[tilespmem:v3+s0+$0x0] =	vst.idx.msk $0xffff, v5;
	v5 =	vor.u32 v15, v36;
	v15 =	vld [tilespmem:$0x1FE30]  }
0x2f8: {  	s26 =	sand.u32 $0x40, s8;
	s4 =	sand.u32 $0x1C00, s3;
	s2 =	sand.u32 $0x60, s2;
	v55 =	vld.idx.msk [tilespmem:v55+s19+$0x0], $0xffff  }
0x2f9: {  	s8 =	sand.u32 $0x70, s25;
	s1 =	sor.u32 s26, s4;
	s2 =	sor.u32 s4, s2;
	v3 =	vadd.s32 s31, v19;
	v9 =	vld.idx.msk [tilespmem:v9+s19+$0x0], $0xffff  }
0x2fa: {  	s26 =	sor.u32 s4, s21;
	s8 =	sor.u32 s4, s8;
	v14 =	vadd.s32 s1, v16;
	v60 =	vadd.s32 s2, v16;
	v3 =	vand.u32 $0x3FE8, v3;
	v7 =	vld.idx.msk [tilespmem:v7+s19+$0x0], $0xffff  }
0x2fb: {  	v61 =	vadd.s32 s8, v16;
	[tilespmem:v59+s0+$0x0] =	vst.idx.msk $0xffff, v1;
	v59 =	vadd.s32 s26, v16;
	v16 =	vld [tilespmem:$0x1FEC0];
	v3 =	vor.u32 v4, v3  }
0x2fc: {  	v60 =	vand.u32 $0x3FE8, v60;
	[tilespmem:v57+s0+$0x0] =	vst.idx.msk $0xffff, v2;
	v10 =	vld.idx.msk [tilespmem:v10+s19+$0x0], $0xffff  }
0x2fd: {  	v1 =	vor.u32 v25, v35;
	v63 =	vand.u32 $0x3FC8, v14;
	v58 =	vor.u32 v4, v60;
	v6 =	vld.idx.msk [tilespmem:v6+s19+$0x0], $0xffff  }
0x2fe: {  	v62 =	vor.u32 v34, v35;
	v14 =	vand.u32 $0x3FD8, v59;
	v2 =	vor.u32 v4, v63;
	v56 =	vld.idx.msk [tilespmem:v56+s19+$0x0], $0xffff  }
0x2ff: {  	v61 =	vand.u32 $0x3FF8, v61;
	v14 =	vor.u32 v4, v14;
	v5 =	vld.idx.msk [tilespmem:v5+s19+$0x0], $0xffff;
	v11 =	vor.u32 v15, v8  }
0x300: {  	v12 =	vor.u32 v15, v38;
	v13 =	vor.u32 v15, v36;
	[tilespmem:v3+s0+$0x0] =	vst.idx.msk $0xffff, v9;
	v3 =	vadd.s32 s31, v26  }
0x301: {  	v57 =	vor.u32 v15, v37;
	v15 =	vld [tilespmem:$0x1FE40];
	v9 =	vor.u32 v4, v61;
	v3 =	vand.u32 $0x3FE8, v3  }
0x302: {  	v59 =	vadd.s32 s1, v16;
	v1 =	vld.idx.msk [tilespmem:v1+s19+$0x0], $0xffff;
	[tilespmem:v58+s0+$0x0] =	vst.idx.msk $0xffff, v7;
	v7 =	vadd.s32 s2, v16;
	v3 =	vor.u32 v4, v3  }
0x303: {  	v60 =	vadd.s32 s26, v16;
	v61 =	vadd.s32 s8, v16;
	[tilespmem:v2+s0+$0x0] =	vst.idx.msk $0xffff, v10;
	v16 =	vld [tilespmem:$0x1FED0];
	v7 =	vand.u32 $0x3FE8, v7  }
0x304: {  	v2 =	vand.u32 $0x3FD8, v60;
	v63 =	vld.idx.msk [tilespmem:v11+s19+$0x0], $0xffff;
	[tilespmem:v14+s0+$0x0] =	vst.idx.msk $0xffff, v5;
	v5 =	vor.u32 v4, v7  }
0x305: {  	v35 =	vmovc v8;
	v59 =	vand.u32 $0x3FC8, v59;
	v60 =	vand.u32 $0x3FF8, v61;
	v2 =	vor.u32 v4, v2;
	v61 =	vld.idx.msk [tilespmem:v12+s19+$0x0], $0xffff  }
0x306: {  	v12 =	vor.u32 v4, v59;
	v11 =	vor.u32 v4, v60;
	v7 =	vld.idx.msk [tilespmem:v13+s19+$0x0], $0xffff;
	[tilespmem:v9+s0+$0x0] =	vst.idx.msk $0xffff, v6  }
0x307: {  	v14 =	vor.u32 v15, v36;
	v13 =	vor.u32 v15, v35;
	v9 =	vld.idx.msk [tilespmem:v57+s19+$0x0], $0xffff;
	[tilespmem:v3+s0+$0x0] =	vst.idx.msk $0xffff, v1  }
0x308: {  	v6 =	vadd.s32 s1, v16;
	v1 =	vadd.s32 s31, v28;
	s31 =	smov.u32 s2;
	v3 =	vor.u32 v15, v38;
	v57 =	vld.idx.msk [tilespmem:v62+s19+$0x0], $0xffff  }
0x309: {  	v62 =	vadd.s32 s26, v16;
	[tilespmem:v5+s0+$0x0] =	vst.idx.msk $0xffff, v63;
	v5 =	vadd.s32 s31, v16;
	v63 =	vadd.s32 s8, v16;
	v16 =	vld [tilespmem:$0x1FE50]  }
0x30a: {  	v59 =	vor.u32 v15, v37;
	v54 =	vld.idx.msk [tilespmem:v54+s19+$0x0], $0xffff;
	v1 =	vand.u32 $0x3FE8, v1  }
0x30b: {  	v15 =	vld [tilespmem:$0x1FFD0];
	[tilespmem:v12+s0+$0x0] =	vst.idx.msk $0xffff, v61;
	v1 =	vor.u32 v4, v1;
	v5 =	vand.u32 $0x3FE8, v5  }
0x30c: {  	v6 =	vand.u32 $0x3FC8, v6;
	v12 =	vld.idx.msk [tilespmem:v13+s19+$0x0], $0xffff;
	[tilespmem:v2+s0+$0x0] =	vst.idx.msk $0xffff, v7;
	v2 =	vor.u32 v4, v5  }
0x30d: {  	v6 =	vor.u32 v4, v6;
	v60 =	vand.u32 $0x3FD8, v62;
	v10 =	vand.u32 $0x3FF8, v63;
	v62 =	vld.idx.msk [tilespmem:v14+s19+$0x0], $0xffff  }
0x30e: {  	v5 =	vor.u32 v4, v60;
	[tilespmem:v11+s0+$0x0] =	vst.idx.msk $0xffff, v9;
	v3 =	vld.idx.msk [tilespmem:v3+s19+$0x0], $0xffff;
	v7 =	vor.u32 v16, v35  }
0x30f: {  	v10 =	vor.u32 v4, v10;
	v14 =	vld.idx.msk [tilespmem:v59+s19+$0x0], $0xffff;
	[tilespmem:v52+s0+$0x0] =	vst.idx.msk $0xffff, v56;
	v61 =	vor.u32 v16, v38  }
0x310: {  	v13 =	vadd.s32 s1, v15;
	v63 =	vadd.s32 s26, v15;
	v52 =	vld.idx.msk [tilespmem:v53+s19+$0x0], $0xffff;
	[tilespmem:v1+s0+$0x0] =	vst.idx.msk $0xffff, v57;
	v1 =	vor.u32 v16, v36  }
0x311: {  	v60 =	vadd.s32 s8, v15;
	v57 =	vor.u32 v16, v37;
	[tilespmem:v2+s0+$0x0] =	vst.idx.msk $0xffff, v12;
	v2 =	vadd.s32 s31, v15;
	v15 =	vld [tilespmem:$0x1FEE0]  }
0x312: {  	v58 =	vadd.s32 s8, v31;
	v16 =	vld [tilespmem:$0x1FEF0]  }
0x313: {  	v56 =	vor.u32 v29, v37;
	v59 =	vand.u32 $0x3FF8, v58;
	v13 =	vand.u32 $0x3FC8, v13;
	[tilespmem:v6+s0+$0x0] =	vst.idx.msk $0xffff, v3;
	v7 =	vld.idx.msk [tilespmem:v7+s19+$0x0], $0xffff  }
0x314: {  	v58 =	vadd.s32 s1, v0;
	v13 =	vor.u32 v4, v13;
	[tilespmem:v5+s0+$0x0] =	vst.idx.msk $0xffff, v62;
	v2 =	vand.u32 $0x3FE8, v2;
	v8 =	vld.idx.msk [tilespmem:v61+s19+$0x0], $0xffff  }
0x315: {  	v11 =	vand.u32 $0x3FD8, v63;
	v12 =	vand.u32 $0x3FF8, v60;
	v2 =	vor.u32 v4, v2;
	[tilespmem:v10+s0+$0x0] =	vst.idx.msk $0xffff, v14;
	v1 =	vld.idx.msk [tilespmem:v1+s19+$0x0], $0xffff  }
0x316: {  	v12 =	vor.u32 v4, v12;
	v60 =	vld.idx.msk [tilespmem:v57+s19+$0x0], $0xffff;
	[tilespmem:v50+s0+$0x0] =	vst.idx.msk $0xffff, v55;
	v61 =	vor.u32 v15, v35  }
0x317: {  	v3 =	vor.u32 v15, v38;
	v5 =	vor.u32 v15, v36;
	v63 =	vor.u32 v15, v37;
	v15 =	vld [tilespmem:$0x1FF00]  }
0x318: {  	v11 =	vor.u32 v4, v11;
	v6 =	vadd.s32 s1, v16;
	v62 =	vadd.s32 s26, v16;
	[tilespmem:v47+s0+$0x0] =	vst.idx.msk $0xffff, v54;
	v51 =	vld.idx.msk [tilespmem:v51+s19+$0x0], $0xffff  }
0x319: {  	v14 =	vadd.s32 s8, v16;
	v6 =	vand.u32 $0x3FC8, v6;
	v53 =	vand.u32 $0x3FD8, v62;
	v47 =	vld.idx.msk [tilespmem:v48+s19+$0x0], $0xffff  }
0x31a: {  	v48 =	vor.u32 v29, v36;
	v6 =	vor.u32 v4, v6;
	[tilespmem:v2+s0+$0x0] =	vst.idx.msk $0xffff, v7;
	v2 =	vadd.s32 s31, v16;
	v16 =	vld [tilespmem:$0x1FE60]  }
0x31b: {  	v14 =	vand.u32 $0x3FF8, v14;
	v50 =	vor.u32 v4, v53;
	[tilespmem:v13+s0+$0x0] =	vst.idx.msk $0xffff, v8;
	v2 =	vand.u32 $0x3FE8, v2;
	v9 =	vld.idx.msk [tilespmem:v61+s19+$0x0], $0xffff  }
0x31c: {  	[tilespmem:v12+s0+$0x0] =	vst.idx.msk $0xffff, v60;
	v53 =	vor.u32 v15, v38;
	v55 =	vor.u32 v15, v36;
	v3 =	vld.idx.msk [tilespmem:v3+s19+$0x0], $0xffff  }
0x31d: {  	v57 =	vor.u32 v15, v37;
	v2 =	vor.u32 v4, v2;
	v8 =	vor.u32 v15, v35;
	v15 =	vld [tilespmem:$0x1FFE0]  }
0x31e: {  	v14 =	vor.u32 v4, v14;
	v10 =	vld.idx.msk [tilespmem:v63+s19+$0x0], $0xffff;
	[tilespmem:v46+s0+$0x0] =	vst.idx.msk $0xffff, v52;
	v52 =	vor.u32 v32, v37  }
0x31f: {  	[tilespmem:v11+s0+$0x0] =	vst.idx.msk $0xffff, v1;
	v46 =	vld.idx.msk [tilespmem:v49+s19+$0x0], $0xffff;
	v49 =	vor.u32 v32, v38;
	v7 =	vadd.s32 s1, v16;
	v61 =	vadd.s32 s26, v16  }
0x320: {  	v5 =	vld.idx.msk [tilespmem:v5+s19+$0x0], $0xffff;
	v13 =	vadd.s32 s8, v16;
	v7 =	vand.u32 $0x3FC8, v7;
	v1 =	vand.u32 $0x3FD8, v61  }
0x321: {  	[tilespmem:v45+s0+$0x0] =	vst.idx.msk $0xffff, v51;
	v12 =	vand.u32 $0x3FF8, v13;
	v13 =	vor.u32 v29, v38;
	v7 =	vor.u32 v4, v7  }
0x322: {  	v62 =	vadd.s32 s1, v15;
	v1 =	vor.u32 v4, v1;
	v12 =	vor.u32 v4, v12;
	[tilespmem:v2+s0+$0x0] =	vst.idx.msk $0xffff, v9  }
0x323: {  	v63 =	vadd.s32 s26, v15;
	v2 =	vadd.s32 s31, v16;
	v60 =	vadd.s32 s8, v15;
	[tilespmem:v6+s0+$0x0] =	vst.idx.msk $0xffff, v3  }
0x324: {  	v6 =	vadd.s32 s1, v31;
	[tilespmem:v14+s0+$0x0] =	vst.idx.msk $0xffff, v10;
	v10 =	vor.u32 v32, v36;
	v2 =	vand.u32 $0x3FE8, v2  }
0x325: {  	v14 =	vadd.s32 s26, v31;
	v16 =	vor.u32 v17, v37;
	v8 =	vld.idx.msk [tilespmem:v8+s19+$0x0], $0xffff;
	v2 =	vor.u32 v4, v2  }
0x326: {  	[tilespmem:v50+s0+$0x0] =	vst.idx.msk $0xffff, v5;
	v11 =	vand.u32 $0x3FC8, v62;
	v61 =	vand.u32 $0x3FD8, v63;
	v9 =	vand.u32 $0x3FF8, v60;
	v62 =	vld.idx.msk [tilespmem:v53+s19+$0x0], $0xffff  }
0x327: {  	v63 =	vor.u32 v29, v35;
	v57 =	vld.idx.msk [tilespmem:v57+s19+$0x0], $0xffff;
	v6 =	vand.u32 $0x3FC8, v6;
	v14 =	vand.u32 $0x3FD8, v14;
	[tilespmem:v42+s0+$0x0] =	vst.idx.msk $0xffff, v47  }
0x328: {  	v50 =	vld.idx.msk [tilespmem:v55+s19+$0x0], $0xffff;
	v53 =	vor.u32 v27, v37;
	v3 =	vor.u32 v4, v11;
	v5 =	vor.u32 v4, v61  }
0x329: {  	v9 =	vor.u32 v4, v9;
	v6 =	vor.u32 v4, v6;
	v14 =	vor.u32 v4, v14  }
0x32a: {  	v42 =	vld.idx.msk [tilespmem:v43+s19+$0x0], $0xffff;
	v61 =	vadd.s32 s1, v33;
	v43 =	vand.u32 $0x3FC8, v58;
	[tilespmem:v2+s0+$0x0] =	vst.idx.msk $0xffff, v8;
	v2 =	vadd.s32 s31, v15  }
0x32b: {  	v11 =	vand.u32 $0x3FC8, v61;
	v43 =	vor.u32 v4, v43;
	v2 =	vand.u32 $0x3FE8, v2  }
0x32c: {  	v11 =	vor.u32 v4, v11;
	[tilespmem:v7+s0+$0x0] =	vst.idx.msk $0xffff, v62;
	v60 =	vld.idx.msk [tilespmem:v63+s19+$0x0], $0xffff;
	v2 =	vor.u32 v4, v2  }
0x32d: {  	v44 =	vld.idx.msk [tilespmem:v44+s19+$0x0], $0xffff;
	v7 =	vor.u32 v30, v38;
	[tilespmem:v1+s0+$0x0] =	vst.idx.msk $0xffff, v50;
	v1 =	vor.u32 v30, v36  }
0x32e: {  	v55 =	vadd.s32 s26, v33;
	v62 =	vor.u32 v32, v35;
	[tilespmem:v12+s0+$0x0] =	vst.idx.msk $0xffff, v57;
	v57 =	vadd.s32 s8, v33;
	v13 =	vld.idx.msk [tilespmem:v13+s19+$0x0], $0xffff  }
0x32f: {  	v12 =	vor.u32 v30, v37;
	v8 =	vor.u32 v4, v59;
	v51 =	vld.idx.msk [tilespmem:v56+s19+$0x0], $0xffff;
	v50 =	vand.u32 $0x3FF8, v57  }
0x330: {  	[tilespmem:v41+s0+$0x0] =	vst.idx.msk $0xffff, v46;
	v15 =	vor.u32 v18, v37;
	v57 =	vadd.s32 s1, v20;
	v63 =	vld.idx.msk [tilespmem:v48+s19+$0x0], $0xffff;
	v48 =	vand.u32 $0x3FD8, v55  }
0x331: {  	v46 =	vor.u32 v4, v50;
	v50 =	vor.u32 v27, v36;
	[tilespmem:v2+s0+$0x0] =	vst.idx.msk $0xffff, v60;
	v2 =	vadd.s32 s31, v31  }
0x332: {  	[tilespmem:v40+s0+$0x0] =	vst.idx.msk $0xffff, v44;
	v55 =	vadd.s32 s8, v24;
	v40 =	vor.u32 v17, v38;
	v2 =	vand.u32 $0x3FE8, v2  }
0x333: {  	v41 =	vor.u32 v4, v48;
	[tilespmem:v3+s0+$0x0] =	vst.idx.msk $0xffff, v13;
	v45 =	vld.idx.msk [tilespmem:v62+s19+$0x0], $0xffff;
	v2 =	vor.u32 v4, v2  }
0x334: {  	v48 =	vor.u32 v27, v38;
	v3 =	vadd.s32 s26, v0;
	v13 =	vadd.s32 s8, v0;
	[tilespmem:v9+s0+$0x0] =	vst.idx.msk $0xffff, v51  }
0x335: {  	v51 =	vor.u32 v18, v35;
	v59 =	vld.idx.msk [tilespmem:v49+s19+$0x0], $0xffff;
	[tilespmem:v5+s0+$0x0] =	vst.idx.msk $0xffff, v63;
	v5 =	vor.u32 v30, v35  }
0x336: {  	v3 =	vand.u32 $0x3FD8, v3;
	v61 =	vand.u32 $0x3FF8, v13;
	v13 =	vor.u32 v18, v38;
	v10 =	vld.idx.msk [tilespmem:v10+s19+$0x0], $0xffff  }
0x337: {  	v49 =	vor.u32 v18, v36;
	v63 =	vadd.s32 s26, v24;
	v60 =	vadd.s32 s1, v24;
	v62 =	vld.idx.msk [tilespmem:v52+s19+$0x0], $0xffff  }
0x338: {  	v3 =	vor.u32 v4, v3;
	v9 =	vor.u32 v4, v61;
	[tilespmem:v2+s0+$0x0] =	vst.idx.msk $0xffff, v45;
	v2 =	vadd.s32 s31, v33  }
0x339: {  	v56 =	vand.u32 $0x3FD8, v63;
	v63 =	vor.u32 v21, v36;
	[tilespmem:v39+s0+$0x0] =	vst.idx.msk $0xffff, v42;
	v2 =	vand.u32 $0x3FE8, v2  }
0x33a: {  	v54 =	vand.u32 $0x3FC8, v60;
	v42 =	vand.u32 $0x3FF8, v55;
	[tilespmem:v6+s0+$0x0] =	vst.idx.msk $0xffff, v59;
	v5 =	vld.idx.msk [tilespmem:v5+s19+$0x0], $0xffff;
	v2 =	vor.u32 v4, v2  }
0x33b: {  	v55 =	vor.u32 v23, v36;
	v6 =	vor.u32 v4, v54;
	v7 =	vld.idx.msk [tilespmem:v7+s19+$0x0], $0xffff;
	[tilespmem:v14+s0+$0x0] =	vst.idx.msk $0xffff, v10  }
0x33c: {  	v39 =	vand.u32 $0x3FC8, v57;
	v59 =	vadd.s32 s8, v20;
	v14 =	vor.u32 v27, v35;
	v58 =	vld.idx.msk [tilespmem:v1+s19+$0x0], $0xffff;
	[tilespmem:v8+s0+$0x0] =	vst.idx.msk $0xffff, v62  }
0x33d: {  	v54 =	vor.u32 v23, v37;
	v10 =	vor.u32 v4, v56;
	v56 =	vor.u32 v23, v38;
	v12 =	vld.idx.msk [tilespmem:v12+s19+$0x0], $0xffff  }
0x33e: {  	v8 =	vor.u32 v4, v42;
	v42 =	vor.u32 v17, v36;
	v1 =	vadd.s32 s26, v20  }
0x33f: {  	v62 =	vor.u32 v4, v39;
	v1 =	vand.u32 $0x3FD8, v1;
	[tilespmem:v2+s0+$0x0] =	vst.idx.msk $0xffff, v5;
	v2 =	vadd.s32 s31, v0  }
0x340: {  	v39 =	vadd.s32 s26, v19;
	v61 =	vor.u32 v4, v1;
	[tilespmem:v11+s0+$0x0] =	vst.idx.msk $0xffff, v7;
	v2 =	vand.u32 $0x3FE8, v2  }
0x341: {  	v1 =	vor.u32 v21, v38;
	[tilespmem:v41+s0+$0x0] =	vst.idx.msk $0xffff, v58;
	v14 =	vld.idx.msk [tilespmem:v14+s19+$0x0], $0xffff;
	v7 =	vor.u32 v4, v2  }
0x342: {  	v11 =	vld.idx.msk [tilespmem:v48+s19+$0x0], $0xffff;
	v48 =	vadd.s32 s26, v22;
	[tilespmem:v46+s0+$0x0] =	vst.idx.msk $0xffff, v12;
	v12 =	vadd.s32 s8, v22;
	v5 =	vand.u32 $0x3FF8, v59  }
0x343: {  	v41 =	vld.idx.msk [tilespmem:v50+s19+$0x0], $0xffff;
	v44 =	vand.u32 $0x3FD8, v48;
	v60 =	vor.u32 v4, v5;
	v5 =	vadd.s32 s1, v22  }
0x344: {  	v48 =	vor.u32 v25, v37;
	v50 =	vld.idx.msk [tilespmem:v53+s19+$0x0], $0xffff;
	v12 =	vand.u32 $0x3FF8, v12;
	v5 =	vand.u32 $0x3FC8, v5  }
0x345: {  	v58 =	vor.u32 v4, v44;
	v59 =	vor.u32 v4, v5;
	v5 =	vadd.s32 s31, v24  }
0x346: {  	v53 =	vor.u32 v25, v38;
	v44 =	vor.u32 v34, v36;
	v5 =	vand.u32 $0x3FE8, v5;
	[tilespmem:v7+s0+$0x0] =	vst.idx.msk $0xffff, v14  }
0x347: {  	v57 =	vor.u32 v4, v12;
	[tilespmem:v43+s0+$0x0] =	vst.idx.msk $0xffff, v11;
	v5 =	vor.u32 v4, v5;
	v12 =	vld.idx.msk [tilespmem:v51+s19+$0x0], $0xffff  }
0x348: {  	v2 =	vor.u32 v21, v37;
	v11 =	vor.u32 v17, v35;
	[tilespmem:v3+s0+$0x0] =	vst.idx.msk $0xffff, v41;
	v3 =	vand.u32 $0x3FD8, v39  }
0x349: {  	v13 =	vld.idx.msk [tilespmem:v13+s19+$0x0], $0xffff;
	[tilespmem:v9+s0+$0x0] =	vst.idx.msk $0xffff, v50;
	v50 =	vor.u32 v4, v3;
	v3 =	vadd.s32 s26, v26  }
0x34a: {  	v43 =	vld.idx.msk [tilespmem:v49+s19+$0x0], $0xffff;
	v49 =	vadd.s32 s8, v26;
	v7 =	vadd.s32 s1, v19;
	v14 =	vadd.s32 s8, v19  }
0x34b: {  	v9 =	vor.u32 v21, v35;
	v7 =	vand.u32 $0x3FC8, v7;
	v47 =	vand.u32 $0x3FF8, v14;
	v14 =	vld.idx.msk [tilespmem:v15+s19+$0x0], $0xffff  }
0x34c: {  	v52 =	vor.u32 v4, v7;
	v7 =	vadd.s32 s1, v26;
	[tilespmem:v5+s0+$0x0] =	vst.idx.msk $0xffff, v12;
	v5 =	vadd.s32 s31, v20  }
0x34d: {  	v7 =	vand.u32 $0x3FC8, v7;
	v12 =	vand.u32 $0x3FD8, v3;
	v3 =	vand.u32 $0x3FE8, v5  }
0x34e: {  	s12 =	sadd.s32 $0x4, s12;
	v15 =	vlaneseq.u32;
	[tilespmem:v6+s0+$0x0] =	vst.idx.msk $0xffff, v13;
	v46 =	vor.u32 v4, v7;
	v11 =	vld.idx.msk [tilespmem:v11+s19+$0x0], $0xffff;
	v7 =	vor.u32 v4, v3  }
0x34f: {  	p0 =	slt.u32 s12, $0x24;
	v51 =	vor.u32 v25, v36;
	v6 =	vadd.s32 s1, v28;
	v47 =	vor.u32 v4, v47;
	[tilespmem:v10+s0+$0x0] =	vst.idx.msk $0xffff, v43  }
.Ltmp6:
0x350: {  	v6 =	vand.u32 $0x3FC8, v6;
	[tilespmem:v8+s0+$0x0] =	vst.idx.msk $0xffff, v14;
	v5 =	vand.u32 $0x3FF8, v49;
	v49 =	vor.u32 v34, v38;
	v38 =	vld.idx.msk [tilespmem:v42+s19+$0x0], $0xffff;
	(pc) =	sbr.rel @p0 .LBB2_15-.Ltmp6, $4  }
0x351: {  	v43 =	vor.u32 v34, v37;
	v37 =	vadd.s32 s8, v28;
	v41 =	vor.u32 v4, v6;
	v36 =	vld.idx.msk [tilespmem:v16+s19+$0x0], $0xffff  }
0x352: {  	v6 =	vadd.s32 s31, v22;
	v16 =	vld [tilespmem:$0x1FE10];
	v42 =	vor.u32 v4, v5;
	v5 =	vadd.s32 s26, v28  }
0x353: {  	v45 =	vor.u32 v4, v12;
	v3 =	vld.idx.msk [tilespmem:v40+s19+$0x0], $0xffff;
	v5 =	vand.u32 $0x3FD8, v5;
	[tilespmem:v7+s0+$0x0] =	vst.idx.msk $0xffff, v11;
	v7 =	vand.u32 $0x3FF8, v37  }
0x354: {  	s25 =	sadd.s32 $0x40, s25;
	v40 =	vor.u32 v4, v5;
	v37 =	vand.u32 $0x3FE8, v6;
	v5 =	vld.idx.msk [tilespmem:v9+s19+$0x0], $0xffff;
	v39 =	vor.u32 v4, v7  }
0x355: {  	_ =	sdelay $0x2  }
0x356: {  	v29 =	vld [tilespmem:$0x1FFE0]  }
0x357: {  	v0 =	vld [tilespmem:$0x1FFD0];
	[tilespmem:v61+s0+$0x0] =	vst.idx.msk $0xffff, v38  }
0x358: {  	v7 =	vld.idx.msk [tilespmem:v63+s19+$0x0], $0xffff;
	[tilespmem:v60+s0+$0x0] =	vst.idx.msk $0xffff, v36  }
0x359: {  	v2 =	vld.idx.msk [tilespmem:v2+s19+$0x0], $0xffff  }
0x35a: {  	[tilespmem:v62+s0+$0x0] =	vst.idx.msk $0xffff, v3;
	v3 =	vor.u32 v4, v37  }
0x35b: {  	v6 =	vor.u32 v23, v35  }
0x35c: {  	v1 =	vld.idx.msk [tilespmem:v1+s19+$0x0], $0xffff  }
0x35d: {  	[tilespmem:v58+s0+$0x0] =	vst.idx.msk $0xffff, v7  }
0x35e: {  	v8 =	vadd.s32 s31, v19;
	[tilespmem:v57+s0+$0x0] =	vst.idx.msk $0xffff, v2  }
0x35f: {  	v2 =	vld.idx.msk [tilespmem:v55+s19+$0x0], $0xffff;
	[tilespmem:v3+s0+$0x0] =	vst.idx.msk $0xffff, v5;
	v3 =	vand.u32 $0x3FE8, v8  }
0x360: {  	v5 =	vld.idx.msk [tilespmem:v6+s19+$0x0], $0xffff;
	v3 =	vor.u32 v4, v3  }
0x361: {  	v7 =	vld.idx.msk [tilespmem:v54+s19+$0x0], $0xffff;
	[tilespmem:v59+s0+$0x0] =	vst.idx.msk $0xffff, v1;
	v1 =	vor.u32 v25, v35  }
0x362: {  	v6 =	vld.idx.msk [tilespmem:v56+s19+$0x0], $0xffff;
	_ =	sdelay $0x1  }
0x363: {  	v8 =	vadd.s32 s31, v26;
	[tilespmem:v50+s0+$0x0] =	vst.idx.msk $0xffff, v2  }
0x364: {  	v2 =	vld.idx.msk [tilespmem:v51+s19+$0x0], $0xffff;
	[tilespmem:v3+s0+$0x0] =	vst.idx.msk $0xffff, v5;
	v3 =	vand.u32 $0x3FE8, v8  }
0x365: {  	[tilespmem:v47+s0+$0x0] =	vst.idx.msk $0xffff, v7;
	v1 =	vld.idx.msk [tilespmem:v1+s19+$0x0], $0xffff;
	v3 =	vor.u32 v4, v3  }
0x366: {  	v5 =	vor.u32 v34, v35;
	v7 =	vld.idx.msk [tilespmem:v48+s19+$0x0], $0xffff;
	[tilespmem:v52+s0+$0x0] =	vst.idx.msk $0xffff, v6  }
0x367: {  	v6 =	vld.idx.msk [tilespmem:v53+s19+$0x0], $0xffff;
	_ =	sdelay $0x1  }
0x368: {  	v8 =	vadd.s32 s31, v28;
	[tilespmem:v45+s0+$0x0] =	vst.idx.msk $0xffff, v2  }
0x369: {  	v2 =	vld.idx.msk [tilespmem:v44+s19+$0x0], $0xffff;
	[tilespmem:v3+s0+$0x0] =	vst.idx.msk $0xffff, v1;
	v1 =	vand.u32 $0x3FE8, v8  }
0x36a: {  	[tilespmem:v42+s0+$0x0] =	vst.idx.msk $0xffff, v7;
	v3 =	vld.idx.msk [tilespmem:v5+s19+$0x0], $0xffff;
	v1 =	vor.u32 v4, v1  }
0x36b: {  	[tilespmem:v46+s0+$0x0] =	vst.idx.msk $0xffff, v6;
	v6 =	vld.idx.msk [tilespmem:v43+s19+$0x0], $0xffff  }
0x36c: {  	v5 =	vld.idx.msk [tilespmem:v49+s19+$0x0], $0xffff;
	s1 =	rddreg [dreg:$0xb]  }
0x36d: {  	s1 =	sadd.s32 s17, s1  }
0x36e: {  	s2 =	sshll.u32 s1, $0x3;
	[tilespmem:v40+s0+$0x0] =	vst.idx.msk $0xffff, v2  }
0x36f: {  	s2 =	sadd.s32 s16, s2;
	[tilespmem:v1+s0+$0x0] =	vst.idx.msk $0xffff, v3  }
0x370: {  	s2 =	sshrl.u32 s2, $0x3;
	[tilespmem:v39+s0+$0x0] =	vst.idx.msk $0xffff, v6  }
0x371: {  	p0 =	seq.s32 s9, $0x3D;
	s1 =	sshll.u32 s1, $0x1;
	[tilespmem:v41+s0+$0x0] =	vst.idx.msk $0xffff, v5;
	s2 =	sadd.s32 s14, s2  }
0x372: {  	[hbm4b:s2+s5] =	stream.linear.scatter [tilespmem:s0], [sflag:$0x6], $0x1400, $0x38;
	[tilespmem:$0x1A360] =	vst v63  }
.Ltmp7:
0x373: {  	s1 =	sadd.s32 s18, s1;
	(pc) =	sbr.rel @p0 .LBB2_17-.Ltmp7, $4  }
0x374: {  	s3 =	simm.s32 $0x18560;
	s1 =	sshrl.u32 s1, $0x3;
	s2 =	sadd.s32 $0x4E200, s2  }
0x375: {  	[hbm4b:s2+s5] =	stream.linear.scatter [tilespmem:s3], [sflag:$0x6], $0x1400, $0x38;
	[tilespmem:$0x1A360] =	vst v63  }
0x376: {  	s31 =	simm.s32 $0x19E60;
	s1 =	sadd.s32 s20, s1  }
0x377: {  	v10 =	vmovc v31;
	v31 =	vmov v32;
	v11 =	vmov v19;
	v28 =	vmov v23;
	[hbm4b:s1+s5] =	stream.linear.scatter [tilespmem:s31], [sflag:$0x6], $0x500, $0x38;
	[tilespmem:$0x1A360] =	vst v63  }
0x378: {  	v12 =	vld [tilespmem:$0x1FE20]  }
0x379: {  	v47 =	vld [tilespmem:$0x1FE30]  }
0x37a: {  	v32 =	vld [tilespmem:$0x1FEC0]  }
0x37b: {  	v13 =	vld [tilespmem:$0x1FE40]  }
0x37c: {  	v33 =	vld [tilespmem:$0x1FED0]  }
0x37d: {  	v15 =	vld [tilespmem:$0x1FE50]  }
0x37e: {  	v20 =	vld [tilespmem:$0x1FEE0]  }
0x37f: {  	v18 =	vld [tilespmem:$0x1FEF0]  }
0x380: {  	v19 =	vld [tilespmem:$0x1FF00]  }
0x381: {  	v16 =	vld [tilespmem:$0x1FE60]  }
0x382: {  	v27 =	vld [tilespmem:$0x1FF10]  }
0x383: {  	v14 =	vld [tilespmem:$0x1FE70]  }
0x384: {  	v7 =	vld [tilespmem:$0x1FF20]  }
0x385: {  	v8 =	vld [tilespmem:$0x1FF30]  }
0x386: {  	v22 =	vld [tilespmem:$0x1FF40]  }
0x387: {  	v6 =	vmov v0;
	v0 =	vld [tilespmem:$0x1FF50]  }
0x388: {  	s1 =	rddreg [dreg:$0x10];
	v9 =	vld [tilespmem:$0x1FF60]  }
0x389: {  	v23 =	vmov v10;
	v10 =	vld [tilespmem:$0x1FE80];
	s1 =	sadd.s32 s17, s1  }
.Ltmp8:
0x38a: {  	v21 =	vmov v26;
	v26 =	vld [tilespmem:$0x1FF70];
	s1 =	sshrl.u32 s1, $0x3;
	(pc) =	sbr.rel .LBB2_4-.Ltmp8, $4  }
0x38b: {  	s3 =	simm.s32 $0xECE0;
	s31 =	simm.s32 $0xF1E0;
	v30 =	vld [tilespmem:$0x1FF80];
	s2 =	sadd.s32 s6, s1  }
0x38c: {  	v24 =	vld [tilespmem:$0x1FF90];
	[tilespmem:s3], [sflag:$0x2] =	stream.linear.gather [hbm4b:s2+s5], $0x280, $0x38  }
0x38d: {  	s9 =	sadd.s32 $0x1, s9;
	s4 =	rddreg [dreg:$0x3];
	v17 =	vld [tilespmem:$0x1FE90];
	s1 =	sadd.s32 s7, s1  }
0x38e: {  	v25 =	vmov v29;
	v29 =	vld [tilespmem:$0x1FEA0];
	[tilespmem:s31], [sflag:$0x2] =	stream.linear.gather [hbm4b:s1+s5], $0x280, $0x38  }
.LBB2_17:
0x38f: {  	v17 =	vld [tilespmem:$0x1FE20]  }
0x390: {  	v26 =	vld [tilespmem:$0x1FEC0]  }
0x391: {  	v23 =	vld [tilespmem:$0x1FED0]  }
0x392: {  	v25 =	vld [tilespmem:$0x1FEF0]  }
0x393: {  	v32 =	vld [tilespmem:$0x1FF00]  }
0x394: {  	v33 =	vld [tilespmem:$0x1FF10]  }
0x395: {  	v30 =	vld [tilespmem:$0x1FF20]  }
0x396: {  	v21 =	vld [tilespmem:$0x1FF30]  }
0x397: {  	v22 =	vld [tilespmem:$0x1FF40]  }
0x398: {  	v20 =	vmov v0;
	v0 =	vld [tilespmem:$0x1FF50]  }
0x399: {  	v51 =	vld [tilespmem:$0x1FF70]  }
0x39a: {  	s2 =	simm.s32 $0xEAA0;
	v27 =	vmov v29;
	v29 =	vld [tilespmem:$0x1FF80]  }
0x39b: {  	v1 =	vld [tilespmem:s2+$0x30]  }
0x39c: {  	v2 =	vld [tilespmem:s2+$0xFFFFFFD0]  }
0x39d: {  	v3 =	vld [tilespmem:s2+$0xFFFFFFE0]  }
0x39e: {  	v5 =	vld [tilespmem:s2+$0xFFFFFFF0]  }
0x39f: {  	v6 =	vld [tilespmem:s2+$0x0]  }
0x3a0: {  	v7 =	vld [tilespmem:s2+$0x10]  }
0x3a1: {  	v8 =	vld [tilespmem:s2+$0x20]  }
0x3a2: {  	v9 =	vld [tilespmem:s2+$0xFFFFFFC0]  }
0x3a3: {  	v1 =	vld.idx.msk [tilespmem:v1+s29+$0x0], $0xffff  }
0x3a4: {  	v2 =	vld.idx.msk [tilespmem:v2+s29+$0x0], $0xffff  }
0x3a5: {  	v3 =	vld.idx.msk [tilespmem:v3+s29+$0x0], $0xffff  }
0x3a6: {  	v5 =	vld.idx.msk [tilespmem:v5+s29+$0x0], $0xffff  }
0x3a7: {  	v6 =	vld.idx.msk [tilespmem:v6+s29+$0x0], $0xffff  }
0x3a8: {  	s1 =	simm.s32 $0x199E0;
	v7 =	vld.idx.msk [tilespmem:v7+s29+$0x0], $0xffff  }
0x3a9: {  	s3 =	simm.s32 $0xEFA0;
	v8 =	vld.idx.msk [tilespmem:v8+s29+$0x0], $0xffff;
	[tilespmem:s1+$0xFFFFFFF0] =	vst v1  }
0x3aa: {  	v1 =	vld [tilespmem:s3+$0x30]  }
0x3ab: {  	[tilespmem:s1+$0xFFFFFF90] =	vst v2;
	v2 =	vld.idx.msk [tilespmem:v9+s29+$0x0], $0xffff  }
0x3ac: {  	[tilespmem:s1+$0xFFFFFFA0] =	vst v3;
	v3 =	vld [tilespmem:s3+$0xFFFFFFD0]  }
0x3ad: {  	[tilespmem:s1+$0xFFFFFFB0] =	vst v5;
	v5 =	vld [tilespmem:s3+$0xFFFFFFE0]  }
0x3ae: {  	[tilespmem:s1+$0xFFFFFFC0] =	vst v6;
	v6 =	vld [tilespmem:s3+$0xFFFFFFF0]  }
0x3af: {  	[tilespmem:s1+$0xFFFFFFD0] =	vst v7;
	v7 =	vld [tilespmem:s3+$0x0]  }
0x3b0: {  	[tilespmem:s1+$0xFFFFFFE0] =	vst v8;
	v62 =	vld [tilespmem:s3+$0x10]  }
0x3b1: {  	v63 =	vld [tilespmem:s3+$0x20]  }
0x3b2: {  	[tilespmem:s1+$0xFFFFFF80] =	vst v2;
	v2 =	vld.idx.msk [tilespmem:v1+s30+$0x0], $0xffff  }
0x3b3: {  	v1 =	vld [tilespmem:s3+$0xFFFFFFC0]  }
0x3b4: {  	v37 =	vld.idx.msk [tilespmem:v3+s30+$0x0], $0xffff  }
0x3b5: {  	v36 =	vld.idx.msk [tilespmem:v5+s30+$0x0], $0xffff  }
0x3b6: {  	v35 =	vld.idx.msk [tilespmem:v6+s30+$0x0], $0xffff  }
0x3b7: {  	v5 =	vld.idx.msk [tilespmem:v7+s30+$0x0], $0xffff  }
0x3b8: {  	v3 =	vld.idx.msk [tilespmem:v62+s30+$0x0], $0xffff  }
0x3b9: {  	[tilespmem:s1+$0x70] =	vst v2;
	v2 =	vld.idx.msk [tilespmem:v63+s30+$0x0], $0xffff  }
0x3ba: {  	v18 =	vld [tilespmem:$0x1FEE0]  }
0x3bb: {  	v53 =	vld [tilespmem:$0x1FF90]  }
0x3bc: {  	v24 =	vmov v11;
	s12 =	simm.s32 $0x0;
	s17 =	simm.s32 $0xEB20;
	s9 =	simm.s32 $0x199E0;
	v52 =	vmov v10;
	v34 =	vld [tilespmem:$0x1FFC0]  }
.LBB2_18:
0x3bd: {  	v6 =	vld [tilespmem:s17+$0x30];
	s12 =	sadd.s32 $0x8, s12;
	[tilespmem:s1+$0x10] =	vst v37  }
0x3be: {  	v7 =	vld [tilespmem:s17+$0xFFFFFFD0];
	p0 =	slt.u32 s12, $0x20;
	[tilespmem:s1+$0x20] =	vst v36  }
0x3bf: {  	v8 =	vld [tilespmem:s17+$0xFFFFFFE0];
	[tilespmem:s1+$0x30] =	vst v35  }
0x3c0: {  	v9 =	vld [tilespmem:s17+$0xFFFFFFF0];
	[tilespmem:s1+$0x40] =	vst v5  }
0x3c1: {  	v5 =	vld [tilespmem:s17+$0x0];
	[tilespmem:s1+$0x50] =	vst v3  }
0x3c2: {  	v3 =	vld [tilespmem:s17+$0x10];
	[tilespmem:s1+$0x60] =	vst v2  }
0x3c3: {  	v2 =	vld [tilespmem:s17+$0x20]  }
0x3c4: {  	v10 =	vld [tilespmem:s17+$0xFFFFFFC0]  }
0x3c5: {  	v6 =	vld.idx.msk [tilespmem:v6+s29+$0x0], $0xffff  }
0x3c6: {  	v7 =	vld.idx.msk [tilespmem:v7+s29+$0x0], $0xffff  }
0x3c7: {  	v8 =	vld.idx.msk [tilespmem:v8+s29+$0x0], $0xffff  }
0x3c8: {  	v9 =	vld.idx.msk [tilespmem:v9+s29+$0x0], $0xffff  }
0x3c9: {  	v5 =	vld.idx.msk [tilespmem:v5+s29+$0x0], $0xffff  }
0x3ca: {  	s1 =	sadd.s32 $0x100, s1;
	v3 =	vld.idx.msk [tilespmem:v3+s29+$0x0], $0xffff  }
0x3cb: {  	s3 =	sadd.s32 $0x80, s3;
	v2 =	vld.idx.msk [tilespmem:v2+s29+$0x0], $0xffff;
	[tilespmem:s1+$0xFFFFFFF0] =	vst v6  }
0x3cc: {  	[tilespmem:s1+$0xFFFFFF90] =	vst v7;
	v6 =	vld [tilespmem:s3+$0x30]  }
0x3cd: {  	v7 =	vld.idx.msk [tilespmem:v10+s29+$0x0], $0xffff;
	[tilespmem:s1+$0xFFFFFFA0] =	vst v8  }
0x3ce: {  	v8 =	vld [tilespmem:s3+$0xFFFFFFD0];
	[tilespmem:s1+$0xFFFFFFB0] =	vst v9  }
0x3cf: {  	v9 =	vld [tilespmem:s3+$0xFFFFFFE0];
	[tilespmem:s1+$0xFFFFFFC0] =	vst v5  }
0x3d0: {  	v5 =	vld [tilespmem:s3+$0xFFFFFFF0];
	[tilespmem:s1+$0xFFFFFFD0] =	vst v3  }
0x3d1: {  	v3 =	vld [tilespmem:s3+$0x0];
	[tilespmem:s1+$0xFFFFFFE0] =	vst v2  }
0x3d2: {  	v2 =	vld [tilespmem:s3+$0x10]  }
0x3d3: {  	[tilespmem:s1+$0xFFFFFF80] =	vst v7;
	v7 =	vld [tilespmem:s3+$0x20]  }
0x3d4: {  	v6 =	vld.idx.msk [tilespmem:v6+s30+$0x0], $0xffff  }
0x3d5: {  	v10 =	vld [tilespmem:s3+$0xFFFFFFC0]  }
0x3d6: {  	v11 =	vld.idx.msk [tilespmem:v1+s30+$0x0], $0xffff  }
0x3d7: {  	v37 =	vld.idx.msk [tilespmem:v8+s30+$0x0], $0xffff  }
.Ltmp9:
0x3d8: {  	v36 =	vld.idx.msk [tilespmem:v9+s30+$0x0], $0xffff;
	(pc) =	sbr.rel @p0 .LBB2_18-.Ltmp9, $4  }
0x3d9: {  	v35 =	vld.idx.msk [tilespmem:v5+s30+$0x0], $0xffff  }
0x3da: {  	v5 =	vld.idx.msk [tilespmem:v3+s30+$0x0], $0xffff;
	[tilespmem:s1+$0x70] =	vst v6;
	v1 =	vmov v10  }
0x3db: {  	v3 =	vld.idx.msk [tilespmem:v2+s30+$0x0], $0xffff  }
0x3dc: {  	s17 =	sadd.s32 $0x80, s17;
	v2 =	vld.idx.msk [tilespmem:v7+s30+$0x0], $0xffff;
	[tilespmem:s9+$0x0] =	vst v11;
	s9 =	smov.u32 s1  }
0x3dd: {  	_ =	sdelay $0x2  }
0x3de: {  	[tilespmem:s1+$0x10] =	vst v37  }
0x3df: {  	[tilespmem:s1+$0x20] =	vst v36;
	s8 =	simm.s32 $0x20;
	v1 =	vld.idx.msk [tilespmem:v1+s30+$0x0], $0xffff  }
0x3e0: {  	v8 =	vmov s8;
	[tilespmem:s1+$0x30] =	vst v35  }
0x3e1: {  	v8 =	vshll.u32 v8, $0x4;
	[tilespmem:s1+$0x40] =	vst v5  }
0x3e2: {  	s12 =	simm.s32 $0x0;
	v35 =	vor.u32 v16, v8;
	[tilespmem:s1+$0x50] =	vst v3  }
0x3e3: {  	s2 =	simm.s32 $0x30;
	s4 =	simm.s32 $0x10;
	s3 =	simm.s32 $0x0;
	v9 =	vmov s12;
	v3 =	vor.u32 v15, v35;
	[tilespmem:s1+$0x60] =	vst v2  }
0x3e4: {  	v6 =	vmov s2;
	v7 =	vmov s4;
	s21 =	sand.u32 $0x1C00, s3;
	s8 =	sand.u32 $0x60, s8;
	v5 =	vshll.u32 v9, $0x4;
	[tilespmem:s9+$0x0] =	vst v1  }
0x3e5: {  	v7 =	vshll.u32 v7, $0x4;
	v6 =	vshll.u32 v6, $0x4;
	v37 =	vor.u32 v16, v5;
	s9 =	sor.u32 s21, s8;
	v14 =	vld [tilespmem:$0x1FE30];
	_ =	swait.ge [sflag:s23], $0x2800  }
0x3e6: {  	v36 =	vor.u32 v16, v7;
	v2 =	vor.u32 v15, v37;
	v9 =	vadd.s32 s9, v17;
	[sflag:s23] =	ssyncset.done $0x0  }
0x3e7: {  	v38 =	vor.u32 v16, v6;
	v5 =	vor.u32 v15, v36;
	v9 =	vand.u32 $0x3FE8, v9;
	[sflag:s23] =	ssyncadd.s32 $0xFFFFD800  }
0x3e8: {  	s12 =	sand.u32 $0x40, s12;
	v1 =	vor.u32 v15, v38;
	v9 =	vor.u32 v4, v9;
	v3 =	vld.idx.msk [tilespmem:v3+s13+$0x0], $0xffff  }
0x3e9: {  	s4 =	sand.u32 $0x50, s4;
	s2 =	sand.u32 $0x70, s2;
	s17 =	sor.u32 s12, s21  }
0x3ea: {  	s26 =	sor.u32 s21, s4;
	s31 =	sor.u32 s21, s2;
	v8 =	vadd.s32 s17, v17  }
0x3eb: {  	v10 =	vadd.s32 s26, v17;
	v11 =	vadd.s32 s31, v17;
	v8 =	vand.u32 $0x3FC8, v8;
	v2 =	vld.idx.msk [tilespmem:v2+s13+$0x0], $0xffff  }
0x3ec: {  	v10 =	vand.u32 $0x3FD8, v10;
	v11 =	vand.u32 $0x3FF8, v11;
	v8 =	vor.u32 v4, v8;
	v5 =	vld.idx.msk [tilespmem:v5+s13+$0x0], $0xffff  }
0x3ed: {  	v10 =	vor.u32 v4, v10;
	v1 =	vld.idx.msk [tilespmem:v1+s13+$0x0], $0xffff;
	v12 =	vor.u32 v14, v35;
	[tilespmem:v9+s24+$0x0] =	vst.idx.msk $0xffff, v3  }
0x3ee: {  	v11 =	vor.u32 v4, v11;
	v6 =	vor.u32 v14, v37;
	v17 =	vld [tilespmem:$0x1FE40]  }
0x3ef: {  	v13 =	vadd.s32 s17, v26  }
0x3f0: {  	v13 =	vand.u32 $0x3FC8, v13;
	v39 =	vadd.s32 s9, v26;
	v7 =	vor.u32 v14, v36  }
0x3f1: {  	v15 =	vadd.s32 s26, v26;
	v13 =	vor.u32 v4, v13;
	v39 =	vand.u32 $0x3FE8, v39;
	[tilespmem:v8+s24+$0x0] =	vst.idx.msk $0xffff, v2  }
0x3f2: {  	v39 =	vor.u32 v4, v39;
	v14 =	vor.u32 v14, v38;
	[tilespmem:v10+s24+$0x0] =	vst.idx.msk $0xffff, v5;
	v2 =	vld.idx.msk [tilespmem:v12+s13+$0x0], $0xffff  }
0x3f3: {  	v16 =	vadd.s32 s31, v26;
	v15 =	vand.u32 $0x3FD8, v15;
	[tilespmem:v11+s24+$0x0] =	vst.idx.msk $0xffff, v1;
	v6 =	vld.idx.msk [tilespmem:v6+s13+$0x0], $0xffff;
	v9 =	vor.u32 v17, v35  }
0x3f4: {  	v40 =	vor.u32 v17, v37;
	v41 =	vor.u32 v17, v36;
	v50 =	vor.u32 v17, v38;
	v17 =	vld [tilespmem:$0x1FE50]  }
0x3f5: {  	v16 =	vand.u32 $0x3FF8, v16;
	v3 =	vor.u32 v4, v15;
	v7 =	vld.idx.msk [tilespmem:v7+s13+$0x0], $0xffff  }
0x3f6: {  	v16 =	vor.u32 v4, v16;
	v5 =	vadd.s32 s9, v23  }
0x3f7: {  	v15 =	vadd.s32 s17, v23;
	v8 =	vadd.s32 s26, v23;
	v1 =	vand.u32 $0x3FE8, v5;
	v11 =	vld.idx.msk [tilespmem:v14+s13+$0x0], $0xffff;
	[tilespmem:v39+s24+$0x0] =	vst.idx.msk $0xffff, v2  }
0x3f8: {  	v15 =	vand.u32 $0x3FC8, v15;
	v10 =	vadd.s32 s31, v23;
	v1 =	vor.u32 v4, v1;
	[tilespmem:v13+s24+$0x0] =	vst.idx.msk $0xffff, v6;
	v6 =	vld.idx.msk [tilespmem:v9+s13+$0x0], $0xffff  }
0x3f9: {  	v5 =	vand.u32 $0x3FF8, v10;
	v10 =	vor.u32 v4, v15;
	v15 =	vor.u32 v17, v35  }
0x3fa: {  	v54 =	vadd.s32 s17, v20;
	v8 =	vand.u32 $0x3FD8, v8;
	[tilespmem:v3+s24+$0x0] =	vst.idx.msk $0xffff, v7;
	v3 =	vld.idx.msk [tilespmem:v40+s13+$0x0], $0xffff  }
0x3fb: {  	v8 =	vor.u32 v4, v8;
	v42 =	vor.u32 v17, v37;
	v9 =	vand.u32 $0x3FC8, v54;
	v58 =	vld.idx.msk [tilespmem:v41+s13+$0x0], $0xffff  }
0x3fc: {  	[tilespmem:v16+s24+$0x0] =	vst.idx.msk $0xffff, v11;
	v2 =	vor.u32 v17, v36;
	v7 =	vor.u32 v4, v9;
	v9 =	vadd.s32 s9, v20  }
0x3fd: {  	v5 =	vor.u32 v4, v5;
	v12 =	vld.idx.msk [tilespmem:v50+s13+$0x0], $0xffff;
	v9 =	vand.u32 $0x3FE8, v9;
	[tilespmem:v1+s24+$0x0] =	vst.idx.msk $0xffff, v6  }
0x3fe: {  	v43 =	vor.u32 v17, v38;
	v9 =	vor.u32 v4, v9;
	v15 =	vld.idx.msk [tilespmem:v15+s13+$0x0], $0xffff  }
0x3ff: {  	v55 =	vadd.s32 s26, v20;
	v61 =	vor.u32 v18, v35;
	[tilespmem:v10+s24+$0x0] =	vst.idx.msk $0xffff, v3  }
0x400: {  	v57 =	vadd.s32 s31, v20;
	v59 =	vadd.s32 s17, v25;
	v56 =	vand.u32 $0x3FD8, v55;
	[tilespmem:v8+s24+$0x0] =	vst.idx.msk $0xffff, v58;
	v62 =	vld.idx.msk [tilespmem:v42+s13+$0x0], $0xffff  }
0x401: {  	v60 =	vor.u32 v18, v36;
	v11 =	vor.u32 v4, v56;
	v16 =	vor.u32 v18, v37;
	v2 =	vld.idx.msk [tilespmem:v2+s13+$0x0], $0xffff  }
0x402: {  	v63 =	vor.u32 v32, v37;
	v48 =	vadd.s32 s9, v25;
	v14 =	vand.u32 $0x3FF8, v57;
	v17 =	vld [tilespmem:$0x1FE60];
	[tilespmem:v5+s24+$0x0] =	vst.idx.msk $0xffff, v12  }
0x403: {  	v44 =	vadd.s32 s26, v25;
	v13 =	vor.u32 v4, v14;
	v5 =	vand.u32 $0x3FE8, v48;
	v43 =	vld.idx.msk [tilespmem:v43+s13+$0x0], $0xffff;
	[tilespmem:v9+s24+$0x0] =	vst.idx.msk $0xffff, v15  }
0x404: {  	v55 =	vor.u32 v32, v35;
	v1 =	vor.u32 v18, v38;
	v5 =	vor.u32 v4, v5;
	v41 =	vld.idx.msk [tilespmem:v61+s13+$0x0], $0xffff  }
0x405: {  	v57 =	vor.u32 v33, v37;
	v39 =	vand.u32 $0x3FC8, v59;
	v50 =	vor.u32 v32, v38;
	[tilespmem:v7+s24+$0x0] =	vst.idx.msk $0xffff, v62  }
0x406: {  	v3 =	vand.u32 $0x3FD8, v44;
	v10 =	vor.u32 v4, v39;
	[tilespmem:v11+s24+$0x0] =	vst.idx.msk $0xffff, v2;
	v16 =	vld.idx.msk [tilespmem:v16+s13+$0x0], $0xffff  }
0x407: {  	v6 =	vadd.s32 s31, v25;
	v8 =	vor.u32 v32, v36;
	v3 =	vor.u32 v4, v3;
	v40 =	vld.idx.msk [tilespmem:v60+s13+$0x0], $0xffff  }
0x408: {  	v58 =	vor.u32 v33, v36;
	v6 =	vand.u32 $0x3FF8, v6;
	v59 =	vadd.s32 s9, v17;
	[tilespmem:v13+s24+$0x0] =	vst.idx.msk $0xffff, v43  }
0x409: {  	v6 =	vor.u32 v4, v6;
	v49 =	vadd.s32 s17, v17;
	v13 =	vand.u32 $0x3FE8, v59;
	v1 =	vld.idx.msk [tilespmem:v1+s13+$0x0], $0xffff;
	[tilespmem:v5+s24+$0x0] =	vst.idx.msk $0xffff, v41  }
0x40a: {  	v54 =	vadd.s32 s26, v17;
	v45 =	vadd.s32 s31, v17;
	v13 =	vor.u32 v4, v13;
	v14 =	vld.idx.msk [tilespmem:v55+s13+$0x0], $0xffff  }
0x40b: {  	v7 =	vadd.s32 s17, v27;
	v44 =	vand.u32 $0x3FC8, v49;
	v9 =	vand.u32 $0x3FD8, v54;
	[tilespmem:v10+s24+$0x0] =	vst.idx.msk $0xffff, v16  }
0x40c: {  	v61 =	vor.u32 v33, v35;
	v15 =	vor.u32 v4, v44;
	[tilespmem:v3+s24+$0x0] =	vst.idx.msk $0xffff, v40;
	v42 =	vld.idx.msk [tilespmem:v63+s13+$0x0], $0xffff  }
0x40d: {  	v56 =	vand.u32 $0x3FF8, v45;
	v9 =	vor.u32 v4, v9;
	v5 =	vadd.s32 s17, v52;
	v8 =	vld.idx.msk [tilespmem:v8+s13+$0x0], $0xffff  }
0x40e: {  	v2 =	vadd.s32 s26, v27;
	v39 =	vor.u32 v4, v56;
	v3 =	vand.u32 $0x3FC8, v5;
	[tilespmem:v6+s24+$0x0] =	vst.idx.msk $0xffff, v1  }
0x40f: {  	v16 =	vadd.s32 s26, v52;
	v1 =	vor.u32 v4, v3;
	v3 =	vadd.s32 s9, v27;
	v12 =	vld.idx.msk [tilespmem:v50+s13+$0x0], $0xffff;
	[tilespmem:v13+s24+$0x0] =	vst.idx.msk $0xffff, v14  }
0x410: {  	v5 =	vand.u32 $0x3FD8, v16;
	v16 =	vadd.s32 s31, v52;
	v3 =	vand.u32 $0x3FE8, v3;
	v17 =	vld [tilespmem:$0x1FE70]  }
0x411: {  	v7 =	vand.u32 $0x3FC8, v7;
	v6 =	vand.u32 $0x3FF8, v16;
	v3 =	vor.u32 v4, v3;
	v16 =	vld.idx.msk [tilespmem:v61+s13+$0x0], $0xffff;
	[tilespmem:v15+s24+$0x0] =	vst.idx.msk $0xffff, v42  }
0x412: {  	v2 =	vand.u32 $0x3FD8, v2;
	v7 =	vor.u32 v4, v7;
	[tilespmem:v9+s24+$0x0] =	vst.idx.msk $0xffff, v8;
	v44 =	vld.idx.msk [tilespmem:v57+s13+$0x0], $0xffff  }
0x413: {  	v11 =	vor.u32 v33, v38;
	v2 =	vor.u32 v4, v2;
	v55 =	vld.idx.msk [tilespmem:v58+s13+$0x0], $0xffff;
	_ =	sdelay $0x1  }
0x414: {  	v63 =	vor.u32 v31, v35;
	[tilespmem:v39+s24+$0x0] =	vst.idx.msk $0xffff, v12  }
0x415: {  	[tilespmem:v3+s24+$0x0] =	vst.idx.msk $0xffff, v16  }
0x416: {  	v46 =	vor.u32 v31, v37;
	v60 =	vadd.s32 s31, v27;
	[tilespmem:v7+s24+$0x0] =	vst.idx.msk $0xffff, v44  }
0x417: {  	v43 =	vand.u32 $0x3FF8, v60;
	v11 =	vld.idx.msk [tilespmem:v11+s13+$0x0], $0xffff;
	[tilespmem:v2+s24+$0x0] =	vst.idx.msk $0xffff, v55  }
0x418: {  	v43 =	vor.u32 v4, v43;
	v58 =	vadd.s32 s9, v52;
	v18 =	vld [tilespmem:$0x1FF60]  }
0x419: {  	v10 =	vor.u32 v31, v36;
	v3 =	vand.u32 $0x3FE8, v58;
	v41 =	vld.idx.msk [tilespmem:v63+s13+$0x0], $0xffff  }
0x41a: {  	v47 =	vor.u32 v31, v38;
	v48 =	vadd.s32 s26, v30;
	v3 =	vor.u32 v4, v3;
	v27 =	vld [tilespmem:$0x1FE80]  }
0x41b: {  	v62 =	vadd.s32 s17, v30;
	v54 =	vadd.s32 s31, v30;
	v61 =	vor.u32 v17, v35;
	v46 =	vld.idx.msk [tilespmem:v46+s13+$0x0], $0xffff  }
0x41c: {  	v56 =	vor.u32 v21, v37;
	v13 =	vor.u32 v17, v37;
	v40 =	vor.u32 v17, v36  }
0x41d: {  	v49 =	vadd.s32 s31, v22;
	v15 =	vor.u32 v17, v38;
	[tilespmem:v43+s24+$0x0] =	vst.idx.msk $0xffff, v11;
	v17 =	vor.u32 v18, v38  }
0x41e: {  	v5 =	vor.u32 v4, v5;
	v50 =	vadd.s32 s9, v30;
	v6 =	vor.u32 v4, v6;
	v10 =	vld.idx.msk [tilespmem:v10+s13+$0x0], $0xffff;
	[tilespmem:$0x1FD90] =	vst v17  }
0x41f: {  	v14 =	vand.u32 $0x3FC8, v62;
	v63 =	vand.u32 $0x3FE8, v50;
	v2 =	vadd.s32 s17, v27;
	v47 =	vld.idx.msk [tilespmem:v47+s13+$0x0], $0xffff;
	[tilespmem:v3+s24+$0x0] =	vst.idx.msk $0xffff, v41  }
0x420: {  	v62 =	vand.u32 $0x3FF8, v49;
	v2 =	vand.u32 $0x3FC8, v2;
	v41 =	vor.u32 v4, v63;
	[tilespmem:v1+s24+$0x0] =	vst.idx.msk $0xffff, v46;
	v39 =	vld.idx.msk [tilespmem:v61+s13+$0x0], $0xffff  }
0x421: {  	v14 =	vor.u32 v4, v14;
	v46 =	vor.u32 v4, v2;
	v2 =	vor.u32 v21, v35;
	v13 =	vld.idx.msk [tilespmem:v13+s13+$0x0], $0xffff  }
0x422: {  	v8 =	vand.u32 $0x3FD8, v48;
	v42 =	vor.u32 v4, v62;
	v3 =	vadd.s32 s31, v27  }
0x423: {  	v8 =	vor.u32 v4, v8;
	v1 =	vadd.s32 s17, v29;
	[tilespmem:v5+s24+$0x0] =	vst.idx.msk $0xffff, v10;
	v3 =	vand.u32 $0x3FF8, v3  }
0x424: {  	v40 =	vld.idx.msk [tilespmem:v40+s13+$0x0], $0xffff;
	v1 =	vand.u32 $0x3FC8, v1;
	v20 =	vor.u32 v4, v3;
	v3 =	vadd.s32 s26, v29;
	[tilespmem:v6+s24+$0x0] =	vst.idx.msk $0xffff, v47  }
0x425: {  	v59 =	vadd.s32 s17, v22;
	v62 =	vor.u32 v4, v1;
	v3 =	vand.u32 $0x3FD8, v3;
	v15 =	vld.idx.msk [tilespmem:v15+s13+$0x0], $0xffff;
	[tilespmem:v41+s24+$0x0] =	vst.idx.msk $0xffff, v39  }
0x426: {  	v9 =	vand.u32 $0x3FF8, v54;
	v1 =	vadd.s32 s9, v22;
	v61 =	vor.u32 v4, v3;
	[tilespmem:v14+s24+$0x0] =	vst.idx.msk $0xffff, v13;
	v3 =	vld.idx.msk [tilespmem:v2+s13+$0x0], $0xffff  }
0x427: {  	v9 =	vor.u32 v4, v9;
	v57 =	vor.u32 v21, v36;
	v2 =	vand.u32 $0x3FE8, v1;
	v19 =	vld [tilespmem:$0x1FE90]  }
0x428: {  	v60 =	vadd.s32 s26, v22;
	v48 =	vand.u32 $0x3FC8, v59;
	v13 =	vor.u32 v4, v2  }
0x429: {  	v16 =	vor.u32 v21, v38;
	v7 =	vand.u32 $0x3FD8, v60;
	v44 =	vor.u32 v4, v48  }
0x42a: {  	v7 =	vor.u32 v4, v7;
	v6 =	vadd.s32 s31, v29;
	v47 =	vor.u32 v18, v35  }
0x42b: {  	v48 =	vor.u32 v18, v37;
	v6 =	vand.u32 $0x3FF8, v6;
	v14 =	vld.idx.msk [tilespmem:v56+s13+$0x0], $0xffff;
	[tilespmem:v8+s24+$0x0] =	vst.idx.msk $0xffff, v40  }
0x42c: {  	v60 =	vor.u32 v4, v6;
	v12 =	vld.idx.msk [tilespmem:v57+s13+$0x0], $0xffff;
	[tilespmem:v9+s24+$0x0] =	vst.idx.msk $0xffff, v15;
	v6 =	vadd.s32 s17, v19  }
0x42d: {  	v50 =	vadd.s32 s26, v19;
	v6 =	vand.u32 $0x3FC8, v6;
	[tilespmem:v13+s24+$0x0] =	vst.idx.msk $0xffff, v3;
	v3 =	vadd.s32 s9, v27  }
0x42e: {  	v9 =	vand.u32 $0x3FD8, v50;
	v59 =	vor.u32 v4, v6;
	v6 =	vld.idx.msk [tilespmem:v16+s13+$0x0], $0xffff;
	v3 =	vand.u32 $0x3FE8, v3  }
0x42f: {  	v49 =	vor.u32 v18, v36;
	v58 =	vor.u32 v4, v9;
	v9 =	vld.idx.msk [tilespmem:v47+s13+$0x0], $0xffff;
	v3 =	vor.u32 v4, v3  }
0x430: {  	v11 =	vadd.s32 s26, v27;
	[tilespmem:v44+s24+$0x0] =	vst.idx.msk $0xffff, v14  }
0x431: {  	v54 =	vor.u32 v28, v38;
	v11 =	vand.u32 $0x3FD8, v11;
	v15 =	vld.idx.msk [tilespmem:v48+s13+$0x0], $0xffff;
	[tilespmem:v7+s24+$0x0] =	vst.idx.msk $0xffff, v12  }
0x432: {  	v55 =	vor.u32 v28, v36;
	v43 =	vor.u32 v51, v37;
	v11 =	vor.u32 v4, v11;
	v18 =	vld [tilespmem:$0x1FEB0]  }
0x433: {  	v5 =	vor.u32 v51, v36;
	v10 =	vor.u32 v51, v38;
	v26 =	vld [tilespmem:$0x1FEA0];
	[tilespmem:v42+s24+$0x0] =	vst.idx.msk $0xffff, v6  }
0x434: {  	v63 =	vor.u32 v53, v36;
	v39 =	vadd.s32 s31, v24;
	v41 =	vld.idx.msk [tilespmem:v49+s13+$0x0], $0xffff;
	[tilespmem:v3+s24+$0x0] =	vst.idx.msk $0xffff, v9  }
0x435: {  	v1 =	vor.u32 v53, v37;
	v56 =	vor.u32 v28, v37;
	v40 =	vor.u32 v51, v35;
	v3 =	vld [tilespmem:$0x1FD90]  }
0x436: {  	v17 =	vmovc v53;
	v2 =	vor.u32 v53, v38;
	v53 =	vadd.s32 s26, v24;
	v8 =	vadd.s32 s31, v19  }
0x437: {  	v14 =	vand.u32 $0x3FF8, v39;
	v8 =	vand.u32 $0x3FF8, v8;
	v7 =	vand.u32 $0x3FD8, v53  }
0x438: {  	v57 =	vor.u32 v4, v8;
	v8 =	vadd.s32 s17, v24;
	v50 =	vor.u32 v4, v7;
	[tilespmem:v46+s24+$0x0] =	vst.idx.msk $0xffff, v15  }
0x439: {  	v47 =	vor.u32 v4, v14;
	v7 =	vadd.s32 s9, v29;
	v14 =	vadd.s32 s17, v34;
	[tilespmem:v11+s24+$0x0] =	vst.idx.msk $0xffff, v41  }
0x43a: {  	v29 =	vmovc v34;
	v8 =	vand.u32 $0x3FC8, v8;
	v7 =	vand.u32 $0x3FE8, v7;
	v6 =	vadd.s32 s26, v18;
	v34 =	vld [tilespmem:$0x1FFB0]  }
0x43b: {  	v23 =	vmovc v52;
	v52 =	vor.u32 v4, v8;
	v7 =	vor.u32 v4, v7;
	v6 =	vand.u32 $0x3FD8, v6  }
0x43c: {  	v8 =	vadd.s32 s17, v18;
	v12 =	vld.idx.msk [tilespmem:v40+s13+$0x0], $0xffff;
	v45 =	vor.u32 v4, v6;
	v6 =	vadd.s32 s26, v29  }
0x43d: {  	v53 =	vor.u32 v26, v37;
	v11 =	vor.u32 v17, v35;
	v6 =	vand.u32 $0x3FD8, v6;
	v9 =	vld.idx.msk [tilespmem:v3+s13+$0x0], $0xffff  }
0x43e: {  	v51 =	vor.u32 v26, v36;
	v48 =	vor.u32 v26, v38;
	v40 =	vor.u32 v4, v6  }
0x43f: {  	v49 =	vor.u32 v34, v37;
	v3 =	vand.u32 $0x3FC8, v8;
	v8 =	vadd.s32 s31, v18  }
0x440: {  	v8 =	vand.u32 $0x3FF8, v8;
	v46 =	vor.u32 v4, v3;
	v3 =	vld.idx.msk [tilespmem:v43+s13+$0x0], $0xffff;
	v43 =	vor.u32 v34, v38  }
0x441: {  	[tilespmem:v7+s24+$0x0] =	vst.idx.msk $0xffff, v12;
	v38 =	vld.idx.msk [tilespmem:v5+s13+$0x0], $0xffff;
	v5 =	vand.u32 $0x3FC8, v14;
	v42 =	vor.u32 v4, v8;
	v8 =	vadd.s32 s31, v29  }
0x442: {  	v7 =	vadd.s32 s9, v19;
	v41 =	vor.u32 v4, v5;
	v5 =	vld.idx.msk [tilespmem:v11+s13+$0x0], $0xffff;
	v8 =	vand.u32 $0x3FF8, v8;
	[tilespmem:v20+s24+$0x0] =	vst.idx.msk $0xffff, v9  }
0x443: {  	s12 =	simm.s32 $0x0;
	s17 =	simm.s32 $0x70;
	v39 =	vor.u32 v34, v36;
	v37 =	vand.u32 $0x3FE8, v7;
	v9 =	vor.u32 v4, v8;
	v36 =	vld.idx.msk [tilespmem:v10+s13+$0x0], $0xffff  }
.LBB2_20:
0x444: {  	v13 =	vld [tilespmem:$0x1FE10];
	_ =	sdelay $0x1  }
0x445: {  	s1 =	sadd.s32 $0xFFFFFFE0, s17;
	v6 =	vmov s17;
	s4 =	sadd.s32 $0xFFFFFFD0, s17;
	[tilespmem:v61+s24+$0x0] =	vst.idx.msk $0xffff, v38  }
0x446: {  	s2 =	sadd.s32 $0xFFFFFFF0, s17;
	v12 =	vlaneseq.u32;
	v7 =	vmov s1;
	v10 =	vmov s4;
	v11 =	vld.idx.msk [tilespmem:v63+s13+$0x0], $0xffff;
	[tilespmem:v62+s24+$0x0] =	vst.idx.msk $0xffff, v3  }
0x447: {  	v8 =	vmov s2;
	v10 =	vshll.u32 v10, $0x4;
	v3 =	vor.u32 v4, v37;
	[tilespmem:v60+s24+$0x0] =	vst.idx.msk $0xffff, v36;
	v60 =	vld [tilespmem:$0x1FE20]  }
0x448: {  	v6 =	vshll.u32 v6, $0x4;
	v61 =	vmovc v9;
	v9 =	vor.u32 v28, v35;
	v1 =	vld.idx.msk [tilespmem:v1+s13+$0x0], $0xffff;
	v38 =	vor.u32 v13, v10  }
0x449: {  	s31 =	sand.u32 $0x70, s17;
	s3 =	sadd.s32 $0x200, s3;
	v7 =	vshll.u32 v7, $0x4;
	v8 =	vshll.u32 v8, $0x4;
	v2 =	vld.idx.msk [tilespmem:v2+s13+$0x0], $0xffff;
	v10 =	vor.u32 v12, v38  }
0x44a: {  	v44 =	vld [tilespmem:$0x1FE30];
	s26 =	sand.u32 $0x40, s4;
	s21 =	sand.u32 $0x1C00, s3;
	s2 =	sand.u32 $0x60, s2;
	v8 =	vor.u32 v13, v8;
	v36 =	vor.u32 v13, v7;
	v37 =	vor.u32 v13, v6  }
0x44b: {  	s8 =	sand.u32 $0x50, s1;
	s1 =	sor.u32 s26, s21;
	s2 =	sor.u32 s21, s2;
	v7 =	vor.u32 v12, v8;
	v6 =	vor.u32 v12, v37;
	[tilespmem:v58+s24+$0x0] =	vst.idx.msk $0xffff, v11  }
0x44c: {  	s25 =	sor.u32 s21, s8;
	s21 =	sor.u32 s21, s31;
	v58 =	vld [tilespmem:$0x1FFD0];
	[tilespmem:v3+s24+$0x0] =	vst.idx.msk $0xffff, v5;
	v3 =	vadd.s32 s9, v24;
	v14 =	vadd.s32 s1, v60;
	v15 =	vadd.s32 s2, v60  }
0x44d: {  	v16 =	vadd.s32 s25, v60;
	v62 =	vadd.s32 s21, v60;
	v60 =	vld [tilespmem:$0x1FEC0];
	[tilespmem:v59+s24+$0x0] =	vst.idx.msk $0xffff, v1;
	v11 =	vand.u32 $0x3FC8, v14  }
0x44e: {  	v5 =	vor.u32 v12, v36;
	[tilespmem:v57+s24+$0x0] =	vst.idx.msk $0xffff, v2;
	v10 =	vld.idx.msk [tilespmem:v10+s13+$0x0], $0xffff;
	v2 =	vor.u32 v4, v11  }
0x44f: {  	v12 =	vor.u32 v44, v38;
	v9 =	vld.idx.msk [tilespmem:v9+s13+$0x0], $0xffff;
	v3 =	vand.u32 $0x3FE8, v3  }
0x450: {  	v15 =	vand.u32 $0x3FE8, v15;
	v3 =	vor.u32 v4, v3;
	v7 =	vld.idx.msk [tilespmem:v7+s13+$0x0], $0xffff  }
0x451: {  	v1 =	vor.u32 v26, v35;
	v15 =	vor.u32 v4, v15;
	v6 =	vld.idx.msk [tilespmem:v6+s13+$0x0], $0xffff  }
0x452: {  	v13 =	vor.u32 v44, v36;
	v11 =	vor.u32 v44, v8;
	v56 =	vld.idx.msk [tilespmem:v56+s13+$0x0], $0xffff  }
0x453: {  	v14 =	vand.u32 $0x3FD8, v16;
	v16 =	vand.u32 $0x3FF8, v62;
	v5 =	vld.idx.msk [tilespmem:v5+s13+$0x0], $0xffff;
	v63 =	vadd.s32 s1, v60;
	[tilespmem:v2+s24+$0x0] =	vst.idx.msk $0xffff, v10  }
0x454: {  	v14 =	vor.u32 v4, v14;
	v57 =	vand.u32 $0x3FC8, v63;
	v63 =	vor.u32 v34, v35;
	v35 =	vmovc v8;
	v8 =	vld.idx.msk [tilespmem:v12+s13+$0x0], $0xffff  }
0x455: {  	[tilespmem:v3+s24+$0x0] =	vst.idx.msk $0xffff, v9;
	v3 =	vadd.s32 s9, v18;
	v9 =	vor.u32 v4, v16;
	v12 =	vor.u32 v4, v57;
	v57 =	vld [tilespmem:$0x1FE40]  }
0x456: {  	v16 =	vor.u32 v44, v37;
	v1 =	vld.idx.msk [tilespmem:v1+s13+$0x0], $0xffff;
	v3 =	vand.u32 $0x3FE8, v3;
	[tilespmem:v15+s24+$0x0] =	vst.idx.msk $0xffff, v7  }
0x457: {  	v62 =	vadd.s32 s21, v60;
	v7 =	vadd.s32 s2, v60;
	v3 =	vor.u32 v4, v3;
	v10 =	vld.idx.msk [tilespmem:v11+s13+$0x0], $0xffff  }
0x458: {  	v44 =	vadd.s32 s25, v60;
	v7 =	vand.u32 $0x3FE8, v7;
	v11 =	vand.u32 $0x3FF8, v62;
	v62 =	vld [tilespmem:$0x1FED0]  }
0x459: {  	v15 =	vld.idx.msk [tilespmem:v55+s13+$0x0], $0xffff;
	v2 =	vand.u32 $0x3FD8, v44;
	[tilespmem:v14+s24+$0x0] =	vst.idx.msk $0xffff, v5;
	v5 =	vor.u32 v4, v7  }
0x45a: {  	v2 =	vor.u32 v4, v2;
	v7 =	vld.idx.msk [tilespmem:v13+s13+$0x0], $0xffff;
	[tilespmem:v9+s24+$0x0] =	vst.idx.msk $0xffff, v6;
	v60 =	vor.u32 v57, v35  }
0x45b: {  	v59 =	vadd.s32 s21, v25;
	v11 =	vor.u32 v4, v11;
	v9 =	vld.idx.msk [tilespmem:v16+s13+$0x0], $0xffff;
	v14 =	vor.u32 v57, v36  }
0x45c: {  	v44 =	vadd.s32 s21, v58;
	v54 =	vld.idx.msk [tilespmem:v54+s13+$0x0], $0xffff;
	[tilespmem:v3+s24+$0x0] =	vst.idx.msk $0xffff, v1;
	v1 =	vadd.s32 s9, v29;
	v3 =	vor.u32 v57, v38  }
0x45d: {  	[tilespmem:v12+s24+$0x0] =	vst.idx.msk $0xffff, v8;
	v6 =	vadd.s32 s1, v62;
	s9 =	smov.u32 s2;
	v57 =	vor.u32 v57, v37;
	v16 =	vld.idx.msk [tilespmem:v63+s13+$0x0], $0xffff;
	v1 =	vand.u32 $0x3FE8, v1  }
0x45e: {  	v63 =	vadd.s32 s25, v62;
	[tilespmem:v5+s24+$0x0] =	vst.idx.msk $0xffff, v10;
	v5 =	vadd.s32 s9, v62;
	v10 =	vadd.s32 s21, v62;
	v62 =	vld [tilespmem:$0x1FE50]  }
0x45f: {  	v6 =	vand.u32 $0x3FC8, v6;
	v1 =	vor.u32 v4, v1;
	v5 =	vand.u32 $0x3FE8, v5;
	[tilespmem:v2+s24+$0x0] =	vst.idx.msk $0xffff, v7;
	v12 =	vld.idx.msk [tilespmem:v60+s13+$0x0], $0xffff  }
0x460: {  	v8 =	vand.u32 $0x3FD8, v63;
	v10 =	vand.u32 $0x3FF8, v10;
	v2 =	vor.u32 v4, v5;
	[tilespmem:v11+s24+$0x0] =	vst.idx.msk $0xffff, v9;
	v9 =	vld.idx.msk [tilespmem:v14+s13+$0x0], $0xffff  }
0x461: {  	v6 =	vor.u32 v4, v6;
	v5 =	vor.u32 v4, v8;
	v10 =	vor.u32 v4, v10;
	v3 =	vld.idx.msk [tilespmem:v3+s13+$0x0], $0xffff  }
0x462: {  	v60 =	vadd.s32 s1, v58;
	v11 =	vadd.s32 s25, v58;
	v14 =	vand.u32 $0x3FF8, v59;
	v63 =	vld.idx.msk [tilespmem:v57+s13+$0x0], $0xffff  }
0x463: {  	v13 =	vand.u32 $0x3FC8, v60;
	[tilespmem:v52+s24+$0x0] =	vst.idx.msk $0xffff, v56;
	v57 =	vld [tilespmem:$0x1FEE0];
	v14 =	vor.u32 v4, v14;
	v7 =	vor.u32 v62, v35  }
0x464: {  	v11 =	vand.u32 $0x3FD8, v11;
	v8 =	vor.u32 v62, v38;
	v13 =	vor.u32 v4, v13;
	[tilespmem:v1+s24+$0x0] =	vst.idx.msk $0xffff, v16  }
0x465: {  	v56 =	vand.u32 $0x3FF8, v44;
	v60 =	vld [tilespmem:$0x1FE60];
	v11 =	vor.u32 v4, v11;
	v1 =	vor.u32 v62, v36;
	[tilespmem:v2+s24+$0x0] =	vst.idx.msk $0xffff, v12  }
0x466: {  	v16 =	vor.u32 v62, v37;
	v62 =	vor.u32 v32, v37;
	v2 =	vadd.s32 s9, v58;
	[tilespmem:v5+s24+$0x0] =	vst.idx.msk $0xffff, v9  }
0x467: {  	v52 =	vld.idx.msk [tilespmem:v53+s13+$0x0], $0xffff;
	v12 =	vor.u32 v4, v56;
	v58 =	vadd.s32 s25, v25;
	v2 =	vand.u32 $0x3FE8, v2;
	[tilespmem:v6+s24+$0x0] =	vst.idx.msk $0xffff, v3  }
0x468: {  	v3 =	vor.u32 v57, v38;
	v5 =	vor.u32 v57, v36;
	v7 =	vld.idx.msk [tilespmem:v7+s13+$0x0], $0xffff;
	v2 =	vor.u32 v4, v2  }
0x469: {  	v56 =	vld [tilespmem:$0x1FFE0];
	v6 =	vadd.s32 s1, v25;
	v9 =	vor.u32 v57, v35;
	[tilespmem:v10+s24+$0x0] =	vst.idx.msk $0xffff, v63;
	v10 =	vor.u32 v57, v37  }
0x46a: {  	v53 =	vand.u32 $0x3FD8, v58;
	v63 =	vadd.s32 s21, v60;
	v8 =	vld.idx.msk [tilespmem:v8+s13+$0x0], $0xffff;
	v6 =	vand.u32 $0x3FC8, v6  }
0x46b: {  	v57 =	vor.u32 v33, v38;
	v1 =	vld.idx.msk [tilespmem:v1+s13+$0x0], $0xffff;
	[tilespmem:v50+s24+$0x0] =	vst.idx.msk $0xffff, v15;
	v6 =	vor.u32 v4, v6  }
0x46c: {  	v16 =	vld.idx.msk [tilespmem:v16+s13+$0x0], $0xffff;
	v15 =	vor.u32 v4, v53;
	v53 =	vor.u32 v32, v36;
	[tilespmem:v47+s24+$0x0] =	vst.idx.msk $0xffff, v54  }
0x46d: {  	v54 =	vand.u32 $0x3FF8, v63;
	v63 =	vadd.s32 s21, v23;
	v50 =	vld.idx.msk [tilespmem:v51+s13+$0x0], $0xffff;
	[tilespmem:v2+s24+$0x0] =	vst.idx.msk $0xffff, v7;
	v2 =	vadd.s32 s9, v25  }
0x46e: {  	v51 =	vor.u32 v32, v38;
	v47 =	vld.idx.msk [tilespmem:v48+s13+$0x0], $0xffff;
	v58 =	vadd.s32 s25, v56;
	v2 =	vand.u32 $0x3FE8, v2  }
0x46f: {  	v48 =	vand.u32 $0x3FD8, v58;
	v7 =	vadd.s32 s1, v60;
	v9 =	vld.idx.msk [tilespmem:v9+s13+$0x0], $0xffff;
	v2 =	vor.u32 v4, v2  }
0x470: {  	v58 =	vadd.s32 s25, v30;
	[tilespmem:v13+s24+$0x0] =	vst.idx.msk $0xffff, v8;
	v8 =	vadd.s32 s25, v60;
	v7 =	vand.u32 $0x3FC8, v7  }
0x471: {  	v3 =	vld.idx.msk [tilespmem:v3+s13+$0x0], $0xffff;
	[tilespmem:v11+s24+$0x0] =	vst.idx.msk $0xffff, v1;
	v1 =	vand.u32 $0x3FD8, v8;
	v8 =	vor.u32 v32, v35;
	v11 =	vadd.s32 s1, v56  }
0x472: {  	[tilespmem:v12+s24+$0x0] =	vst.idx.msk $0xffff, v16;
	v12 =	vor.u32 v4, v54;
	v16 =	vor.u32 v33, v36;
	v5 =	vld.idx.msk [tilespmem:v5+s13+$0x0], $0xffff  }
0x473: {  	v54 =	vor.u32 v33, v37;
	[tilespmem:v46+s24+$0x0] =	vst.idx.msk $0xffff, v52;
	v7 =	vor.u32 v4, v7;
	v10 =	vld.idx.msk [tilespmem:v10+s13+$0x0], $0xffff  }
0x474: {  	v1 =	vor.u32 v4, v1;
	v11 =	vand.u32 $0x3FC8, v11;
	v46 =	vld.idx.msk [tilespmem:v49+s13+$0x0], $0xffff;
	[tilespmem:v2+s24+$0x0] =	vst.idx.msk $0xffff, v9;
	v2 =	vadd.s32 s9, v60  }
0x475: {  	v52 =	vld [tilespmem:$0x1FF60];
	[tilespmem:v45+s24+$0x0] =	vst.idx.msk $0xffff, v50;
	v45 =	vor.u32 v31, v38;
	v50 =	vor.u32 v31, v37;
	v2 =	vand.u32 $0x3FE8, v2  }
0x476: {  	[tilespmem:v6+s24+$0x0] =	vst.idx.msk $0xffff, v3;
	v3 =	vor.u32 v4, v11;
	v8 =	vld.idx.msk [tilespmem:v8+s13+$0x0], $0xffff;
	v2 =	vor.u32 v4, v2  }
0x477: {  	v20 =	vld [tilespmem:$0x1FE70];
	v6 =	vadd.s32 s1, v23;
	v9 =	vadd.s32 s21, v56;
	[tilespmem:v15+s24+$0x0] =	vst.idx.msk $0xffff, v5;
	v5 =	vor.u32 v4, v48  }
0x478: {  	v11 =	vld.idx.msk [tilespmem:v51+s13+$0x0], $0xffff;
	v15 =	vor.u32 v33, v35;
	[tilespmem:v14+s24+$0x0] =	vst.idx.msk $0xffff, v10;
	v10 =	vor.u32 v31, v36  }
0x479: {  	v60 =	vadd.s32 s25, v23;
	v6 =	vand.u32 $0x3FC8, v6;
	v51 =	vor.u32 v21, v37;
	v59 =	vld.idx.msk [tilespmem:v53+s13+$0x0], $0xffff  }
0x47a: {  	v9 =	vand.u32 $0x3FF8, v9;
	v62 =	vld.idx.msk [tilespmem:v62+s13+$0x0], $0xffff;
	v14 =	vand.u32 $0x3FD8, v60;
	[tilespmem:v42+s24+$0x0] =	vst.idx.msk $0xffff, v47;
	v6 =	vor.u32 v4, v6  }
0x47b: {  	v55 =	vld.idx.msk [tilespmem:v39+s13+$0x0], $0xffff;
	v60 =	vadd.s32 s21, v30;
	v39 =	vor.u32 v52, v37;
	[tilespmem:v2+s24+$0x0] =	vst.idx.msk $0xffff, v8;
	v2 =	vadd.s32 s9, v56  }
0x47c: {  	v9 =	vor.u32 v4, v9;
	v42 =	vld.idx.msk [tilespmem:v43+s13+$0x0], $0xffff;
	v14 =	vor.u32 v4, v14;
	v2 =	vand.u32 $0x3FE8, v2  }
0x47d: {  	v47 =	vand.u32 $0x3FD8, v58;
	v48 =	vand.u32 $0x3FF8, v60;
	[tilespmem:v7+s24+$0x0] =	vst.idx.msk $0xffff, v11;
	v15 =	vld.idx.msk [tilespmem:v15+s13+$0x0], $0xffff;
	v2 =	vor.u32 v4, v2  }
0x47e: {  	v7 =	vor.u32 v20, v38;
	v11 =	vadd.s32 s1, v30;
	[tilespmem:v1+s24+$0x0] =	vst.idx.msk $0xffff, v59;
	v1 =	vor.u32 v20, v36  }
0x47f: {  	v13 =	vld.idx.msk [tilespmem:v57+s13+$0x0], $0xffff;
	v57 =	vor.u32 v31, v35;
	[tilespmem:v12+s24+$0x0] =	vst.idx.msk $0xffff, v62;
	v59 =	vor.u32 v20, v37  }
0x480: {  	v11 =	vand.u32 $0x3FC8, v11;
	[tilespmem:v41+s24+$0x0] =	vst.idx.msk $0xffff, v46;
	v41 =	vor.u32 v4, v47;
	v46 =	vor.u32 v4, v48  }
0x481: {  	v47 =	vor.u32 v21, v38;
	v48 =	vor.u32 v21, v36;
	v62 =	vadd.s32 s21, v22;
	v16 =	vld.idx.msk [tilespmem:v16+s13+$0x0], $0xffff  }
0x482: {  	v8 =	vand.u32 $0x3FF8, v63;
	v49 =	vld.idx.msk [tilespmem:v54+s13+$0x0], $0xffff;
	v11 =	vor.u32 v4, v11;
	[tilespmem:v2+s24+$0x0] =	vst.idx.msk $0xffff, v15;
	v2 =	vadd.s32 s9, v23  }
0x483: {  	[tilespmem:v40+s24+$0x0] =	vst.idx.msk $0xffff, v55;
	v54 =	vadd.s32 s25, v27;
	v55 =	vadd.s32 s21, v27;
	v2 =	vand.u32 $0x3FE8, v2  }
0x484: {  	v8 =	vor.u32 v4, v8;
	[tilespmem:v3+s24+$0x0] =	vst.idx.msk $0xffff, v13;
	v43 =	vld.idx.msk [tilespmem:v57+s13+$0x0], $0xffff;
	v2 =	vor.u32 v4, v2  }
0x485: {  	v56 =	vand.u32 $0x3FD8, v54;
	v54 =	vor.u32 v28, v37;
	v3 =	vadd.s32 s25, v22;
	v63 =	vld.idx.msk [tilespmem:v45+s13+$0x0], $0xffff  }
0x486: {  	v13 =	vor.u32 v52, v38;
	[tilespmem:v5+s24+$0x0] =	vst.idx.msk $0xffff, v16;
	v3 =	vand.u32 $0x3FD8, v3;
	v5 =	vor.u32 v20, v35;
	v20 =	vld [tilespmem:$0x1FF80]  }
0x487: {  	v16 =	vadd.s32 s1, v27;
	[tilespmem:v9+s24+$0x0] =	vst.idx.msk $0xffff, v49;
	v9 =	vand.u32 $0x3FF8, v62;
	v45 =	vor.u32 v52, v36;
	v10 =	vld.idx.msk [tilespmem:v10+s13+$0x0], $0xffff  }
0x488: {  	v3 =	vor.u32 v4, v3;
	v53 =	vld.idx.msk [tilespmem:v50+s13+$0x0], $0xffff;
	v9 =	vor.u32 v4, v9;
	[tilespmem:v61+s24+$0x0] =	vst.idx.msk $0xffff, v42  }
0x489: {  	v16 =	vand.u32 $0x3FC8, v16;
	v42 =	vand.u32 $0x3FF8, v55;
	v50 =	vld [tilespmem:$0x1FF70];
	[tilespmem:v2+s24+$0x0] =	vst.idx.msk $0xffff, v43;
	v2 =	vadd.s32 s9, v30  }
0x48a: {  	v55 =	vor.u32 v28, v36;
	v15 =	vadd.s32 s1, v22;
	v2 =	vand.u32 $0x3FE8, v2  }
0x48b: {  	v15 =	vand.u32 $0x3FC8, v15;
	v57 =	vor.u32 v21, v35;
	v5 =	vld.idx.msk [tilespmem:v5+s13+$0x0], $0xffff;
	v2 =	vor.u32 v4, v2  }
0x48c: {  	v15 =	vor.u32 v4, v15;
	[tilespmem:v6+s24+$0x0] =	vst.idx.msk $0xffff, v63;
	v6 =	vor.u32 v4, v16  }
0x48d: {  	v63 =	vor.u32 v17, v36;
	v7 =	vld.idx.msk [tilespmem:v7+s13+$0x0], $0xffff;
	[tilespmem:v14+s24+$0x0] =	vst.idx.msk $0xffff, v10;
	v10 =	vor.u32 v4, v56  }
0x48e: {  	v16 =	vadd.s32 s1, v20;
	v40 =	vor.u32 v50, v38;
	[tilespmem:v8+s24+$0x0] =	vst.idx.msk $0xffff, v53;
	v8 =	vor.u32 v4, v42  }
0x48f: {  	v42 =	vor.u32 v50, v36;
	v44 =	vor.u32 v50, v37;
	v56 =	vor.u32 v28, v38;
	v58 =	vld.idx.msk [tilespmem:v1+s13+$0x0], $0xffff  }
0x490: {  	v16 =	vand.u32 $0x3FC8, v16;
	v53 =	vor.u32 v26, v38;
	v12 =	vld.idx.msk [tilespmem:v59+s13+$0x0], $0xffff;
	[tilespmem:v2+s24+$0x0] =	vst.idx.msk $0xffff, v5;
	v2 =	vadd.s32 s9, v22  }
0x491: {  	v1 =	vadd.s32 s25, v20;
	v62 =	vor.u32 v4, v16;
	v2 =	vand.u32 $0x3FE8, v2  }
0x492: {  	v59 =	vadd.s32 s21, v20;
	v1 =	vand.u32 $0x3FD8, v1;
	[tilespmem:v11+s24+$0x0] =	vst.idx.msk $0xffff, v7;
	v14 =	vld.idx.msk [tilespmem:v57+s13+$0x0], $0xffff;
	v7 =	vor.u32 v4, v2  }
0x493: {  	v16 =	vor.u32 v52, v35;
	v61 =	vor.u32 v4, v1;
	v5 =	vand.u32 $0x3FF8, v59  }
0x494: {  	v49 =	vadd.s32 s21, v24;
	v11 =	vld.idx.msk [tilespmem:v47+s13+$0x0], $0xffff;
	[tilespmem:v41+s24+$0x0] =	vst.idx.msk $0xffff, v58;
	v60 =	vor.u32 v4, v5;
	v5 =	vadd.s32 s1, v19  }
0x495: {  	v1 =	vor.u32 v17, v38;
	v47 =	vadd.s32 s25, v19;
	[tilespmem:v46+s24+$0x0] =	vst.idx.msk $0xffff, v12;
	v41 =	vld.idx.msk [tilespmem:v48+s13+$0x0], $0xffff;
	v5 =	vand.u32 $0x3FC8, v5  }
0x496: {  	v48 =	vadd.s32 s21, v19;
	v46 =	vld.idx.msk [tilespmem:v51+s13+$0x0], $0xffff;
	v59 =	vor.u32 v4, v5;
	v5 =	vadd.s32 s9, v27  }
0x497: {  	v43 =	vand.u32 $0x3FD8, v47;
	v12 =	vand.u32 $0x3FF8, v48;
	v5 =	vand.u32 $0x3FE8, v5;
	[tilespmem:v7+s24+$0x0] =	vst.idx.msk $0xffff, v14  }
0x498: {  	v51 =	vor.u32 v26, v36;
	v57 =	vor.u32 v4, v12;
	v5 =	vor.u32 v4, v5;
	v12 =	vld.idx.msk [tilespmem:v16+s13+$0x0], $0xffff  }
0x499: {  	v58 =	vor.u32 v4, v43;
	v48 =	vor.u32 v26, v37;
	[tilespmem:v15+s24+$0x0] =	vst.idx.msk $0xffff, v11;
	v11 =	vadd.s32 s25, v24  }
0x49a: {  	v2 =	vor.u32 v17, v37;
	[tilespmem:v3+s24+$0x0] =	vst.idx.msk $0xffff, v41;
	v3 =	vand.u32 $0x3FD8, v11;
	v11 =	vor.u32 v50, v35  }
0x49b: {  	v13 =	vld.idx.msk [tilespmem:v13+s13+$0x0], $0xffff;
	[tilespmem:v9+s24+$0x0] =	vst.idx.msk $0xffff, v46;
	v9 =	vand.u32 $0x3FF8, v49;
	v50 =	vor.u32 v4, v3;
	v7 =	vadd.s32 s1, v24  }
0x49c: {  	v15 =	vld.idx.msk [tilespmem:v45+s13+$0x0], $0xffff;
	v47 =	vor.u32 v4, v9;
	v3 =	vadd.s32 s25, v18;
	v7 =	vand.u32 $0x3FC8, v7  }
0x49d: {  	v43 =	vld.idx.msk [tilespmem:v39+s13+$0x0], $0xffff;
	v52 =	vor.u32 v4, v7;
	v7 =	vadd.s32 s1, v18;
	[tilespmem:v5+s24+$0x0] =	vst.idx.msk $0xffff, v12;
	v5 =	vadd.s32 s9, v20  }
0x49e: {  	v49 =	vand.u32 $0x3FD8, v3;
	v7 =	vand.u32 $0x3FC8, v7;
	v3 =	vand.u32 $0x3FE8, v5  }
0x49f: {  	s12 =	sadd.s32 $0x4, s12;
	v9 =	vadd.s32 s21, v18;
	v46 =	vor.u32 v4, v7;
	v11 =	vld.idx.msk [tilespmem:v11+s13+$0x0], $0xffff;
	v7 =	vor.u32 v4, v3  }
0x4a0: {  	p0 =	slt.u32 s12, $0x24;
	v39 =	vor.u32 v34, v36;
	[tilespmem:v6+s24+$0x0] =	vst.idx.msk $0xffff, v13;
	v5 =	vand.u32 $0x3FF8, v9;
	v9 =	vor.u32 v17, v35  }
.Ltmp10:
0x4a1: {  	v45 =	vor.u32 v4, v49;
	v49 =	vor.u32 v34, v38;
	v6 =	vadd.s32 s1, v29;
	[tilespmem:v10+s24+$0x0] =	vst.idx.msk $0xffff, v15;
	(pc) =	sbr.rel @p0 .LBB2_20-.Ltmp10, $4  }
0x4a2: {  	[tilespmem:v8+s24+$0x0] =	vst.idx.msk $0xffff, v43;
	v43 =	vor.u32 v34, v37;
	v6 =	vand.u32 $0x3FC8, v6;
	v8 =	vadd.s32 s21, v29;
	v38 =	vld.idx.msk [tilespmem:v42+s13+$0x0], $0xffff  }
0x4a3: {  	v36 =	vld.idx.msk [tilespmem:v44+s13+$0x0], $0xffff;
	v41 =	vor.u32 v4, v6;
	v42 =	vor.u32 v4, v5;
	v5 =	vadd.s32 s25, v29  }
0x4a4: {  	v6 =	vadd.s32 s9, v19;
	v3 =	vld.idx.msk [tilespmem:v40+s13+$0x0], $0xffff;
	v5 =	vand.u32 $0x3FD8, v5;
	[tilespmem:v7+s24+$0x0] =	vst.idx.msk $0xffff, v11;
	v7 =	vand.u32 $0x3FF8, v8  }
0x4a5: {  	s17 =	sadd.s32 $0x40, s17;
	v37 =	vand.u32 $0x3FE8, v6;
	v40 =	vor.u32 v4, v5;
	v5 =	vld.idx.msk [tilespmem:v9+s13+$0x0], $0xffff;
	v9 =	vor.u32 v4, v7  }
0x4a6: {  	_ =	sdelay $0x3  }
0x4a7: {  	v44 =	vld [tilespmem:$0x1FFD0];
	[tilespmem:v61+s24+$0x0] =	vst.idx.msk $0xffff, v38  }
0x4a8: {  	v7 =	vld.idx.msk [tilespmem:v63+s13+$0x0], $0xffff;
	[tilespmem:v60+s24+$0x0] =	vst.idx.msk $0xffff, v36  }
0x4a9: {  	[tilespmem:v62+s24+$0x0] =	vst.idx.msk $0xffff, v3;
	v3 =	vor.u32 v4, v37  }
0x4aa: {  	v2 =	vld.idx.msk [tilespmem:v2+s13+$0x0], $0xffff  }
0x4ab: {  	v6 =	vor.u32 v28, v35  }
0x4ac: {  	v1 =	vld.idx.msk [tilespmem:v1+s13+$0x0], $0xffff  }
0x4ad: {  	[tilespmem:v58+s24+$0x0] =	vst.idx.msk $0xffff, v7  }
0x4ae: {  	v8 =	vadd.s32 s9, v24;
	[tilespmem:v3+s24+$0x0] =	vst.idx.msk $0xffff, v5  }
0x4af: {  	v3 =	vand.u32 $0x3FE8, v8;
	[tilespmem:v57+s24+$0x0] =	vst.idx.msk $0xffff, v2;
	v2 =	vld.idx.msk [tilespmem:v55+s13+$0x0], $0xffff  }
0x4b0: {  	v5 =	vld.idx.msk [tilespmem:v6+s13+$0x0], $0xffff;
	v3 =	vor.u32 v4, v3  }
0x4b1: {  	[tilespmem:v59+s24+$0x0] =	vst.idx.msk $0xffff, v1;
	v1 =	vor.u32 v26, v35;
	v7 =	vld.idx.msk [tilespmem:v54+s13+$0x0], $0xffff  }
0x4b2: {  	v6 =	vld.idx.msk [tilespmem:v56+s13+$0x0], $0xffff;
	_ =	sdelay $0x1  }
0x4b3: {  	v8 =	vadd.s32 s9, v18;
	[tilespmem:v50+s24+$0x0] =	vst.idx.msk $0xffff, v2  }
0x4b4: {  	[tilespmem:v3+s24+$0x0] =	vst.idx.msk $0xffff, v5;
	v3 =	vand.u32 $0x3FE8, v8;
	v2 =	vld.idx.msk [tilespmem:v51+s13+$0x0], $0xffff  }
0x4b5: {  	[tilespmem:v47+s24+$0x0] =	vst.idx.msk $0xffff, v7;
	v1 =	vld.idx.msk [tilespmem:v1+s13+$0x0], $0xffff;
	v3 =	vor.u32 v4, v3  }
0x4b6: {  	v5 =	vor.u32 v34, v35;
	[tilespmem:v52+s24+$0x0] =	vst.idx.msk $0xffff, v6;
	v7 =	vld.idx.msk [tilespmem:v48+s13+$0x0], $0xffff  }
0x4b7: {  	v6 =	vld.idx.msk [tilespmem:v53+s13+$0x0], $0xffff;
	_ =	sdelay $0x1  }
0x4b8: {  	v8 =	vadd.s32 s9, v29;
	[tilespmem:v45+s24+$0x0] =	vst.idx.msk $0xffff, v2  }
0x4b9: {  	[tilespmem:v3+s24+$0x0] =	vst.idx.msk $0xffff, v1;
	v1 =	vand.u32 $0x3FE8, v8;
	v2 =	vld.idx.msk [tilespmem:v39+s13+$0x0], $0xffff  }
0x4ba: {  	[tilespmem:v42+s24+$0x0] =	vst.idx.msk $0xffff, v7;
	v3 =	vld.idx.msk [tilespmem:v5+s13+$0x0], $0xffff;
	v1 =	vor.u32 v4, v1  }
0x4bb: {  	[tilespmem:v46+s24+$0x0] =	vst.idx.msk $0xffff, v6;
	v6 =	vld.idx.msk [tilespmem:v43+s13+$0x0], $0xffff  }
0x4bc: {  	v5 =	vld.idx.msk [tilespmem:v49+s13+$0x0], $0xffff;
	_ =	sdelay $0x1  }
0x4bd: {  	[tilespmem:v40+s24+$0x0] =	vst.idx.msk $0xffff, v2  }
0x4be: {  	[tilespmem:v1+s24+$0x0] =	vst.idx.msk $0xffff, v3  }
0x4bf: {  	[tilespmem:v9+s24+$0x0] =	vst.idx.msk $0xffff, v6  }
0x4c0: {  	[tilespmem:v41+s24+$0x0] =	vst.idx.msk $0xffff, v5  }
0x4c1: {  	s1 =	rddreg [dreg:$0x11]  }
0x4c2: {  	[hbm4b:s1+s5] =	stream.linear.scatter [tilespmem:s24], [sflag:$0x5], $0x1400, $0x38;
	[tilespmem:$0x1A360] =	vst v63  }
0x4c3: {  	s2 =	simm.s32 $0x15D60;
	s17 =	rddreg [dreg:$0x15]  }
0x4c4: {  	[hbm4b:s17+s5] =	stream.linear.scatter [tilespmem:s2], [sflag:$0x5], $0x1400, $0x38;
	[tilespmem:$0x1A360] =	vst v63  }
0x4c5: {  	s25 =	simm.s32 $0x19960;
	s21 =	rddreg [dreg:$0x12]  }
0x4c6: {  	[hbm4b:s21+s5] =	stream.linear.scatter [tilespmem:s25], [sflag:$0x5], $0x500, $0x38;
	[tilespmem:$0x1A360] =	vst v63  }
0x4c7: {  	_ =	swait.ge [sflag:s22], $0x2800  }
0x4c8: {  	[sflag:s22] =	ssyncset.done $0x0  }
0x4c9: {  	[sflag:s22] =	ssyncadd.s32 $0xFFFFD800  }
0x4ca: {  	_ =	swait.ge [sflag:s22], $0x500  }
0x4cb: {  	[sflag:s22] =	ssyncset.done $0x0  }
0x4cc: {  	s26 =	simm.s32 $0x6;
	[sflag:s22] =	ssyncadd.s32 $0xFFFFFB00  }
0x4cd: {  	_ =	swait.ge [sflag:s26], $0x2800  }
0x4ce: {  	[sflag:s26] =	ssyncset.done $0x0  }
0x4cf: {  	[sflag:s26] =	ssyncadd.s32 $0xFFFFD800  }
0x4d0: {  	_ =	swait.ge [sflag:s26], $0x500  }
0x4d1: {  	s3 =	rddreg [dreg:$0x16]  }
0x4d2: {  	s31 =	rddreg [dreg:$0x13];
	v9 =	vld [tilespmem:$0x1FF60];
	s3 =	sadd.s32 $0x1, s3  }
0x4d3: {  	v20 =	vld [tilespmem:$0x1FEE0];
	p0 =	sne.s32 s3, s31  }
.Ltmp11:
0x4d4: {  	v18 =	vmov v25;
	v25 =	vld [tilespmem:$0x1FFE0];
	(pc) =	sbr.rel @p0 .LBB2_1-.Ltmp11, $4  }
0x4d5: {  	v19 =	vmov v32;
	v32 =	vld [tilespmem:$0x1FEC0]  }
0x4d6: {  	v27 =	vmov v33;
	v33 =	vld [tilespmem:$0x1FED0]  }
0x4d7: {  	[sflag:s26] =	ssyncset.done $0x0;
	v26 =	vld [tilespmem:$0x1FF70]  }
0x4d8: {  	v11 =	vmovc v24;
	v24 =	vmov v17;
	v7 =	vmov v30;
	v8 =	vmov v21;
	v30 =	vld [tilespmem:$0x1FF80];
	[sflag:s26] =	ssyncadd.s32 $0xFFFFFB00  }
0x4d9: {  	_ =	sfence.sel $0x180000  }
0x4da: {  	[bflag:$0x0] =	sbarrier.arrive $0xFFFF  }
0x4db: {  	_ =	strace $0x90000047  }
0x4dc: {  	s0 =	stileid.u32;
	[bflag:$0x2] =	sbarrier.arrive $0xFFFF  }
0x4dd: {  	p0 =	sne.s32 s0, $0x0;
	s0 =	rddreg [dreg:$0x4]  }
0x4de: {  	s0 =	sadd.s32 @!p0 $0x100000, s0  }
0x4df: {  	[sflag:s0] =	ssyncadd.tile.s32 @!p0 $0x1;
	_ =	shalt  }
.Lfunc_end2:
_tile_overlayer_lowered:
.L_overlay_start_2:
0x4e0: {  	(tag) =	ssettag $0x2  }
0x4e1: {  	s0 =	rddreg [dreg:$0x0];
	s2 =	stileid.u32  }
0x4e2: {  	s1 =	rddreg [dreg:$0x1];
	p0 =	sne.s32 s2, $0x0  }
0x4e3: {  	s3 =	rddreg [dreg:$0x2];
	[bflag:$0x3] =	sbarrier.arrive $0xFFFF;
	s2 =	simm.s32 @!p0 $0x1C07  }
0x4e4: {  	[timem:s3], [sflag:s2] =	dma.local @!p0 [hbm:s0], s1  }
0x4e5: {  	s0 =	simm.s32 @!p0 $0x7  }
0x4e6: {  	_ =	swait.ge @!p0 [sflag:s0], s1  }
0x4e7: {  	s1 =	ssub.s32 @!p0 $0x0, s1;
	[sflag:s0] =	ssyncset.done @!p0 $0x0  }
0x4e8: {  	[sflag:s0] =	ssyncadd.s32 @!p0 s1  }
0x4e9: {  	[bflag:$0x3] =	sbarrier.arrive $0xFFFF  }
0x4ea: {  	_ =	shalt  }

</sc_bundles>
